<compile_context>
chip_gen: v7x
topology: tpu7x:2x2x1
jax: 0.10.2.dev20260603
libtpu: 0.0.44.dev20260713+nightly
codegen_flags: <defaults>
</compile_context>

<pallas_src>
import functools

import jax
import jax.numpy as jnp
from jax import lax
from jax.experimental import pallas as pl
from jax.experimental.pallas import tpu as pltpu
from jax.experimental.pallas import tpu_sc as plsc

NBUF = 4
IDXB = 16


def _make_lookup(B: int, L: int, D: int):
    info = plsc.get_sparse_core_info()
    NC, NS = info.num_cores, info.num_subcores
    NW = NC * NS
    DT, DS, BT = D // 8, 8, 128
    NBT = B // BT
    n_blocks = L * NBT
    assert n_blocks % (NW * IDXB) == 0
    blk_per_w = n_blocks // NW
    n_groups = blk_per_w // IDXB
    GSZ = IDXB * BT

    mesh = plsc.VectorSubcoreMesh(core_axis_name="c", subcore_axis_name="s")

    @functools.partial(
        pl.kernel,
        mesh=mesh,
        out_type=jax.ShapeDtypeStruct((L, DT, NBT, DS, BT), jnp.float32),
        scratch_types=[
            pltpu.VMEM((2 * GSZ,), jnp.int32),
            [pltpu.VMEM((BT, D), jnp.float32) for _ in range(NBUF)],
            [pltpu.VMEM((DT, DS, BT + 1), jnp.float32) for _ in range(NBUF)],
            [pltpu.SemaphoreType.DMA for _ in range(NBUF)],
            [pltpu.SemaphoreType.DMA for _ in range(NBUF)],
        ],
        compiler_params=pltpu.CompilerParams(use_tc_tiling_on_sc=False,
                                             needs_layout_passes=False),
    )
    def lookup(idx_hbm, table_hbm, out_hbm, idxv, buf, tbuf, gsem, ssem):
        wid = lax.axis_index("s") * NC + lax.axis_index("c")
        blk0 = wid * blk_per_w

        iota16 = lax.iota(jnp.int32, 16)
        dqs = [iota16 + 16 * q for q in range(D // 16)]
        dtqs = [dq >> 3 for dq in dqs]
        dsqs = [dq & 7 for dq in dqs]

        def stage_idx(g):
            off = (blk0 + g * IDXB) * BT
            pltpu.sync_copy(idx_hbm.at[pl.ds(off, GSZ)],
                            idxv.at[pl.ds((g & 1) * GSZ, GSZ)])

        def gather(blk, slot):
            g = blk >> 4
            t = blk & (IDXB - 1)
            off = (g & 1) * GSZ + t * BT
            src = table_hbm.at[idxv.at[pl.ds(off, BT)]]
            return pltpu.make_async_copy(src, buf[slot], gsem[slot])

        def store(l, bt, dt, slot):
            return pltpu.make_async_copy(tbuf[slot].at[dt, :, pl.ds(0, BT)],
                                         out_hbm.at[l, dt, bt], ssem[slot])

        def transpose(slot):
            @plsc.parallel_loop(0, BT, unroll=8)
            def _(b):
                bvec = jnp.full((16,), b, jnp.int32)
                for q in range(D // 16):
                    v = buf[slot][b, pl.ds(16 * q, 16)]
                    plsc.store_scatter(tbuf[slot], [dtqs[q], dsqs[q], bvec],
                                       v)

        def block_body(s, p):
            blk = s * NBUF + p
            f = blk0 + blk
            l = f >> 7
            bt = f & (NBT - 1)
            gather(blk, p).wait()

            @pl.when(s > 0)
            def _():
                for dt in range(DT):
                    store(l, bt, dt, p).wait()

            transpose(p)
            for dt in range(DT):
                store(l, bt, dt, p).start()

            nblk = blk + NBUF

            @pl.when(nblk < blk_per_w)
            def _():
                gather(nblk, p).start()

        def quadstep(s, _):
            g = s >> 2

            @pl.when((s & 3) == 0)
            def _():
                @pl.when(g < n_groups - 1)
                def _():
                    stage_idx(g + 1)

            for p in range(NBUF):
                block_body(s, p)
            return ()

        stage_idx(jnp.int32(0))
        for p in range(NBUF):
            gather(jnp.int32(p), p).start()

        lax.fori_loop(0, blk_per_w // NBUF, quadstep, (), unroll=False)

        for p in range(NBUF):
            f = blk0 + blk_per_w - NBUF + p
            for dt in range(DT):
                store(f >> 7, f & (NBT - 1), dt, p).wait()

    return lookup


def kernel(p_sequences, table):
    B, L = p_sequences.shape
    V, D = table.shape
    idx_t = p_sequences.T.reshape(B * L)
    lookup = _make_lookup(B, L, D)
    x = lookup(idx_t, table)
    return x.transpose(2, 4, 0, 1, 3).reshape(B, L, D)

# --- scband reference (transcript-rebuilt; emitter-appended) ---
"""Pipeline reference for scband-sinusoidal-encoder-75419625718451 (READ-ONLY COPY).

The authoritative reference and input builder live on the scoring server;
editing this copy changes nothing except your own understanding.
"""

import jax, jax.numpy as jnp
import numpy as np

EMB_DIM = 64
MAX_LEN = 8192

def position_encoding_init(n_position, emb_dim):
    position_enc = np.array([
        [pos / np.power(10000, 2 * (j // 2) / emb_dim) for j in range(emb_dim)]
        if pos != 0 else np.zeros(emb_dim)
        for pos in range(n_position)
    ])
    position_enc[1:, 0::2] = np.sin(position_enc[1:, 0::2])
    position_enc[1:, 1::2] = np.cos(position_enc[1:, 1::2])
    return jnp.asarray(position_enc, dtype=jnp.float32)

def setup_inputs(seed: int = 0) -> dict:
    key = jax.random.key(seed)
    k1, _ = jax.random.split(key)
    p_sequences = jax.random.randint(k1, (16384, 200), 0, MAX_LEN + 1, dtype=jnp.int64 if jax.config.read('jax_enable_x64') else jnp.int32)
    table = position_encoding_init(MAX_LEN + 1, EMB_DIM)
    return {"p_sequences": p_sequences, "table": table}

def reference(p_sequences, table):
    # nn.Embedding lookup: (B, L) -> (B, L, emb_dim)
    return jnp.take(table, p_sequences, axis=0)

if __name__ == "__main__":
    import jax
    _d = setup_inputs()
    print(jax.jit(kernel)(*tuple(_d.values())))

</pallas_src>

<mosaic_0001>
#map = affine_map<(d0, d1) -> (0)>
#map1 = affine_map<(d0, d1) -> (0, 0)>
#map2 = affine_map<(d0, d1) -> (0, 0, 0, 0, 0)>
module attributes {stable_mosaic.version = 14 : i64} {
  func.func @lookup(%arg0: i32, %arg1: i32, %arg2: memref<3276800xi32, #tpu.memory_space<hbm>>, %arg3: memref<8193x64xf32, #tpu.memory_space<hbm>>, %arg4: memref<200x8x128x8x128xf32, #tpu.memory_space<hbm>>, %arg5: memref<4096xi32, #tpu.memory_space<vmem>>, %arg6: memref<128x64xf32, #tpu.memory_space<vmem>>, %arg7: memref<128x64xf32, #tpu.memory_space<vmem>>, %arg8: memref<128x64xf32, #tpu.memory_space<vmem>>, %arg9: memref<128x64xf32, #tpu.memory_space<vmem>>, %arg10: memref<8x8x129xf32, #tpu.memory_space<vmem>>, %arg11: memref<8x8x129xf32, #tpu.memory_space<vmem>>, %arg12: memref<8x8x129xf32, #tpu.memory_space<vmem>>, %arg13: memref<8x8x129xf32, #tpu.memory_space<vmem>>, %arg14: memref<!tpu.dma_semaphore, #tpu.memory_space<semaphore_mem>>, %arg15: memref<!tpu.dma_semaphore, #tpu.memory_space<semaphore_mem>>, %arg16: memref<!tpu.dma_semaphore, #tpu.memory_space<semaphore_mem>>, %arg17: memref<!tpu.dma_semaphore, #tpu.memory_space<semaphore_mem>>, %arg18: memref<!tpu.dma_semaphore, #tpu.memory_space<semaphore_mem>>, %arg19: memref<!tpu.dma_semaphore, #tpu.memory_space<semaphore_mem>>, %arg20: memref<!tpu.dma_semaphore, #tpu.memory_space<semaphore_mem>>, %arg21: memref<!tpu.dma_semaphore, #tpu.memory_space<semaphore_mem>>) attributes {dimension_semantics = [#tpu.dimension_semantics<core_parallel>, #tpu.dimension_semantics<subcore_parallel>], iteration_bounds = array<i64: 2, 16>, scalar_prefetch = 0 : i64, scratch_operands = 17 : i64, tpu.core_type = #tpu.core_type<sc_vector_subcore>, window_params = [{transform_indices = #map}, {transform_indices = #map1}, {transform_indices = #map2}]} {
    %mul3A = arith.constant 2 : i32
    %mul3A_0 = arith.muli %arg1, %mul3A : i32
    %add3A = arith.addi %mul3A_0, %arg0 : i32
    %mul3A_1 = arith.constant 800 : i32
    %mul3A_2 = arith.muli %add3A, %mul3A_1 : i32
    %iota3A = tpu.iota {dimensions = array<i32: 0>} : vector<16xi32>
    %add3A_3 = arith.constant 0 : i32
    %add3A_4 = vector.broadcast %add3A_3 : i32 to vector<16xi32>
    %add3A_5 = arith.addi %iota3A, %add3A_4 : vector<16xi32>
    %add3A_6 = arith.constant 16 : i32
    %add3A_7 = vector.broadcast %add3A_6 : i32 to vector<16xi32>
    %add3A_8 = arith.addi %iota3A, %add3A_7 : vector<16xi32>
    %add3A_9 = arith.constant 32 : i32
    %add3A_10 = vector.broadcast %add3A_9 : i32 to vector<16xi32>
    %add3A_11 = arith.addi %iota3A, %add3A_10 : vector<16xi32>
    %add3A_12 = arith.constant 48 : i32
    %add3A_13 = vector.broadcast %add3A_12 : i32 to vector<16xi32>
    %add3A_14 = arith.addi %iota3A, %add3A_13 : vector<16xi32>
    %shift_right_arithmetic3A = arith.constant 3 : i32
    %shift_right_arithmetic3A_15 = vector.broadcast %shift_right_arithmetic3A : i32 to vector<16xi32>
    %shift_right_arithmetic3A_16 = arith.shrsi %add3A_5, %shift_right_arithmetic3A_15 : vector<16xi32>
    %shift_right_arithmetic3A_17 = arith.constant 3 : i32
    %shift_right_arithmetic3A_18 = vector.broadcast %shift_right_arithmetic3A_17 : i32 to vector<16xi32>
    %shift_right_arithmetic3A_19 = arith.shrsi %add3A_8, %shift_right_arithmetic3A_18 : vector<16xi32>
    %shift_right_arithmetic3A_20 = arith.constant 3 : i32
    %shift_right_arithmetic3A_21 = vector.broadcast %shift_right_arithmetic3A_20 : i32 to vector<16xi32>
    %shift_right_arithmetic3A_22 = arith.shrsi %add3A_11, %shift_right_arithmetic3A_21 : vector<16xi32>
    %shift_right_arithmetic3A_23 = arith.constant 3 : i32
    %shift_right_arithmetic3A_24 = vector.broadcast %shift_right_arithmetic3A_23 : i32 to vector<16xi32>
    %shift_right_arithmetic3A_25 = arith.shrsi %add3A_14, %shift_right_arithmetic3A_24 : vector<16xi32>
    %and3A = arith.constant 7 : i32
    %and3A_26 = vector.broadcast %and3A : i32 to vector<16xi32>
    %and3A_27 = arith.andi %add3A_5, %and3A_26 : vector<16xi32>
    %and3A_28 = arith.constant 7 : i32
    %and3A_29 = vector.broadcast %and3A_28 : i32 to vector<16xi32>
    %and3A_30 = arith.andi %add3A_8, %and3A_29 : vector<16xi32>
    %and3A_31 = arith.constant 7 : i32
    %and3A_32 = vector.broadcast %and3A_31 : i32 to vector<16xi32>
    %and3A_33 = arith.andi %add3A_11, %and3A_32 : vector<16xi32>
    %and3A_34 = arith.constant 7 : i32
    %and3A_35 = vector.broadcast %and3A_34 : i32 to vector<16xi32>
    %and3A_36 = arith.andi %add3A_14, %and3A_35 : vector<16xi32>
    %mul3A_37 = arith.constant 0 : i32
    %mul3A_38 = arith.constant 16 : i32
    %mul3A_39 = arith.muli %mul3A_37, %mul3A_38 : i32
    %add3A_40 = arith.addi %mul3A_2, %mul3A_39 : i32
    %mul3A_41 = arith.constant 128 : i32
    %mul3A_42 = arith.muli %add3A_40, %mul3A_41 : i32
    %and3A_43 = arith.constant 0 : i32
    %and3A_44 = arith.constant 1 : i32
    %and3A_45 = arith.andi %and3A_43, %and3A_44 : i32
    %mul3A_46 = arith.constant 2048 : i32
    %mul3A_47 = arith.muli %and3A_45, %mul3A_46 : i32
    "tpu.region"() ({
      %run_scoped3A = tpu.sem_alloc : memref<!tpu.dma_semaphore, #tpu.memory_space<semaphore_mem>>
      %dma_start3A_845 = tpu.memref_slice %arg5[%mul3A_47] : memref<4096xi32, #tpu.memory_space<vmem>> -> memref<2048xi32, #tpu.memory_space<vmem>>
      %dma_start3A_846 = tpu.memref_slice %arg2[%mul3A_42] : memref<3276800xi32, #tpu.memory_space<hbm>> -> memref<2048xi32, #tpu.memory_space<hbm>>
      %dma_start3A_847 = tpu.memref_slice %arg5[%mul3A_47] : memref<4096xi32, #tpu.memory_space<vmem>> -> memref<2048xi32, #tpu.memory_space<vmem>>
      %dma_start3A_848 = tpu.memref_slice %arg2[%mul3A_42] : memref<3276800xi32, #tpu.memory_space<hbm>> -> memref<2048xi32, #tpu.memory_space<hbm>>
      tpu.enqueue_dma source(%dma_start3A_848 : memref<2048xi32, #tpu.memory_space<hbm>>) target(%dma_start3A_847 : memref<2048xi32, #tpu.memory_space<vmem>>) target_semaphore(%run_scoped3A : memref<!tpu.dma_semaphore, #tpu.memory_space<semaphore_mem>>)
      %dma_wait3A_849 = tpu.memref_slice %arg5[%mul3A_47] : memref<4096xi32, #tpu.memory_space<vmem>> -> memref<2048xi32, #tpu.memory_space<vmem>>
      %dma_wait3A_850 = tpu.memref_slice %arg2[%mul3A_42] : memref<3276800xi32, #tpu.memory_space<hbm>> -> memref<2048xi32, #tpu.memory_space<hbm>>
      %dma_wait3A_851 = tpu.memref_slice %arg5[%mul3A_47] : memref<4096xi32, #tpu.memory_space<vmem>> -> memref<2048xi32, #tpu.memory_space<vmem>>
      %dma_wait3A_852 = tpu.memref_slice %arg2[%mul3A_42] : memref<3276800xi32, #tpu.memory_space<hbm>> -> memref<2048xi32, #tpu.memory_space<hbm>>
      tpu.wait_dma2 semaphore(%run_scoped3A : memref<!tpu.dma_semaphore, #tpu.memory_space<semaphore_mem>>) src(%dma_wait3A_852 : memref<2048xi32, #tpu.memory_space<hbm>>) dst(%dma_wait3A_851 : memref<2048xi32, #tpu.memory_space<vmem>>)
      tpu.yield
    }) : () -> ()
    %shift_right_arithmetic3A_48 = arith.constant 0 : i32
    %shift_right_arithmetic3A_49 = arith.constant 4 : i32
    %shift_right_arithmetic3A_50 = arith.shrsi %shift_right_arithmetic3A_48, %shift_right_arithmetic3A_49 : i32
    %and3A_51 = arith.constant 0 : i32
    %and3A_52 = arith.constant 15 : i32
    %and3A_53 = arith.andi %and3A_51, %and3A_52 : i32
    %and3A_54 = arith.constant 1 : i32
    %and3A_55 = arith.andi %shift_right_arithmetic3A_50, %and3A_54 : i32
    %mul3A_56 = arith.constant 2048 : i32
    %mul3A_57 = arith.muli %and3A_55, %mul3A_56 : i32
    %mul3A_58 = arith.constant 128 : i32
    %mul3A_59 = arith.muli %and3A_53, %mul3A_58 : i32
    %add3A_60 = arith.addi %mul3A_57, %mul3A_59 : i32
    %dma_start3A = tpu.memref_slice %arg5[%add3A_60] : memref<4096xi32, #tpu.memory_space<vmem>> -> memref<128xi32, #tpu.memory_space<vmem>>
    %dma_start3A_61 = arith.constant 0 : i32
    %dma_start3A_62 = arith.constant 0 : i32
    %dma_start3A_63 = tpu.memref_slice %arg3[%dma_start3A_61, %dma_start3A_62] : memref<8193x64xf32, #tpu.memory_space<hbm>> -> memref<8193x64xf32, #tpu.memory_space<hbm>>
    tpu.enqueue_indirect_dma source(%dma_start3A_63 : memref<8193x64xf32, #tpu.memory_space<hbm>>) target(%arg6 : memref<128x64xf32, #tpu.memory_space<vmem>>) offsets(%dma_start3A : memref<128xi32, #tpu.memory_space<vmem>>) semaphore(%arg14 : memref<!tpu.dma_semaphore, #tpu.memory_space<semaphore_mem>>)
    %shift_right_arithmetic3A_64 = arith.constant 1 : i32
    %shift_right_arithmetic3A_65 = arith.constant 4 : i32
    %shift_right_arithmetic3A_66 = arith.shrsi %shift_right_arithmetic3A_64, %shift_right_arithmetic3A_65 : i32
    %and3A_67 = arith.constant 1 : i32
    %and3A_68 = arith.constant 15 : i32
    %and3A_69 = arith.andi %and3A_67, %and3A_68 : i32
    %and3A_70 = arith.constant 1 : i32
    %and3A_71 = arith.andi %shift_right_arithmetic3A_66, %and3A_70 : i32
    %mul3A_72 = arith.constant 2048 : i32
    %mul3A_73 = arith.muli %and3A_71, %mul3A_72 : i32
    %mul3A_74 = arith.constant 128 : i32
    %mul3A_75 = arith.muli %and3A_69, %mul3A_74 : i32
    %add3A_76 = arith.addi %mul3A_73, %mul3A_75 : i32
    %dma_start3A_77 = tpu.memref_slice %arg5[%add3A_76] : memref<4096xi32, #tpu.memory_space<vmem>> -> memref<128xi32, #tpu.memory_space<vmem>>
    %dma_start3A_78 = arith.constant 0 : i32
    %dma_start3A_79 = arith.constant 0 : i32
    %dma_start3A_80 = tpu.memref_slice %arg3[%dma_start3A_78, %dma_start3A_79] : memref<8193x64xf32, #tpu.memory_space<hbm>> -> memref<8193x64xf32, #tpu.memory_space<hbm>>
    tpu.enqueue_indirect_dma source(%dma_start3A_80 : memref<8193x64xf32, #tpu.memory_space<hbm>>) target(%arg7 : memref<128x64xf32, #tpu.memory_space<vmem>>) offsets(%dma_start3A_77 : memref<128xi32, #tpu.memory_space<vmem>>) semaphore(%arg15 : memref<!tpu.dma_semaphore, #tpu.memory_space<semaphore_mem>>)
    %shift_right_arithmetic3A_81 = arith.constant 2 : i32
    %shift_right_arithmetic3A_82 = arith.constant 4 : i32
    %shift_right_arithmetic3A_83 = arith.shrsi %shift_right_arithmetic3A_81, %shift_right_arithmetic3A_82 : i32
    %and3A_84 = arith.constant 2 : i32
    %and3A_85 = arith.constant 15 : i32
    %and3A_86 = arith.andi %and3A_84, %and3A_85 : i32
    %and3A_87 = arith.constant 1 : i32
    %and3A_88 = arith.andi %shift_right_arithmetic3A_83, %and3A_87 : i32
    %mul3A_89 = arith.constant 2048 : i32
    %mul3A_90 = arith.muli %and3A_88, %mul3A_89 : i32
    %mul3A_91 = arith.constant 128 : i32
    %mul3A_92 = arith.muli %and3A_86, %mul3A_91 : i32
    %add3A_93 = arith.addi %mul3A_90, %mul3A_92 : i32
    %dma_start3A_94 = tpu.memref_slice %arg5[%add3A_93] : memref<4096xi32, #tpu.memory_space<vmem>> -> memref<128xi32, #tpu.memory_space<vmem>>
    %dma_start3A_95 = arith.constant 0 : i32
    %dma_start3A_96 = arith.constant 0 : i32
    %dma_start3A_97 = tpu.memref_slice %arg3[%dma_start3A_95, %dma_start3A_96] : memref<8193x64xf32, #tpu.memory_space<hbm>> -> memref<8193x64xf32, #tpu.memory_space<hbm>>
    tpu.enqueue_indirect_dma source(%dma_start3A_97 : memref<8193x64xf32, #tpu.memory_space<hbm>>) target(%arg8 : memref<128x64xf32, #tpu.memory_space<vmem>>) offsets(%dma_start3A_94 : memref<128xi32, #tpu.memory_space<vmem>>) semaphore(%arg16 : memref<!tpu.dma_semaphore, #tpu.memory_space<semaphore_mem>>)
    %shift_right_arithmetic3A_98 = arith.constant 3 : i32
    %shift_right_arithmetic3A_99 = arith.constant 4 : i32
    %shift_right_arithmetic3A_100 = arith.shrsi %shift_right_arithmetic3A_98, %shift_right_arithmetic3A_99 : i32
    %and3A_101 = arith.constant 3 : i32
    %and3A_102 = arith.constant 15 : i32
    %and3A_103 = arith.andi %and3A_101, %and3A_102 : i32
    %and3A_104 = arith.constant 1 : i32
    %and3A_105 = arith.andi %shift_right_arithmetic3A_100, %and3A_104 : i32
    %mul3A_106 = arith.constant 2048 : i32
    %mul3A_107 = arith.muli %and3A_105, %mul3A_106 : i32
    %mul3A_108 = arith.constant 128 : i32
    %mul3A_109 = arith.muli %and3A_103, %mul3A_108 : i32
    %add3A_110 = arith.addi %mul3A_107, %mul3A_109 : i32
    %dma_start3A_111 = tpu.memref_slice %arg5[%add3A_110] : memref<4096xi32, #tpu.memory_space<vmem>> -> memref<128xi32, #tpu.memory_space<vmem>>
    %dma_start3A_112 = arith.constant 0 : i32
    %dma_start3A_113 = arith.constant 0 : i32
    %dma_start3A_114 = tpu.memref_slice %arg3[%dma_start3A_112, %dma_start3A_113] : memref<8193x64xf32, #tpu.memory_space<hbm>> -> memref<8193x64xf32, #tpu.memory_space<hbm>>
    tpu.enqueue_indirect_dma source(%dma_start3A_114 : memref<8193x64xf32, #tpu.memory_space<hbm>>) target(%arg9 : memref<128x64xf32, #tpu.memory_space<vmem>>) offsets(%dma_start3A_111 : memref<128xi32, #tpu.memory_space<vmem>>) semaphore(%arg17 : memref<!tpu.dma_semaphore, #tpu.memory_space<semaphore_mem>>)
    %scan3A = arith.constant 0 : i32
    %scan3A_115 = arith.constant 200 : i32
    %scan3A_116 = arith.addi %scan3A, %scan3A_115 : i32
    %scan3A_117 = arith.constant 1 : i32
    scf.for %scan3A_845 = %scan3A to %scan3A_116 step %scan3A_117  : i32 {
      %shift_right_arithmetic3A_846 = arith.constant 2 : i32
      %shift_right_arithmetic3A_847 = arith.shrsi %scan3A_845, %shift_right_arithmetic3A_846 : i32
      %and3A_848 = arith.constant 3 : i32
      %and3A_849 = arith.andi %scan3A_845, %and3A_848 : i32
      %eq3A = arith.constant 0 : i32
      %eq3A_850 = arith.cmpi eq, %and3A_849, %eq3A : i32
      %convert_element_type3A = arith.extui %eq3A_850 : i1 to i32
      %cond3A = arith.constant 0 : i32
      %cond3A_851 = arith.cmpi ne, %convert_element_type3A, %cond3A : i32
      scf.if %cond3A_851 {
        %lt3A_1581 = arith.constant 49 : i32
        %lt3A_1582 = arith.cmpi slt, %shift_right_arithmetic3A_847, %lt3A_1581 : i32
        %convert_element_type3A_1583 = arith.extui %lt3A_1582 : i1 to i32
        %cond3A_1584 = arith.constant 0 : i32
        %cond3A_1585 = arith.cmpi ne, %convert_element_type3A_1583, %cond3A_1584 : i32
        scf.if %cond3A_1585 {
          %add3A_1586 = arith.constant 1 : i32
          %add3A_1587 = arith.addi %shift_right_arithmetic3A_847, %add3A_1586 : i32
          %mul3A_1588 = arith.constant 16 : i32
          %mul3A_1589 = arith.muli %add3A_1587, %mul3A_1588 : i32
          %add3A_1590 = arith.addi %mul3A_2, %mul3A_1589 : i32
          %mul3A_1591 = arith.constant 128 : i32
          %mul3A_1592 = arith.muli %add3A_1590, %mul3A_1591 : i32
          %and3A_1593 = arith.constant 1 : i32
          %and3A_1594 = arith.andi %add3A_1587, %and3A_1593 : i32
          %mul3A_1595 = arith.constant 2048 : i32
          %mul3A_1596 = arith.muli %and3A_1594, %mul3A_1595 : i32
          "tpu.region"() ({
            %run_scoped3A = tpu.sem_alloc : memref<!tpu.dma_semaphore, #tpu.memory_space<semaphore_mem>>
            %dma_start3A_1597 = tpu.memref_slice %arg5[%mul3A_1596] : memref<4096xi32, #tpu.memory_space<vmem>> -> memref<2048xi32, #tpu.memory_space<vmem>>
            %dma_start3A_1598 = tpu.memref_slice %arg2[%mul3A_1592] : memref<3276800xi32, #tpu.memory_space<hbm>> -> memref<2048xi32, #tpu.memory_space<hbm>>
            %dma_start3A_1599 = tpu.memref_slice %arg5[%mul3A_1596] : memref<4096xi32, #tpu.memory_space<vmem>> -> memref<2048xi32, #tpu.memory_space<vmem>>
            %dma_start3A_1600 = tpu.memref_slice %arg2[%mul3A_1592] : memref<3276800xi32, #tpu.memory_space<hbm>> -> memref<2048xi32, #tpu.memory_space<hbm>>
            tpu.enqueue_dma source(%dma_start3A_1600 : memref<2048xi32, #tpu.memory_space<hbm>>) target(%dma_start3A_1599 : memref<2048xi32, #tpu.memory_space<vmem>>) target_semaphore(%run_scoped3A : memref<!tpu.dma_semaphore, #tpu.memory_space<semaphore_mem>>)
            %dma_wait3A_1601 = tpu.memref_slice %arg5[%mul3A_1596] : memref<4096xi32, #tpu.memory_space<vmem>> -> memref<2048xi32, #tpu.memory_space<vmem>>
            %dma_wait3A_1602 = tpu.memref_slice %arg2[%mul3A_1592] : memref<3276800xi32, #tpu.memory_space<hbm>> -> memref<2048xi32, #tpu.memory_space<hbm>>
            %dma_wait3A_1603 = tpu.memref_slice %arg5[%mul3A_1596] : memref<4096xi32, #tpu.memory_space<vmem>> -> memref<2048xi32, #tpu.memory_space<vmem>>
            %dma_wait3A_1604 = tpu.memref_slice %arg2[%mul3A_1592] : memref<3276800xi32, #tpu.memory_space<hbm>> -> memref<2048xi32, #tpu.memory_space<hbm>>
            tpu.wait_dma2 semaphore(%run_scoped3A : memref<!tpu.dma_semaphore, #tpu.memory_space<semaphore_mem>>) src(%dma_wait3A_1604 : memref<2048xi32, #tpu.memory_space<hbm>>) dst(%dma_wait3A_1603 : memref<2048xi32, #tpu.memory_space<vmem>>)
            tpu.yield
          }) : () -> ()
        } else {
        }
      } else {
      }
      %mul3A_852 = arith.constant 4 : i32
      %mul3A_853 = arith.muli %scan3A_845, %mul3A_852 : i32
      %add3A_854 = arith.constant 0 : i32
      %add3A_855 = arith.addi %mul3A_853, %add3A_854 : i32
      %add3A_856 = arith.addi %mul3A_2, %add3A_855 : i32
      %shift_right_arithmetic3A_857 = arith.constant 7 : i32
      %shift_right_arithmetic3A_858 = arith.shrsi %add3A_856, %shift_right_arithmetic3A_857 : i32
      %and3A_859 = arith.constant 127 : i32
      %and3A_860 = arith.andi %add3A_856, %and3A_859 : i32
      %shift_right_arithmetic3A_861 = arith.constant 4 : i32
      %shift_right_arithmetic3A_862 = arith.shrsi %add3A_855, %shift_right_arithmetic3A_861 : i32
      %and3A_863 = arith.constant 15 : i32
      %and3A_864 = arith.andi %add3A_855, %and3A_863 : i32
      %and3A_865 = arith.constant 1 : i32
      %and3A_866 = arith.andi %shift_right_arithmetic3A_862, %and3A_865 : i32
      %mul3A_867 = arith.constant 2048 : i32
      %mul3A_868 = arith.muli %and3A_866, %mul3A_867 : i32
      %mul3A_869 = arith.constant 128 : i32
      %mul3A_870 = arith.muli %and3A_864, %mul3A_869 : i32
      %add3A_871 = arith.addi %mul3A_868, %mul3A_870 : i32
      %dma_wait3A_872 = tpu.memref_slice %arg5[%add3A_871] : memref<4096xi32, #tpu.memory_space<vmem>> -> memref<128xi32, #tpu.memory_space<vmem>>
      %dma_wait3A_873 = arith.constant 0 : i32
      %dma_wait3A_874 = arith.constant 0 : i32
      %dma_wait3A_875 = tpu.memref_slice %arg3[%dma_wait3A_873, %dma_wait3A_874] : memref<8193x64xf32, #tpu.memory_space<hbm>> -> memref<8193x64xf32, #tpu.memory_space<hbm>>
      tpu.wait_indirect_dma semaphore(%arg14 : memref<!tpu.dma_semaphore, #tpu.memory_space<semaphore_mem>>) src(%dma_wait3A_875 : memref<8193x64xf32, #tpu.memory_space<hbm>>) dst(%arg6 : memref<128x64xf32, #tpu.memory_space<vmem>>)
      %gt3A = arith.constant 0 : i32
      %gt3A_876 = arith.cmpi sgt, %scan3A_845, %gt3A : i32
      %convert_element_type3A_877 = arith.extui %gt3A_876 : i1 to i32
      %cond3A_878 = arith.constant 0 : i32
      %cond3A_879 = arith.cmpi ne, %convert_element_type3A_877, %cond3A_878 : i32
      scf.if %cond3A_879 {
        %dma_wait3A_1581 = arith.constant 0 : i32
        %dma_wait3A_1582 = arith.constant 0 : i32
        %dma_wait3A_1583 = arith.constant 0 : i32
        %dma_wait3A_1584 = arith.constant 0 : i32
        %dma_wait3A_1585 = tpu.memref_slice %arg10[%dma_wait3A_1581, %dma_wait3A_1583, %dma_wait3A_1584] : memref<8x8x129xf32, #tpu.memory_space<vmem>> -> memref<1x8x128xf32, #tpu.memory_space<vmem>>
        %dma_wait3A_1586 = tpu.memref_squeeze %dma_wait3A_1585 : memref<1x8x128xf32, #tpu.memory_space<vmem>> -> memref<8x128xf32, #tpu.memory_space<vmem>>
        %dma_wait3A_1587 = arith.constant 0 : i32
        %dma_wait3A_1588 = arith.constant 0 : i32
        %dma_wait3A_1589 = tpu.memref_slice %arg4[%shift_right_arithmetic3A_858, %dma_wait3A_1582, %and3A_860, %dma_wait3A_1587, %dma_wait3A_1588] : memref<200x8x128x8x128xf32, #tpu.memory_space<hbm>> -> memref<1x1x1x8x128xf32, #tpu.memory_space<hbm>>
        %dma_wait3A_1590 = tpu.memref_squeeze %dma_wait3A_1589 : memref<1x1x1x8x128xf32, #tpu.memory_space<hbm>> -> memref<8x128xf32, #tpu.memory_space<hbm>>
        %dma_wait3A_1591 = arith.constant 0 : i32
        %dma_wait3A_1592 = arith.constant 0 : i32
        %dma_wait3A_1593 = tpu.memref_slice %arg4[%shift_right_arithmetic3A_858, %dma_wait3A_1582, %and3A_860, %dma_wait3A_1591, %dma_wait3A_1592] : memref<200x8x128x8x128xf32, #tpu.memory_space<hbm>> -> memref<1x1x1x8x128xf32, #tpu.memory_space<hbm>>
        %dma_wait3A_1594 = tpu.memref_squeeze %dma_wait3A_1593 : memref<1x1x1x8x128xf32, #tpu.memory_space<hbm>> -> memref<8x128xf32, #tpu.memory_space<hbm>>
        %dma_wait3A_1595 = arith.constant 0 : i32
        %dma_wait3A_1596 = arith.constant 0 : i32
        %dma_wait3A_1597 = tpu.memref_slice %arg10[%dma_wait3A_1581, %dma_wait3A_1595, %dma_wait3A_1596] : memref<8x8x129xf32, #tpu.memory_space<vmem>> -> memref<1x8x128xf32, #tpu.memory_space<vmem>>
        %dma_wait3A_1598 = tpu.memref_squeeze %dma_wait3A_1597 : memref<1x8x128xf32, #tpu.memory_space<vmem>> -> memref<8x128xf32, #tpu.memory_space<vmem>>
        tpu.wait_dma2 semaphore(%arg18 : memref<!tpu.dma_semaphore, #tpu.memory_space<semaphore_mem>>) src(%dma_wait3A_1598 : memref<8x128xf32, #tpu.memory_space<vmem>>) dst(%dma_wait3A_1594 : memref<8x128xf32, #tpu.memory_space<hbm>>)
        %dma_wait3A_1599 = arith.constant 1 : i32
        %dma_wait3A_1600 = arith.constant 1 : i32
        %dma_wait3A_1601 = arith.constant 0 : i32
        %dma_wait3A_1602 = arith.constant 0 : i32
        %dma_wait3A_1603 = tpu.memref_slice %arg10[%dma_wait3A_1599, %dma_wait3A_1601, %dma_wait3A_1602] : memref<8x8x129xf32, #tpu.memory_space<vmem>> -> memref<1x8x128xf32, #tpu.memory_space<vmem>>
        %dma_wait3A_1604 = tpu.memref_squeeze %dma_wait3A_1603 : memref<1x8x128xf32, #tpu.memory_space<vmem>> -> memref<8x128xf32, #tpu.memory_space<vmem>>
        %dma_wait3A_1605 = arith.constant 0 : i32
        %dma_wait3A_1606 = arith.constant 0 : i32
        %dma_wait3A_1607 = tpu.memref_slice %arg4[%shift_right_arithmetic3A_858, %dma_wait3A_1600, %and3A_860, %dma_wait3A_1605, %dma_wait3A_1606] : memref<200x8x128x8x128xf32, #tpu.memory_space<hbm>> -> memref<1x1x1x8x128xf32, #tpu.memory_space<hbm>>
        %dma_wait3A_1608 = tpu.memref_squeeze %dma_wait3A_1607 : memref<1x1x1x8x128xf32, #tpu.memory_space<hbm>> -> memref<8x128xf32, #tpu.memory_space<hbm>>
        %dma_wait3A_1609 = arith.constant 0 : i32
        %dma_wait3A_1610 = arith.constant 0 : i32
        %dma_wait3A_1611 = tpu.memref_slice %arg4[%shift_right_arithmetic3A_858, %dma_wait3A_1600, %and3A_860, %dma_wait3A_1609, %dma_wait3A_1610] : memref<200x8x128x8x128xf32, #tpu.memory_space<hbm>> -> memref<1x1x1x8x128xf32, #tpu.memory_space<hbm>>
        %dma_wait3A_1612 = tpu.memref_squeeze %dma_wait3A_1611 : memref<1x1x1x8x128xf32, #tpu.memory_space<hbm>> -> memref<8x128xf32, #tpu.memory_space<hbm>>
        %dma_wait3A_1613 = arith.constant 0 : i32
        %dma_wait3A_1614 = arith.constant 0 : i32
        %dma_wait3A_1615 = tpu.memref_slice %arg10[%dma_wait3A_1599, %dma_wait3A_1613, %dma_wait3A_1614] : memref<8x8x129xf32, #tpu.memory_space<vmem>> -> memref<1x8x128xf32, #tpu.memory_space<vmem>>
        %dma_wait3A_1616 = tpu.memref_squeeze %dma_wait3A_1615 : memref<1x8x128xf32, #tpu.memory_space<vmem>> -> memref<8x128xf32, #tpu.memory_space<vmem>>
        tpu.wait_dma2 semaphore(%arg18 : memref<!tpu.dma_semaphore, #tpu.memory_space<semaphore_mem>>) src(%dma_wait3A_1616 : memref<8x128xf32, #tpu.memory_space<vmem>>) dst(%dma_wait3A_1612 : memref<8x128xf32, #tpu.memory_space<hbm>>)
        %dma_wait3A_1617 = arith.constant 2 : i32
        %dma_wait3A_1618 = arith.constant 2 : i32
        %dma_wait3A_1619 = arith.constant 0 : i32
        %dma_wait3A_1620 = arith.constant 0 : i32
        %dma_wait3A_1621 = tpu.memref_slice %arg10[%dma_wait3A_1617, %dma_wait3A_1619, %dma_wait3A_1620] : memref<8x8x129xf32, #tpu.memory_space<vmem>> -> memref<1x8x128xf32, #tpu.memory_space<vmem>>
        %dma_wait3A_1622 = tpu.memref_squeeze %dma_wait3A_1621 : memref<1x8x128xf32, #tpu.memory_space<vmem>> -> memref<8x128xf32, #tpu.memory_space<vmem>>
        %dma_wait3A_1623 = arith.constant 0 : i32
        %dma_wait3A_1624 = arith.constant 0 : i32
        %dma_wait3A_1625 = tpu.memref_slice %arg4[%shift_right_arithmetic3A_858, %dma_wait3A_1618, %and3A_860, %dma_wait3A_1623, %dma_wait3A_1624] : memref<200x8x128x8x128xf32, #tpu.memory_space<hbm>> -> memref<1x1x1x8x128xf32, #tpu.memory_space<hbm>>
        %dma_wait3A_1626 = tpu.memref_squeeze %dma_wait3A_1625 : memref<1x1x1x8x128xf32, #tpu.memory_space<hbm>> -> memref<8x128xf32, #tpu.memory_space<hbm>>
        %dma_wait3A_1627 = arith.constant 0 : i32
        %dma_wait3A_1628 = arith.constant 0 : i32
        %dma_wait3A_1629 = tpu.memref_slice %arg4[%shift_right_arithmetic3A_858, %dma_wait3A_1618, %and3A_860, %dma_wait3A_1627, %dma_wait3A_1628] : memref<200x8x128x8x128xf32, #tpu.memory_space<hbm>> -> memref<1x1x1x8x128xf32, #tpu.memory_space<hbm>>
        %dma_wait3A_1630 = tpu.memref_squeeze %dma_wait3A_1629 : memref<1x1x1x8x128xf32, #tpu.memory_space<hbm>> -> memref<8x128xf32, #tpu.memory_space<hbm>>
        %dma_wait3A_1631 = arith.constant 0 : i32
        %dma_wait3A_1632 = arith.constant 0 : i32
        %dma_wait3A_1633 = tpu.memref_slice %arg10[%dma_wait3A_1617, %dma_wait3A_1631, %dma_wait3A_1632] : memref<8x8x129xf32, #tpu.memory_space<vmem>> -> memref<1x8x128xf32, #tpu.memory_space<vmem>>
        %dma_wait3A_1634 = tpu.memref_squeeze %dma_wait3A_1633 : memref<1x8x128xf32, #tpu.memory_space<vmem>> -> memref<8x128xf32, #tpu.memory_space<vmem>>
        tpu.wait_dma2 semaphore(%arg18 : memref<!tpu.dma_semaphore, #tpu.memory_space<semaphore_mem>>) src(%dma_wait3A_1634 : memref<8x128xf32, #tpu.memory_space<vmem>>) dst(%dma_wait3A_1630 : memref<8x128xf32, #tpu.memory_space<hbm>>)
        %dma_wait3A_1635 = arith.constant 3 : i32
        %dma_wait3A_1636 = arith.constant 3 : i32
        %dma_wait3A_1637 = arith.constant 0 : i32
        %dma_wait3A_1638 = arith.constant 0 : i32
        %dma_wait3A_1639 = tpu.memref_slice %arg10[%dma_wait3A_1635, %dma_wait3A_1637, %dma_wait3A_1638] : memref<8x8x129xf32, #tpu.memory_space<vmem>> -> memref<1x8x128xf32, #tpu.memory_space<vmem>>
        %dma_wait3A_1640 = tpu.memref_squeeze %dma_wait3A_1639 : memref<1x8x128xf32, #tpu.memory_space<vmem>> -> memref<8x128xf32, #tpu.memory_space<vmem>>
        %dma_wait3A_1641 = arith.constant 0 : i32
        %dma_wait3A_1642 = arith.constant 0 : i32
        %dma_wait3A_1643 = tpu.memref_slice %arg4[%shift_right_arithmetic3A_858, %dma_wait3A_1636, %and3A_860, %dma_wait3A_1641, %dma_wait3A_1642] : memref<200x8x128x8x128xf32, #tpu.memory_space<hbm>> -> memref<1x1x1x8x128xf32, #tpu.memory_space<hbm>>
        %dma_wait3A_1644 = tpu.memref_squeeze %dma_wait3A_1643 : memref<1x1x1x8x128xf32, #tpu.memory_space<hbm>> -> memref<8x128xf32, #tpu.memory_space<hbm>>
        %dma_wait3A_1645 = arith.constant 0 : i32
        %dma_wait3A_1646 = arith.constant 0 : i32
        %dma_wait3A_1647 = tpu.memref_slice %arg4[%shift_right_arithmetic3A_858, %dma_wait3A_1636, %and3A_860, %dma_wait3A_1645, %dma_wait3A_1646] : memref<200x8x128x8x128xf32, #tpu.memory_space<hbm>> -> memref<1x1x1x8x128xf32, #tpu.memory_space<hbm>>
        %dma_wait3A_1648 = tpu.memref_squeeze %dma_wait3A_1647 : memref<1x1x1x8x128xf32, #tpu.memory_space<hbm>> -> memref<8x128xf32, #tpu.memory_space<hbm>>
        %dma_wait3A_1649 = arith.constant 0 : i32
        %dma_wait3A_1650 = arith.constant 0 : i32
        %dma_wait3A_1651 = tpu.memref_slice %arg10[%dma_wait3A_1635, %dma_wait3A_1649, %dma_wait3A_1650] : memref<8x8x129xf32, #tpu.memory_space<vmem>> -> memref<1x8x128xf32, #tpu.memory_space<vmem>>
        %dma_wait3A_1652 = tpu.memref_squeeze %dma_wait3A_1651 : memref<1x8x128xf32, #tpu.memory_space<vmem>> -> memref<8x128xf32, #tpu.memory_space<vmem>>
        tpu.wait_dma2 semaphore(%arg18 : memref<!tpu.dma_semaphore, #tpu.memory_space<semaphore_mem>>) src(%dma_wait3A_1652 : memref<8x128xf32, #tpu.memory_space<vmem>>) dst(%dma_wait3A_1648 : memref<8x128xf32, #tpu.memory_space<hbm>>)
        %dma_wait3A_1653 = arith.constant 4 : i32
        %dma_wait3A_1654 = arith.constant 4 : i32
        %dma_wait3A_1655 = arith.constant 0 : i32
        %dma_wait3A_1656 = arith.constant 0 : i32
        %dma_wait3A_1657 = tpu.memref_slice %arg10[%dma_wait3A_1653, %dma_wait3A_1655, %dma_wait3A_1656] : memref<8x8x129xf32, #tpu.memory_space<vmem>> -> memref<1x8x128xf32, #tpu.memory_space<vmem>>
        %dma_wait3A_1658 = tpu.memref_squeeze %dma_wait3A_1657 : memref<1x8x128xf32, #tpu.memory_space<vmem>> -> memref<8x128xf32, #tpu.memory_space<vmem>>
        %dma_wait3A_1659 = arith.constant 0 : i32
        %dma_wait3A_1660 = arith.constant 0 : i32
        %dma_wait3A_1661 = tpu.memref_slice %arg4[%shift_right_arithmetic3A_858, %dma_wait3A_1654, %and3A_860, %dma_wait3A_1659, %dma_wait3A_1660] : memref<200x8x128x8x128xf32, #tpu.memory_space<hbm>> -> memref<1x1x1x8x128xf32, #tpu.memory_space<hbm>>
        %dma_wait3A_1662 = tpu.memref_squeeze %dma_wait3A_1661 : memref<1x1x1x8x128xf32, #tpu.memory_space<hbm>> -> memref<8x128xf32, #tpu.memory_space<hbm>>
        %dma_wait3A_1663 = arith.constant 0 : i32
        %dma_wait3A_1664 = arith.constant 0 : i32
        %dma_wait3A_1665 = tpu.memref_slice %arg4[%shift_right_arithmetic3A_858, %dma_wait3A_1654, %and3A_860, %dma_wait3A_1663, %dma_wait3A_1664] : memref<200x8x128x8x128xf32, #tpu.memory_space<hbm>> -> memref<1x1x1x8x128xf32, #tpu.memory_space<hbm>>
        %dma_wait3A_1666 = tpu.memref_squeeze %dma_wait3A_1665 : memref<1x1x1x8x128xf32, #tpu.memory_space<hbm>> -> memref<8x128xf32, #tpu.memory_space<hbm>>
        %dma_wait3A_1667 = arith.constant 0 : i32
        %dma_wait3A_1668 = arith.constant 0 : i32
        %dma_wait3A_1669 = tpu.memref_slice %arg10[%dma_wait3A_1653, %dma_wait3A_1667, %dma_wait3A_1668] : memref<8x8x129xf32, #tpu.memory_space<vmem>> -> memref<1x8x128xf32, #tpu.memory_space<vmem>>
        %dma_wait3A_1670 = tpu.memref_squeeze %dma_wait3A_1669 : memref<1x8x128xf32, #tpu.memory_space<vmem>> -> memref<8x128xf32, #tpu.memory_space<vmem>>
        tpu.wait_dma2 semaphore(%arg18 : memref<!tpu.dma_semaphore, #tpu.memory_space<semaphore_mem>>) src(%dma_wait3A_1670 : memref<8x128xf32, #tpu.memory_space<vmem>>) dst(%dma_wait3A_1666 : memref<8x128xf32, #tpu.memory_space<hbm>>)
        %dma_wait3A_1671 = arith.constant 5 : i32
        %dma_wait3A_1672 = arith.constant 5 : i32
        %dma_wait3A_1673 = arith.constant 0 : i32
        %dma_wait3A_1674 = arith.constant 0 : i32
        %dma_wait3A_1675 = tpu.memref_slice %arg10[%dma_wait3A_1671, %dma_wait3A_1673, %dma_wait3A_1674] : memref<8x8x129xf32, #tpu.memory_space<vmem>> -> memref<1x8x128xf32, #tpu.memory_space<vmem>>
        %dma_wait3A_1676 = tpu.memref_squeeze %dma_wait3A_1675 : memref<1x8x128xf32, #tpu.memory_space<vmem>> -> memref<8x128xf32, #tpu.memory_space<vmem>>
        %dma_wait3A_1677 = arith.constant 0 : i32
        %dma_wait3A_1678 = arith.constant 0 : i32
        %dma_wait3A_1679 = tpu.memref_slice %arg4[%shift_right_arithmetic3A_858, %dma_wait3A_1672, %and3A_860, %dma_wait3A_1677, %dma_wait3A_1678] : memref<200x8x128x8x128xf32, #tpu.memory_space<hbm>> -> memref<1x1x1x8x128xf32, #tpu.memory_space<hbm>>
        %dma_wait3A_1680 = tpu.memref_squeeze %dma_wait3A_1679 : memref<1x1x1x8x128xf32, #tpu.memory_space<hbm>> -> memref<8x128xf32, #tpu.memory_space<hbm>>
        %dma_wait3A_1681 = arith.constant 0 : i32
        %dma_wait3A_1682 = arith.constant 0 : i32
        %dma_wait3A_1683 = tpu.memref_slice %arg4[%shift_right_arithmetic3A_858, %dma_wait3A_1672, %and3A_860, %dma_wait3A_1681, %dma_wait3A_1682] : memref<200x8x128x8x128xf32, #tpu.memory_space<hbm>> -> memref<1x1x1x8x128xf32, #tpu.memory_space<hbm>>
        %dma_wait3A_1684 = tpu.memref_squeeze %dma_wait3A_1683 : memref<1x1x1x8x128xf32, #tpu.memory_space<hbm>> -> memref<8x128xf32, #tpu.memory_space<hbm>>
        %dma_wait3A_1685 = arith.constant 0 : i32
        %dma_wait3A_1686 = arith.constant 0 : i32
        %dma_wait3A_1687 = tpu.memref_slice %arg10[%dma_wait3A_1671, %dma_wait3A_1685, %dma_wait3A_1686] : memref<8x8x129xf32, #tpu.memory_space<vmem>> -> memref<1x8x128xf32, #tpu.memory_space<vmem>>
        %dma_wait3A_1688 = tpu.memref_squeeze %dma_wait3A_1687 : memref<1x8x128xf32, #tpu.memory_space<vmem>> -> memref<8x128xf32, #tpu.memory_space<vmem>>
        tpu.wait_dma2 semaphore(%arg18 : memref<!tpu.dma_semaphore, #tpu.memory_space<semaphore_mem>>) src(%dma_wait3A_1688 : memref<8x128xf32, #tpu.memory_space<vmem>>) dst(%dma_wait3A_1684 : memref<8x128xf32, #tpu.memory_space<hbm>>)
        %dma_wait3A_1689 = arith.constant 6 : i32
        %dma_wait3A_1690 = arith.constant 6 : i32
        %dma_wait3A_1691 = arith.constant 0 : i32
        %dma_wait3A_1692 = arith.constant 0 : i32
        %dma_wait3A_1693 = tpu.memref_slice %arg10[%dma_wait3A_1689, %dma_wait3A_1691, %dma_wait3A_1692] : memref<8x8x129xf32, #tpu.memory_space<vmem>> -> memref<1x8x128xf32, #tpu.memory_space<vmem>>
        %dma_wait3A_1694 = tpu.memref_squeeze %dma_wait3A_1693 : memref<1x8x128xf32, #tpu.memory_space<vmem>> -> memref<8x128xf32, #tpu.memory_space<vmem>>
        %dma_wait3A_1695 = arith.constant 0 : i32
        %dma_wait3A_1696 = arith.constant 0 : i32
        %dma_wait3A_1697 = tpu.memref_slice %arg4[%shift_right_arithmetic3A_858, %dma_wait3A_1690, %and3A_860, %dma_wait3A_1695, %dma_wait3A_1696] : memref<200x8x128x8x128xf32, #tpu.memory_space<hbm>> -> memref<1x1x1x8x128xf32, #tpu.memory_space<hbm>>
        %dma_wait3A_1698 = tpu.memref_squeeze %dma_wait3A_1697 : memref<1x1x1x8x128xf32, #tpu.memory_space<hbm>> -> memref<8x128xf32, #tpu.memory_space<hbm>>
        %dma_wait3A_1699 = arith.constant 0 : i32
        %dma_wait3A_1700 = arith.constant 0 : i32
        %dma_wait3A_1701 = tpu.memref_slice %arg4[%shift_right_arithmetic3A_858, %dma_wait3A_1690, %and3A_860, %dma_wait3A_1699, %dma_wait3A_1700] : memref<200x8x128x8x128xf32, #tpu.memory_space<hbm>> -> memref<1x1x1x8x128xf32, #tpu.memory_space<hbm>>
        %dma_wait3A_1702 = tpu.memref_squeeze %dma_wait3A_1701 : memref<1x1x1x8x128xf32, #tpu.memory_space<hbm>> -> memref<8x128xf32, #tpu.memory_space<hbm>>
        %dma_wait3A_1703 = arith.constant 0 : i32
        %dma_wait3A_1704 = arith.constant 0 : i32
        %dma_wait3A_1705 = tpu.memref_slice %arg10[%dma_wait3A_1689, %dma_wait3A_1703, %dma_wait3A_1704] : memref<8x8x129xf32, #tpu.memory_space<vmem>> -> memref<1x8x128xf32, #tpu.memory_space<vmem>>
        %dma_wait3A_1706 = tpu.memref_squeeze %dma_wait3A_1705 : memref<1x8x128xf32, #tpu.memory_space<vmem>> -> memref<8x128xf32, #tpu.memory_space<vmem>>
        tpu.wait_dma2 semaphore(%arg18 : memref<!tpu.dma_semaphore, #tpu.memory_space<semaphore_mem>>) src(%dma_wait3A_1706 : memref<8x128xf32, #tpu.memory_space<vmem>>) dst(%dma_wait3A_1702 : memref<8x128xf32, #tpu.memory_space<hbm>>)
        %dma_wait3A_1707 = arith.constant 7 : i32
        %dma_wait3A_1708 = arith.constant 7 : i32
        %dma_wait3A_1709 = arith.constant 0 : i32
        %dma_wait3A_1710 = arith.constant 0 : i32
        %dma_wait3A_1711 = tpu.memref_slice %arg10[%dma_wait3A_1707, %dma_wait3A_1709, %dma_wait3A_1710] : memref<8x8x129xf32, #tpu.memory_space<vmem>> -> memref<1x8x128xf32, #tpu.memory_space<vmem>>
        %dma_wait3A_1712 = tpu.memref_squeeze %dma_wait3A_1711 : memref<1x8x128xf32, #tpu.memory_space<vmem>> -> memref<8x128xf32, #tpu.memory_space<vmem>>
        %dma_wait3A_1713 = arith.constant 0 : i32
        %dma_wait3A_1714 = arith.constant 0 : i32
        %dma_wait3A_1715 = tpu.memref_slice %arg4[%shift_right_arithmetic3A_858, %dma_wait3A_1708, %and3A_860, %dma_wait3A_1713, %dma_wait3A_1714] : memref<200x8x128x8x128xf32, #tpu.memory_space<hbm>> -> memref<1x1x1x8x128xf32, #tpu.memory_space<hbm>>
        %dma_wait3A_1716 = tpu.memref_squeeze %dma_wait3A_1715 : memref<1x1x1x8x128xf32, #tpu.memory_space<hbm>> -> memref<8x128xf32, #tpu.memory_space<hbm>>
        %dma_wait3A_1717 = arith.constant 0 : i32
        %dma_wait3A_1718 = arith.constant 0 : i32
        %dma_wait3A_1719 = tpu.memref_slice %arg4[%shift_right_arithmetic3A_858, %dma_wait3A_1708, %and3A_860, %dma_wait3A_1717, %dma_wait3A_1718] : memref<200x8x128x8x128xf32, #tpu.memory_space<hbm>> -> memref<1x1x1x8x128xf32, #tpu.memory_space<hbm>>
        %dma_wait3A_1720 = tpu.memref_squeeze %dma_wait3A_1719 : memref<1x1x1x8x128xf32, #tpu.memory_space<hbm>> -> memref<8x128xf32, #tpu.memory_space<hbm>>
        %dma_wait3A_1721 = arith.constant 0 : i32
        %dma_wait3A_1722 = arith.constant 0 : i32
        %dma_wait3A_1723 = tpu.memref_slice %arg10[%dma_wait3A_1707, %dma_wait3A_1721, %dma_wait3A_1722] : memref<8x8x129xf32, #tpu.memory_space<vmem>> -> memref<1x8x128xf32, #tpu.memory_space<vmem>>
        %dma_wait3A_1724 = tpu.memref_squeeze %dma_wait3A_1723 : memref<1x8x128xf32, #tpu.memory_space<vmem>> -> memref<8x128xf32, #tpu.memory_space<vmem>>
        tpu.wait_dma2 semaphore(%arg18 : memref<!tpu.dma_semaphore, #tpu.memory_space<semaphore_mem>>) src(%dma_wait3A_1724 : memref<8x128xf32, #tpu.memory_space<vmem>>) dst(%dma_wait3A_1720 : memref<8x128xf32, #tpu.memory_space<hbm>>)
      } else {
      }
      %parallel_loop3A = arith.constant 0 : i32
      %parallel_loop3A_880 = arith.constant 128 : i32
      %parallel_loop3A_881 = arith.constant 1 : i32
      scf.for %parallel_loop3A_1581 = %parallel_loop3A to %parallel_loop3A_880 step %parallel_loop3A_881  : i32 {
        %parallel_loop3A_1582 = vector.broadcast %parallel_loop3A_1581 : i32 to vector<16xi32>
        %parallel_loop3A_1583 = arith.index_cast %parallel_loop3A_1581 : i32 to index
        %parallel_loop3A_1584 = arith.constant 0 : index
        %parallel_loop3A_1585 = tpu.vector_load %arg6[%parallel_loop3A_1583, %parallel_loop3A_1584] {strides = array<i32>} : memref<128x64xf32, #tpu.memory_space<vmem>>, vector<16xf32>,
        tpu.vector_store_idx %arg10[%shift_right_arithmetic3A_16, %and3A_27, %parallel_loop3A_1582], %parallel_loop3A_1585 : memref<8x8x129xf32, #tpu.memory_space<vmem>>[vector<16xi32>, vector<16xi32>, vector<16xi32>], vector<16xf32>,
        %parallel_loop3A_1586 = arith.index_cast %parallel_loop3A_1581 : i32 to index
        %parallel_loop3A_1587 = arith.constant 16 : index
        %parallel_loop3A_1588 = tpu.vector_load %arg6[%parallel_loop3A_1586, %parallel_loop3A_1587] {strides = array<i32>} : memref<128x64xf32, #tpu.memory_space<vmem>>, vector<16xf32>,
        tpu.vector_store_idx %arg10[%shift_right_arithmetic3A_19, %and3A_30, %parallel_loop3A_1582], %parallel_loop3A_1588 : memref<8x8x129xf32, #tpu.memory_space<vmem>>[vector<16xi32>, vector<16xi32>, vector<16xi32>], vector<16xf32>,
        %parallel_loop3A_1589 = arith.index_cast %parallel_loop3A_1581 : i32 to index
        %parallel_loop3A_1590 = arith.constant 32 : index
        %parallel_loop3A_1591 = tpu.vector_load %arg6[%parallel_loop3A_1589, %parallel_loop3A_1590] {strides = array<i32>} : memref<128x64xf32, #tpu.memory_space<vmem>>, vector<16xf32>,
        tpu.vector_store_idx %arg10[%shift_right_arithmetic3A_22, %and3A_33, %parallel_loop3A_1582], %parallel_loop3A_1591 : memref<8x8x129xf32, #tpu.memory_space<vmem>>[vector<16xi32>, vector<16xi32>, vector<16xi32>], vector<16xf32>,
        %parallel_loop3A_1592 = arith.index_cast %parallel_loop3A_1581 : i32 to index
        %parallel_loop3A_1593 = arith.constant 48 : index
        %parallel_loop3A_1594 = tpu.vector_load %arg6[%parallel_loop3A_1592, %parallel_loop3A_1593] {strides = array<i32>} : memref<128x64xf32, #tpu.memory_space<vmem>>, vector<16xf32>,
        tpu.vector_store_idx %arg10[%shift_right_arithmetic3A_25, %and3A_36, %parallel_loop3A_1582], %parallel_loop3A_1594 : memref<8x8x129xf32, #tpu.memory_space<vmem>>[vector<16xi32>, vector<16xi32>, vector<16xi32>], vector<16xf32>,
      } {sc.loop_unroll_factor = 8 : i64, sc.parallel_access}
      %dma_start3A_882 = arith.constant 0 : i32
      %dma_start3A_883 = arith.constant 0 : i32
      %dma_start3A_884 = arith.constant 0 : i32
      %dma_start3A_885 = arith.constant 0 : i32
      %dma_start3A_886 = tpu.memref_slice %arg10[%dma_start3A_882, %dma_start3A_884, %dma_start3A_885] : memref<8x8x129xf32, #tpu.memory_space<vmem>> -> memref<1x8x128xf32, #tpu.memory_space<vmem>>
      %dma_start3A_887 = tpu.memref_squeeze %dma_start3A_886 : memref<1x8x128xf32, #tpu.memory_space<vmem>> -> memref<8x128xf32, #tpu.memory_space<vmem>>
      %dma_start3A_888 = arith.constant 0 : i32
      %dma_start3A_889 = arith.constant 0 : i32
      %dma_start3A_890 = tpu.memref_slice %arg4[%shift_right_arithmetic3A_858, %dma_start3A_883, %and3A_860, %dma_start3A_888, %dma_start3A_889] : memref<200x8x128x8x128xf32, #tpu.memory_space<hbm>> -> memref<1x1x1x8x128xf32, #tpu.memory_space<hbm>>
      %dma_start3A_891 = tpu.memref_squeeze %dma_start3A_890 : memref<1x1x1x8x128xf32, #tpu.memory_space<hbm>> -> memref<8x128xf32, #tpu.memory_space<hbm>>
      %dma_start3A_892 = arith.constant 0 : i32
      %dma_start3A_893 = arith.constant 0 : i32
      %dma_start3A_894 = tpu.memref_slice %arg4[%shift_right_arithmetic3A_858, %dma_start3A_883, %and3A_860, %dma_start3A_892, %dma_start3A_893] : memref<200x8x128x8x128xf32, #tpu.memory_space<hbm>> -> memref<1x1x1x8x128xf32, #tpu.memory_space<hbm>>
      %dma_start3A_895 = tpu.memref_squeeze %dma_start3A_894 : memref<1x1x1x8x128xf32, #tpu.memory_space<hbm>> -> memref<8x128xf32, #tpu.memory_space<hbm>>
      %dma_start3A_896 = arith.constant 0 : i32
      %dma_start3A_897 = arith.constant 0 : i32
      %dma_start3A_898 = tpu.memref_slice %arg10[%dma_start3A_882, %dma_start3A_896, %dma_start3A_897] : memref<8x8x129xf32, #tpu.memory_space<vmem>> -> memref<1x8x128xf32, #tpu.memory_space<vmem>>
      %dma_start3A_899 = tpu.memref_squeeze %dma_start3A_898 : memref<1x8x128xf32, #tpu.memory_space<vmem>> -> memref<8x128xf32, #tpu.memory_space<vmem>>
      tpu.enqueue_dma source(%dma_start3A_899 : memref<8x128xf32, #tpu.memory_space<vmem>>) target(%dma_start3A_895 : memref<8x128xf32, #tpu.memory_space<hbm>>) target_semaphore(%arg18 : memref<!tpu.dma_semaphore, #tpu.memory_space<semaphore_mem>>)
      %dma_start3A_900 = arith.constant 1 : i32
      %dma_start3A_901 = arith.constant 1 : i32
      %dma_start3A_902 = arith.constant 0 : i32
      %dma_start3A_903 = arith.constant 0 : i32
      %dma_start3A_904 = tpu.memref_slice %arg10[%dma_start3A_900, %dma_start3A_902, %dma_start3A_903] : memref<8x8x129xf32, #tpu.memory_space<vmem>> -> memref<1x8x128xf32, #tpu.memory_space<vmem>>
      %dma_start3A_905 = tpu.memref_squeeze %dma_start3A_904 : memref<1x8x128xf32, #tpu.memory_space<vmem>> -> memref<8x128xf32, #tpu.memory_space<vmem>>
      %dma_start3A_906 = arith.constant 0 : i32
      %dma_start3A_907 = arith.constant 0 : i32
      %dma_start3A_908 = tpu.memref_slice %arg4[%shift_right_arithmetic3A_858, %dma_start3A_901, %and3A_860, %dma_start3A_906, %dma_start3A_907] : memref<200x8x128x8x128xf32, #tpu.memory_space<hbm>> -> memref<1x1x1x8x128xf32, #tpu.memory_space<hbm>>
      %dma_start3A_909 = tpu.memref_squeeze %dma_start3A_908 : memref<1x1x1x8x128xf32, #tpu.memory_space<hbm>> -> memref<8x128xf32, #tpu.memory_space<hbm>>
      %dma_start3A_910 = arith.constant 0 : i32
      %dma_start3A_911 = arith.constant 0 : i32
      %dma_start3A_912 = tpu.memref_slice %arg4[%shift_right_arithmetic3A_858, %dma_start3A_901, %and3A_860, %dma_start3A_910, %dma_start3A_911] : memref<200x8x128x8x128xf32, #tpu.memory_space<hbm>> -> memref<1x1x1x8x128xf32, #tpu.memory_space<hbm>>
      %dma_start3A_913 = tpu.memref_squeeze %dma_start3A_912 : memref<1x1x1x8x128xf32, #tpu.memory_space<hbm>> -> memref<8x128xf32, #tpu.memory_space<hbm>>
      %dma_start3A_914 = arith.constant 0 : i32
      %dma_start3A_915 = arith.constant 0 : i32
      %dma_start3A_916 = tpu.memref_slice %arg10[%dma_start3A_900, %dma_start3A_914, %dma_start3A_915] : memref<8x8x129xf32, #tpu.memory_space<vmem>> -> memref<1x8x128xf32, #tpu.memory_space<vmem>>
      %dma_start3A_917 = tpu.memref_squeeze %dma_start3A_916 : memref<1x8x128xf32, #tpu.memory_space<vmem>> -> memref<8x128xf32, #tpu.memory_space<vmem>>
      tpu.enqueue_dma source(%dma_start3A_917 : memref<8x128xf32, #tpu.memory_space<vmem>>) target(%dma_start3A_913 : memref<8x128xf32, #tpu.memory_space<hbm>>) target_semaphore(%arg18 : memref<!tpu.dma_semaphore, #tpu.memory_space<semaphore_mem>>)
      %dma_start3A_918 = arith.constant 2 : i32
      %dma_start3A_919 = arith.constant 2 : i32
      %dma_start3A_920 = arith.constant 0 : i32
      %dma_start3A_921 = arith.constant 0 : i32
      %dma_start3A_922 = tpu.memref_slice %arg10[%dma_start3A_918, %dma_start3A_920, %dma_start3A_921] : memref<8x8x129xf32, #tpu.memory_space<vmem>> -> memref<1x8x128xf32, #tpu.memory_space<vmem>>
      %dma_start3A_923 = tpu.memref_squeeze %dma_start3A_922 : memref<1x8x128xf32, #tpu.memory_space<vmem>> -> memref<8x128xf32, #tpu.memory_space<vmem>>
      %dma_start3A_924 = arith.constant 0 : i32
      %dma_start3A_925 = arith.constant 0 : i32
      %dma_start3A_926 = tpu.memref_slice %arg4[%shift_right_arithmetic3A_858, %dma_start3A_919, %and3A_860, %dma_start3A_924, %dma_start3A_925] : memref<200x8x128x8x128xf32, #tpu.memory_space<hbm>> -> memref<1x1x1x8x128xf32, #tpu.memory_space<hbm>>
      %dma_start3A_927 = tpu.memref_squeeze %dma_start3A_926 : memref<1x1x1x8x128xf32, #tpu.memory_space<hbm>> -> memref<8x128xf32, #tpu.memory_space<hbm>>
      %dma_start3A_928 = arith.constant 0 : i32
      %dma_start3A_929 = arith.constant 0 : i32
      %dma_start3A_930 = tpu.memref_slice %arg4[%shift_right_arithmetic3A_858, %dma_start3A_919, %and3A_860, %dma_start3A_928, %dma_start3A_929] : memref<200x8x128x8x128xf32, #tpu.memory_space<hbm>> -> memref<1x1x1x8x128xf32, #tpu.memory_space<hbm>>
      %dma_start3A_931 = tpu.memref_squeeze %dma_start3A_930 : memref<1x1x1x8x128xf32, #tpu.memory_space<hbm>> -> memref<8x128xf32, #tpu.memory_space<hbm>>
      %dma_start3A_932 = arith.constant 0 : i32
      %dma_start3A_933 = arith.constant 0 : i32
      %dma_start3A_934 = tpu.memref_slice %arg10[%dma_start3A_918, %dma_start3A_932, %dma_start3A_933] : memref<8x8x129xf32, #tpu.memory_space<vmem>> -> memref<1x8x128xf32, #tpu.memory_space<vmem>>
      %dma_start3A_935 = tpu.memref_squeeze %dma_start3A_934 : memref<1x8x128xf32, #tpu.memory_space<vmem>> -> memref<8x128xf32, #tpu.memory_space<vmem>>
      tpu.enqueue_dma source(%dma_start3A_935 : memref<8x128xf32, #tpu.memory_space<vmem>>) target(%dma_start3A_931 : memref<8x128xf32, #tpu.memory_space<hbm>>) target_semaphore(%arg18 : memref<!tpu.dma_semaphore, #tpu.memory_space<semaphore_mem>>)
      %dma_start3A_936 = arith.constant 3 : i32
      %dma_start3A_937 = arith.constant 3 : i32
      %dma_start3A_938 = arith.constant 0 : i32
      %dma_start3A_939 = arith.constant 0 : i32
      %dma_start3A_940 = tpu.memref_slice %arg10[%dma_start3A_936, %dma_start3A_938, %dma_start3A_939] : memref<8x8x129xf32, #tpu.memory_space<vmem>> -> memref<1x8x128xf32, #tpu.memory_space<vmem>>
      %dma_start3A_941 = tpu.memref_squeeze %dma_start3A_940 : memref<1x8x128xf32, #tpu.memory_space<vmem>> -> memref<8x128xf32, #tpu.memory_space<vmem>>
      %dma_start3A_942 = arith.constant 0 : i32
      %dma_start3A_943 = arith.constant 0 : i32
      %dma_start3A_944 = tpu.memref_slice %arg4[%shift_right_arithmetic3A_858, %dma_start3A_937, %and3A_860, %dma_start3A_942, %dma_start3A_943] : memref<200x8x128x8x128xf32, #tpu.memory_space<hbm>> -> memref<1x1x1x8x128xf32, #tpu.memory_space<hbm>>
      %dma_start3A_945 = tpu.memref_squeeze %dma_start3A_944 : memref<1x1x1x8x128xf32, #tpu.memory_space<hbm>> -> memref<8x128xf32, #tpu.memory_space<hbm>>
      %dma_start3A_946 = arith.constant 0 : i32
      %dma_start3A_947 = arith.constant 0 : i32
      %dma_start3A_948 = tpu.memref_slice %arg4[%shift_right_arithmetic3A_858, %dma_start3A_937, %and3A_860, %dma_start3A_946, %dma_start3A_947] : memref<200x8x128x8x128xf32, #tpu.memory_space<hbm>> -> memref<1x1x1x8x128xf32, #tpu.memory_space<hbm>>
      %dma_start3A_949 = tpu.memref_squeeze %dma_start3A_948 : memref<1x1x1x8x128xf32, #tpu.memory_space<hbm>> -> memref<8x128xf32, #tpu.memory_space<hbm>>
      %dma_start3A_950 = arith.constant 0 : i32
      %dma_start3A_951 = arith.constant 0 : i32
      %dma_start3A_952 = tpu.memref_slice %arg10[%dma_start3A_936, %dma_start3A_950, %dma_start3A_951] : memref<8x8x129xf32, #tpu.memory_space<vmem>> -> memref<1x8x128xf32, #tpu.memory_space<vmem>>
      %dma_start3A_953 = tpu.memref_squeeze %dma_start3A_952 : memref<1x8x128xf32, #tpu.memory_space<vmem>> -> memref<8x128xf32, #tpu.memory_space<vmem>>
      tpu.enqueue_dma source(%dma_start3A_953 : memref<8x128xf32, #tpu.memory_space<vmem>>) target(%dma_start3A_949 : memref<8x128xf32, #tpu.memory_space<hbm>>) target_semaphore(%arg18 : memref<!tpu.dma_semaphore, #tpu.memory_space<semaphore_mem>>)
      %dma_start3A_954 = arith.constant 4 : i32
      %dma_start3A_955 = arith.constant 4 : i32
      %dma_start3A_956 = arith.constant 0 : i32
      %dma_start3A_957 = arith.constant 0 : i32
      %dma_start3A_958 = tpu.memref_slice %arg10[%dma_start3A_954, %dma_start3A_956, %dma_start3A_957] : memref<8x8x129xf32, #tpu.memory_space<vmem>> -> memref<1x8x128xf32, #tpu.memory_space<vmem>>
      %dma_start3A_959 = tpu.memref_squeeze %dma_start3A_958 : memref<1x8x128xf32, #tpu.memory_space<vmem>> -> memref<8x128xf32, #tpu.memory_space<vmem>>
      %dma_start3A_960 = arith.constant 0 : i32
      %dma_start3A_961 = arith.constant 0 : i32
      %dma_start3A_962 = tpu.memref_slice %arg4[%shift_right_arithmetic3A_858, %dma_start3A_955, %and3A_860, %dma_start3A_960, %dma_start3A_961] : memref<200x8x128x8x128xf32, #tpu.memory_space<hbm>> -> memref<1x1x1x8x128xf32, #tpu.memory_space<hbm>>
      %dma_start3A_963 = tpu.memref_squeeze %dma_start3A_962 : memref<1x1x1x8x128xf32, #tpu.memory_space<hbm>> -> memref<8x128xf32, #tpu.memory_space<hbm>>
      %dma_start3A_964 = arith.constant 0 : i32
      %dma_start3A_965 = arith.constant 0 : i32
      %dma_start3A_966 = tpu.memref_slice %arg4[%shift_right_arithmetic3A_858, %dma_start3A_955, %and3A_860, %dma_start3A_964, %dma_start3A_965] : memref<200x8x128x8x128xf32, #tpu.memory_space<hbm>> -> memref<1x1x1x8x128xf32, #tpu.memory_space<hbm>>
      %dma_start3A_967 = tpu.memref_squeeze %dma_start3A_966 : memref<1x1x1x8x128xf32, #tpu.memory_space<hbm>> -> memref<8x128xf32, #tpu.memory_space<hbm>>
      %dma_start3A_968 = arith.constant 0 : i32
      %dma_start3A_969 = arith.constant 0 : i32
      %dma_start3A_970 = tpu.memref_slice %arg10[%dma_start3A_954, %dma_start3A_968, %dma_start3A_969] : memref<8x8x129xf32, #tpu.memory_space<vmem>> -> memref<1x8x128xf32, #tpu.memory_space<vmem>>
      %dma_start3A_971 = tpu.memref_squeeze %dma_start3A_970 : memref<1x8x128xf32, #tpu.memory_space<vmem>> -> memref<8x128xf32, #tpu.memory_space<vmem>>
      tpu.enqueue_dma source(%dma_start3A_971 : memref<8x128xf32, #tpu.memory_space<vmem>>) target(%dma_start3A_967 : memref<8x128xf32, #tpu.memory_space<hbm>>) target_semaphore(%arg18 : memref<!tpu.dma_semaphore, #tpu.memory_space<semaphore_mem>>)
      %dma_start3A_972 = arith.constant 5 : i32
      %dma_start3A_973 = arith.constant 5 : i32
      %dma_start3A_974 = arith.constant 0 : i32
      %dma_start3A_975 = arith.constant 0 : i32
      %dma_start3A_976 = tpu.memref_slice %arg10[%dma_start3A_972, %dma_start3A_974, %dma_start3A_975] : memref<8x8x129xf32, #tpu.memory_space<vmem>> -> memref<1x8x128xf32, #tpu.memory_space<vmem>>
      %dma_start3A_977 = tpu.memref_squeeze %dma_start3A_976 : memref<1x8x128xf32, #tpu.memory_space<vmem>> -> memref<8x128xf32, #tpu.memory_space<vmem>>
      %dma_start3A_978 = arith.constant 0 : i32
      %dma_start3A_979 = arith.constant 0 : i32
      %dma_start3A_980 = tpu.memref_slice %arg4[%shift_right_arithmetic3A_858, %dma_start3A_973, %and3A_860, %dma_start3A_978, %dma_start3A_979] : memref<200x8x128x8x128xf32, #tpu.memory_space<hbm>> -> memref<1x1x1x8x128xf32, #tpu.memory_space<hbm>>
      %dma_start3A_981 = tpu.memref_squeeze %dma_start3A_980 : memref<1x1x1x8x128xf32, #tpu.memory_space<hbm>> -> memref<8x128xf32, #tpu.memory_space<hbm>>
      %dma_start3A_982 = arith.constant 0 : i32
      %dma_start3A_983 = arith.constant 0 : i32
      %dma_start3A_984 = tpu.memref_slice %arg4[%shift_right_arithmetic3A_858, %dma_start3A_973, %and3A_860, %dma_start3A_982, %dma_start3A_983] : memref<200x8x128x8x128xf32, #tpu.memory_space<hbm>> -> memref<1x1x1x8x128xf32, #tpu.memory_space<hbm>>
      %dma_start3A_985 = tpu.memref_squeeze %dma_start3A_984 : memref<1x1x1x8x128xf32, #tpu.memory_space<hbm>> -> memref<8x128xf32, #tpu.memory_space<hbm>>
      %dma_start3A_986 = arith.constant 0 : i32
      %dma_start3A_987 = arith.constant 0 : i32
      %dma_start3A_988 = tpu.memref_slice %arg10[%dma_start3A_972, %dma_start3A_986, %dma_start3A_987] : memref<8x8x129xf32, #tpu.memory_space<vmem>> -> memref<1x8x128xf32, #tpu.memory_space<vmem>>
      %dma_start3A_989 = tpu.memref_squeeze %dma_start3A_988 : memref<1x8x128xf32, #tpu.memory_space<vmem>> -> memref<8x128xf32, #tpu.memory_space<vmem>>
      tpu.enqueue_dma source(%dma_start3A_989 : memref<8x128xf32, #tpu.memory_space<vmem>>) target(%dma_start3A_985 : memref<8x128xf32, #tpu.memory_space<hbm>>) target_semaphore(%arg18 : memref<!tpu.dma_semaphore, #tpu.memory_space<semaphore_mem>>)
      %dma_start3A_990 = arith.constant 6 : i32
      %dma_start3A_991 = arith.constant 6 : i32
      %dma_start3A_992 = arith.constant 0 : i32
      %dma_start3A_993 = arith.constant 0 : i32
      %dma_start3A_994 = tpu.memref_slice %arg10[%dma_start3A_990, %dma_start3A_992, %dma_start3A_993] : memref<8x8x129xf32, #tpu.memory_space<vmem>> -> memref<1x8x128xf32, #tpu.memory_space<vmem>>
      %dma_start3A_995 = tpu.memref_squeeze %dma_start3A_994 : memref<1x8x128xf32, #tpu.memory_space<vmem>> -> memref<8x128xf32, #tpu.memory_space<vmem>>
      %dma_start3A_996 = arith.constant 0 : i32
      %dma_start3A_997 = arith.constant 0 : i32
      %dma_start3A_998 = tpu.memref_slice %arg4[%shift_right_arithmetic3A_858, %dma_start3A_991, %and3A_860, %dma_start3A_996, %dma_start3A_997] : memref<200x8x128x8x128xf32, #tpu.memory_space<hbm>> -> memref<1x1x1x8x128xf32, #tpu.memory_space<hbm>>
      %dma_start3A_999 = tpu.memref_squeeze %dma_start3A_998 : memref<1x1x1x8x128xf32, #tpu.memory_space<hbm>> -> memref<8x128xf32, #tpu.memory_space<hbm>>
      %dma_start3A_1000 = arith.constant 0 : i32
      %dma_start3A_1001 = arith.constant 0 : i32
      %dma_start3A_1002 = tpu.memref_slice %arg4[%shift_right_arithmetic3A_858, %dma_start3A_991, %and3A_860, %dma_start3A_1000, %dma_start3A_1001] : memref<200x8x128x8x128xf32, #tpu.memory_space<hbm>> -> memref<1x1x1x8x128xf32, #tpu.memory_space<hbm>>
      %dma_start3A_1003 = tpu.memref_squeeze %dma_start3A_1002 : memref<1x1x1x8x128xf32, #tpu.memory_space<hbm>> -> memref<8x128xf32, #tpu.memory_space<hbm>>
      %dma_start3A_1004 = arith.constant 0 : i32
      %dma_start3A_1005 = arith.constant 0 : i32
      %dma_start3A_1006 = tpu.memref_slice %arg10[%dma_start3A_990, %dma_start3A_1004, %dma_start3A_1005] : memref<8x8x129xf32, #tpu.memory_space<vmem>> -> memref<1x8x128xf32, #tpu.memory_space<vmem>>
      %dma_start3A_1007 = tpu.memref_squeeze %dma_start3A_1006 : memref<1x8x128xf32, #tpu.memory_space<vmem>> -> memref<8x128xf32, #tpu.memory_space<vmem>>
      tpu.enqueue_dma source(%dma_start3A_1007 : memref<8x128xf32, #tpu.memory_space<vmem>>) target(%dma_start3A_1003 : memref<8x128xf32, #tpu.memory_space<hbm>>) target_semaphore(%arg18 : memref<!tpu.dma_semaphore, #tpu.memory_space<semaphore_mem>>)
      %dma_start3A_1008 = arith.constant 7 : i32
      %dma_start3A_1009 = arith.constant 7 : i32
      %dma_start3A_1010 = arith.constant 0 : i32
      %dma_start3A_1011 = arith.constant 0 : i32
      %dma_start3A_1012 = tpu.memref_slice %arg10[%dma_start3A_1008, %dma_start3A_1010, %dma_start3A_1011] : memref<8x8x129xf32, #tpu.memory_space<vmem>> -> memref<1x8x128xf32, #tpu.memory_space<vmem>>
      %dma_start3A_1013 = tpu.memref_squeeze %dma_start3A_1012 : memref<1x8x128xf32, #tpu.memory_space<vmem>> -> memref<8x128xf32, #tpu.memory_space<vmem>>
      %dma_start3A_1014 = arith.constant 0 : i32
      %dma_start3A_1015 = arith.constant 0 : i32
      %dma_start3A_1016 = tpu.memref_slice %arg4[%shift_right_arithmetic3A_858, %dma_start3A_1009, %and3A_860, %dma_start3A_1014, %dma_start3A_1015] : memref<200x8x128x8x128xf32, #tpu.memory_space<hbm>> -> memref<1x1x1x8x128xf32, #tpu.memory_space<hbm>>
      %dma_start3A_1017 = tpu.memref_squeeze %dma_start3A_1016 : memref<1x1x1x8x128xf32, #tpu.memory_space<hbm>> -> memref<8x128xf32, #tpu.memory_space<hbm>>
      %dma_start3A_1018 = arith.constant 0 : i32
      %dma_start3A_1019 = arith.constant 0 : i32
      %dma_start3A_1020 = tpu.memref_slice %arg4[%shift_right_arithmetic3A_858, %dma_start3A_1009, %and3A_860, %dma_start3A_1018, %dma_start3A_1019] : memref<200x8x128x8x128xf32, #tpu.memory_space<hbm>> -> memref<1x1x1x8x128xf32, #tpu.memory_space<hbm>>
      %dma_start3A_1021 = tpu.memref_squeeze %dma_start3A_1020 : memref<1x1x1x8x128xf32, #tpu.memory_space<hbm>> -> memref<8x128xf32, #tpu.memory_space<hbm>>
      %dma_start3A_1022 = arith.constant 0 : i32
      %dma_start3A_1023 = arith.constant 0 : i32
      %dma_start3A_1024 = tpu.memref_slice %arg10[%dma_start3A_1008, %dma_start3A_1022, %dma_start3A_1023] : memref<8x8x129xf32, #tpu.memory_space<vmem>> -> memref<1x8x128xf32, #tpu.memory_space<vmem>>
      %dma_start3A_1025 = tpu.memref_squeeze %dma_start3A_1024 : memref<1x8x128xf32, #tpu.memory_space<vmem>> -> memref<8x128xf32, #tpu.memory_space<vmem>>
      tpu.enqueue_dma source(%dma_start3A_1025 : memref<8x128xf32, #tpu.memory_space<vmem>>) target(%dma_start3A_1021 : memref<8x128xf32, #tpu.memory_space<hbm>>) target_semaphore(%arg18 : memref<!tpu.dma_semaphore, #tpu.memory_space<semaphore_mem>>)
      %add3A_1026 = arith.constant 4 : i32
      %add3A_1027 = arith.addi %add3A_855, %add3A_1026 : i32
      %lt3A = arith.constant 800 : i32
      %lt3A_1028 = arith.cmpi slt, %add3A_1027, %lt3A : i32
      %convert_element_type3A_1029 = arith.extui %lt3A_1028 : i1 to i32
      %cond3A_1030 = arith.constant 0 : i32
      %cond3A_1031 = arith.cmpi ne, %convert_element_type3A_1029, %cond3A_1030 : i32
      scf.if %cond3A_1031 {
        %shift_right_arithmetic3A_1581 = arith.constant 4 : i32
        %shift_right_arithmetic3A_1582 = arith.shrsi %add3A_1027, %shift_right_arithmetic3A_1581 : i32
        %and3A_1583 = arith.constant 15 : i32
        %and3A_1584 = arith.andi %add3A_1027, %and3A_1583 : i32
        %and3A_1585 = arith.constant 1 : i32
        %and3A_1586 = arith.andi %shift_right_arithmetic3A_1582, %and3A_1585 : i32
        %mul3A_1587 = arith.constant 2048 : i32
        %mul3A_1588 = arith.muli %and3A_1586, %mul3A_1587 : i32
        %mul3A_1589 = arith.constant 128 : i32
        %mul3A_1590 = arith.muli %and3A_1584, %mul3A_1589 : i32
        %add3A_1591 = arith.addi %mul3A_1588, %mul3A_1590 : i32
        %dma_start3A_1592 = tpu.memref_slice %arg5[%add3A_1591] : memref<4096xi32, #tpu.memory_space<vmem>> -> memref<128xi32, #tpu.memory_space<vmem>>
        %dma_start3A_1593 = arith.constant 0 : i32
        %dma_start3A_1594 = arith.constant 0 : i32
        %dma_start3A_1595 = tpu.memref_slice %arg3[%dma_start3A_1593, %dma_start3A_1594] : memref<8193x64xf32, #tpu.memory_space<hbm>> -> memref<8193x64xf32, #tpu.memory_space<hbm>>
        tpu.enqueue_indirect_dma source(%dma_start3A_1595 : memref<8193x64xf32, #tpu.memory_space<hbm>>) target(%arg6 : memref<128x64xf32, #tpu.memory_space<vmem>>) offsets(%dma_start3A_1592 : memref<128xi32, #tpu.memory_space<vmem>>) semaphore(%arg14 : memref<!tpu.dma_semaphore, #tpu.memory_space<semaphore_mem>>)
      } else {
      }
      %mul3A_1032 = arith.constant 4 : i32
      %mul3A_1033 = arith.muli %scan3A_845, %mul3A_1032 : i32
      %add3A_1034 = arith.constant 1 : i32
      %add3A_1035 = arith.addi %mul3A_1033, %add3A_1034 : i32
      %add3A_1036 = arith.addi %mul3A_2, %add3A_1035 : i32
      %shift_right_arithmetic3A_1037 = arith.constant 7 : i32
      %shift_right_arithmetic3A_1038 = arith.shrsi %add3A_1036, %shift_right_arithmetic3A_1037 : i32
      %and3A_1039 = arith.constant 127 : i32
      %and3A_1040 = arith.andi %add3A_1036, %and3A_1039 : i32
      %shift_right_arithmetic3A_1041 = arith.constant 4 : i32
      %shift_right_arithmetic3A_1042 = arith.shrsi %add3A_1035, %shift_right_arithmetic3A_1041 : i32
      %and3A_1043 = arith.constant 15 : i32
      %and3A_1044 = arith.andi %add3A_1035, %and3A_1043 : i32
      %and3A_1045 = arith.constant 1 : i32
      %and3A_1046 = arith.andi %shift_right_arithmetic3A_1042, %and3A_1045 : i32
      %mul3A_1047 = arith.constant 2048 : i32
      %mul3A_1048 = arith.muli %and3A_1046, %mul3A_1047 : i32
      %mul3A_1049 = arith.constant 128 : i32
      %mul3A_1050 = arith.muli %and3A_1044, %mul3A_1049 : i32
      %add3A_1051 = arith.addi %mul3A_1048, %mul3A_1050 : i32
      %dma_wait3A_1052 = tpu.memref_slice %arg5[%add3A_1051] : memref<4096xi32, #tpu.memory_space<vmem>> -> memref<128xi32, #tpu.memory_space<vmem>>
      %dma_wait3A_1053 = arith.constant 0 : i32
      %dma_wait3A_1054 = arith.constant 0 : i32
      %dma_wait3A_1055 = tpu.memref_slice %arg3[%dma_wait3A_1053, %dma_wait3A_1054] : memref<8193x64xf32, #tpu.memory_space<hbm>> -> memref<8193x64xf32, #tpu.memory_space<hbm>>
      tpu.wait_indirect_dma semaphore(%arg15 : memref<!tpu.dma_semaphore, #tpu.memory_space<semaphore_mem>>) src(%dma_wait3A_1055 : memref<8193x64xf32, #tpu.memory_space<hbm>>) dst(%arg7 : memref<128x64xf32, #tpu.memory_space<vmem>>)
      %gt3A_1056 = arith.constant 0 : i32
      %gt3A_1057 = arith.cmpi sgt, %scan3A_845, %gt3A_1056 : i32
      %convert_element_type3A_1058 = arith.extui %gt3A_1057 : i1 to i32
      %cond3A_1059 = arith.constant 0 : i32
      %cond3A_1060 = arith.cmpi ne, %convert_element_type3A_1058, %cond3A_1059 : i32
      scf.if %cond3A_1060 {
        %dma_wait3A_1581 = arith.constant 0 : i32
        %dma_wait3A_1582 = arith.constant 0 : i32
        %dma_wait3A_1583 = arith.constant 0 : i32
        %dma_wait3A_1584 = arith.constant 0 : i32
        %dma_wait3A_1585 = tpu.memref_slice %arg11[%dma_wait3A_1581, %dma_wait3A_1583, %dma_wait3A_1584] : memref<8x8x129xf32, #tpu.memory_space<vmem>> -> memref<1x8x128xf32, #tpu.memory_space<vmem>>
        %dma_wait3A_1586 = tpu.memref_squeeze %dma_wait3A_1585 : memref<1x8x128xf32, #tpu.memory_space<vmem>> -> memref<8x128xf32, #tpu.memory_space<vmem>>
        %dma_wait3A_1587 = arith.constant 0 : i32
        %dma_wait3A_1588 = arith.constant 0 : i32
        %dma_wait3A_1589 = tpu.memref_slice %arg4[%shift_right_arithmetic3A_1038, %dma_wait3A_1582, %and3A_1040, %dma_wait3A_1587, %dma_wait3A_1588] : memref<200x8x128x8x128xf32, #tpu.memory_space<hbm>> -> memref<1x1x1x8x128xf32, #tpu.memory_space<hbm>>
        %dma_wait3A_1590 = tpu.memref_squeeze %dma_wait3A_1589 : memref<1x1x1x8x128xf32, #tpu.memory_space<hbm>> -> memref<8x128xf32, #tpu.memory_space<hbm>>
        %dma_wait3A_1591 = arith.constant 0 : i32
        %dma_wait3A_1592 = arith.constant 0 : i32
        %dma_wait3A_1593 = tpu.memref_slice %arg4[%shift_right_arithmetic3A_1038, %dma_wait3A_1582, %and3A_1040, %dma_wait3A_1591, %dma_wait3A_1592] : memref<200x8x128x8x128xf32, #tpu.memory_space<hbm>> -> memref<1x1x1x8x128xf32, #tpu.memory_space<hbm>>
        %dma_wait3A_1594 = tpu.memref_squeeze %dma_wait3A_1593 : memref<1x1x1x8x128xf32, #tpu.memory_space<hbm>> -> memref<8x128xf32, #tpu.memory_space<hbm>>
        %dma_wait3A_1595 = arith.constant 0 : i32
        %dma_wait3A_1596 = arith.constant 0 : i32
        %dma_wait3A_1597 = tpu.memref_slice %arg11[%dma_wait3A_1581, %dma_wait3A_1595, %dma_wait3A_1596] : memref<8x8x129xf32, #tpu.memory_space<vmem>> -> memref<1x8x128xf32, #tpu.memory_space<vmem>>
        %dma_wait3A_1598 = tpu.memref_squeeze %dma_wait3A_1597 : memref<1x8x128xf32, #tpu.memory_space<vmem>> -> memref<8x128xf32, #tpu.memory_space<vmem>>
        tpu.wait_dma2 semaphore(%arg19 : memref<!tpu.dma_semaphore, #tpu.memory_space<semaphore_mem>>) src(%dma_wait3A_1598 : memref<8x128xf32, #tpu.memory_space<vmem>>) dst(%dma_wait3A_1594 : memref<8x128xf32, #tpu.memory_space<hbm>>)
        %dma_wait3A_1599 = arith.constant 1 : i32
        %dma_wait3A_1600 = arith.constant 1 : i32
        %dma_wait3A_1601 = arith.constant 0 : i32
        %dma_wait3A_1602 = arith.constant 0 : i32
        %dma_wait3A_1603 = tpu.memref_slice %arg11[%dma_wait3A_1599, %dma_wait3A_1601, %dma_wait3A_1602] : memref<8x8x129xf32, #tpu.memory_space<vmem>> -> memref<1x8x128xf32, #tpu.memory_space<vmem>>
        %dma_wait3A_1604 = tpu.memref_squeeze %dma_wait3A_1603 : memref<1x8x128xf32, #tpu.memory_space<vmem>> -> memref<8x128xf32, #tpu.memory_space<vmem>>
        %dma_wait3A_1605 = arith.constant 0 : i32
        %dma_wait3A_1606 = arith.constant 0 : i32
        %dma_wait3A_1607 = tpu.memref_slice %arg4[%shift_right_arithmetic3A_1038, %dma_wait3A_1600, %and3A_1040, %dma_wait3A_1605, %dma_wait3A_1606] : memref<200x8x128x8x128xf32, #tpu.memory_space<hbm>> -> memref<1x1x1x8x128xf32, #tpu.memory_space<hbm>>
        %dma_wait3A_1608 = tpu.memref_squeeze %dma_wait3A_1607 : memref<1x1x1x8x128xf32, #tpu.memory_space<hbm>> -> memref<8x128xf32, #tpu.memory_space<hbm>>
        %dma_wait3A_1609 = arith.constant 0 : i32
        %dma_wait3A_1610 = arith.constant 0 : i32
        %dma_wait3A_1611 = tpu.memref_slice %arg4[%shift_right_arithmetic3A_1038, %dma_wait3A_1600, %and3A_1040, %dma_wait3A_1609, %dma_wait3A_1610] : memref<200x8x128x8x128xf32, #tpu.memory_space<hbm>> -> memref<1x1x1x8x128xf32, #tpu.memory_space<hbm>>
        %dma_wait3A_1612 = tpu.memref_squeeze %dma_wait3A_1611 : memref<1x1x1x8x128xf32, #tpu.memory_space<hbm>> -> memref<8x128xf32, #tpu.memory_space<hbm>>
        %dma_wait3A_1613 = arith.constant 0 : i32
        %dma_wait3A_1614 = arith.constant 0 : i32
        %dma_wait3A_1615 = tpu.memref_slice %arg11[%dma_wait3A_1599, %dma_wait3A_1613, %dma_wait3A_1614] : memref<8x8x129xf32, #tpu.memory_space<vmem>> -> memref<1x8x128xf32, #tpu.memory_space<vmem>>
        %dma_wait3A_1616 = tpu.memref_squeeze %dma_wait3A_1615 : memref<1x8x128xf32, #tpu.memory_space<vmem>> -> memref<8x128xf32, #tpu.memory_space<vmem>>
        tpu.wait_dma2 semaphore(%arg19 : memref<!tpu.dma_semaphore, #tpu.memory_space<semaphore_mem>>) src(%dma_wait3A_1616 : memref<8x128xf32, #tpu.memory_space<vmem>>) dst(%dma_wait3A_1612 : memref<8x128xf32, #tpu.memory_space<hbm>>)
        %dma_wait3A_1617 = arith.constant 2 : i32
        %dma_wait3A_1618 = arith.constant 2 : i32
        %dma_wait3A_1619 = arith.constant 0 : i32
        %dma_wait3A_1620 = arith.constant 0 : i32
        %dma_wait3A_1621 = tpu.memref_slice %arg11[%dma_wait3A_1617, %dma_wait3A_1619, %dma_wait3A_1620] : memref<8x8x129xf32, #tpu.memory_space<vmem>> -> memref<1x8x128xf32, #tpu.memory_space<vmem>>
        %dma_wait3A_1622 = tpu.memref_squeeze %dma_wait3A_1621 : memref<1x8x128xf32, #tpu.memory_space<vmem>> -> memref<8x128xf32, #tpu.memory_space<vmem>>
        %dma_wait3A_1623 = arith.constant 0 : i32
        %dma_wait3A_1624 = arith.constant 0 : i32
        %dma_wait3A_1625 = tpu.memref_slice %arg4[%shift_right_arithmetic3A_1038, %dma_wait3A_1618, %and3A_1040, %dma_wait3A_1623, %dma_wait3A_1624] : memref<200x8x128x8x128xf32, #tpu.memory_space<hbm>> -> memref<1x1x1x8x128xf32, #tpu.memory_space<hbm>>
        %dma_wait3A_1626 = tpu.memref_squeeze %dma_wait3A_1625 : memref<1x1x1x8x128xf32, #tpu.memory_space<hbm>> -> memref<8x128xf32, #tpu.memory_space<hbm>>
        %dma_wait3A_1627 = arith.constant 0 : i32
        %dma_wait3A_1628 = arith.constant 0 : i32
        %dma_wait3A_1629 = tpu.memref_slice %arg4[%shift_right_arithmetic3A_1038, %dma_wait3A_1618, %and3A_1040, %dma_wait3A_1627, %dma_wait3A_1628] : memref<200x8x128x8x128xf32, #tpu.memory_space<hbm>> -> memref<1x1x1x8x128xf32, #tpu.memory_space<hbm>>
        %dma_wait3A_1630 = tpu.memref_squeeze %dma_wait3A_1629 : memref<1x1x1x8x128xf32, #tpu.memory_space<hbm>> -> memref<8x128xf32, #tpu.memory_space<hbm>>
        %dma_wait3A_1631 = arith.constant 0 : i32
        %dma_wait3A_1632 = arith.constant 0 : i32
        %dma_wait3A_1633 = tpu.memref_slice %arg11[%dma_wait3A_1617, %dma_wait3A_1631, %dma_wait3A_1632] : memref<8x8x129xf32, #tpu.memory_space<vmem>> -> memref<1x8x128xf32, #tpu.memory_space<vmem>>
        %dma_wait3A_1634 = tpu.memref_squeeze %dma_wait3A_1633 : memref<1x8x128xf32, #tpu.memory_space<vmem>> -> memref<8x128xf32, #tpu.memory_space<vmem>>
        tpu.wait_dma2 semaphore(%arg19 : memref<!tpu.dma_semaphore, #tpu.memory_space<semaphore_mem>>) src(%dma_wait3A_1634 : memref<8x128xf32, #tpu.memory_space<vmem>>) dst(%dma_wait3A_1630 : memref<8x128xf32, #tpu.memory_space<hbm>>)
        %dma_wait3A_1635 = arith.constant 3 : i32
        %dma_wait3A_1636 = arith.constant 3 : i32
        %dma_wait3A_1637 = arith.constant 0 : i32
        %dma_wait3A_1638 = arith.constant 0 : i32
        %dma_wait3A_1639 = tpu.memref_slice %arg11[%dma_wait3A_1635, %dma_wait3A_1637, %dma_wait3A_1638] : memref<8x8x129xf32, #tpu.memory_space<vmem>> -> memref<1x8x128xf32, #tpu.memory_space<vmem>>
        %dma_wait3A_1640 = tpu.memref_squeeze %dma_wait3A_1639 : memref<1x8x128xf32, #tpu.memory_space<vmem>> -> memref<8x128xf32, #tpu.memory_space<vmem>>
        %dma_wait3A_1641 = arith.constant 0 : i32
        %dma_wait3A_1642 = arith.constant 0 : i32
        %dma_wait3A_1643 = tpu.memref_slice %arg4[%shift_right_arithmetic3A_1038, %dma_wait3A_1636, %and3A_1040, %dma_wait3A_1641, %dma_wait3A_1642] : memref<200x8x128x8x128xf32, #tpu.memory_space<hbm>> -> memref<1x1x1x8x128xf32, #tpu.memory_space<hbm>>
        %dma_wait3A_1644 = tpu.memref_squeeze %dma_wait3A_1643 : memref<1x1x1x8x128xf32, #tpu.memory_space<hbm>> -> memref<8x128xf32, #tpu.memory_space<hbm>>
        %dma_wait3A_1645 = arith.constant 0 : i32
        %dma_wait3A_1646 = arith.constant 0 : i32
        %dma_wait3A_1647 = tpu.memref_slice %arg4[%shift_right_arithmetic3A_1038, %dma_wait3A_1636, %and3A_1040, %dma_wait3A_1645, %dma_wait3A_1646] : memref<200x8x128x8x128xf32, #tpu.memory_space<hbm>> -> memref<1x1x1x8x128xf32, #tpu.memory_space<hbm>>
        %dma_wait3A_1648 = tpu.memref_squeeze %dma_wait3A_1647 : memref<1x1x1x8x128xf32, #tpu.memory_space<hbm>> -> memref<8x128xf32, #tpu.memory_space<hbm>>
        %dma_wait3A_1649 = arith.constant 0 : i32
        %dma_wait3A_1650 = arith.constant 0 : i32
        %dma_wait3A_1651 = tpu.memref_slice %arg11[%dma_wait3A_1635, %dma_wait3A_1649, %dma_wait3A_1650] : memref<8x8x129xf32, #tpu.memory_space<vmem>> -> memref<1x8x128xf32, #tpu.memory_space<vmem>>
        %dma_wait3A_1652 = tpu.memref_squeeze %dma_wait3A_1651 : memref<1x8x128xf32, #tpu.memory_space<vmem>> -> memref<8x128xf32, #tpu.memory_space<vmem>>
        tpu.wait_dma2 semaphore(%arg19 : memref<!tpu.dma_semaphore, #tpu.memory_space<semaphore_mem>>) src(%dma_wait3A_1652 : memref<8x128xf32, #tpu.memory_space<vmem>>) dst(%dma_wait3A_1648 : memref<8x128xf32, #tpu.memory_space<hbm>>)
        %dma_wait3A_1653 = arith.constant 4 : i32
        %dma_wait3A_1654 = arith.constant 4 : i32
        %dma_wait3A_1655 = arith.constant 0 : i32
        %dma_wait3A_1656 = arith.constant 0 : i32
        %dma_wait3A_1657 = tpu.memref_slice %arg11[%dma_wait3A_1653, %dma_wait3A_1655, %dma_wait3A_1656] : memref<8x8x129xf32, #tpu.memory_space<vmem>> -> memref<1x8x128xf32, #tpu.memory_space<vmem>>
        %dma_wait3A_1658 = tpu.memref_squeeze %dma_wait3A_1657 : memref<1x8x128xf32, #tpu.memory_space<vmem>> -> memref<8x128xf32, #tpu.memory_space<vmem>>
        %dma_wait3A_1659 = arith.constant 0 : i32
        %dma_wait3A_1660 = arith.constant 0 : i32
        %dma_wait3A_1661 = tpu.memref_slice %arg4[%shift_right_arithmetic3A_1038, %dma_wait3A_1654, %and3A_1040, %dma_wait3A_1659, %dma_wait3A_1660] : memref<200x8x128x8x128xf32, #tpu.memory_space<hbm>> -> memref<1x1x1x8x128xf32, #tpu.memory_space<hbm>>
        %dma_wait3A_1662 = tpu.memref_squeeze %dma_wait3A_1661 : memref<1x1x1x8x128xf32, #tpu.memory_space<hbm>> -> memref<8x128xf32, #tpu.memory_space<hbm>>
        %dma_wait3A_1663 = arith.constant 0 : i32
        %dma_wait3A_1664 = arith.constant 0 : i32
        %dma_wait3A_1665 = tpu.memref_slice %arg4[%shift_right_arithmetic3A_1038, %dma_wait3A_1654, %and3A_1040, %dma_wait3A_1663, %dma_wait3A_1664] : memref<200x8x128x8x128xf32, #tpu.memory_space<hbm>> -> memref<1x1x1x8x128xf32, #tpu.memory_space<hbm>>
        %dma_wait3A_1666 = tpu.memref_squeeze %dma_wait3A_1665 : memref<1x1x1x8x128xf32, #tpu.memory_space<hbm>> -> memref<8x128xf32, #tpu.memory_space<hbm>>
        %dma_wait3A_1667 = arith.constant 0 : i32
        %dma_wait3A_1668 = arith.constant 0 : i32
        %dma_wait3A_1669 = tpu.memref_slice %arg11[%dma_wait3A_1653, %dma_wait3A_1667, %dma_wait3A_1668] : memref<8x8x129xf32, #tpu.memory_space<vmem>> -> memref<1x8x128xf32, #tpu.memory_space<vmem>>
        %dma_wait3A_1670 = tpu.memref_squeeze %dma_wait3A_1669 : memref<1x8x128xf32, #tpu.memory_space<vmem>> -> memref<8x128xf32, #tpu.memory_space<vmem>>
        tpu.wait_dma2 semaphore(%arg19 : memref<!tpu.dma_semaphore, #tpu.memory_space<semaphore_mem>>) src(%dma_wait3A_1670 : memref<8x128xf32, #tpu.memory_space<vmem>>) dst(%dma_wait3A_1666 : memref<8x128xf32, #tpu.memory_space<hbm>>)
        %dma_wait3A_1671 = arith.constant 5 : i32
        %dma_wait3A_1672 = arith.constant 5 : i32
        %dma_wait3A_1673 = arith.constant 0 : i32
        %dma_wait3A_1674 = arith.constant 0 : i32
        %dma_wait3A_1675 = tpu.memref_slice %arg11[%dma_wait3A_1671, %dma_wait3A_1673, %dma_wait3A_1674] : memref<8x8x129xf32, #tpu.memory_space<vmem>> -> memref<1x8x128xf32, #tpu.memory_space<vmem>>
        %dma_wait3A_1676 = tpu.memref_squeeze %dma_wait3A_1675 : memref<1x8x128xf32, #tpu.memory_space<vmem>> -> memref<8x128xf32, #tpu.memory_space<vmem>>
        %dma_wait3A_1677 = arith.constant 0 : i32
        %dma_wait3A_1678 = arith.constant 0 : i32
        %dma_wait3A_1679 = tpu.memref_slice %arg4[%shift_right_arithmetic3A_1038, %dma_wait3A_1672, %and3A_1040, %dma_wait3A_1677, %dma_wait3A_1678] : memref<200x8x128x8x128xf32, #tpu.memory_space<hbm>> -> memref<1x1x1x8x128xf32, #tpu.memory_space<hbm>>
        %dma_wait3A_1680 = tpu.memref_squeeze %dma_wait3A_1679 : memref<1x1x1x8x128xf32, #tpu.memory_space<hbm>> -> memref<8x128xf32, #tpu.memory_space<hbm>>
        %dma_wait3A_1681 = arith.constant 0 : i32
        %dma_wait3A_1682 = arith.constant 0 : i32
        %dma_wait3A_1683 = tpu.memref_slice %arg4[%shift_right_arithmetic3A_1038, %dma_wait3A_1672, %and3A_1040, %dma_wait3A_1681, %dma_wait3A_1682] : memref<200x8x128x8x128xf32, #tpu.memory_space<hbm>> -> memref<1x1x1x8x128xf32, #tpu.memory_space<hbm>>
        %dma_wait3A_1684 = tpu.memref_squeeze %dma_wait3A_1683 : memref<1x1x1x8x128xf32, #tpu.memory_space<hbm>> -> memref<8x128xf32, #tpu.memory_space<hbm>>
        %dma_wait3A_1685 = arith.constant 0 : i32
        %dma_wait3A_1686 = arith.constant 0 : i32
        %dma_wait3A_1687 = tpu.memref_slice %arg11[%dma_wait3A_1671, %dma_wait3A_1685, %dma_wait3A_1686] : memref<8x8x129xf32, #tpu.memory_space<vmem>> -> memref<1x8x128xf32, #tpu.memory_space<vmem>>
        %dma_wait3A_1688 = tpu.memref_squeeze %dma_wait3A_1687 : memref<1x8x128xf32, #tpu.memory_space<vmem>> -> memref<8x128xf32, #tpu.memory_space<vmem>>
        tpu.wait_dma2 semaphore(%arg19 : memref<!tpu.dma_semaphore, #tpu.memory_space<semaphore_mem>>) src(%dma_wait3A_1688 : memref<8x128xf32, #tpu.memory_space<vmem>>) dst(%dma_wait3A_1684 : memref<8x128xf32, #tpu.memory_space<hbm>>)
        %dma_wait3A_1689 = arith.constant 6 : i32
        %dma_wait3A_1690 = arith.constant 6 : i32
        %dma_wait3A_1691 = arith.constant 0 : i32
        %dma_wait3A_1692 = arith.constant 0 : i32
        %dma_wait3A_1693 = tpu.memref_slice %arg11[%dma_wait3A_1689, %dma_wait3A_1691, %dma_wait3A_1692] : memref<8x8x129xf32, #tpu.memory_space<vmem>> -> memref<1x8x128xf32, #tpu.memory_space<vmem>>
        %dma_wait3A_1694 = tpu.memref_squeeze %dma_wait3A_1693 : memref<1x8x128xf32, #tpu.memory_space<vmem>> -> memref<8x128xf32, #tpu.memory_space<vmem>>
        %dma_wait3A_1695 = arith.constant 0 : i32
        %dma_wait3A_1696 = arith.constant 0 : i32
        %dma_wait3A_1697 = tpu.memref_slice %arg4[%shift_right_arithmetic3A_1038, %dma_wait3A_1690, %and3A_1040, %dma_wait3A_1695, %dma_wait3A_1696] : memref<200x8x128x8x128xf32, #tpu.memory_space<hbm>> -> memref<1x1x1x8x128xf32, #tpu.memory_space<hbm>>
        %dma_wait3A_1698 = tpu.memref_squeeze %dma_wait3A_1697 : memref<1x1x1x8x128xf32, #tpu.memory_space<hbm>> -> memref<8x128xf32, #tpu.memory_space<hbm>>
        %dma_wait3A_1699 = arith.constant 0 : i32
        %dma_wait3A_1700 = arith.constant 0 : i32
        %dma_wait3A_1701 = tpu.memref_slice %arg4[%shift_right_arithmetic3A_1038, %dma_wait3A_1690, %and3A_1040, %dma_wait3A_1699, %dma_wait3A_1700] : memref<200x8x128x8x128xf32, #tpu.memory_space<hbm>> -> memref<1x1x1x8x128xf32, #tpu.memory_space<hbm>>
        %dma_wait3A_1702 = tpu.memref_squeeze %dma_wait3A_1701 : memref<1x1x1x8x128xf32, #tpu.memory_space<hbm>> -> memref<8x128xf32, #tpu.memory_space<hbm>>
        %dma_wait3A_1703 = arith.constant 0 : i32
        %dma_wait3A_1704 = arith.constant 0 : i32
        %dma_wait3A_1705 = tpu.memref_slice %arg11[%dma_wait3A_1689, %dma_wait3A_1703, %dma_wait3A_1704] : memref<8x8x129xf32, #tpu.memory_space<vmem>> -> memref<1x8x128xf32, #tpu.memory_space<vmem>>
        %dma_wait3A_1706 = tpu.memref_squeeze %dma_wait3A_1705 : memref<1x8x128xf32, #tpu.memory_space<vmem>> -> memref<8x128xf32, #tpu.memory_space<vmem>>
        tpu.wait_dma2 semaphore(%arg19 : memref<!tpu.dma_semaphore, #tpu.memory_space<semaphore_mem>>) src(%dma_wait3A_1706 : memref<8x128xf32, #tpu.memory_space<vmem>>) dst(%dma_wait3A_1702 : memref<8x128xf32, #tpu.memory_space<hbm>>)
        %dma_wait3A_1707 = arith.constant 7 : i32
        %dma_wait3A_1708 = arith.constant 7 : i32
        %dma_wait3A_1709 = arith.constant 0 : i32
        %dma_wait3A_1710 = arith.constant 0 : i32
        %dma_wait3A_1711 = tpu.memref_slice %arg11[%dma_wait3A_1707, %dma_wait3A_1709, %dma_wait3A_1710] : memref<8x8x129xf32, #tpu.memory_space<vmem>> -> memref<1x8x128xf32, #tpu.memory_space<vmem>>
        %dma_wait3A_1712 = tpu.memref_squeeze %dma_wait3A_1711 : memref<1x8x128xf32, #tpu.memory_space<vmem>> -> memref<8x128xf32, #tpu.memory_space<vmem>>
        %dma_wait3A_1713 = arith.constant 0 : i32
        %dma_wait3A_1714 = arith.constant 0 : i32
        %dma_wait3A_1715 = tpu.memref_slice %arg4[%shift_right_arithmetic3A_1038, %dma_wait3A_1708, %and3A_1040, %dma_wait3A_1713, %dma_wait3A_1714] : memref<200x8x128x8x128xf32, #tpu.memory_space<hbm>> -> memref<1x1x1x8x128xf32, #tpu.memory_space<hbm>>
        %dma_wait3A_1716 = tpu.memref_squeeze %dma_wait3A_1715 : memref<1x1x1x8x128xf32, #tpu.memory_space<hbm>> -> memref<8x128xf32, #tpu.memory_space<hbm>>
        %dma_wait3A_1717 = arith.constant 0 : i32
        %dma_wait3A_1718 = arith.constant 0 : i32
        %dma_wait3A_1719 = tpu.memref_slice %arg4[%shift_right_arithmetic3A_1038, %dma_wait3A_1708, %and3A_1040, %dma_wait3A_1717, %dma_wait3A_1718] : memref<200x8x128x8x128xf32, #tpu.memory_space<hbm>> -> memref<1x1x1x8x128xf32, #tpu.memory_space<hbm>>
        %dma_wait3A_1720 = tpu.memref_squeeze %dma_wait3A_1719 : memref<1x1x1x8x128xf32, #tpu.memory_space<hbm>> -> memref<8x128xf32, #tpu.memory_space<hbm>>
        %dma_wait3A_1721 = arith.constant 0 : i32
        %dma_wait3A_1722 = arith.constant 0 : i32
        %dma_wait3A_1723 = tpu.memref_slice %arg11[%dma_wait3A_1707, %dma_wait3A_1721, %dma_wait3A_1722] : memref<8x8x129xf32, #tpu.memory_space<vmem>> -> memref<1x8x128xf32, #tpu.memory_space<vmem>>
        %dma_wait3A_1724 = tpu.memref_squeeze %dma_wait3A_1723 : memref<1x8x128xf32, #tpu.memory_space<vmem>> -> memref<8x128xf32, #tpu.memory_space<vmem>>
        tpu.wait_dma2 semaphore(%arg19 : memref<!tpu.dma_semaphore, #tpu.memory_space<semaphore_mem>>) src(%dma_wait3A_1724 : memref<8x128xf32, #tpu.memory_space<vmem>>) dst(%dma_wait3A_1720 : memref<8x128xf32, #tpu.memory_space<hbm>>)
      } else {
      }
      %parallel_loop3A_1061 = arith.constant 0 : i32
      %parallel_loop3A_1062 = arith.constant 128 : i32
      %parallel_loop3A_1063 = arith.constant 1 : i32
      scf.for %parallel_loop3A_1581 = %parallel_loop3A_1061 to %parallel_loop3A_1062 step %parallel_loop3A_1063  : i32 {
        %parallel_loop3A_1582 = vector.broadcast %parallel_loop3A_1581 : i32 to vector<16xi32>
        %parallel_loop3A_1583 = arith.index_cast %parallel_loop3A_1581 : i32 to index
        %parallel_loop3A_1584 = arith.constant 0 : index
        %parallel_loop3A_1585 = tpu.vector_load %arg7[%parallel_loop3A_1583, %parallel_loop3A_1584] {strides = array<i32>} : memref<128x64xf32, #tpu.memory_space<vmem>>, vector<16xf32>,
        tpu.vector_store_idx %arg11[%shift_right_arithmetic3A_16, %and3A_27, %parallel_loop3A_1582], %parallel_loop3A_1585 : memref<8x8x129xf32, #tpu.memory_space<vmem>>[vector<16xi32>, vector<16xi32>, vector<16xi32>], vector<16xf32>,
        %parallel_loop3A_1586 = arith.index_cast %parallel_loop3A_1581 : i32 to index
        %parallel_loop3A_1587 = arith.constant 16 : index
        %parallel_loop3A_1588 = tpu.vector_load %arg7[%parallel_loop3A_1586, %parallel_loop3A_1587] {strides = array<i32>} : memref<128x64xf32, #tpu.memory_space<vmem>>, vector<16xf32>,
        tpu.vector_store_idx %arg11[%shift_right_arithmetic3A_19, %and3A_30, %parallel_loop3A_1582], %parallel_loop3A_1588 : memref<8x8x129xf32, #tpu.memory_space<vmem>>[vector<16xi32>, vector<16xi32>, vector<16xi32>], vector<16xf32>,
        %parallel_loop3A_1589 = arith.index_cast %parallel_loop3A_1581 : i32 to index
        %parallel_loop3A_1590 = arith.constant 32 : index
        %parallel_loop3A_1591 = tpu.vector_load %arg7[%parallel_loop3A_1589, %parallel_loop3A_1590] {strides = array<i32>} : memref<128x64xf32, #tpu.memory_space<vmem>>, vector<16xf32>,
        tpu.vector_store_idx %arg11[%shift_right_arithmetic3A_22, %and3A_33, %parallel_loop3A_1582], %parallel_loop3A_1591 : memref<8x8x129xf32, #tpu.memory_space<vmem>>[vector<16xi32>, vector<16xi32>, vector<16xi32>], vector<16xf32>,
        %parallel_loop3A_1592 = arith.index_cast %parallel_loop3A_1581 : i32 to index
        %parallel_loop3A_1593 = arith.constant 48 : index
        %parallel_loop3A_1594 = tpu.vector_load %arg7[%parallel_loop3A_1592, %parallel_loop3A_1593] {strides = array<i32>} : memref<128x64xf32, #tpu.memory_space<vmem>>, vector<16xf32>,
        tpu.vector_store_idx %arg11[%shift_right_arithmetic3A_25, %and3A_36, %parallel_loop3A_1582], %parallel_loop3A_1594 : memref<8x8x129xf32, #tpu.memory_space<vmem>>[vector<16xi32>, vector<16xi32>, vector<16xi32>], vector<16xf32>,
      } {sc.loop_unroll_factor = 8 : i64, sc.parallel_access}
      %dma_start3A_1064 = arith.constant 0 : i32
      %dma_start3A_1065 = arith.constant 0 : i32
      %dma_start3A_1066 = arith.constant 0 : i32
      %dma_start3A_1067 = arith.constant 0 : i32
      %dma_start3A_1068 = tpu.memref_slice %arg11[%dma_start3A_1064, %dma_start3A_1066, %dma_start3A_1067] : memref<8x8x129xf32, #tpu.memory_space<vmem>> -> memref<1x8x128xf32, #tpu.memory_space<vmem>>
      %dma_start3A_1069 = tpu.memref_squeeze %dma_start3A_1068 : memref<1x8x128xf32, #tpu.memory_space<vmem>> -> memref<8x128xf32, #tpu.memory_space<vmem>>
      %dma_start3A_1070 = arith.constant 0 : i32
      %dma_start3A_1071 = arith.constant 0 : i32
      %dma_start3A_1072 = tpu.memref_slice %arg4[%shift_right_arithmetic3A_1038, %dma_start3A_1065, %and3A_1040, %dma_start3A_1070, %dma_start3A_1071] : memref<200x8x128x8x128xf32, #tpu.memory_space<hbm>> -> memref<1x1x1x8x128xf32, #tpu.memory_space<hbm>>
      %dma_start3A_1073 = tpu.memref_squeeze %dma_start3A_1072 : memref<1x1x1x8x128xf32, #tpu.memory_space<hbm>> -> memref<8x128xf32, #tpu.memory_space<hbm>>
      %dma_start3A_1074 = arith.constant 0 : i32
      %dma_start3A_1075 = arith.constant 0 : i32
      %dma_start3A_1076 = tpu.memref_slice %arg4[%shift_right_arithmetic3A_1038, %dma_start3A_1065, %and3A_1040, %dma_start3A_1074, %dma_start3A_1075] : memref<200x8x128x8x128xf32, #tpu.memory_space<hbm>> -> memref<1x1x1x8x128xf32, #tpu.memory_space<hbm>>
      %dma_start3A_1077 = tpu.memref_squeeze %dma_start3A_1076 : memref<1x1x1x8x128xf32, #tpu.memory_space<hbm>> -> memref<8x128xf32, #tpu.memory_space<hbm>>
      %dma_start3A_1078 = arith.constant 0 : i32
      %dma_start3A_1079 = arith.constant 0 : i32
      %dma_start3A_1080 = tpu.memref_slice %arg11[%dma_start3A_1064, %dma_start3A_1078, %dma_start3A_1079] : memref<8x8x129xf32, #tpu.memory_space<vmem>> -> memref<1x8x128xf32, #tpu.memory_space<vmem>>
      %dma_start3A_1081 = tpu.memref_squeeze %dma_start3A_1080 : memref<1x8x128xf32, #tpu.memory_space<vmem>> -> memref<8x128xf32, #tpu.memory_space<vmem>>
      tpu.enqueue_dma source(%dma_start3A_1081 : memref<8x128xf32, #tpu.memory_space<vmem>>) target(%dma_start3A_1077 : memref<8x128xf32, #tpu.memory_space<hbm>>) target_semaphore(%arg19 : memref<!tpu.dma_semaphore, #tpu.memory_space<semaphore_mem>>)
      %dma_start3A_1082 = arith.constant 1 : i32
      %dma_start3A_1083 = arith.constant 1 : i32
      %dma_start3A_1084 = arith.constant 0 : i32
      %dma_start3A_1085 = arith.constant 0 : i32
      %dma_start3A_1086 = tpu.memref_slice %arg11[%dma_start3A_1082, %dma_start3A_1084, %dma_start3A_1085] : memref<8x8x129xf32, #tpu.memory_space<vmem>> -> memref<1x8x128xf32, #tpu.memory_space<vmem>>
      %dma_start3A_1087 = tpu.memref_squeeze %dma_start3A_1086 : memref<1x8x128xf32, #tpu.memory_space<vmem>> -> memref<8x128xf32, #tpu.memory_space<vmem>>
      %dma_start3A_1088 = arith.constant 0 : i32
      %dma_start3A_1089 = arith.constant 0 : i32
      %dma_start3A_1090 = tpu.memref_slice %arg4[%shift_right_arithmetic3A_1038, %dma_start3A_1083, %and3A_1040, %dma_start3A_1088, %dma_start3A_1089] : memref<200x8x128x8x128xf32, #tpu.memory_space<hbm>> -> memref<1x1x1x8x128xf32, #tpu.memory_space<hbm>>
      %dma_start3A_1091 = tpu.memref_squeeze %dma_start3A_1090 : memref<1x1x1x8x128xf32, #tpu.memory_space<hbm>> -> memref<8x128xf32, #tpu.memory_space<hbm>>
      %dma_start3A_1092 = arith.constant 0 : i32
      %dma_start3A_1093 = arith.constant 0 : i32
      %dma_start3A_1094 = tpu.memref_slice %arg4[%shift_right_arithmetic3A_1038, %dma_start3A_1083, %and3A_1040, %dma_start3A_1092, %dma_start3A_1093] : memref<200x8x128x8x128xf32, #tpu.memory_space<hbm>> -> memref<1x1x1x8x128xf32, #tpu.memory_space<hbm>>
      %dma_start3A_1095 = tpu.memref_squeeze %dma_start3A_1094 : memref<1x1x1x8x128xf32, #tpu.memory_space<hbm>> -> memref<8x128xf32, #tpu.memory_space<hbm>>
      %dma_start3A_1096 = arith.constant 0 : i32
      %dma_start3A_1097 = arith.constant 0 : i32
      %dma_start3A_1098 = tpu.memref_slice %arg11[%dma_start3A_1082, %dma_start3A_1096, %dma_start3A_1097] : memref<8x8x129xf32, #tpu.memory_space<vmem>> -> memref<1x8x128xf32, #tpu.memory_space<vmem>>
      %dma_start3A_1099 = tpu.memref_squeeze %dma_start3A_1098 : memref<1x8x128xf32, #tpu.memory_space<vmem>> -> memref<8x128xf32, #tpu.memory_space<vmem>>
      tpu.enqueue_dma source(%dma_start3A_1099 : memref<8x128xf32, #tpu.memory_space<vmem>>) target(%dma_start3A_1095 : memref<8x128xf32, #tpu.memory_space<hbm>>) target_semaphore(%arg19 : memref<!tpu.dma_semaphore, #tpu.memory_space<semaphore_mem>>)
      %dma_start3A_1100 = arith.constant 2 : i32
      %dma_start3A_1101 = arith.constant 2 : i32
      %dma_start3A_1102 = arith.constant 0 : i32
      %dma_start3A_1103 = arith.constant 0 : i32
      %dma_start3A_1104 = tpu.memref_slice %arg11[%dma_start3A_1100, %dma_start3A_1102, %dma_start3A_1103] : memref<8x8x129xf32, #tpu.memory_space<vmem>> -> memref<1x8x128xf32, #tpu.memory_space<vmem>>
      %dma_start3A_1105 = tpu.memref_squeeze %dma_start3A_1104 : memref<1x8x128xf32, #tpu.memory_space<vmem>> -> memref<8x128xf32, #tpu.memory_space<vmem>>
      %dma_start3A_1106 = arith.constant 0 : i32
      %dma_start3A_1107 = arith.constant 0 : i32
      %dma_start3A_1108 = tpu.memref_slice %arg4[%shift_right_arithmetic3A_1038, %dma_start3A_1101, %and3A_1040, %dma_start3A_1106, %dma_start3A_1107] : memref<200x8x128x8x128xf32, #tpu.memory_space<hbm>> -> memref<1x1x1x8x128xf32, #tpu.memory_space<hbm>>
      %dma_start3A_1109 = tpu.memref_squeeze %dma_start3A_1108 : memref<1x1x1x8x128xf32, #tpu.memory_space<hbm>> -> memref<8x128xf32, #tpu.memory_space<hbm>>
      %dma_start3A_1110 = arith.constant 0 : i32
      %dma_start3A_1111 = arith.constant 0 : i32
      %dma_start3A_1112 = tpu.memref_slice %arg4[%shift_right_arithmetic3A_1038, %dma_start3A_1101, %and3A_1040, %dma_start3A_1110, %dma_start3A_1111] : memref<200x8x128x8x128xf32, #tpu.memory_space<hbm>> -> memref<1x1x1x8x128xf32, #tpu.memory_space<hbm>>
      %dma_start3A_1113 = tpu.memref_squeeze %dma_start3A_1112 : memref<1x1x1x8x128xf32, #tpu.memory_space<hbm>> -> memref<8x128xf32, #tpu.memory_space<hbm>>
      %dma_start3A_1114 = arith.constant 0 : i32
      %dma_start3A_1115 = arith.constant 0 : i32
      %dma_start3A_1116 = tpu.memref_slice %arg11[%dma_start3A_1100, %dma_start3A_1114, %dma_start3A_1115] : memref<8x8x129xf32, #tpu.memory_space<vmem>> -> memref<1x8x128xf32, #tpu.memory_space<vmem>>
      %dma_start3A_1117 = tpu.memref_squeeze %dma_start3A_1116 : memref<1x8x128xf32, #tpu.memory_space<vmem>> -> memref<8x128xf32, #tpu.memory_space<vmem>>
      tpu.enqueue_dma source(%dma_start3A_1117 : memref<8x128xf32, #tpu.memory_space<vmem>>) target(%dma_start3A_1113 : memref<8x128xf32, #tpu.memory_space<hbm>>) target_semaphore(%arg19 : memref<!tpu.dma_semaphore, #tpu.memory_space<semaphore_mem>>)
      %dma_start3A_1118 = arith.constant 3 : i32
      %dma_start3A_1119 = arith.constant 3 : i32
      %dma_start3A_1120 = arith.constant 0 : i32
      %dma_start3A_1121 = arith.constant 0 : i32
      %dma_start3A_1122 = tpu.memref_slice %arg11[%dma_start3A_1118, %dma_start3A_1120, %dma_start3A_1121] : memref<8x8x129xf32, #tpu.memory_space<vmem>> -> memref<1x8x128xf32, #tpu.memory_space<vmem>>
      %dma_start3A_1123 = tpu.memref_squeeze %dma_start3A_1122 : memref<1x8x128xf32, #tpu.memory_space<vmem>> -> memref<8x128xf32, #tpu.memory_space<vmem>>
      %dma_start3A_1124 = arith.constant 0 : i32
      %dma_start3A_1125 = arith.constant 0 : i32
      %dma_start3A_1126 = tpu.memref_slice %arg4[%shift_right_arithmetic3A_1038, %dma_start3A_1119, %and3A_1040, %dma_start3A_1124, %dma_start3A_1125] : memref<200x8x128x8x128xf32, #tpu.memory_space<hbm>> -> memref<1x1x1x8x128xf32, #tpu.memory_space<hbm>>
      %dma_start3A_1127 = tpu.memref_squeeze %dma_start3A_1126 : memref<1x1x1x8x128xf32, #tpu.memory_space<hbm>> -> memref<8x128xf32, #tpu.memory_space<hbm>>
      %dma_start3A_1128 = arith.constant 0 : i32
      %dma_start3A_1129 = arith.constant 0 : i32
      %dma_start3A_1130 = tpu.memref_slice %arg4[%shift_right_arithmetic3A_1038, %dma_start3A_1119, %and3A_1040, %dma_start3A_1128, %dma_start3A_1129] : memref<200x8x128x8x128xf32, #tpu.memory_space<hbm>> -> memref<1x1x1x8x128xf32, #tpu.memory_space<hbm>>
      %dma_start3A_1131 = tpu.memref_squeeze %dma_start3A_1130 : memref<1x1x1x8x128xf32, #tpu.memory_space<hbm>> -> memref<8x128xf32, #tpu.memory_space<hbm>>
      %dma_start3A_1132 = arith.constant 0 : i32
      %dma_start3A_1133 = arith.constant 0 : i32
      %dma_start3A_1134 = tpu.memref_slice %arg11[%dma_start3A_1118, %dma_start3A_1132, %dma_start3A_1133] : memref<8x8x129xf32, #tpu.memory_space<vmem>> -> memref<1x8x128xf32, #tpu.memory_space<vmem>>
      %dma_start3A_1135 = tpu.memref_squeeze %dma_start3A_1134 : memref<1x8x128xf32, #tpu.memory_space<vmem>> -> memref<8x128xf32, #tpu.memory_space<vmem>>
      tpu.enqueue_dma source(%dma_start3A_1135 : memref<8x128xf32, #tpu.memory_space<vmem>>) target(%dma_start3A_1131 : memref<8x128xf32, #tpu.memory_space<hbm>>) target_semaphore(%arg19 : memref<!tpu.dma_semaphore, #tpu.memory_space<semaphore_mem>>)
      %dma_start3A_1136 = arith.constant 4 : i32
      %dma_start3A_1137 = arith.constant 4 : i32
      %dma_start3A_1138 = arith.constant 0 : i32
      %dma_start3A_1139 = arith.constant 0 : i32
      %dma_start3A_1140 = tpu.memref_slice %arg11[%dma_start3A_1136, %dma_start3A_1138, %dma_start3A_1139] : memref<8x8x129xf32, #tpu.memory_space<vmem>> -> memref<1x8x128xf32, #tpu.memory_space<vmem>>
      %dma_start3A_1141 = tpu.memref_squeeze %dma_start3A_1140 : memref<1x8x128xf32, #tpu.memory_space<vmem>> -> memref<8x128xf32, #tpu.memory_space<vmem>>
      %dma_start3A_1142 = arith.constant 0 : i32
      %dma_start3A_1143 = arith.constant 0 : i32
      %dma_start3A_1144 = tpu.memref_slice %arg4[%shift_right_arithmetic3A_1038, %dma_start3A_1137, %and3A_1040, %dma_start3A_1142, %dma_start3A_1143] : memref<200x8x128x8x128xf32, #tpu.memory_space<hbm>> -> memref<1x1x1x8x128xf32, #tpu.memory_space<hbm>>
      %dma_start3A_1145 = tpu.memref_squeeze %dma_start3A_1144 : memref<1x1x1x8x128xf32, #tpu.memory_space<hbm>> -> memref<8x128xf32, #tpu.memory_space<hbm>>
      %dma_start3A_1146 = arith.constant 0 : i32
      %dma_start3A_1147 = arith.constant 0 : i32
      %dma_start3A_1148 = tpu.memref_slice %arg4[%shift_right_arithmetic3A_1038, %dma_start3A_1137, %and3A_1040, %dma_start3A_1146, %dma_start3A_1147] : memref<200x8x128x8x128xf32, #tpu.memory_space<hbm>> -> memref<1x1x1x8x128xf32, #tpu.memory_space<hbm>>
      %dma_start3A_1149 = tpu.memref_squeeze %dma_start3A_1148 : memref<1x1x1x8x128xf32, #tpu.memory_space<hbm>> -> memref<8x128xf32, #tpu.memory_space<hbm>>
      %dma_start3A_1150 = arith.constant 0 : i32
      %dma_start3A_1151 = arith.constant 0 : i32
      %dma_start3A_1152 = tpu.memref_slice %arg11[%dma_start3A_1136, %dma_start3A_1150, %dma_start3A_1151] : memref<8x8x129xf32, #tpu.memory_space<vmem>> -> memref<1x8x128xf32, #tpu.memory_space<vmem>>
      %dma_start3A_1153 = tpu.memref_squeeze %dma_start3A_1152 : memref<1x8x128xf32, #tpu.memory_space<vmem>> -> memref<8x128xf32, #tpu.memory_space<vmem>>
      tpu.enqueue_dma source(%dma_start3A_1153 : memref<8x128xf32, #tpu.memory_space<vmem>>) target(%dma_start3A_1149 : memref<8x128xf32, #tpu.memory_space<hbm>>) target_semaphore(%arg19 : memref<!tpu.dma_semaphore, #tpu.memory_space<semaphore_mem>>)
      %dma_start3A_1154 = arith.constant 5 : i32
      %dma_start3A_1155 = arith.constant 5 : i32
      %dma_start3A_1156 = arith.constant 0 : i32
      %dma_start3A_1157 = arith.constant 0 : i32
      %dma_start3A_1158 = tpu.memref_slice %arg11[%dma_start3A_1154, %dma_start3A_1156, %dma_start3A_1157] : memref<8x8x129xf32, #tpu.memory_space<vmem>> -> memref<1x8x128xf32, #tpu.memory_space<vmem>>
      %dma_start3A_1159 = tpu.memref_squeeze %dma_start3A_1158 : memref<1x8x128xf32, #tpu.memory_space<vmem>> -> memref<8x128xf32, #tpu.memory_space<vmem>>
      %dma_start3A_1160 = arith.constant 0 : i32
      %dma_start3A_1161 = arith.constant 0 : i32
      %dma_start3A_1162 = tpu.memref_slice %arg4[%shift_right_arithmetic3A_1038, %dma_start3A_1155, %and3A_1040, %dma_start3A_1160, %dma_start3A_1161] : memref<200x8x128x8x128xf32, #tpu.memory_space<hbm>> -> memref<1x1x1x8x128xf32, #tpu.memory_space<hbm>>
      %dma_start3A_1163 = tpu.memref_squeeze %dma_start3A_1162 : memref<1x1x1x8x128xf32, #tpu.memory_space<hbm>> -> memref<8x128xf32, #tpu.memory_space<hbm>>
      %dma_start3A_1164 = arith.constant 0 : i32
      %dma_start3A_1165 = arith.constant 0 : i32
      %dma_start3A_1166 = tpu.memref_slice %arg4[%shift_right_arithmetic3A_1038, %dma_start3A_1155, %and3A_1040, %dma_start3A_1164, %dma_start3A_1165] : memref<200x8x128x8x128xf32, #tpu.memory_space<hbm>> -> memref<1x1x1x8x128xf32, #tpu.memory_space<hbm>>
      %dma_start3A_1167 = tpu.memref_squeeze %dma_start3A_1166 : memref<1x1x1x8x128xf32, #tpu.memory_space<hbm>> -> memref<8x128xf32, #tpu.memory_space<hbm>>
      %dma_start3A_1168 = arith.constant 0 : i32
      %dma_start3A_1169 = arith.constant 0 : i32
      %dma_start3A_1170 = tpu.memref_slice %arg11[%dma_start3A_1154, %dma_start3A_1168, %dma_start3A_1169] : memref<8x8x129xf32, #tpu.memory_space<vmem>> -> memref<1x8x128xf32, #tpu.memory_space<vmem>>
      %dma_start3A_1171 = tpu.memref_squeeze %dma_start3A_1170 : memref<1x8x128xf32, #tpu.memory_space<vmem>> -> memref<8x128xf32, #tpu.memory_space<vmem>>
      tpu.enqueue_dma source(%dma_start3A_1171 : memref<8x128xf32, #tpu.memory_space<vmem>>) target(%dma_start3A_1167 : memref<8x128xf32, #tpu.memory_space<hbm>>) target_semaphore(%arg19 : memref<!tpu.dma_semaphore, #tpu.memory_space<semaphore_mem>>)
      %dma_start3A_1172 = arith.constant 6 : i32
      %dma_start3A_1173 = arith.constant 6 : i32
      %dma_start3A_1174 = arith.constant 0 : i32
      %dma_start3A_1175 = arith.constant 0 : i32
      %dma_start3A_1176 = tpu.memref_slice %arg11[%dma_start3A_1172, %dma_start3A_1174, %dma_start3A_1175] : memref<8x8x129xf32, #tpu.memory_space<vmem>> -> memref<1x8x128xf32, #tpu.memory_space<vmem>>
      %dma_start3A_1177 = tpu.memref_squeeze %dma_start3A_1176 : memref<1x8x128xf32, #tpu.memory_space<vmem>> -> memref<8x128xf32, #tpu.memory_space<vmem>>
      %dma_start3A_1178 = arith.constant 0 : i32
      %dma_start3A_1179 = arith.constant 0 : i32
      %dma_start3A_1180 = tpu.memref_slice %arg4[%shift_right_arithmetic3A_1038, %dma_start3A_1173, %and3A_1040, %dma_start3A_1178, %dma_start3A_1179] : memref<200x8x128x8x128xf32, #tpu.memory_space<hbm>> -> memref<1x1x1x8x128xf32, #tpu.memory_space<hbm>>
      %dma_start3A_1181 = tpu.memref_squeeze %dma_start3A_1180 : memref<1x1x1x8x128xf32, #tpu.memory_space<hbm>> -> memref<8x128xf32, #tpu.memory_space<hbm>>
      %dma_start3A_1182 = arith.constant 0 : i32
      %dma_start3A_1183 = arith.constant 0 : i32
      %dma_start3A_1184 = tpu.memref_slice %arg4[%shift_right_arithmetic3A_1038, %dma_start3A_1173, %and3A_1040, %dma_start3A_1182, %dma_start3A_1183] : memref<200x8x128x8x128xf32, #tpu.memory_space<hbm>> -> memref<1x1x1x8x128xf32, #tpu.memory_space<hbm>>
      %dma_start3A_1185 = tpu.memref_squeeze %dma_start3A_1184 : memref<1x1x1x8x128xf32, #tpu.memory_space<hbm>> -> memref<8x128xf32, #tpu.memory_space<hbm>>
      %dma_start3A_1186 = arith.constant 0 : i32
      %dma_start3A_1187 = arith.constant 0 : i32
      %dma_start3A_1188 = tpu.memref_slice %arg11[%dma_start3A_1172, %dma_start3A_1186, %dma_start3A_1187] : memref<8x8x129xf32, #tpu.memory_space<vmem>> -> memref<1x8x128xf32, #tpu.memory_space<vmem>>
      %dma_start3A_1189 = tpu.memref_squeeze %dma_start3A_1188 : memref<1x8x128xf32, #tpu.memory_space<vmem>> -> memref<8x128xf32, #tpu.memory_space<vmem>>
      tpu.enqueue_dma source(%dma_start3A_1189 : memref<8x128xf32, #tpu.memory_space<vmem>>) target(%dma_start3A_1185 : memref<8x128xf32, #tpu.memory_space<hbm>>) target_semaphore(%arg19 : memref<!tpu.dma_semaphore, #tpu.memory_space<semaphore_mem>>)
      %dma_start3A_1190 = arith.constant 7 : i32
      %dma_start3A_1191 = arith.constant 7 : i32
      %dma_start3A_1192 = arith.constant 0 : i32
      %dma_start3A_1193 = arith.constant 0 : i32
      %dma_start3A_1194 = tpu.memref_slice %arg11[%dma_start3A_1190, %dma_start3A_1192, %dma_start3A_1193] : memref<8x8x129xf32, #tpu.memory_space<vmem>> -> memref<1x8x128xf32, #tpu.memory_space<vmem>>
      %dma_start3A_1195 = tpu.memref_squeeze %dma_start3A_1194 : memref<1x8x128xf32, #tpu.memory_space<vmem>> -> memref<8x128xf32, #tpu.memory_space<vmem>>
      %dma_start3A_1196 = arith.constant 0 : i32
      %dma_start3A_1197 = arith.constant 0 : i32
      %dma_start3A_1198 = tpu.memref_slice %arg4[%shift_right_arithmetic3A_1038, %dma_start3A_1191, %and3A_1040, %dma_start3A_1196, %dma_start3A_1197] : memref<200x8x128x8x128xf32, #tpu.memory_space<hbm>> -> memref<1x1x1x8x128xf32, #tpu.memory_space<hbm>>
      %dma_start3A_1199 = tpu.memref_squeeze %dma_start3A_1198 : memref<1x1x1x8x128xf32, #tpu.memory_space<hbm>> -> memref<8x128xf32, #tpu.memory_space<hbm>>
      %dma_start3A_1200 = arith.constant 0 : i32
      %dma_start3A_1201 = arith.constant 0 : i32
      %dma_start3A_1202 = tpu.memref_slice %arg4[%shift_right_arithmetic3A_1038, %dma_start3A_1191, %and3A_1040, %dma_start3A_1200, %dma_start3A_1201] : memref<200x8x128x8x128xf32, #tpu.memory_space<hbm>> -> memref<1x1x1x8x128xf32, #tpu.memory_space<hbm>>
      %dma_start3A_1203 = tpu.memref_squeeze %dma_start3A_1202 : memref<1x1x1x8x128xf32, #tpu.memory_space<hbm>> -> memref<8x128xf32, #tpu.memory_space<hbm>>
      %dma_start3A_1204 = arith.constant 0 : i32
      %dma_start3A_1205 = arith.constant 0 : i32
      %dma_start3A_1206 = tpu.memref_slice %arg11[%dma_start3A_1190, %dma_start3A_1204, %dma_start3A_1205] : memref<8x8x129xf32, #tpu.memory_space<vmem>> -> memref<1x8x128xf32, #tpu.memory_space<vmem>>
      %dma_start3A_1207 = tpu.memref_squeeze %dma_start3A_1206 : memref<1x8x128xf32, #tpu.memory_space<vmem>> -> memref<8x128xf32, #tpu.memory_space<vmem>>
      tpu.enqueue_dma source(%dma_start3A_1207 : memref<8x128xf32, #tpu.memory_space<vmem>>) target(%dma_start3A_1203 : memref<8x128xf32, #tpu.memory_space<hbm>>) target_semaphore(%arg19 : memref<!tpu.dma_semaphore, #tpu.memory_space<semaphore_mem>>)
      %add3A_1208 = arith.constant 4 : i32
      %add3A_1209 = arith.addi %add3A_1035, %add3A_1208 : i32
      %lt3A_1210 = arith.constant 800 : i32
      %lt3A_1211 = arith.cmpi slt, %add3A_1209, %lt3A_1210 : i32
      %convert_element_type3A_1212 = arith.extui %lt3A_1211 : i1 to i32
      %cond3A_1213 = arith.constant 0 : i32
      %cond3A_1214 = arith.cmpi ne, %convert_element_type3A_1212, %cond3A_1213 : i32
      scf.if %cond3A_1214 {
        %shift_right_arithmetic3A_1581 = arith.constant 4 : i32
        %shift_right_arithmetic3A_1582 = arith.shrsi %add3A_1209, %shift_right_arithmetic3A_1581 : i32
        %and3A_1583 = arith.constant 15 : i32
        %and3A_1584 = arith.andi %add3A_1209, %and3A_1583 : i32
        %and3A_1585 = arith.constant 1 : i32
        %and3A_1586 = arith.andi %shift_right_arithmetic3A_1582, %and3A_1585 : i32
        %mul3A_1587 = arith.constant 2048 : i32
        %mul3A_1588 = arith.muli %and3A_1586, %mul3A_1587 : i32
        %mul3A_1589 = arith.constant 128 : i32
        %mul3A_1590 = arith.muli %and3A_1584, %mul3A_1589 : i32
        %add3A_1591 = arith.addi %mul3A_1588, %mul3A_1590 : i32
        %dma_start3A_1592 = tpu.memref_slice %arg5[%add3A_1591] : memref<4096xi32, #tpu.memory_space<vmem>> -> memref<128xi32, #tpu.memory_space<vmem>>
        %dma_start3A_1593 = arith.constant 0 : i32
        %dma_start3A_1594 = arith.constant 0 : i32
        %dma_start3A_1595 = tpu.memref_slice %arg3[%dma_start3A_1593, %dma_start3A_1594] : memref<8193x64xf32, #tpu.memory_space<hbm>> -> memref<8193x64xf32, #tpu.memory_space<hbm>>
        tpu.enqueue_indirect_dma source(%dma_start3A_1595 : memref<8193x64xf32, #tpu.memory_space<hbm>>) target(%arg7 : memref<128x64xf32, #tpu.memory_space<vmem>>) offsets(%dma_start3A_1592 : memref<128xi32, #tpu.memory_space<vmem>>) semaphore(%arg15 : memref<!tpu.dma_semaphore, #tpu.memory_space<semaphore_mem>>)
      } else {
      }
      %mul3A_1215 = arith.constant 4 : i32
      %mul3A_1216 = arith.muli %scan3A_845, %mul3A_1215 : i32
      %add3A_1217 = arith.constant 2 : i32
      %add3A_1218 = arith.addi %mul3A_1216, %add3A_1217 : i32
      %add3A_1219 = arith.addi %mul3A_2, %add3A_1218 : i32
      %shift_right_arithmetic3A_1220 = arith.constant 7 : i32
      %shift_right_arithmetic3A_1221 = arith.shrsi %add3A_1219, %shift_right_arithmetic3A_1220 : i32
      %and3A_1222 = arith.constant 127 : i32
      %and3A_1223 = arith.andi %add3A_1219, %and3A_1222 : i32
      %shift_right_arithmetic3A_1224 = arith.constant 4 : i32
      %shift_right_arithmetic3A_1225 = arith.shrsi %add3A_1218, %shift_right_arithmetic3A_1224 : i32
      %and3A_1226 = arith.constant 15 : i32
      %and3A_1227 = arith.andi %add3A_1218, %and3A_1226 : i32
      %and3A_1228 = arith.constant 1 : i32
      %and3A_1229 = arith.andi %shift_right_arithmetic3A_1225, %and3A_1228 : i32
      %mul3A_1230 = arith.constant 2048 : i32
      %mul3A_1231 = arith.muli %and3A_1229, %mul3A_1230 : i32
      %mul3A_1232 = arith.constant 128 : i32
      %mul3A_1233 = arith.muli %and3A_1227, %mul3A_1232 : i32
      %add3A_1234 = arith.addi %mul3A_1231, %mul3A_1233 : i32
      %dma_wait3A_1235 = tpu.memref_slice %arg5[%add3A_1234] : memref<4096xi32, #tpu.memory_space<vmem>> -> memref<128xi32, #tpu.memory_space<vmem>>
      %dma_wait3A_1236 = arith.constant 0 : i32
      %dma_wait3A_1237 = arith.constant 0 : i32
      %dma_wait3A_1238 = tpu.memref_slice %arg3[%dma_wait3A_1236, %dma_wait3A_1237] : memref<8193x64xf32, #tpu.memory_space<hbm>> -> memref<8193x64xf32, #tpu.memory_space<hbm>>
      tpu.wait_indirect_dma semaphore(%arg16 : memref<!tpu.dma_semaphore, #tpu.memory_space<semaphore_mem>>) src(%dma_wait3A_1238 : memref<8193x64xf32, #tpu.memory_space<hbm>>) dst(%arg8 : memref<128x64xf32, #tpu.memory_space<vmem>>)
      %gt3A_1239 = arith.constant 0 : i32
      %gt3A_1240 = arith.cmpi sgt, %scan3A_845, %gt3A_1239 : i32
      %convert_element_type3A_1241 = arith.extui %gt3A_1240 : i1 to i32
      %cond3A_1242 = arith.constant 0 : i32
      %cond3A_1243 = arith.cmpi ne, %convert_element_type3A_1241, %cond3A_1242 : i32
      scf.if %cond3A_1243 {
        %dma_wait3A_1581 = arith.constant 0 : i32
        %dma_wait3A_1582 = arith.constant 0 : i32
        %dma_wait3A_1583 = arith.constant 0 : i32
        %dma_wait3A_1584 = arith.constant 0 : i32
        %dma_wait3A_1585 = tpu.memref_slice %arg12[%dma_wait3A_1581, %dma_wait3A_1583, %dma_wait3A_1584] : memref<8x8x129xf32, #tpu.memory_space<vmem>> -> memref<1x8x128xf32, #tpu.memory_space<vmem>>
        %dma_wait3A_1586 = tpu.memref_squeeze %dma_wait3A_1585 : memref<1x8x128xf32, #tpu.memory_space<vmem>> -> memref<8x128xf32, #tpu.memory_space<vmem>>
        %dma_wait3A_1587 = arith.constant 0 : i32
        %dma_wait3A_1588 = arith.constant 0 : i32
        %dma_wait3A_1589 = tpu.memref_slice %arg4[%shift_right_arithmetic3A_1221, %dma_wait3A_1582, %and3A_1223, %dma_wait3A_1587, %dma_wait3A_1588] : memref<200x8x128x8x128xf32, #tpu.memory_space<hbm>> -> memref<1x1x1x8x128xf32, #tpu.memory_space<hbm>>
        %dma_wait3A_1590 = tpu.memref_squeeze %dma_wait3A_1589 : memref<1x1x1x8x128xf32, #tpu.memory_space<hbm>> -> memref<8x128xf32, #tpu.memory_space<hbm>>
        %dma_wait3A_1591 = arith.constant 0 : i32
        %dma_wait3A_1592 = arith.constant 0 : i32
        %dma_wait3A_1593 = tpu.memref_slice %arg4[%shift_right_arithmetic3A_1221, %dma_wait3A_1582, %and3A_1223, %dma_wait3A_1591, %dma_wait3A_1592] : memref<200x8x128x8x128xf32, #tpu.memory_space<hbm>> -> memref<1x1x1x8x128xf32, #tpu.memory_space<hbm>>
        %dma_wait3A_1594 = tpu.memref_squeeze %dma_wait3A_1593 : memref<1x1x1x8x128xf32, #tpu.memory_space<hbm>> -> memref<8x128xf32, #tpu.memory_space<hbm>>
        %dma_wait3A_1595 = arith.constant 0 : i32
        %dma_wait3A_1596 = arith.constant 0 : i32
        %dma_wait3A_1597 = tpu.memref_slice %arg12[%dma_wait3A_1581, %dma_wait3A_1595, %dma_wait3A_1596] : memref<8x8x129xf32, #tpu.memory_space<vmem>> -> memref<1x8x128xf32, #tpu.memory_space<vmem>>
        %dma_wait3A_1598 = tpu.memref_squeeze %dma_wait3A_1597 : memref<1x8x128xf32, #tpu.memory_space<vmem>> -> memref<8x128xf32, #tpu.memory_space<vmem>>
        tpu.wait_dma2 semaphore(%arg20 : memref<!tpu.dma_semaphore, #tpu.memory_space<semaphore_mem>>) src(%dma_wait3A_1598 : memref<8x128xf32, #tpu.memory_space<vmem>>) dst(%dma_wait3A_1594 : memref<8x128xf32, #tpu.memory_space<hbm>>)
        %dma_wait3A_1599 = arith.constant 1 : i32
        %dma_wait3A_1600 = arith.constant 1 : i32
        %dma_wait3A_1601 = arith.constant 0 : i32
        %dma_wait3A_1602 = arith.constant 0 : i32
        %dma_wait3A_1603 = tpu.memref_slice %arg12[%dma_wait3A_1599, %dma_wait3A_1601, %dma_wait3A_1602] : memref<8x8x129xf32, #tpu.memory_space<vmem>> -> memref<1x8x128xf32, #tpu.memory_space<vmem>>
        %dma_wait3A_1604 = tpu.memref_squeeze %dma_wait3A_1603 : memref<1x8x128xf32, #tpu.memory_space<vmem>> -> memref<8x128xf32, #tpu.memory_space<vmem>>
        %dma_wait3A_1605 = arith.constant 0 : i32
        %dma_wait3A_1606 = arith.constant 0 : i32
        %dma_wait3A_1607 = tpu.memref_slice %arg4[%shift_right_arithmetic3A_1221, %dma_wait3A_1600, %and3A_1223, %dma_wait3A_1605, %dma_wait3A_1606] : memref<200x8x128x8x128xf32, #tpu.memory_space<hbm>> -> memref<1x1x1x8x128xf32, #tpu.memory_space<hbm>>
        %dma_wait3A_1608 = tpu.memref_squeeze %dma_wait3A_1607 : memref<1x1x1x8x128xf32, #tpu.memory_space<hbm>> -> memref<8x128xf32, #tpu.memory_space<hbm>>
        %dma_wait3A_1609 = arith.constant 0 : i32
        %dma_wait3A_1610 = arith.constant 0 : i32
        %dma_wait3A_1611 = tpu.memref_slice %arg4[%shift_right_arithmetic3A_1221, %dma_wait3A_1600, %and3A_1223, %dma_wait3A_1609, %dma_wait3A_1610] : memref<200x8x128x8x128xf32, #tpu.memory_space<hbm>> -> memref<1x1x1x8x128xf32, #tpu.memory_space<hbm>>
        %dma_wait3A_1612 = tpu.memref_squeeze %dma_wait3A_1611 : memref<1x1x1x8x128xf32, #tpu.memory_space<hbm>> -> memref<8x128xf32, #tpu.memory_space<hbm>>
        %dma_wait3A_1613 = arith.constant 0 : i32
        %dma_wait3A_1614 = arith.constant 0 : i32
        %dma_wait3A_1615 = tpu.memref_slice %arg12[%dma_wait3A_1599, %dma_wait3A_1613, %dma_wait3A_1614] : memref<8x8x129xf32, #tpu.memory_space<vmem>> -> memref<1x8x128xf32, #tpu.memory_space<vmem>>
        %dma_wait3A_1616 = tpu.memref_squeeze %dma_wait3A_1615 : memref<1x8x128xf32, #tpu.memory_space<vmem>> -> memref<8x128xf32, #tpu.memory_space<vmem>>
        tpu.wait_dma2 semaphore(%arg20 : memref<!tpu.dma_semaphore, #tpu.memory_space<semaphore_mem>>) src(%dma_wait3A_1616 : memref<8x128xf32, #tpu.memory_space<vmem>>) dst(%dma_wait3A_1612 : memref<8x128xf32, #tpu.memory_space<hbm>>)
        %dma_wait3A_1617 = arith.constant 2 : i32
        %dma_wait3A_1618 = arith.constant 2 : i32
        %dma_wait3A_1619 = arith.constant 0 : i32
        %dma_wait3A_1620 = arith.constant 0 : i32
        %dma_wait3A_1621 = tpu.memref_slice %arg12[%dma_wait3A_1617, %dma_wait3A_1619, %dma_wait3A_1620] : memref<8x8x129xf32, #tpu.memory_space<vmem>> -> memref<1x8x128xf32, #tpu.memory_space<vmem>>
        %dma_wait3A_1622 = tpu.memref_squeeze %dma_wait3A_1621 : memref<1x8x128xf32, #tpu.memory_space<vmem>> -> memref<8x128xf32, #tpu.memory_space<vmem>>
        %dma_wait3A_1623 = arith.constant 0 : i32
        %dma_wait3A_1624 = arith.constant 0 : i32
        %dma_wait3A_1625 = tpu.memref_slice %arg4[%shift_right_arithmetic3A_1221, %dma_wait3A_1618, %and3A_1223, %dma_wait3A_1623, %dma_wait3A_1624] : memref<200x8x128x8x128xf32, #tpu.memory_space<hbm>> -> memref<1x1x1x8x128xf32, #tpu.memory_space<hbm>>
        %dma_wait3A_1626 = tpu.memref_squeeze %dma_wait3A_1625 : memref<1x1x1x8x128xf32, #tpu.memory_space<hbm>> -> memref<8x128xf32, #tpu.memory_space<hbm>>
        %dma_wait3A_1627 = arith.constant 0 : i32
        %dma_wait3A_1628 = arith.constant 0 : i32
        %dma_wait3A_1629 = tpu.memref_slice %arg4[%shift_right_arithmetic3A_1221, %dma_wait3A_1618, %and3A_1223, %dma_wait3A_1627, %dma_wait3A_1628] : memref<200x8x128x8x128xf32, #tpu.memory_space<hbm>> -> memref<1x1x1x8x128xf32, #tpu.memory_space<hbm>>
        %dma_wait3A_1630 = tpu.memref_squeeze %dma_wait3A_1629 : memref<1x1x1x8x128xf32, #tpu.memory_space<hbm>> -> memref<8x128xf32, #tpu.memory_space<hbm>>
        %dma_wait3A_1631 = arith.constant 0 : i32
        %dma_wait3A_1632 = arith.constant 0 : i32
        %dma_wait3A_1633 = tpu.memref_slice %arg12[%dma_wait3A_1617, %dma_wait3A_1631, %dma_wait3A_1632] : memref<8x8x129xf32, #tpu.memory_space<vmem>> -> memref<1x8x128xf32, #tpu.memory_space<vmem>>
        %dma_wait3A_1634 = tpu.memref_squeeze %dma_wait3A_1633 : memref<1x8x128xf32, #tpu.memory_space<vmem>> -> memref<8x128xf32, #tpu.memory_space<vmem>>
        tpu.wait_dma2 semaphore(%arg20 : memref<!tpu.dma_semaphore, #tpu.memory_space<semaphore_mem>>) src(%dma_wait3A_1634 : memref<8x128xf32, #tpu.memory_space<vmem>>) dst(%dma_wait3A_1630 : memref<8x128xf32, #tpu.memory_space<hbm>>)
        %dma_wait3A_1635 = arith.constant 3 : i32
        %dma_wait3A_1636 = arith.constant 3 : i32
        %dma_wait3A_1637 = arith.constant 0 : i32
        %dma_wait3A_1638 = arith.constant 0 : i32
        %dma_wait3A_1639 = tpu.memref_slice %arg12[%dma_wait3A_1635, %dma_wait3A_1637, %dma_wait3A_1638] : memref<8x8x129xf32, #tpu.memory_space<vmem>> -> memref<1x8x128xf32, #tpu.memory_space<vmem>>
        %dma_wait3A_1640 = tpu.memref_squeeze %dma_wait3A_1639 : memref<1x8x128xf32, #tpu.memory_space<vmem>> -> memref<8x128xf32, #tpu.memory_space<vmem>>
        %dma_wait3A_1641 = arith.constant 0 : i32
        %dma_wait3A_1642 = arith.constant 0 : i32
        %dma_wait3A_1643 = tpu.memref_slice %arg4[%shift_right_arithmetic3A_1221, %dma_wait3A_1636, %and3A_1223, %dma_wait3A_1641, %dma_wait3A_1642] : memref<200x8x128x8x128xf32, #tpu.memory_space<hbm>> -> memref<1x1x1x8x128xf32, #tpu.memory_space<hbm>>
        %dma_wait3A_1644 = tpu.memref_squeeze %dma_wait3A_1643 : memref<1x1x1x8x128xf32, #tpu.memory_space<hbm>> -> memref<8x128xf32, #tpu.memory_space<hbm>>
        %dma_wait3A_1645 = arith.constant 0 : i32
        %dma_wait3A_1646 = arith.constant 0 : i32
        %dma_wait3A_1647 = tpu.memref_slice %arg4[%shift_right_arithmetic3A_1221, %dma_wait3A_1636, %and3A_1223, %dma_wait3A_1645, %dma_wait3A_1646] : memref<200x8x128x8x128xf32, #tpu.memory_space<hbm>> -> memref<1x1x1x8x128xf32, #tpu.memory_space<hbm>>
        %dma_wait3A_1648 = tpu.memref_squeeze %dma_wait3A_1647 : memref<1x1x1x8x128xf32, #tpu.memory_space<hbm>> -> memref<8x128xf32, #tpu.memory_space<hbm>>
        %dma_wait3A_1649 = arith.constant 0 : i32
        %dma_wait3A_1650 = arith.constant 0 : i32
        %dma_wait3A_1651 = tpu.memref_slice %arg12[%dma_wait3A_1635, %dma_wait3A_1649, %dma_wait3A_1650] : memref<8x8x129xf32, #tpu.memory_space<vmem>> -> memref<1x8x128xf32, #tpu.memory_space<vmem>>
        %dma_wait3A_1652 = tpu.memref_squeeze %dma_wait3A_1651 : memref<1x8x128xf32, #tpu.memory_space<vmem>> -> memref<8x128xf32, #tpu.memory_space<vmem>>
        tpu.wait_dma2 semaphore(%arg20 : memref<!tpu.dma_semaphore, #tpu.memory_space<semaphore_mem>>) src(%dma_wait3A_1652 : memref<8x128xf32, #tpu.memory_space<vmem>>) dst(%dma_wait3A_1648 : memref<8x128xf32, #tpu.memory_space<hbm>>)
        %dma_wait3A_1653 = arith.constant 4 : i32
        %dma_wait3A_1654 = arith.constant 4 : i32
        %dma_wait3A_1655 = arith.constant 0 : i32
        %dma_wait3A_1656 = arith.constant 0 : i32
        %dma_wait3A_1657 = tpu.memref_slice %arg12[%dma_wait3A_1653, %dma_wait3A_1655, %dma_wait3A_1656] : memref<8x8x129xf32, #tpu.memory_space<vmem>> -> memref<1x8x128xf32, #tpu.memory_space<vmem>>
        %dma_wait3A_1658 = tpu.memref_squeeze %dma_wait3A_1657 : memref<1x8x128xf32, #tpu.memory_space<vmem>> -> memref<8x128xf32, #tpu.memory_space<vmem>>
        %dma_wait3A_1659 = arith.constant 0 : i32
        %dma_wait3A_1660 = arith.constant 0 : i32
        %dma_wait3A_1661 = tpu.memref_slice %arg4[%shift_right_arithmetic3A_1221, %dma_wait3A_1654, %and3A_1223, %dma_wait3A_1659, %dma_wait3A_1660] : memref<200x8x128x8x128xf32, #tpu.memory_space<hbm>> -> memref<1x1x1x8x128xf32, #tpu.memory_space<hbm>>
        %dma_wait3A_1662 = tpu.memref_squeeze %dma_wait3A_1661 : memref<1x1x1x8x128xf32, #tpu.memory_space<hbm>> -> memref<8x128xf32, #tpu.memory_space<hbm>>
        %dma_wait3A_1663 = arith.constant 0 : i32
        %dma_wait3A_1664 = arith.constant 0 : i32
        %dma_wait3A_1665 = tpu.memref_slice %arg4[%shift_right_arithmetic3A_1221, %dma_wait3A_1654, %and3A_1223, %dma_wait3A_1663, %dma_wait3A_1664] : memref<200x8x128x8x128xf32, #tpu.memory_space<hbm>> -> memref<1x1x1x8x128xf32, #tpu.memory_space<hbm>>
        %dma_wait3A_1666 = tpu.memref_squeeze %dma_wait3A_1665 : memref<1x1x1x8x128xf32, #tpu.memory_space<hbm>> -> memref<8x128xf32, #tpu.memory_space<hbm>>
        %dma_wait3A_1667 = arith.constant 0 : i32
        %dma_wait3A_1668 = arith.constant 0 : i32
        %dma_wait3A_1669 = tpu.memref_slice %arg12[%dma_wait3A_1653, %dma_wait3A_1667, %dma_wait3A_1668] : memref<8x8x129xf32, #tpu.memory_space<vmem>> -> memref<1x8x128xf32, #tpu.memory_space<vmem>>
        %dma_wait3A_1670 = tpu.memref_squeeze %dma_wait3A_1669 : memref<1x8x128xf32, #tpu.memory_space<vmem>> -> memref<8x128xf32, #tpu.memory_space<vmem>>
        tpu.wait_dma2 semaphore(%arg20 : memref<!tpu.dma_semaphore, #tpu.memory_space<semaphore_mem>>) src(%dma_wait3A_1670 : memref<8x128xf32, #tpu.memory_space<vmem>>) dst(%dma_wait3A_1666 : memref<8x128xf32, #tpu.memory_space<hbm>>)
        %dma_wait3A_1671 = arith.constant 5 : i32
        %dma_wait3A_1672 = arith.constant 5 : i32
        %dma_wait3A_1673 = arith.constant 0 : i32
        %dma_wait3A_1674 = arith.constant 0 : i32
        %dma_wait3A_1675 = tpu.memref_slice %arg12[%dma_wait3A_1671, %dma_wait3A_1673, %dma_wait3A_1674] : memref<8x8x129xf32, #tpu.memory_space<vmem>> -> memref<1x8x128xf32, #tpu.memory_space<vmem>>
        %dma_wait3A_1676 = tpu.memref_squeeze %dma_wait3A_1675 : memref<1x8x128xf32, #tpu.memory_space<vmem>> -> memref<8x128xf32, #tpu.memory_space<vmem>>
        %dma_wait3A_1677 = arith.constant 0 : i32
        %dma_wait3A_1678 = arith.constant 0 : i32
        %dma_wait3A_1679 = tpu.memref_slice %arg4[%shift_right_arithmetic3A_1221, %dma_wait3A_1672, %and3A_1223, %dma_wait3A_1677, %dma_wait3A_1678] : memref<200x8x128x8x128xf32, #tpu.memory_space<hbm>> -> memref<1x1x1x8x128xf32, #tpu.memory_space<hbm>>
        %dma_wait3A_1680 = tpu.memref_squeeze %dma_wait3A_1679 : memref<1x1x1x8x128xf32, #tpu.memory_space<hbm>> -> memref<8x128xf32, #tpu.memory_space<hbm>>
        %dma_wait3A_1681 = arith.constant 0 : i32
        %dma_wait3A_1682 = arith.constant 0 : i32
        %dma_wait3A_1683 = tpu.memref_slice %arg4[%shift_right_arithmetic3A_1221, %dma_wait3A_1672, %and3A_1223, %dma_wait3A_1681, %dma_wait3A_1682] : memref<200x8x128x8x128xf32, #tpu.memory_space<hbm>> -> memref<1x1x1x8x128xf32, #tpu.memory_space<hbm>>
        %dma_wait3A_1684 = tpu.memref_squeeze %dma_wait3A_1683 : memref<1x1x1x8x128xf32, #tpu.memory_space<hbm>> -> memref<8x128xf32, #tpu.memory_space<hbm>>
        %dma_wait3A_1685 = arith.constant 0 : i32
        %dma_wait3A_1686 = arith.constant 0 : i32
        %dma_wait3A_1687 = tpu.memref_slice %arg12[%dma_wait3A_1671, %dma_wait3A_1685, %dma_wait3A_1686] : memref<8x8x129xf32, #tpu.memory_space<vmem>> -> memref<1x8x128xf32, #tpu.memory_space<vmem>>
        %dma_wait3A_1688 = tpu.memref_squeeze %dma_wait3A_1687 : memref<1x8x128xf32, #tpu.memory_space<vmem>> -> memref<8x128xf32, #tpu.memory_space<vmem>>
        tpu.wait_dma2 semaphore(%arg20 : memref<!tpu.dma_semaphore, #tpu.memory_space<semaphore_mem>>) src(%dma_wait3A_1688 : memref<8x128xf32, #tpu.memory_space<vmem>>) dst(%dma_wait3A_1684 : memref<8x128xf32, #tpu.memory_space<hbm>>)
        %dma_wait3A_1689 = arith.constant 6 : i32
        %dma_wait3A_1690 = arith.constant 6 : i32
        %dma_wait3A_1691 = arith.constant 0 : i32
        %dma_wait3A_1692 = arith.constant 0 : i32
        %dma_wait3A_1693 = tpu.memref_slice %arg12[%dma_wait3A_1689, %dma_wait3A_1691, %dma_wait3A_1692] : memref<8x8x129xf32, #tpu.memory_space<vmem>> -> memref<1x8x128xf32, #tpu.memory_space<vmem>>
        %dma_wait3A_1694 = tpu.memref_squeeze %dma_wait3A_1693 : memref<1x8x128xf32, #tpu.memory_space<vmem>> -> memref<8x128xf32, #tpu.memory_space<vmem>>
        %dma_wait3A_1695 = arith.constant 0 : i32
        %dma_wait3A_1696 = arith.constant 0 : i32
        %dma_wait3A_1697 = tpu.memref_slice %arg4[%shift_right_arithmetic3A_1221, %dma_wait3A_1690, %and3A_1223, %dma_wait3A_1695, %dma_wait3A_1696] : memref<200x8x128x8x128xf32, #tpu.memory_space<hbm>> -> memref<1x1x1x8x128xf32, #tpu.memory_space<hbm>>
        %dma_wait3A_1698 = tpu.memref_squeeze %dma_wait3A_1697 : memref<1x1x1x8x128xf32, #tpu.memory_space<hbm>> -> memref<8x128xf32, #tpu.memory_space<hbm>>
        %dma_wait3A_1699 = arith.constant 0 : i32
        %dma_wait3A_1700 = arith.constant 0 : i32
        %dma_wait3A_1701 = tpu.memref_slice %arg4[%shift_right_arithmetic3A_1221, %dma_wait3A_1690, %and3A_1223, %dma_wait3A_1699, %dma_wait3A_1700] : memref<200x8x128x8x128xf32, #tpu.memory_space<hbm>> -> memref<1x1x1x8x128xf32, #tpu.memory_space<hbm>>
        %dma_wait3A_1702 = tpu.memref_squeeze %dma_wait3A_1701 : memref<1x1x1x8x128xf32, #tpu.memory_space<hbm>> -> memref<8x128xf32, #tpu.memory_space<hbm>>
        %dma_wait3A_1703 = arith.constant 0 : i32
        %dma_wait3A_1704 = arith.constant 0 : i32
        %dma_wait3A_1705 = tpu.memref_slice %arg12[%dma_wait3A_1689, %dma_wait3A_1703, %dma_wait3A_1704] : memref<8x8x129xf32, #tpu.memory_space<vmem>> -> memref<1x8x128xf32, #tpu.memory_space<vmem>>
        %dma_wait3A_1706 = tpu.memref_squeeze %dma_wait3A_1705 : memref<1x8x128xf32, #tpu.memory_space<vmem>> -> memref<8x128xf32, #tpu.memory_space<vmem>>
        tpu.wait_dma2 semaphore(%arg20 : memref<!tpu.dma_semaphore, #tpu.memory_space<semaphore_mem>>) src(%dma_wait3A_1706 : memref<8x128xf32, #tpu.memory_space<vmem>>) dst(%dma_wait3A_1702 : memref<8x128xf32, #tpu.memory_space<hbm>>)
        %dma_wait3A_1707 = arith.constant 7 : i32
        %dma_wait3A_1708 = arith.constant 7 : i32
        %dma_wait3A_1709 = arith.constant 0 : i32
        %dma_wait3A_1710 = arith.constant 0 : i32
        %dma_wait3A_1711 = tpu.memref_slice %arg12[%dma_wait3A_1707, %dma_wait3A_1709, %dma_wait3A_1710] : memref<8x8x129xf32, #tpu.memory_space<vmem>> -> memref<1x8x128xf32, #tpu.memory_space<vmem>>
        %dma_wait3A_1712 = tpu.memref_squeeze %dma_wait3A_1711 : memref<1x8x128xf32, #tpu.memory_space<vmem>> -> memref<8x128xf32, #tpu.memory_space<vmem>>
        %dma_wait3A_1713 = arith.constant 0 : i32
        %dma_wait3A_1714 = arith.constant 0 : i32
        %dma_wait3A_1715 = tpu.memref_slice %arg4[%shift_right_arithmetic3A_1221, %dma_wait3A_1708, %and3A_1223, %dma_wait3A_1713, %dma_wait3A_1714] : memref<200x8x128x8x128xf32, #tpu.memory_space<hbm>> -> memref<1x1x1x8x128xf32, #tpu.memory_space<hbm>>
        %dma_wait3A_1716 = tpu.memref_squeeze %dma_wait3A_1715 : memref<1x1x1x8x128xf32, #tpu.memory_space<hbm>> -> memref<8x128xf32, #tpu.memory_space<hbm>>
        %dma_wait3A_1717 = arith.constant 0 : i32
        %dma_wait3A_1718 = arith.constant 0 : i32
        %dma_wait3A_1719 = tpu.memref_slice %arg4[%shift_right_arithmetic3A_1221, %dma_wait3A_1708, %and3A_1223, %dma_wait3A_1717, %dma_wait3A_1718] : memref<200x8x128x8x128xf32, #tpu.memory_space<hbm>> -> memref<1x1x1x8x128xf32, #tpu.memory_space<hbm>>
        %dma_wait3A_1720 = tpu.memref_squeeze %dma_wait3A_1719 : memref<1x1x1x8x128xf32, #tpu.memory_space<hbm>> -> memref<8x128xf32, #tpu.memory_space<hbm>>
        %dma_wait3A_1721 = arith.constant 0 : i32
        %dma_wait3A_1722 = arith.constant 0 : i32
        %dma_wait3A_1723 = tpu.memref_slice %arg12[%dma_wait3A_1707, %dma_wait3A_1721, %dma_wait3A_1722] : memref<8x8x129xf32, #tpu.memory_space<vmem>> -> memref<1x8x128xf32, #tpu.memory_space<vmem>>
        %dma_wait3A_1724 = tpu.memref_squeeze %dma_wait3A_1723 : memref<1x8x128xf32, #tpu.memory_space<vmem>> -> memref<8x128xf32, #tpu.memory_space<vmem>>
        tpu.wait_dma2 semaphore(%arg20 : memref<!tpu.dma_semaphore, #tpu.memory_space<semaphore_mem>>) src(%dma_wait3A_1724 : memref<8x128xf32, #tpu.memory_space<vmem>>) dst(%dma_wait3A_1720 : memref<8x128xf32, #tpu.memory_space<hbm>>)
      } else {
      }
      %parallel_loop3A_1244 = arith.constant 0 : i32
      %parallel_loop3A_1245 = arith.constant 128 : i32
      %parallel_loop3A_1246 = arith.constant 1 : i32
      scf.for %parallel_loop3A_1581 = %parallel_loop3A_1244 to %parallel_loop3A_1245 step %parallel_loop3A_1246  : i32 {
        %parallel_loop3A_1582 = vector.broadcast %parallel_loop3A_1581 : i32 to vector<16xi32>
        %parallel_loop3A_1583 = arith.index_cast %parallel_loop3A_1581 : i32 to index
        %parallel_loop3A_1584 = arith.constant 0 : index
        %parallel_loop3A_1585 = tpu.vector_load %arg8[%parallel_loop3A_1583, %parallel_loop3A_1584] {strides = array<i32>} : memref<128x64xf32, #tpu.memory_space<vmem>>, vector<16xf32>,
        tpu.vector_store_idx %arg12[%shift_right_arithmetic3A_16, %and3A_27, %parallel_loop3A_1582], %parallel_loop3A_1585 : memref<8x8x129xf32, #tpu.memory_space<vmem>>[vector<16xi32>, vector<16xi32>, vector<16xi32>], vector<16xf32>,
        %parallel_loop3A_1586 = arith.index_cast %parallel_loop3A_1581 : i32 to index
        %parallel_loop3A_1587 = arith.constant 16 : index
        %parallel_loop3A_1588 = tpu.vector_load %arg8[%parallel_loop3A_1586, %parallel_loop3A_1587] {strides = array<i32>} : memref<128x64xf32, #tpu.memory_space<vmem>>, vector<16xf32>,
        tpu.vector_store_idx %arg12[%shift_right_arithmetic3A_19, %and3A_30, %parallel_loop3A_1582], %parallel_loop3A_1588 : memref<8x8x129xf32, #tpu.memory_space<vmem>>[vector<16xi32>, vector<16xi32>, vector<16xi32>], vector<16xf32>,
        %parallel_loop3A_1589 = arith.index_cast %parallel_loop3A_1581 : i32 to index
        %parallel_loop3A_1590 = arith.constant 32 : index
        %parallel_loop3A_1591 = tpu.vector_load %arg8[%parallel_loop3A_1589, %parallel_loop3A_1590] {strides = array<i32>} : memref<128x64xf32, #tpu.memory_space<vmem>>, vector<16xf32>,
        tpu.vector_store_idx %arg12[%shift_right_arithmetic3A_22, %and3A_33, %parallel_loop3A_1582], %parallel_loop3A_1591 : memref<8x8x129xf32, #tpu.memory_space<vmem>>[vector<16xi32>, vector<16xi32>, vector<16xi32>], vector<16xf32>,
        %parallel_loop3A_1592 = arith.index_cast %parallel_loop3A_1581 : i32 to index
        %parallel_loop3A_1593 = arith.constant 48 : index
        %parallel_loop3A_1594 = tpu.vector_load %arg8[%parallel_loop3A_1592, %parallel_loop3A_1593] {strides = array<i32>} : memref<128x64xf32, #tpu.memory_space<vmem>>, vector<16xf32>,
        tpu.vector_store_idx %arg12[%shift_right_arithmetic3A_25, %and3A_36, %parallel_loop3A_1582], %parallel_loop3A_1594 : memref<8x8x129xf32, #tpu.memory_space<vmem>>[vector<16xi32>, vector<16xi32>, vector<16xi32>], vector<16xf32>,
      } {sc.loop_unroll_factor = 8 : i64, sc.parallel_access}
      %dma_start3A_1247 = arith.constant 0 : i32
      %dma_start3A_1248 = arith.constant 0 : i32
      %dma_start3A_1249 = arith.constant 0 : i32
      %dma_start3A_1250 = arith.constant 0 : i32
      %dma_start3A_1251 = tpu.memref_slice %arg12[%dma_start3A_1247, %dma_start3A_1249, %dma_start3A_1250] : memref<8x8x129xf32, #tpu.memory_space<vmem>> -> memref<1x8x128xf32, #tpu.memory_space<vmem>>
      %dma_start3A_1252 = tpu.memref_squeeze %dma_start3A_1251 : memref<1x8x128xf32, #tpu.memory_space<vmem>> -> memref<8x128xf32, #tpu.memory_space<vmem>>
      %dma_start3A_1253 = arith.constant 0 : i32
      %dma_start3A_1254 = arith.constant 0 : i32
      %dma_start3A_1255 = tpu.memref_slice %arg4[%shift_right_arithmetic3A_1221, %dma_start3A_1248, %and3A_1223, %dma_start3A_1253, %dma_start3A_1254] : memref<200x8x128x8x128xf32, #tpu.memory_space<hbm>> -> memref<1x1x1x8x128xf32, #tpu.memory_space<hbm>>
      %dma_start3A_1256 = tpu.memref_squeeze %dma_start3A_1255 : memref<1x1x1x8x128xf32, #tpu.memory_space<hbm>> -> memref<8x128xf32, #tpu.memory_space<hbm>>
      %dma_start3A_1257 = arith.constant 0 : i32
      %dma_start3A_1258 = arith.constant 0 : i32
      %dma_start3A_1259 = tpu.memref_slice %arg4[%shift_right_arithmetic3A_1221, %dma_start3A_1248, %and3A_1223, %dma_start3A_1257, %dma_start3A_1258] : memref<200x8x128x8x128xf32, #tpu.memory_space<hbm>> -> memref<1x1x1x8x128xf32, #tpu.memory_space<hbm>>
      %dma_start3A_1260 = tpu.memref_squeeze %dma_start3A_1259 : memref<1x1x1x8x128xf32, #tpu.memory_space<hbm>> -> memref<8x128xf32, #tpu.memory_space<hbm>>
      %dma_start3A_1261 = arith.constant 0 : i32
      %dma_start3A_1262 = arith.constant 0 : i32
      %dma_start3A_1263 = tpu.memref_slice %arg12[%dma_start3A_1247, %dma_start3A_1261, %dma_start3A_1262] : memref<8x8x129xf32, #tpu.memory_space<vmem>> -> memref<1x8x128xf32, #tpu.memory_space<vmem>>
      %dma_start3A_1264 = tpu.memref_squeeze %dma_start3A_1263 : memref<1x8x128xf32, #tpu.memory_space<vmem>> -> memref<8x128xf32, #tpu.memory_space<vmem>>
      tpu.enqueue_dma source(%dma_start3A_1264 : memref<8x128xf32, #tpu.memory_space<vmem>>) target(%dma_start3A_1260 : memref<8x128xf32, #tpu.memory_space<hbm>>) target_semaphore(%arg20 : memref<!tpu.dma_semaphore, #tpu.memory_space<semaphore_mem>>)
      %dma_start3A_1265 = arith.constant 1 : i32
      %dma_start3A_1266 = arith.constant 1 : i32
      %dma_start3A_1267 = arith.constant 0 : i32
      %dma_start3A_1268 = arith.constant 0 : i32
      %dma_start3A_1269 = tpu.memref_slice %arg12[%dma_start3A_1265, %dma_start3A_1267, %dma_start3A_1268] : memref<8x8x129xf32, #tpu.memory_space<vmem>> -> memref<1x8x128xf32, #tpu.memory_space<vmem>>
      %dma_start3A_1270 = tpu.memref_squeeze %dma_start3A_1269 : memref<1x8x128xf32, #tpu.memory_space<vmem>> -> memref<8x128xf32, #tpu.memory_space<vmem>>
      %dma_start3A_1271 = arith.constant 0 : i32
      %dma_start3A_1272 = arith.constant 0 : i32
      %dma_start3A_1273 = tpu.memref_slice %arg4[%shift_right_arithmetic3A_1221, %dma_start3A_1266, %and3A_1223, %dma_start3A_1271, %dma_start3A_1272] : memref<200x8x128x8x128xf32, #tpu.memory_space<hbm>> -> memref<1x1x1x8x128xf32, #tpu.memory_space<hbm>>
      %dma_start3A_1274 = tpu.memref_squeeze %dma_start3A_1273 : memref<1x1x1x8x128xf32, #tpu.memory_space<hbm>> -> memref<8x128xf32, #tpu.memory_space<hbm>>
      %dma_start3A_1275 = arith.constant 0 : i32
      %dma_start3A_1276 = arith.constant 0 : i32
      %dma_start3A_1277 = tpu.memref_slice %arg4[%shift_right_arithmetic3A_1221, %dma_start3A_1266, %and3A_1223, %dma_start3A_1275, %dma_start3A_1276] : memref<200x8x128x8x128xf32, #tpu.memory_space<hbm>> -> memref<1x1x1x8x128xf32, #tpu.memory_space<hbm>>
      %dma_start3A_1278 = tpu.memref_squeeze %dma_start3A_1277 : memref<1x1x1x8x128xf32, #tpu.memory_space<hbm>> -> memref<8x128xf32, #tpu.memory_space<hbm>>
      %dma_start3A_1279 = arith.constant 0 : i32
      %dma_start3A_1280 = arith.constant 0 : i32
      %dma_start3A_1281 = tpu.memref_slice %arg12[%dma_start3A_1265, %dma_start3A_1279, %dma_start3A_1280] : memref<8x8x129xf32, #tpu.memory_space<vmem>> -> memref<1x8x128xf32, #tpu.memory_space<vmem>>
      %dma_start3A_1282 = tpu.memref_squeeze %dma_start3A_1281 : memref<1x8x128xf32, #tpu.memory_space<vmem>> -> memref<8x128xf32, #tpu.memory_space<vmem>>
      tpu.enqueue_dma source(%dma_start3A_1282 : memref<8x128xf32, #tpu.memory_space<vmem>>) target(%dma_start3A_1278 : memref<8x128xf32, #tpu.memory_space<hbm>>) target_semaphore(%arg20 : memref<!tpu.dma_semaphore, #tpu.memory_space<semaphore_mem>>)
      %dma_start3A_1283 = arith.constant 2 : i32
      %dma_start3A_1284 = arith.constant 2 : i32
      %dma_start3A_1285 = arith.constant 0 : i32
      %dma_start3A_1286 = arith.constant 0 : i32
      %dma_start3A_1287 = tpu.memref_slice %arg12[%dma_start3A_1283, %dma_start3A_1285, %dma_start3A_1286] : memref<8x8x129xf32, #tpu.memory_space<vmem>> -> memref<1x8x128xf32, #tpu.memory_space<vmem>>
      %dma_start3A_1288 = tpu.memref_squeeze %dma_start3A_1287 : memref<1x8x128xf32, #tpu.memory_space<vmem>> -> memref<8x128xf32, #tpu.memory_space<vmem>>
      %dma_start3A_1289 = arith.constant 0 : i32
      %dma_start3A_1290 = arith.constant 0 : i32
      %dma_start3A_1291 = tpu.memref_slice %arg4[%shift_right_arithmetic3A_1221, %dma_start3A_1284, %and3A_1223, %dma_start3A_1289, %dma_start3A_1290] : memref<200x8x128x8x128xf32, #tpu.memory_space<hbm>> -> memref<1x1x1x8x128xf32, #tpu.memory_space<hbm>>
      %dma_start3A_1292 = tpu.memref_squeeze %dma_start3A_1291 : memref<1x1x1x8x128xf32, #tpu.memory_space<hbm>> -> memref<8x128xf32, #tpu.memory_space<hbm>>
      %dma_start3A_1293 = arith.constant 0 : i32
      %dma_start3A_1294 = arith.constant 0 : i32
      %dma_start3A_1295 = tpu.memref_slice %arg4[%shift_right_arithmetic3A_1221, %dma_start3A_1284, %and3A_1223, %dma_start3A_1293, %dma_start3A_1294] : memref<200x8x128x8x128xf32, #tpu.memory_space<hbm>> -> memref<1x1x1x8x128xf32, #tpu.memory_space<hbm>>
      %dma_start3A_1296 = tpu.memref_squeeze %dma_start3A_1295 : memref<1x1x1x8x128xf32, #tpu.memory_space<hbm>> -> memref<8x128xf32, #tpu.memory_space<hbm>>
      %dma_start3A_1297 = arith.constant 0 : i32
      %dma_start3A_1298 = arith.constant 0 : i32
      %dma_start3A_1299 = tpu.memref_slice %arg12[%dma_start3A_1283, %dma_start3A_1297, %dma_start3A_1298] : memref<8x8x129xf32, #tpu.memory_space<vmem>> -> memref<1x8x128xf32, #tpu.memory_space<vmem>>
      %dma_start3A_1300 = tpu.memref_squeeze %dma_start3A_1299 : memref<1x8x128xf32, #tpu.memory_space<vmem>> -> memref<8x128xf32, #tpu.memory_space<vmem>>
      tpu.enqueue_dma source(%dma_start3A_1300 : memref<8x128xf32, #tpu.memory_space<vmem>>) target(%dma_start3A_1296 : memref<8x128xf32, #tpu.memory_space<hbm>>) target_semaphore(%arg20 : memref<!tpu.dma_semaphore, #tpu.memory_space<semaphore_mem>>)
      %dma_start3A_1301 = arith.constant 3 : i32
      %dma_start3A_1302 = arith.constant 3 : i32
      %dma_start3A_1303 = arith.constant 0 : i32
      %dma_start3A_1304 = arith.constant 0 : i32
      %dma_start3A_1305 = tpu.memref_slice %arg12[%dma_start3A_1301, %dma_start3A_1303, %dma_start3A_1304] : memref<8x8x129xf32, #tpu.memory_space<vmem>> -> memref<1x8x128xf32, #tpu.memory_space<vmem>>
      %dma_start3A_1306 = tpu.memref_squeeze %dma_start3A_1305 : memref<1x8x128xf32, #tpu.memory_space<vmem>> -> memref<8x128xf32, #tpu.memory_space<vmem>>
      %dma_start3A_1307 = arith.constant 0 : i32
      %dma_start3A_1308 = arith.constant 0 : i32
      %dma_start3A_1309 = tpu.memref_slice %arg4[%shift_right_arithmetic3A_1221, %dma_start3A_1302, %and3A_1223, %dma_start3A_1307, %dma_start3A_1308] : memref<200x8x128x8x128xf32, #tpu.memory_space<hbm>> -> memref<1x1x1x8x128xf32, #tpu.memory_space<hbm>>
      %dma_start3A_1310 = tpu.memref_squeeze %dma_start3A_1309 : memref<1x1x1x8x128xf32, #tpu.memory_space<hbm>> -> memref<8x128xf32, #tpu.memory_space<hbm>>
      %dma_start3A_1311 = arith.constant 0 : i32
      %dma_start3A_1312 = arith.constant 0 : i32
      %dma_start3A_1313 = tpu.memref_slice %arg4[%shift_right_arithmetic3A_1221, %dma_start3A_1302, %and3A_1223, %dma_start3A_1311, %dma_start3A_1312] : memref<200x8x128x8x128xf32, #tpu.memory_space<hbm>> -> memref<1x1x1x8x128xf32, #tpu.memory_space<hbm>>
      %dma_start3A_1314 = tpu.memref_squeeze %dma_start3A_1313 : memref<1x1x1x8x128xf32, #tpu.memory_space<hbm>> -> memref<8x128xf32, #tpu.memory_space<hbm>>
      %dma_start3A_1315 = arith.constant 0 : i32
      %dma_start3A_1316 = arith.constant 0 : i32
      %dma_start3A_1317 = tpu.memref_slice %arg12[%dma_start3A_1301, %dma_start3A_1315, %dma_start3A_1316] : memref<8x8x129xf32, #tpu.memory_space<vmem>> -> memref<1x8x128xf32, #tpu.memory_space<vmem>>
      %dma_start3A_1318 = tpu.memref_squeeze %dma_start3A_1317 : memref<1x8x128xf32, #tpu.memory_space<vmem>> -> memref<8x128xf32, #tpu.memory_space<vmem>>
      tpu.enqueue_dma source(%dma_start3A_1318 : memref<8x128xf32, #tpu.memory_space<vmem>>) target(%dma_start3A_1314 : memref<8x128xf32, #tpu.memory_space<hbm>>) target_semaphore(%arg20 : memref<!tpu.dma_semaphore, #tpu.memory_space<semaphore_mem>>)
      %dma_start3A_1319 = arith.constant 4 : i32
      %dma_start3A_1320 = arith.constant 4 : i32
      %dma_start3A_1321 = arith.constant 0 : i32
      %dma_start3A_1322 = arith.constant 0 : i32
      %dma_start3A_1323 = tpu.memref_slice %arg12[%dma_start3A_1319, %dma_start3A_1321, %dma_start3A_1322] : memref<8x8x129xf32, #tpu.memory_space<vmem>> -> memref<1x8x128xf32, #tpu.memory_space<vmem>>
      %dma_start3A_1324 = tpu.memref_squeeze %dma_start3A_1323 : memref<1x8x128xf32, #tpu.memory_space<vmem>> -> memref<8x128xf32, #tpu.memory_space<vmem>>
      %dma_start3A_1325 = arith.constant 0 : i32
      %dma_start3A_1326 = arith.constant 0 : i32
      %dma_start3A_1327 = tpu.memref_slice %arg4[%shift_right_arithmetic3A_1221, %dma_start3A_1320, %and3A_1223, %dma_start3A_1325, %dma_start3A_1326] : memref<200x8x128x8x128xf32, #tpu.memory_space<hbm>> -> memref<1x1x1x8x128xf32, #tpu.memory_space<hbm>>
      %dma_start3A_1328 = tpu.memref_squeeze %dma_start3A_1327 : memref<1x1x1x8x128xf32, #tpu.memory_space<hbm>> -> memref<8x128xf32, #tpu.memory_space<hbm>>
      %dma_start3A_1329 = arith.constant 0 : i32
      %dma_start3A_1330 = arith.constant 0 : i32
      %dma_start3A_1331 = tpu.memref_slice %arg4[%shift_right_arithmetic3A_1221, %dma_start3A_1320, %and3A_1223, %dma_start3A_1329, %dma_start3A_1330] : memref<200x8x128x8x128xf32, #tpu.memory_space<hbm>> -> memref<1x1x1x8x128xf32, #tpu.memory_space<hbm>>
      %dma_start3A_1332 = tpu.memref_squeeze %dma_start3A_1331 : memref<1x1x1x8x128xf32, #tpu.memory_space<hbm>> -> memref<8x128xf32, #tpu.memory_space<hbm>>
      %dma_start3A_1333 = arith.constant 0 : i32
      %dma_start3A_1334 = arith.constant 0 : i32
      %dma_start3A_1335 = tpu.memref_slice %arg12[%dma_start3A_1319, %dma_start3A_1333, %dma_start3A_1334] : memref<8x8x129xf32, #tpu.memory_space<vmem>> -> memref<1x8x128xf32, #tpu.memory_space<vmem>>
      %dma_start3A_1336 = tpu.memref_squeeze %dma_start3A_1335 : memref<1x8x128xf32, #tpu.memory_space<vmem>> -> memref<8x128xf32, #tpu.memory_space<vmem>>
      tpu.enqueue_dma source(%dma_start3A_1336 : memref<8x128xf32, #tpu.memory_space<vmem>>) target(%dma_start3A_1332 : memref<8x128xf32, #tpu.memory_space<hbm>>) target_semaphore(%arg20 : memref<!tpu.dma_semaphore, #tpu.memory_space<semaphore_mem>>)
      %dma_start3A_1337 = arith.constant 5 : i32
      %dma_start3A_1338 = arith.constant 5 : i32
      %dma_start3A_1339 = arith.constant 0 : i32
      %dma_start3A_1340 = arith.constant 0 : i32
      %dma_start3A_1341 = tpu.memref_slice %arg12[%dma_start3A_1337, %dma_start3A_1339, %dma_start3A_1340] : memref<8x8x129xf32, #tpu.memory_space<vmem>> -> memref<1x8x128xf32, #tpu.memory_space<vmem>>
      %dma_start3A_1342 = tpu.memref_squeeze %dma_start3A_1341 : memref<1x8x128xf32, #tpu.memory_space<vmem>> -> memref<8x128xf32, #tpu.memory_space<vmem>>
      %dma_start3A_1343 = arith.constant 0 : i32
      %dma_start3A_1344 = arith.constant 0 : i32
      %dma_start3A_1345 = tpu.memref_slice %arg4[%shift_right_arithmetic3A_1221, %dma_start3A_1338, %and3A_1223, %dma_start3A_1343, %dma_start3A_1344] : memref<200x8x128x8x128xf32, #tpu.memory_space<hbm>> -> memref<1x1x1x8x128xf32, #tpu.memory_space<hbm>>
      %dma_start3A_1346 = tpu.memref_squeeze %dma_start3A_1345 : memref<1x1x1x8x128xf32, #tpu.memory_space<hbm>> -> memref<8x128xf32, #tpu.memory_space<hbm>>
      %dma_start3A_1347 = arith.constant 0 : i32
      %dma_start3A_1348 = arith.constant 0 : i32
      %dma_start3A_1349 = tpu.memref_slice %arg4[%shift_right_arithmetic3A_1221, %dma_start3A_1338, %and3A_1223, %dma_start3A_1347, %dma_start3A_1348] : memref<200x8x128x8x128xf32, #tpu.memory_space<hbm>> -> memref<1x1x1x8x128xf32, #tpu.memory_space<hbm>>
      %dma_start3A_1350 = tpu.memref_squeeze %dma_start3A_1349 : memref<1x1x1x8x128xf32, #tpu.memory_space<hbm>> -> memref<8x128xf32, #tpu.memory_space<hbm>>
      %dma_start3A_1351 = arith.constant 0 : i32
      %dma_start3A_1352 = arith.constant 0 : i32
      %dma_start3A_1353 = tpu.memref_slice %arg12[%dma_start3A_1337, %dma_start3A_1351, %dma_start3A_1352] : memref<8x8x129xf32, #tpu.memory_space<vmem>> -> memref<1x8x128xf32, #tpu.memory_space<vmem>>
      %dma_start3A_1354 = tpu.memref_squeeze %dma_start3A_1353 : memref<1x8x128xf32, #tpu.memory_space<vmem>> -> memref<8x128xf32, #tpu.memory_space<vmem>>
      tpu.enqueue_dma source(%dma_start3A_1354 : memref<8x128xf32, #tpu.memory_space<vmem>>) target(%dma_start3A_1350 : memref<8x128xf32, #tpu.memory_space<hbm>>) target_semaphore(%arg20 : memref<!tpu.dma_semaphore, #tpu.memory_space<semaphore_mem>>)
      %dma_start3A_1355 = arith.constant 6 : i32
      %dma_start3A_1356 = arith.constant 6 : i32
      %dma_start3A_1357 = arith.constant 0 : i32
      %dma_start3A_1358 = arith.constant 0 : i32
      %dma_start3A_1359 = tpu.memref_slice %arg12[%dma_start3A_1355, %dma_start3A_1357, %dma_start3A_1358] : memref<8x8x129xf32, #tpu.memory_space<vmem>> -> memref<1x8x128xf32, #tpu.memory_space<vmem>>
      %dma_start3A_1360 = tpu.memref_squeeze %dma_start3A_1359 : memref<1x8x128xf32, #tpu.memory_space<vmem>> -> memref<8x128xf32, #tpu.memory_space<vmem>>
      %dma_start3A_1361 = arith.constant 0 : i32
      %dma_start3A_1362 = arith.constant 0 : i32
      %dma_start3A_1363 = tpu.memref_slice %arg4[%shift_right_arithmetic3A_1221, %dma_start3A_1356, %and3A_1223, %dma_start3A_1361, %dma_start3A_1362] : memref<200x8x128x8x128xf32, #tpu.memory_space<hbm>> -> memref<1x1x1x8x128xf32, #tpu.memory_space<hbm>>
      %dma_start3A_1364 = tpu.memref_squeeze %dma_start3A_1363 : memref<1x1x1x8x128xf32, #tpu.memory_space<hbm>> -> memref<8x128xf32, #tpu.memory_space<hbm>>
      %dma_start3A_1365 = arith.constant 0 : i32
      %dma_start3A_1366 = arith.constant 0 : i32
      %dma_start3A_1367 = tpu.memref_slice %arg4[%shift_right_arithmetic3A_1221, %dma_start3A_1356, %and3A_1223, %dma_start3A_1365, %dma_start3A_1366] : memref<200x8x128x8x128xf32, #tpu.memory_space<hbm>> -> memref<1x1x1x8x128xf32, #tpu.memory_space<hbm>>
      %dma_start3A_1368 = tpu.memref_squeeze %dma_start3A_1367 : memref<1x1x1x8x128xf32, #tpu.memory_space<hbm>> -> memref<8x128xf32, #tpu.memory_space<hbm>>
      %dma_start3A_1369 = arith.constant 0 : i32
      %dma_start3A_1370 = arith.constant 0 : i32
      %dma_start3A_1371 = tpu.memref_slice %arg12[%dma_start3A_1355, %dma_start3A_1369, %dma_start3A_1370] : memref<8x8x129xf32, #tpu.memory_space<vmem>> -> memref<1x8x128xf32, #tpu.memory_space<vmem>>
      %dma_start3A_1372 = tpu.memref_squeeze %dma_start3A_1371 : memref<1x8x128xf32, #tpu.memory_space<vmem>> -> memref<8x128xf32, #tpu.memory_space<vmem>>
      tpu.enqueue_dma source(%dma_start3A_1372 : memref<8x128xf32, #tpu.memory_space<vmem>>) target(%dma_start3A_1368 : memref<8x128xf32, #tpu.memory_space<hbm>>) target_semaphore(%arg20 : memref<!tpu.dma_semaphore, #tpu.memory_space<semaphore_mem>>)
      %dma_start3A_1373 = arith.constant 7 : i32
      %dma_start3A_1374 = arith.constant 7 : i32
      %dma_start3A_1375 = arith.constant 0 : i32
      %dma_start3A_1376 = arith.constant 0 : i32
      %dma_start3A_1377 = tpu.memref_slice %arg12[%dma_start3A_1373, %dma_start3A_1375, %dma_start3A_1376] : memref<8x8x129xf32, #tpu.memory_space<vmem>> -> memref<1x8x128xf32, #tpu.memory_space<vmem>>
      %dma_start3A_1378 = tpu.memref_squeeze %dma_start3A_1377 : memref<1x8x128xf32, #tpu.memory_space<vmem>> -> memref<8x128xf32, #tpu.memory_space<vmem>>
      %dma_start3A_1379 = arith.constant 0 : i32
      %dma_start3A_1380 = arith.constant 0 : i32
      %dma_start3A_1381 = tpu.memref_slice %arg4[%shift_right_arithmetic3A_1221, %dma_start3A_1374, %and3A_1223, %dma_start3A_1379, %dma_start3A_1380] : memref<200x8x128x8x128xf32, #tpu.memory_space<hbm>> -> memref<1x1x1x8x128xf32, #tpu.memory_space<hbm>>
      %dma_start3A_1382 = tpu.memref_squeeze %dma_start3A_1381 : memref<1x1x1x8x128xf32, #tpu.memory_space<hbm>> -> memref<8x128xf32, #tpu.memory_space<hbm>>
      %dma_start3A_1383 = arith.constant 0 : i32
      %dma_start3A_1384 = arith.constant 0 : i32
      %dma_start3A_1385 = tpu.memref_slice %arg4[%shift_right_arithmetic3A_1221, %dma_start3A_1374, %and3A_1223, %dma_start3A_1383, %dma_start3A_1384] : memref<200x8x128x8x128xf32, #tpu.memory_space<hbm>> -> memref<1x1x1x8x128xf32, #tpu.memory_space<hbm>>
      %dma_start3A_1386 = tpu.memref_squeeze %dma_start3A_1385 : memref<1x1x1x8x128xf32, #tpu.memory_space<hbm>> -> memref<8x128xf32, #tpu.memory_space<hbm>>
      %dma_start3A_1387 = arith.constant 0 : i32
      %dma_start3A_1388 = arith.constant 0 : i32
      %dma_start3A_1389 = tpu.memref_slice %arg12[%dma_start3A_1373, %dma_start3A_1387, %dma_start3A_1388] : memref<8x8x129xf32, #tpu.memory_space<vmem>> -> memref<1x8x128xf32, #tpu.memory_space<vmem>>
      %dma_start3A_1390 = tpu.memref_squeeze %dma_start3A_1389 : memref<1x8x128xf32, #tpu.memory_space<vmem>> -> memref<8x128xf32, #tpu.memory_space<vmem>>
      tpu.enqueue_dma source(%dma_start3A_1390 : memref<8x128xf32, #tpu.memory_space<vmem>>) target(%dma_start3A_1386 : memref<8x128xf32, #tpu.memory_space<hbm>>) target_semaphore(%arg20 : memref<!tpu.dma_semaphore, #tpu.memory_space<semaphore_mem>>)
      %add3A_1391 = arith.constant 4 : i32
      %add3A_1392 = arith.addi %add3A_1218, %add3A_1391 : i32
      %lt3A_1393 = arith.constant 800 : i32
      %lt3A_1394 = arith.cmpi slt, %add3A_1392, %lt3A_1393 : i32
      %convert_element_type3A_1395 = arith.extui %lt3A_1394 : i1 to i32
      %cond3A_1396 = arith.constant 0 : i32
      %cond3A_1397 = arith.cmpi ne, %convert_element_type3A_1395, %cond3A_1396 : i32
      scf.if %cond3A_1397 {
        %shift_right_arithmetic3A_1581 = arith.constant 4 : i32
        %shift_right_arithmetic3A_1582 = arith.shrsi %add3A_1392, %shift_right_arithmetic3A_1581 : i32
        %and3A_1583 = arith.constant 15 : i32
        %and3A_1584 = arith.andi %add3A_1392, %and3A_1583 : i32
        %and3A_1585 = arith.constant 1 : i32
        %and3A_1586 = arith.andi %shift_right_arithmetic3A_1582, %and3A_1585 : i32
        %mul3A_1587 = arith.constant 2048 : i32
        %mul3A_1588 = arith.muli %and3A_1586, %mul3A_1587 : i32
        %mul3A_1589 = arith.constant 128 : i32
        %mul3A_1590 = arith.muli %and3A_1584, %mul3A_1589 : i32
        %add3A_1591 = arith.addi %mul3A_1588, %mul3A_1590 : i32
        %dma_start3A_1592 = tpu.memref_slice %arg5[%add3A_1591] : memref<4096xi32, #tpu.memory_space<vmem>> -> memref<128xi32, #tpu.memory_space<vmem>>
        %dma_start3A_1593 = arith.constant 0 : i32
        %dma_start3A_1594 = arith.constant 0 : i32
        %dma_start3A_1595 = tpu.memref_slice %arg3[%dma_start3A_1593, %dma_start3A_1594] : memref<8193x64xf32, #tpu.memory_space<hbm>> -> memref<8193x64xf32, #tpu.memory_space<hbm>>
        tpu.enqueue_indirect_dma source(%dma_start3A_1595 : memref<8193x64xf32, #tpu.memory_space<hbm>>) target(%arg8 : memref<128x64xf32, #tpu.memory_space<vmem>>) offsets(%dma_start3A_1592 : memref<128xi32, #tpu.memory_space<vmem>>) semaphore(%arg16 : memref<!tpu.dma_semaphore, #tpu.memory_space<semaphore_mem>>)
      } else {
      }
      %mul3A_1398 = arith.constant 4 : i32
      %mul3A_1399 = arith.muli %scan3A_845, %mul3A_1398 : i32
      %add3A_1400 = arith.constant 3 : i32
      %add3A_1401 = arith.addi %mul3A_1399, %add3A_1400 : i32
      %add3A_1402 = arith.addi %mul3A_2, %add3A_1401 : i32
      %shift_right_arithmetic3A_1403 = arith.constant 7 : i32
      %shift_right_arithmetic3A_1404 = arith.shrsi %add3A_1402, %shift_right_arithmetic3A_1403 : i32
      %and3A_1405 = arith.constant 127 : i32
      %and3A_1406 = arith.andi %add3A_1402, %and3A_1405 : i32
      %shift_right_arithmetic3A_1407 = arith.constant 4 : i32
      %shift_right_arithmetic3A_1408 = arith.shrsi %add3A_1401, %shift_right_arithmetic3A_1407 : i32
      %and3A_1409 = arith.constant 15 : i32
      %and3A_1410 = arith.andi %add3A_1401, %and3A_1409 : i32
      %and3A_1411 = arith.constant 1 : i32
      %and3A_1412 = arith.andi %shift_right_arithmetic3A_1408, %and3A_1411 : i32
      %mul3A_1413 = arith.constant 2048 : i32
      %mul3A_1414 = arith.muli %and3A_1412, %mul3A_1413 : i32
      %mul3A_1415 = arith.constant 128 : i32
      %mul3A_1416 = arith.muli %and3A_1410, %mul3A_1415 : i32
      %add3A_1417 = arith.addi %mul3A_1414, %mul3A_1416 : i32
      %dma_wait3A_1418 = tpu.memref_slice %arg5[%add3A_1417] : memref<4096xi32, #tpu.memory_space<vmem>> -> memref<128xi32, #tpu.memory_space<vmem>>
      %dma_wait3A_1419 = arith.constant 0 : i32
      %dma_wait3A_1420 = arith.constant 0 : i32
      %dma_wait3A_1421 = tpu.memref_slice %arg3[%dma_wait3A_1419, %dma_wait3A_1420] : memref<8193x64xf32, #tpu.memory_space<hbm>> -> memref<8193x64xf32, #tpu.memory_space<hbm>>
      tpu.wait_indirect_dma semaphore(%arg17 : memref<!tpu.dma_semaphore, #tpu.memory_space<semaphore_mem>>) src(%dma_wait3A_1421 : memref<8193x64xf32, #tpu.memory_space<hbm>>) dst(%arg9 : memref<128x64xf32, #tpu.memory_space<vmem>>)
      %gt3A_1422 = arith.constant 0 : i32
      %gt3A_1423 = arith.cmpi sgt, %scan3A_845, %gt3A_1422 : i32
      %convert_element_type3A_1424 = arith.extui %gt3A_1423 : i1 to i32
      %cond3A_1425 = arith.constant 0 : i32
      %cond3A_1426 = arith.cmpi ne, %convert_element_type3A_1424, %cond3A_1425 : i32
      scf.if %cond3A_1426 {
        %dma_wait3A_1581 = arith.constant 0 : i32
        %dma_wait3A_1582 = arith.constant 0 : i32
        %dma_wait3A_1583 = arith.constant 0 : i32
        %dma_wait3A_1584 = arith.constant 0 : i32
        %dma_wait3A_1585 = tpu.memref_slice %arg13[%dma_wait3A_1581, %dma_wait3A_1583, %dma_wait3A_1584] : memref<8x8x129xf32, #tpu.memory_space<vmem>> -> memref<1x8x128xf32, #tpu.memory_space<vmem>>
        %dma_wait3A_1586 = tpu.memref_squeeze %dma_wait3A_1585 : memref<1x8x128xf32, #tpu.memory_space<vmem>> -> memref<8x128xf32, #tpu.memory_space<vmem>>
        %dma_wait3A_1587 = arith.constant 0 : i32
        %dma_wait3A_1588 = arith.constant 0 : i32
        %dma_wait3A_1589 = tpu.memref_slice %arg4[%shift_right_arithmetic3A_1404, %dma_wait3A_1582, %and3A_1406, %dma_wait3A_1587, %dma_wait3A_1588] : memref<200x8x128x8x128xf32, #tpu.memory_space<hbm>> -> memref<1x1x1x8x128xf32, #tpu.memory_space<hbm>>
        %dma_wait3A_1590 = tpu.memref_squeeze %dma_wait3A_1589 : memref<1x1x1x8x128xf32, #tpu.memory_space<hbm>> -> memref<8x128xf32, #tpu.memory_space<hbm>>
        %dma_wait3A_1591 = arith.constant 0 : i32
        %dma_wait3A_1592 = arith.constant 0 : i32
        %dma_wait3A_1593 = tpu.memref_slice %arg4[%shift_right_arithmetic3A_1404, %dma_wait3A_1582, %and3A_1406, %dma_wait3A_1591, %dma_wait3A_1592] : memref<200x8x128x8x128xf32, #tpu.memory_space<hbm>> -> memref<1x1x1x8x128xf32, #tpu.memory_space<hbm>>
        %dma_wait3A_1594 = tpu.memref_squeeze %dma_wait3A_1593 : memref<1x1x1x8x128xf32, #tpu.memory_space<hbm>> -> memref<8x128xf32, #tpu.memory_space<hbm>>
        %dma_wait3A_1595 = arith.constant 0 : i32
        %dma_wait3A_1596 = arith.constant 0 : i32
        %dma_wait3A_1597 = tpu.memref_slice %arg13[%dma_wait3A_1581, %dma_wait3A_1595, %dma_wait3A_1596] : memref<8x8x129xf32, #tpu.memory_space<vmem>> -> memref<1x8x128xf32, #tpu.memory_space<vmem>>
        %dma_wait3A_1598 = tpu.memref_squeeze %dma_wait3A_1597 : memref<1x8x128xf32, #tpu.memory_space<vmem>> -> memref<8x128xf32, #tpu.memory_space<vmem>>
        tpu.wait_dma2 semaphore(%arg21 : memref<!tpu.dma_semaphore, #tpu.memory_space<semaphore_mem>>) src(%dma_wait3A_1598 : memref<8x128xf32, #tpu.memory_space<vmem>>) dst(%dma_wait3A_1594 : memref<8x128xf32, #tpu.memory_space<hbm>>)
        %dma_wait3A_1599 = arith.constant 1 : i32
        %dma_wait3A_1600 = arith.constant 1 : i32
        %dma_wait3A_1601 = arith.constant 0 : i32
        %dma_wait3A_1602 = arith.constant 0 : i32
        %dma_wait3A_1603 = tpu.memref_slice %arg13[%dma_wait3A_1599, %dma_wait3A_1601, %dma_wait3A_1602] : memref<8x8x129xf32, #tpu.memory_space<vmem>> -> memref<1x8x128xf32, #tpu.memory_space<vmem>>
        %dma_wait3A_1604 = tpu.memref_squeeze %dma_wait3A_1603 : memref<1x8x128xf32, #tpu.memory_space<vmem>> -> memref<8x128xf32, #tpu.memory_space<vmem>>
        %dma_wait3A_1605 = arith.constant 0 : i32
        %dma_wait3A_1606 = arith.constant 0 : i32
        %dma_wait3A_1607 = tpu.memref_slice %arg4[%shift_right_arithmetic3A_1404, %dma_wait3A_1600, %and3A_1406, %dma_wait3A_1605, %dma_wait3A_1606] : memref<200x8x128x8x128xf32, #tpu.memory_space<hbm>> -> memref<1x1x1x8x128xf32, #tpu.memory_space<hbm>>
        %dma_wait3A_1608 = tpu.memref_squeeze %dma_wait3A_1607 : memref<1x1x1x8x128xf32, #tpu.memory_space<hbm>> -> memref<8x128xf32, #tpu.memory_space<hbm>>
        %dma_wait3A_1609 = arith.constant 0 : i32
        %dma_wait3A_1610 = arith.constant 0 : i32
        %dma_wait3A_1611 = tpu.memref_slice %arg4[%shift_right_arithmetic3A_1404, %dma_wait3A_1600, %and3A_1406, %dma_wait3A_1609, %dma_wait3A_1610] : memref<200x8x128x8x128xf32, #tpu.memory_space<hbm>> -> memref<1x1x1x8x128xf32, #tpu.memory_space<hbm>>
        %dma_wait3A_1612 = tpu.memref_squeeze %dma_wait3A_1611 : memref<1x1x1x8x128xf32, #tpu.memory_space<hbm>> -> memref<8x128xf32, #tpu.memory_space<hbm>>
        %dma_wait3A_1613 = arith.constant 0 : i32
        %dma_wait3A_1614 = arith.constant 0 : i32
        %dma_wait3A_1615 = tpu.memref_slice %arg13[%dma_wait3A_1599, %dma_wait3A_1613, %dma_wait3A_1614] : memref<8x8x129xf32, #tpu.memory_space<vmem>> -> memref<1x8x128xf32, #tpu.memory_space<vmem>>
        %dma_wait3A_1616 = tpu.memref_squeeze %dma_wait3A_1615 : memref<1x8x128xf32, #tpu.memory_space<vmem>> -> memref<8x128xf32, #tpu.memory_space<vmem>>
        tpu.wait_dma2 semaphore(%arg21 : memref<!tpu.dma_semaphore, #tpu.memory_space<semaphore_mem>>) src(%dma_wait3A_1616 : memref<8x128xf32, #tpu.memory_space<vmem>>) dst(%dma_wait3A_1612 : memref<8x128xf32, #tpu.memory_space<hbm>>)
        %dma_wait3A_1617 = arith.constant 2 : i32
        %dma_wait3A_1618 = arith.constant 2 : i32
        %dma_wait3A_1619 = arith.constant 0 : i32
        %dma_wait3A_1620 = arith.constant 0 : i32
        %dma_wait3A_1621 = tpu.memref_slice %arg13[%dma_wait3A_1617, %dma_wait3A_1619, %dma_wait3A_1620] : memref<8x8x129xf32, #tpu.memory_space<vmem>> -> memref<1x8x128xf32, #tpu.memory_space<vmem>>
        %dma_wait3A_1622 = tpu.memref_squeeze %dma_wait3A_1621 : memref<1x8x128xf32, #tpu.memory_space<vmem>> -> memref<8x128xf32, #tpu.memory_space<vmem>>
        %dma_wait3A_1623 = arith.constant 0 : i32
        %dma_wait3A_1624 = arith.constant 0 : i32
        %dma_wait3A_1625 = tpu.memref_slice %arg4[%shift_right_arithmetic3A_1404, %dma_wait3A_1618, %and3A_1406, %dma_wait3A_1623, %dma_wait3A_1624] : memref<200x8x128x8x128xf32, #tpu.memory_space<hbm>> -> memref<1x1x1x8x128xf32, #tpu.memory_space<hbm>>
        %dma_wait3A_1626 = tpu.memref_squeeze %dma_wait3A_1625 : memref<1x1x1x8x128xf32, #tpu.memory_space<hbm>> -> memref<8x128xf32, #tpu.memory_space<hbm>>
        %dma_wait3A_1627 = arith.constant 0 : i32
        %dma_wait3A_1628 = arith.constant 0 : i32
        %dma_wait3A_1629 = tpu.memref_slice %arg4[%shift_right_arithmetic3A_1404, %dma_wait3A_1618, %and3A_1406, %dma_wait3A_1627, %dma_wait3A_1628] : memref<200x8x128x8x128xf32, #tpu.memory_space<hbm>> -> memref<1x1x1x8x128xf32, #tpu.memory_space<hbm>>
        %dma_wait3A_1630 = tpu.memref_squeeze %dma_wait3A_1629 : memref<1x1x1x8x128xf32, #tpu.memory_space<hbm>> -> memref<8x128xf32, #tpu.memory_space<hbm>>
        %dma_wait3A_1631 = arith.constant 0 : i32
        %dma_wait3A_1632 = arith.constant 0 : i32
        %dma_wait3A_1633 = tpu.memref_slice %arg13[%dma_wait3A_1617, %dma_wait3A_1631, %dma_wait3A_1632] : memref<8x8x129xf32, #tpu.memory_space<vmem>> -> memref<1x8x128xf32, #tpu.memory_space<vmem>>
        %dma_wait3A_1634 = tpu.memref_squeeze %dma_wait3A_1633 : memref<1x8x128xf32, #tpu.memory_space<vmem>> -> memref<8x128xf32, #tpu.memory_space<vmem>>
        tpu.wait_dma2 semaphore(%arg21 : memref<!tpu.dma_semaphore, #tpu.memory_space<semaphore_mem>>) src(%dma_wait3A_1634 : memref<8x128xf32, #tpu.memory_space<vmem>>) dst(%dma_wait3A_1630 : memref<8x128xf32, #tpu.memory_space<hbm>>)
        %dma_wait3A_1635 = arith.constant 3 : i32
        %dma_wait3A_1636 = arith.constant 3 : i32
        %dma_wait3A_1637 = arith.constant 0 : i32
        %dma_wait3A_1638 = arith.constant 0 : i32
        %dma_wait3A_1639 = tpu.memref_slice %arg13[%dma_wait3A_1635, %dma_wait3A_1637, %dma_wait3A_1638] : memref<8x8x129xf32, #tpu.memory_space<vmem>> -> memref<1x8x128xf32, #tpu.memory_space<vmem>>
        %dma_wait3A_1640 = tpu.memref_squeeze %dma_wait3A_1639 : memref<1x8x128xf32, #tpu.memory_space<vmem>> -> memref<8x128xf32, #tpu.memory_space<vmem>>
        %dma_wait3A_1641 = arith.constant 0 : i32
        %dma_wait3A_1642 = arith.constant 0 : i32
        %dma_wait3A_1643 = tpu.memref_slice %arg4[%shift_right_arithmetic3A_1404, %dma_wait3A_1636, %and3A_1406, %dma_wait3A_1641, %dma_wait3A_1642] : memref<200x8x128x8x128xf32, #tpu.memory_space<hbm>> -> memref<1x1x1x8x128xf32, #tpu.memory_space<hbm>>
        %dma_wait3A_1644 = tpu.memref_squeeze %dma_wait3A_1643 : memref<1x1x1x8x128xf32, #tpu.memory_space<hbm>> -> memref<8x128xf32, #tpu.memory_space<hbm>>
        %dma_wait3A_1645 = arith.constant 0 : i32
        %dma_wait3A_1646 = arith.constant 0 : i32
        %dma_wait3A_1647 = tpu.memref_slice %arg4[%shift_right_arithmetic3A_1404, %dma_wait3A_1636, %and3A_1406, %dma_wait3A_1645, %dma_wait3A_1646] : memref<200x8x128x8x128xf32, #tpu.memory_space<hbm>> -> memref<1x1x1x8x128xf32, #tpu.memory_space<hbm>>
        %dma_wait3A_1648 = tpu.memref_squeeze %dma_wait3A_1647 : memref<1x1x1x8x128xf32, #tpu.memory_space<hbm>> -> memref<8x128xf32, #tpu.memory_space<hbm>>
        %dma_wait3A_1649 = arith.constant 0 : i32
        %dma_wait3A_1650 = arith.constant 0 : i32
        %dma_wait3A_1651 = tpu.memref_slice %arg13[%dma_wait3A_1635, %dma_wait3A_1649, %dma_wait3A_1650] : memref<8x8x129xf32, #tpu.memory_space<vmem>> -> memref<1x8x128xf32, #tpu.memory_space<vmem>>
        %dma_wait3A_1652 = tpu.memref_squeeze %dma_wait3A_1651 : memref<1x8x128xf32, #tpu.memory_space<vmem>> -> memref<8x128xf32, #tpu.memory_space<vmem>>
        tpu.wait_dma2 semaphore(%arg21 : memref<!tpu.dma_semaphore, #tpu.memory_space<semaphore_mem>>) src(%dma_wait3A_1652 : memref<8x128xf32, #tpu.memory_space<vmem>>) dst(%dma_wait3A_1648 : memref<8x128xf32, #tpu.memory_space<hbm>>)
        %dma_wait3A_1653 = arith.constant 4 : i32
        %dma_wait3A_1654 = arith.constant 4 : i32
        %dma_wait3A_1655 = arith.constant 0 : i32
        %dma_wait3A_1656 = arith.constant 0 : i32
        %dma_wait3A_1657 = tpu.memref_slice %arg13[%dma_wait3A_1653, %dma_wait3A_1655, %dma_wait3A_1656] : memref<8x8x129xf32, #tpu.memory_space<vmem>> -> memref<1x8x128xf32, #tpu.memory_space<vmem>>
        %dma_wait3A_1658 = tpu.memref_squeeze %dma_wait3A_1657 : memref<1x8x128xf32, #tpu.memory_space<vmem>> -> memref<8x128xf32, #tpu.memory_space<vmem>>
        %dma_wait3A_1659 = arith.constant 0 : i32
        %dma_wait3A_1660 = arith.constant 0 : i32
        %dma_wait3A_1661 = tpu.memref_slice %arg4[%shift_right_arithmetic3A_1404, %dma_wait3A_1654, %and3A_1406, %dma_wait3A_1659, %dma_wait3A_1660] : memref<200x8x128x8x128xf32, #tpu.memory_space<hbm>> -> memref<1x1x1x8x128xf32, #tpu.memory_space<hbm>>
        %dma_wait3A_1662 = tpu.memref_squeeze %dma_wait3A_1661 : memref<1x1x1x8x128xf32, #tpu.memory_space<hbm>> -> memref<8x128xf32, #tpu.memory_space<hbm>>
        %dma_wait3A_1663 = arith.constant 0 : i32
        %dma_wait3A_1664 = arith.constant 0 : i32
        %dma_wait3A_1665 = tpu.memref_slice %arg4[%shift_right_arithmetic3A_1404, %dma_wait3A_1654, %and3A_1406, %dma_wait3A_1663, %dma_wait3A_1664] : memref<200x8x128x8x128xf32, #tpu.memory_space<hbm>> -> memref<1x1x1x8x128xf32, #tpu.memory_space<hbm>>
        %dma_wait3A_1666 = tpu.memref_squeeze %dma_wait3A_1665 : memref<1x1x1x8x128xf32, #tpu.memory_space<hbm>> -> memref<8x128xf32, #tpu.memory_space<hbm>>
        %dma_wait3A_1667 = arith.constant 0 : i32
        %dma_wait3A_1668 = arith.constant 0 : i32
        %dma_wait3A_1669 = tpu.memref_slice %arg13[%dma_wait3A_1653, %dma_wait3A_1667, %dma_wait3A_1668] : memref<8x8x129xf32, #tpu.memory_space<vmem>> -> memref<1x8x128xf32, #tpu.memory_space<vmem>>
        %dma_wait3A_1670 = tpu.memref_squeeze %dma_wait3A_1669 : memref<1x8x128xf32, #tpu.memory_space<vmem>> -> memref<8x128xf32, #tpu.memory_space<vmem>>
        tpu.wait_dma2 semaphore(%arg21 : memref<!tpu.dma_semaphore, #tpu.memory_space<semaphore_mem>>) src(%dma_wait3A_1670 : memref<8x128xf32, #tpu.memory_space<vmem>>) dst(%dma_wait3A_1666 : memref<8x128xf32, #tpu.memory_space<hbm>>)
        %dma_wait3A_1671 = arith.constant 5 : i32
        %dma_wait3A_1672 = arith.constant 5 : i32
        %dma_wait3A_1673 = arith.constant 0 : i32
        %dma_wait3A_1674 = arith.constant 0 : i32
        %dma_wait3A_1675 = tpu.memref_slice %arg13[%dma_wait3A_1671, %dma_wait3A_1673, %dma_wait3A_1674] : memref<8x8x129xf32, #tpu.memory_space<vmem>> -> memref<1x8x128xf32, #tpu.memory_space<vmem>>
        %dma_wait3A_1676 = tpu.memref_squeeze %dma_wait3A_1675 : memref<1x8x128xf32, #tpu.memory_space<vmem>> -> memref<8x128xf32, #tpu.memory_space<vmem>>
        %dma_wait3A_1677 = arith.constant 0 : i32
        %dma_wait3A_1678 = arith.constant 0 : i32
        %dma_wait3A_1679 = tpu.memref_slice %arg4[%shift_right_arithmetic3A_1404, %dma_wait3A_1672, %and3A_1406, %dma_wait3A_1677, %dma_wait3A_1678] : memref<200x8x128x8x128xf32, #tpu.memory_space<hbm>> -> memref<1x1x1x8x128xf32, #tpu.memory_space<hbm>>
        %dma_wait3A_1680 = tpu.memref_squeeze %dma_wait3A_1679 : memref<1x1x1x8x128xf32, #tpu.memory_space<hbm>> -> memref<8x128xf32, #tpu.memory_space<hbm>>
        %dma_wait3A_1681 = arith.constant 0 : i32
        %dma_wait3A_1682 = arith.constant 0 : i32
        %dma_wait3A_1683 = tpu.memref_slice %arg4[%shift_right_arithmetic3A_1404, %dma_wait3A_1672, %and3A_1406, %dma_wait3A_1681, %dma_wait3A_1682] : memref<200x8x128x8x128xf32, #tpu.memory_space<hbm>> -> memref<1x1x1x8x128xf32, #tpu.memory_space<hbm>>
        %dma_wait3A_1684 = tpu.memref_squeeze %dma_wait3A_1683 : memref<1x1x1x8x128xf32, #tpu.memory_space<hbm>> -> memref<8x128xf32, #tpu.memory_space<hbm>>
        %dma_wait3A_1685 = arith.constant 0 : i32
        %dma_wait3A_1686 = arith.constant 0 : i32
        %dma_wait3A_1687 = tpu.memref_slice %arg13[%dma_wait3A_1671, %dma_wait3A_1685, %dma_wait3A_1686] : memref<8x8x129xf32, #tpu.memory_space<vmem>> -> memref<1x8x128xf32, #tpu.memory_space<vmem>>
        %dma_wait3A_1688 = tpu.memref_squeeze %dma_wait3A_1687 : memref<1x8x128xf32, #tpu.memory_space<vmem>> -> memref<8x128xf32, #tpu.memory_space<vmem>>
        tpu.wait_dma2 semaphore(%arg21 : memref<!tpu.dma_semaphore, #tpu.memory_space<semaphore_mem>>) src(%dma_wait3A_1688 : memref<8x128xf32, #tpu.memory_space<vmem>>) dst(%dma_wait3A_1684 : memref<8x128xf32, #tpu.memory_space<hbm>>)
        %dma_wait3A_1689 = arith.constant 6 : i32
        %dma_wait3A_1690 = arith.constant 6 : i32
        %dma_wait3A_1691 = arith.constant 0 : i32
        %dma_wait3A_1692 = arith.constant 0 : i32
        %dma_wait3A_1693 = tpu.memref_slice %arg13[%dma_wait3A_1689, %dma_wait3A_1691, %dma_wait3A_1692] : memref<8x8x129xf32, #tpu.memory_space<vmem>> -> memref<1x8x128xf32, #tpu.memory_space<vmem>>
        %dma_wait3A_1694 = tpu.memref_squeeze %dma_wait3A_1693 : memref<1x8x128xf32, #tpu.memory_space<vmem>> -> memref<8x128xf32, #tpu.memory_space<vmem>>
        %dma_wait3A_1695 = arith.constant 0 : i32
        %dma_wait3A_1696 = arith.constant 0 : i32
        %dma_wait3A_1697 = tpu.memref_slice %arg4[%shift_right_arithmetic3A_1404, %dma_wait3A_1690, %and3A_1406, %dma_wait3A_1695, %dma_wait3A_1696] : memref<200x8x128x8x128xf32, #tpu.memory_space<hbm>> -> memref<1x1x1x8x128xf32, #tpu.memory_space<hbm>>
        %dma_wait3A_1698 = tpu.memref_squeeze %dma_wait3A_1697 : memref<1x1x1x8x128xf32, #tpu.memory_space<hbm>> -> memref<8x128xf32, #tpu.memory_space<hbm>>
        %dma_wait3A_1699 = arith.constant 0 : i32
        %dma_wait3A_1700 = arith.constant 0 : i32
        %dma_wait3A_1701 = tpu.memref_slice %arg4[%shift_right_arithmetic3A_1404, %dma_wait3A_1690, %and3A_1406, %dma_wait3A_1699, %dma_wait3A_1700] : memref<200x8x128x8x128xf32, #tpu.memory_space<hbm>> -> memref<1x1x1x8x128xf32, #tpu.memory_space<hbm>>
        %dma_wait3A_1702 = tpu.memref_squeeze %dma_wait3A_1701 : memref<1x1x1x8x128xf32, #tpu.memory_space<hbm>> -> memref<8x128xf32, #tpu.memory_space<hbm>>
        %dma_wait3A_1703 = arith.constant 0 : i32
        %dma_wait3A_1704 = arith.constant 0 : i32
        %dma_wait3A_1705 = tpu.memref_slice %arg13[%dma_wait3A_1689, %dma_wait3A_1703, %dma_wait3A_1704] : memref<8x8x129xf32, #tpu.memory_space<vmem>> -> memref<1x8x128xf32, #tpu.memory_space<vmem>>
        %dma_wait3A_1706 = tpu.memref_squeeze %dma_wait3A_1705 : memref<1x8x128xf32, #tpu.memory_space<vmem>> -> memref<8x128xf32, #tpu.memory_space<vmem>>
        tpu.wait_dma2 semaphore(%arg21 : memref<!tpu.dma_semaphore, #tpu.memory_space<semaphore_mem>>) src(%dma_wait3A_1706 : memref<8x128xf32, #tpu.memory_space<vmem>>) dst(%dma_wait3A_1702 : memref<8x128xf32, #tpu.memory_space<hbm>>)
        %dma_wait3A_1707 = arith.constant 7 : i32
        %dma_wait3A_1708 = arith.constant 7 : i32
        %dma_wait3A_1709 = arith.constant 0 : i32
        %dma_wait3A_1710 = arith.constant 0 : i32
        %dma_wait3A_1711 = tpu.memref_slice %arg13[%dma_wait3A_1707, %dma_wait3A_1709, %dma_wait3A_1710] : memref<8x8x129xf32, #tpu.memory_space<vmem>> -> memref<1x8x128xf32, #tpu.memory_space<vmem>>
        %dma_wait3A_1712 = tpu.memref_squeeze %dma_wait3A_1711 : memref<1x8x128xf32, #tpu.memory_space<vmem>> -> memref<8x128xf32, #tpu.memory_space<vmem>>
        %dma_wait3A_1713 = arith.constant 0 : i32
        %dma_wait3A_1714 = arith.constant 0 : i32
        %dma_wait3A_1715 = tpu.memref_slice %arg4[%shift_right_arithmetic3A_1404, %dma_wait3A_1708, %and3A_1406, %dma_wait3A_1713, %dma_wait3A_1714] : memref<200x8x128x8x128xf32, #tpu.memory_space<hbm>> -> memref<1x1x1x8x128xf32, #tpu.memory_space<hbm>>
        %dma_wait3A_1716 = tpu.memref_squeeze %dma_wait3A_1715 : memref<1x1x1x8x128xf32, #tpu.memory_space<hbm>> -> memref<8x128xf32, #tpu.memory_space<hbm>>
        %dma_wait3A_1717 = arith.constant 0 : i32
        %dma_wait3A_1718 = arith.constant 0 : i32
        %dma_wait3A_1719 = tpu.memref_slice %arg4[%shift_right_arithmetic3A_1404, %dma_wait3A_1708, %and3A_1406, %dma_wait3A_1717, %dma_wait3A_1718] : memref<200x8x128x8x128xf32, #tpu.memory_space<hbm>> -> memref<1x1x1x8x128xf32, #tpu.memory_space<hbm>>
        %dma_wait3A_1720 = tpu.memref_squeeze %dma_wait3A_1719 : memref<1x1x1x8x128xf32, #tpu.memory_space<hbm>> -> memref<8x128xf32, #tpu.memory_space<hbm>>
        %dma_wait3A_1721 = arith.constant 0 : i32
        %dma_wait3A_1722 = arith.constant 0 : i32
        %dma_wait3A_1723 = tpu.memref_slice %arg13[%dma_wait3A_1707, %dma_wait3A_1721, %dma_wait3A_1722] : memref<8x8x129xf32, #tpu.memory_space<vmem>> -> memref<1x8x128xf32, #tpu.memory_space<vmem>>
        %dma_wait3A_1724 = tpu.memref_squeeze %dma_wait3A_1723 : memref<1x8x128xf32, #tpu.memory_space<vmem>> -> memref<8x128xf32, #tpu.memory_space<vmem>>
        tpu.wait_dma2 semaphore(%arg21 : memref<!tpu.dma_semaphore, #tpu.memory_space<semaphore_mem>>) src(%dma_wait3A_1724 : memref<8x128xf32, #tpu.memory_space<vmem>>) dst(%dma_wait3A_1720 : memref<8x128xf32, #tpu.memory_space<hbm>>)
      } else {
      }
      %parallel_loop3A_1427 = arith.constant 0 : i32
      %parallel_loop3A_1428 = arith.constant 128 : i32
      %parallel_loop3A_1429 = arith.constant 1 : i32
      scf.for %parallel_loop3A_1581 = %parallel_loop3A_1427 to %parallel_loop3A_1428 step %parallel_loop3A_1429  : i32 {
        %parallel_loop3A_1582 = vector.broadcast %parallel_loop3A_1581 : i32 to vector<16xi32>
        %parallel_loop3A_1583 = arith.index_cast %parallel_loop3A_1581 : i32 to index
        %parallel_loop3A_1584 = arith.constant 0 : index
        %parallel_loop3A_1585 = tpu.vector_load %arg9[%parallel_loop3A_1583, %parallel_loop3A_1584] {strides = array<i32>} : memref<128x64xf32, #tpu.memory_space<vmem>>, vector<16xf32>,
        tpu.vector_store_idx %arg13[%shift_right_arithmetic3A_16, %and3A_27, %parallel_loop3A_1582], %parallel_loop3A_1585 : memref<8x8x129xf32, #tpu.memory_space<vmem>>[vector<16xi32>, vector<16xi32>, vector<16xi32>], vector<16xf32>,
        %parallel_loop3A_1586 = arith.index_cast %parallel_loop3A_1581 : i32 to index
        %parallel_loop3A_1587 = arith.constant 16 : index
        %parallel_loop3A_1588 = tpu.vector_load %arg9[%parallel_loop3A_1586, %parallel_loop3A_1587] {strides = array<i32>} : memref<128x64xf32, #tpu.memory_space<vmem>>, vector<16xf32>,
        tpu.vector_store_idx %arg13[%shift_right_arithmetic3A_19, %and3A_30, %parallel_loop3A_1582], %parallel_loop3A_1588 : memref<8x8x129xf32, #tpu.memory_space<vmem>>[vector<16xi32>, vector<16xi32>, vector<16xi32>], vector<16xf32>,
        %parallel_loop3A_1589 = arith.index_cast %parallel_loop3A_1581 : i32 to index
        %parallel_loop3A_1590 = arith.constant 32 : index
        %parallel_loop3A_1591 = tpu.vector_load %arg9[%parallel_loop3A_1589, %parallel_loop3A_1590] {strides = array<i32>} : memref<128x64xf32, #tpu.memory_space<vmem>>, vector<16xf32>,
        tpu.vector_store_idx %arg13[%shift_right_arithmetic3A_22, %and3A_33, %parallel_loop3A_1582], %parallel_loop3A_1591 : memref<8x8x129xf32, #tpu.memory_space<vmem>>[vector<16xi32>, vector<16xi32>, vector<16xi32>], vector<16xf32>,
        %parallel_loop3A_1592 = arith.index_cast %parallel_loop3A_1581 : i32 to index
        %parallel_loop3A_1593 = arith.constant 48 : index
        %parallel_loop3A_1594 = tpu.vector_load %arg9[%parallel_loop3A_1592, %parallel_loop3A_1593] {strides = array<i32>} : memref<128x64xf32, #tpu.memory_space<vmem>>, vector<16xf32>,
        tpu.vector_store_idx %arg13[%shift_right_arithmetic3A_25, %and3A_36, %parallel_loop3A_1582], %parallel_loop3A_1594 : memref<8x8x129xf32, #tpu.memory_space<vmem>>[vector<16xi32>, vector<16xi32>, vector<16xi32>], vector<16xf32>,
      } {sc.loop_unroll_factor = 8 : i64, sc.parallel_access}
      %dma_start3A_1430 = arith.constant 0 : i32
      %dma_start3A_1431 = arith.constant 0 : i32
      %dma_start3A_1432 = arith.constant 0 : i32
      %dma_start3A_1433 = arith.constant 0 : i32
      %dma_start3A_1434 = tpu.memref_slice %arg13[%dma_start3A_1430, %dma_start3A_1432, %dma_start3A_1433] : memref<8x8x129xf32, #tpu.memory_space<vmem>> -> memref<1x8x128xf32, #tpu.memory_space<vmem>>
      %dma_start3A_1435 = tpu.memref_squeeze %dma_start3A_1434 : memref<1x8x128xf32, #tpu.memory_space<vmem>> -> memref<8x128xf32, #tpu.memory_space<vmem>>
      %dma_start3A_1436 = arith.constant 0 : i32
      %dma_start3A_1437 = arith.constant 0 : i32
      %dma_start3A_1438 = tpu.memref_slice %arg4[%shift_right_arithmetic3A_1404, %dma_start3A_1431, %and3A_1406, %dma_start3A_1436, %dma_start3A_1437] : memref<200x8x128x8x128xf32, #tpu.memory_space<hbm>> -> memref<1x1x1x8x128xf32, #tpu.memory_space<hbm>>
      %dma_start3A_1439 = tpu.memref_squeeze %dma_start3A_1438 : memref<1x1x1x8x128xf32, #tpu.memory_space<hbm>> -> memref<8x128xf32, #tpu.memory_space<hbm>>
      %dma_start3A_1440 = arith.constant 0 : i32
      %dma_start3A_1441 = arith.constant 0 : i32
      %dma_start3A_1442 = tpu.memref_slice %arg4[%shift_right_arithmetic3A_1404, %dma_start3A_1431, %and3A_1406, %dma_start3A_1440, %dma_start3A_1441] : memref<200x8x128x8x128xf32, #tpu.memory_space<hbm>> -> memref<1x1x1x8x128xf32, #tpu.memory_space<hbm>>
      %dma_start3A_1443 = tpu.memref_squeeze %dma_start3A_1442 : memref<1x1x1x8x128xf32, #tpu.memory_space<hbm>> -> memref<8x128xf32, #tpu.memory_space<hbm>>
      %dma_start3A_1444 = arith.constant 0 : i32
      %dma_start3A_1445 = arith.constant 0 : i32
      %dma_start3A_1446 = tpu.memref_slice %arg13[%dma_start3A_1430, %dma_start3A_1444, %dma_start3A_1445] : memref<8x8x129xf32, #tpu.memory_space<vmem>> -> memref<1x8x128xf32, #tpu.memory_space<vmem>>
      %dma_start3A_1447 = tpu.memref_squeeze %dma_start3A_1446 : memref<1x8x128xf32, #tpu.memory_space<vmem>> -> memref<8x128xf32, #tpu.memory_space<vmem>>
      tpu.enqueue_dma source(%dma_start3A_1447 : memref<8x128xf32, #tpu.memory_space<vmem>>) target(%dma_start3A_1443 : memref<8x128xf32, #tpu.memory_space<hbm>>) target_semaphore(%arg21 : memref<!tpu.dma_semaphore, #tpu.memory_space<semaphore_mem>>)
      %dma_start3A_1448 = arith.constant 1 : i32
      %dma_start3A_1449 = arith.constant 1 : i32
      %dma_start3A_1450 = arith.constant 0 : i32
      %dma_start3A_1451 = arith.constant 0 : i32
      %dma_start3A_1452 = tpu.memref_slice %arg13[%dma_start3A_1448, %dma_start3A_1450, %dma_start3A_1451] : memref<8x8x129xf32, #tpu.memory_space<vmem>> -> memref<1x8x128xf32, #tpu.memory_space<vmem>>
      %dma_start3A_1453 = tpu.memref_squeeze %dma_start3A_1452 : memref<1x8x128xf32, #tpu.memory_space<vmem>> -> memref<8x128xf32, #tpu.memory_space<vmem>>
      %dma_start3A_1454 = arith.constant 0 : i32
      %dma_start3A_1455 = arith.constant 0 : i32
      %dma_start3A_1456 = tpu.memref_slice %arg4[%shift_right_arithmetic3A_1404, %dma_start3A_1449, %and3A_1406, %dma_start3A_1454, %dma_start3A_1455] : memref<200x8x128x8x128xf32, #tpu.memory_space<hbm>> -> memref<1x1x1x8x128xf32, #tpu.memory_space<hbm>>
      %dma_start3A_1457 = tpu.memref_squeeze %dma_start3A_1456 : memref<1x1x1x8x128xf32, #tpu.memory_space<hbm>> -> memref<8x128xf32, #tpu.memory_space<hbm>>
      %dma_start3A_1458 = arith.constant 0 : i32
      %dma_start3A_1459 = arith.constant 0 : i32
      %dma_start3A_1460 = tpu.memref_slice %arg4[%shift_right_arithmetic3A_1404, %dma_start3A_1449, %and3A_1406, %dma_start3A_1458, %dma_start3A_1459] : memref<200x8x128x8x128xf32, #tpu.memory_space<hbm>> -> memref<1x1x1x8x128xf32, #tpu.memory_space<hbm>>
      %dma_start3A_1461 = tpu.memref_squeeze %dma_start3A_1460 : memref<1x1x1x8x128xf32, #tpu.memory_space<hbm>> -> memref<8x128xf32, #tpu.memory_space<hbm>>
      %dma_start3A_1462 = arith.constant 0 : i32
      %dma_start3A_1463 = arith.constant 0 : i32
      %dma_start3A_1464 = tpu.memref_slice %arg13[%dma_start3A_1448, %dma_start3A_1462, %dma_start3A_1463] : memref<8x8x129xf32, #tpu.memory_space<vmem>> -> memref<1x8x128xf32, #tpu.memory_space<vmem>>
      %dma_start3A_1465 = tpu.memref_squeeze %dma_start3A_1464 : memref<1x8x128xf32, #tpu.memory_space<vmem>> -> memref<8x128xf32, #tpu.memory_space<vmem>>
      tpu.enqueue_dma source(%dma_start3A_1465 : memref<8x128xf32, #tpu.memory_space<vmem>>) target(%dma_start3A_1461 : memref<8x128xf32, #tpu.memory_space<hbm>>) target_semaphore(%arg21 : memref<!tpu.dma_semaphore, #tpu.memory_space<semaphore_mem>>)
      %dma_start3A_1466 = arith.constant 2 : i32
      %dma_start3A_1467 = arith.constant 2 : i32
      %dma_start3A_1468 = arith.constant 0 : i32
      %dma_start3A_1469 = arith.constant 0 : i32
      %dma_start3A_1470 = tpu.memref_slice %arg13[%dma_start3A_1466, %dma_start3A_1468, %dma_start3A_1469] : memref<8x8x129xf32, #tpu.memory_space<vmem>> -> memref<1x8x128xf32, #tpu.memory_space<vmem>>
      %dma_start3A_1471 = tpu.memref_squeeze %dma_start3A_1470 : memref<1x8x128xf32, #tpu.memory_space<vmem>> -> memref<8x128xf32, #tpu.memory_space<vmem>>
      %dma_start3A_1472 = arith.constant 0 : i32
      %dma_start3A_1473 = arith.constant 0 : i32
      %dma_start3A_1474 = tpu.memref_slice %arg4[%shift_right_arithmetic3A_1404, %dma_start3A_1467, %and3A_1406, %dma_start3A_1472, %dma_start3A_1473] : memref<200x8x128x8x128xf32, #tpu.memory_space<hbm>> -> memref<1x1x1x8x128xf32, #tpu.memory_space<hbm>>
      %dma_start3A_1475 = tpu.memref_squeeze %dma_start3A_1474 : memref<1x1x1x8x128xf32, #tpu.memory_space<hbm>> -> memref<8x128xf32, #tpu.memory_space<hbm>>
      %dma_start3A_1476 = arith.constant 0 : i32
      %dma_start3A_1477 = arith.constant 0 : i32
      %dma_start3A_1478 = tpu.memref_slice %arg4[%shift_right_arithmetic3A_1404, %dma_start3A_1467, %and3A_1406, %dma_start3A_1476, %dma_start3A_1477] : memref<200x8x128x8x128xf32, #tpu.memory_space<hbm>> -> memref<1x1x1x8x128xf32, #tpu.memory_space<hbm>>
      %dma_start3A_1479 = tpu.memref_squeeze %dma_start3A_1478 : memref<1x1x1x8x128xf32, #tpu.memory_space<hbm>> -> memref<8x128xf32, #tpu.memory_space<hbm>>
      %dma_start3A_1480 = arith.constant 0 : i32
      %dma_start3A_1481 = arith.constant 0 : i32
      %dma_start3A_1482 = tpu.memref_slice %arg13[%dma_start3A_1466, %dma_start3A_1480, %dma_start3A_1481] : memref<8x8x129xf32, #tpu.memory_space<vmem>> -> memref<1x8x128xf32, #tpu.memory_space<vmem>>
      %dma_start3A_1483 = tpu.memref_squeeze %dma_start3A_1482 : memref<1x8x128xf32, #tpu.memory_space<vmem>> -> memref<8x128xf32, #tpu.memory_space<vmem>>
      tpu.enqueue_dma source(%dma_start3A_1483 : memref<8x128xf32, #tpu.memory_space<vmem>>) target(%dma_start3A_1479 : memref<8x128xf32, #tpu.memory_space<hbm>>) target_semaphore(%arg21 : memref<!tpu.dma_semaphore, #tpu.memory_space<semaphore_mem>>)
      %dma_start3A_1484 = arith.constant 3 : i32
      %dma_start3A_1485 = arith.constant 3 : i32
      %dma_start3A_1486 = arith.constant 0 : i32
      %dma_start3A_1487 = arith.constant 0 : i32
      %dma_start3A_1488 = tpu.memref_slice %arg13[%dma_start3A_1484, %dma_start3A_1486, %dma_start3A_1487] : memref<8x8x129xf32, #tpu.memory_space<vmem>> -> memref<1x8x128xf32, #tpu.memory_space<vmem>>
      %dma_start3A_1489 = tpu.memref_squeeze %dma_start3A_1488 : memref<1x8x128xf32, #tpu.memory_space<vmem>> -> memref<8x128xf32, #tpu.memory_space<vmem>>
      %dma_start3A_1490 = arith.constant 0 : i32
      %dma_start3A_1491 = arith.constant 0 : i32
      %dma_start3A_1492 = tpu.memref_slice %arg4[%shift_right_arithmetic3A_1404, %dma_start3A_1485, %and3A_1406, %dma_start3A_1490, %dma_start3A_1491] : memref<200x8x128x8x128xf32, #tpu.memory_space<hbm>> -> memref<1x1x1x8x128xf32, #tpu.memory_space<hbm>>
      %dma_start3A_1493 = tpu.memref_squeeze %dma_start3A_1492 : memref<1x1x1x8x128xf32, #tpu.memory_space<hbm>> -> memref<8x128xf32, #tpu.memory_space<hbm>>
      %dma_start3A_1494 = arith.constant 0 : i32
      %dma_start3A_1495 = arith.constant 0 : i32
      %dma_start3A_1496 = tpu.memref_slice %arg4[%shift_right_arithmetic3A_1404, %dma_start3A_1485, %and3A_1406, %dma_start3A_1494, %dma_start3A_1495] : memref<200x8x128x8x128xf32, #tpu.memory_space<hbm>> -> memref<1x1x1x8x128xf32, #tpu.memory_space<hbm>>
      %dma_start3A_1497 = tpu.memref_squeeze %dma_start3A_1496 : memref<1x1x1x8x128xf32, #tpu.memory_space<hbm>> -> memref<8x128xf32, #tpu.memory_space<hbm>>
      %dma_start3A_1498 = arith.constant 0 : i32
      %dma_start3A_1499 = arith.constant 0 : i32
      %dma_start3A_1500 = tpu.memref_slice %arg13[%dma_start3A_1484, %dma_start3A_1498, %dma_start3A_1499] : memref<8x8x129xf32, #tpu.memory_space<vmem>> -> memref<1x8x128xf32, #tpu.memory_space<vmem>>
      %dma_start3A_1501 = tpu.memref_squeeze %dma_start3A_1500 : memref<1x8x128xf32, #tpu.memory_space<vmem>> -> memref<8x128xf32, #tpu.memory_space<vmem>>
      tpu.enqueue_dma source(%dma_start3A_1501 : memref<8x128xf32, #tpu.memory_space<vmem>>) target(%dma_start3A_1497 : memref<8x128xf32, #tpu.memory_space<hbm>>) target_semaphore(%arg21 : memref<!tpu.dma_semaphore, #tpu.memory_space<semaphore_mem>>)
      %dma_start3A_1502 = arith.constant 4 : i32
      %dma_start3A_1503 = arith.constant 4 : i32
      %dma_start3A_1504 = arith.constant 0 : i32
      %dma_start3A_1505 = arith.constant 0 : i32
      %dma_start3A_1506 = tpu.memref_slice %arg13[%dma_start3A_1502, %dma_start3A_1504, %dma_start3A_1505] : memref<8x8x129xf32, #tpu.memory_space<vmem>> -> memref<1x8x128xf32, #tpu.memory_space<vmem>>
      %dma_start3A_1507 = tpu.memref_squeeze %dma_start3A_1506 : memref<1x8x128xf32, #tpu.memory_space<vmem>> -> memref<8x128xf32, #tpu.memory_space<vmem>>
      %dma_start3A_1508 = arith.constant 0 : i32
      %dma_start3A_1509 = arith.constant 0 : i32
      %dma_start3A_1510 = tpu.memref_slice %arg4[%shift_right_arithmetic3A_1404, %dma_start3A_1503, %and3A_1406, %dma_start3A_1508, %dma_start3A_1509] : memref<200x8x128x8x128xf32, #tpu.memory_space<hbm>> -> memref<1x1x1x8x128xf32, #tpu.memory_space<hbm>>
      %dma_start3A_1511 = tpu.memref_squeeze %dma_start3A_1510 : memref<1x1x1x8x128xf32, #tpu.memory_space<hbm>> -> memref<8x128xf32, #tpu.memory_space<hbm>>
      %dma_start3A_1512 = arith.constant 0 : i32
      %dma_start3A_1513 = arith.constant 0 : i32
      %dma_start3A_1514 = tpu.memref_slice %arg4[%shift_right_arithmetic3A_1404, %dma_start3A_1503, %and3A_1406, %dma_start3A_1512, %dma_start3A_1513] : memref<200x8x128x8x128xf32, #tpu.memory_space<hbm>> -> memref<1x1x1x8x128xf32, #tpu.memory_space<hbm>>
      %dma_start3A_1515 = tpu.memref_squeeze %dma_start3A_1514 : memref<1x1x1x8x128xf32, #tpu.memory_space<hbm>> -> memref<8x128xf32, #tpu.memory_space<hbm>>
      %dma_start3A_1516 = arith.constant 0 : i32
      %dma_start3A_1517 = arith.constant 0 : i32
      %dma_start3A_1518 = tpu.memref_slice %arg13[%dma_start3A_1502, %dma_start3A_1516, %dma_start3A_1517] : memref<8x8x129xf32, #tpu.memory_space<vmem>> -> memref<1x8x128xf32, #tpu.memory_space<vmem>>
      %dma_start3A_1519 = tpu.memref_squeeze %dma_start3A_1518 : memref<1x8x128xf32, #tpu.memory_space<vmem>> -> memref<8x128xf32, #tpu.memory_space<vmem>>
      tpu.enqueue_dma source(%dma_start3A_1519 : memref<8x128xf32, #tpu.memory_space<vmem>>) target(%dma_start3A_1515 : memref<8x128xf32, #tpu.memory_space<hbm>>) target_semaphore(%arg21 : memref<!tpu.dma_semaphore, #tpu.memory_space<semaphore_mem>>)
      %dma_start3A_1520 = arith.constant 5 : i32
      %dma_start3A_1521 = arith.constant 5 : i32
      %dma_start3A_1522 = arith.constant 0 : i32
      %dma_start3A_1523 = arith.constant 0 : i32
      %dma_start3A_1524 = tpu.memref_slice %arg13[%dma_start3A_1520, %dma_start3A_1522, %dma_start3A_1523] : memref<8x8x129xf32, #tpu.memory_space<vmem>> -> memref<1x8x128xf32, #tpu.memory_space<vmem>>
      %dma_start3A_1525 = tpu.memref_squeeze %dma_start3A_1524 : memref<1x8x128xf32, #tpu.memory_space<vmem>> -> memref<8x128xf32, #tpu.memory_space<vmem>>
      %dma_start3A_1526 = arith.constant 0 : i32
      %dma_start3A_1527 = arith.constant 0 : i32
      %dma_start3A_1528 = tpu.memref_slice %arg4[%shift_right_arithmetic3A_1404, %dma_start3A_1521, %and3A_1406, %dma_start3A_1526, %dma_start3A_1527] : memref<200x8x128x8x128xf32, #tpu.memory_space<hbm>> -> memref<1x1x1x8x128xf32, #tpu.memory_space<hbm>>
      %dma_start3A_1529 = tpu.memref_squeeze %dma_start3A_1528 : memref<1x1x1x8x128xf32, #tpu.memory_space<hbm>> -> memref<8x128xf32, #tpu.memory_space<hbm>>
      %dma_start3A_1530 = arith.constant 0 : i32
      %dma_start3A_1531 = arith.constant 0 : i32
      %dma_start3A_1532 = tpu.memref_slice %arg4[%shift_right_arithmetic3A_1404, %dma_start3A_1521, %and3A_1406, %dma_start3A_1530, %dma_start3A_1531] : memref<200x8x128x8x128xf32, #tpu.memory_space<hbm>> -> memref<1x1x1x8x128xf32, #tpu.memory_space<hbm>>
      %dma_start3A_1533 = tpu.memref_squeeze %dma_start3A_1532 : memref<1x1x1x8x128xf32, #tpu.memory_space<hbm>> -> memref<8x128xf32, #tpu.memory_space<hbm>>
      %dma_start3A_1534 = arith.constant 0 : i32
      %dma_start3A_1535 = arith.constant 0 : i32
      %dma_start3A_1536 = tpu.memref_slice %arg13[%dma_start3A_1520, %dma_start3A_1534, %dma_start3A_1535] : memref<8x8x129xf32, #tpu.memory_space<vmem>> -> memref<1x8x128xf32, #tpu.memory_space<vmem>>
      %dma_start3A_1537 = tpu.memref_squeeze %dma_start3A_1536 : memref<1x8x128xf32, #tpu.memory_space<vmem>> -> memref<8x128xf32, #tpu.memory_space<vmem>>
      tpu.enqueue_dma source(%dma_start3A_1537 : memref<8x128xf32, #tpu.memory_space<vmem>>) target(%dma_start3A_1533 : memref<8x128xf32, #tpu.memory_space<hbm>>) target_semaphore(%arg21 : memref<!tpu.dma_semaphore, #tpu.memory_space<semaphore_mem>>)
      %dma_start3A_1538 = arith.constant 6 : i32
      %dma_start3A_1539 = arith.constant 6 : i32
      %dma_start3A_1540 = arith.constant 0 : i32
      %dma_start3A_1541 = arith.constant 0 : i32
      %dma_start3A_1542 = tpu.memref_slice %arg13[%dma_start3A_1538, %dma_start3A_1540, %dma_start3A_1541] : memref<8x8x129xf32, #tpu.memory_space<vmem>> -> memref<1x8x128xf32, #tpu.memory_space<vmem>>
      %dma_start3A_1543 = tpu.memref_squeeze %dma_start3A_1542 : memref<1x8x128xf32, #tpu.memory_space<vmem>> -> memref<8x128xf32, #tpu.memory_space<vmem>>
      %dma_start3A_1544 = arith.constant 0 : i32
      %dma_start3A_1545 = arith.constant 0 : i32
      %dma_start3A_1546 = tpu.memref_slice %arg4[%shift_right_arithmetic3A_1404, %dma_start3A_1539, %and3A_1406, %dma_start3A_1544, %dma_start3A_1545] : memref<200x8x128x8x128xf32, #tpu.memory_space<hbm>> -> memref<1x1x1x8x128xf32, #tpu.memory_space<hbm>>
      %dma_start3A_1547 = tpu.memref_squeeze %dma_start3A_1546 : memref<1x1x1x8x128xf32, #tpu.memory_space<hbm>> -> memref<8x128xf32, #tpu.memory_space<hbm>>
      %dma_start3A_1548 = arith.constant 0 : i32
      %dma_start3A_1549 = arith.constant 0 : i32
      %dma_start3A_1550 = tpu.memref_slice %arg4[%shift_right_arithmetic3A_1404, %dma_start3A_1539, %and3A_1406, %dma_start3A_1548, %dma_start3A_1549] : memref<200x8x128x8x128xf32, #tpu.memory_space<hbm>> -> memref<1x1x1x8x128xf32, #tpu.memory_space<hbm>>
      %dma_start3A_1551 = tpu.memref_squeeze %dma_start3A_1550 : memref<1x1x1x8x128xf32, #tpu.memory_space<hbm>> -> memref<8x128xf32, #tpu.memory_space<hbm>>
      %dma_start3A_1552 = arith.constant 0 : i32
      %dma_start3A_1553 = arith.constant 0 : i32
      %dma_start3A_1554 = tpu.memref_slice %arg13[%dma_start3A_1538, %dma_start3A_1552, %dma_start3A_1553] : memref<8x8x129xf32, #tpu.memory_space<vmem>> -> memref<1x8x128xf32, #tpu.memory_space<vmem>>
      %dma_start3A_1555 = tpu.memref_squeeze %dma_start3A_1554 : memref<1x8x128xf32, #tpu.memory_space<vmem>> -> memref<8x128xf32, #tpu.memory_space<vmem>>
      tpu.enqueue_dma source(%dma_start3A_1555 : memref<8x128xf32, #tpu.memory_space<vmem>>) target(%dma_start3A_1551 : memref<8x128xf32, #tpu.memory_space<hbm>>) target_semaphore(%arg21 : memref<!tpu.dma_semaphore, #tpu.memory_space<semaphore_mem>>)
      %dma_start3A_1556 = arith.constant 7 : i32
      %dma_start3A_1557 = arith.constant 7 : i32
      %dma_start3A_1558 = arith.constant 0 : i32
      %dma_start3A_1559 = arith.constant 0 : i32
      %dma_start3A_1560 = tpu.memref_slice %arg13[%dma_start3A_1556, %dma_start3A_1558, %dma_start3A_1559] : memref<8x8x129xf32, #tpu.memory_space<vmem>> -> memref<1x8x128xf32, #tpu.memory_space<vmem>>
      %dma_start3A_1561 = tpu.memref_squeeze %dma_start3A_1560 : memref<1x8x128xf32, #tpu.memory_space<vmem>> -> memref<8x128xf32, #tpu.memory_space<vmem>>
      %dma_start3A_1562 = arith.constant 0 : i32
      %dma_start3A_1563 = arith.constant 0 : i32
      %dma_start3A_1564 = tpu.memref_slice %arg4[%shift_right_arithmetic3A_1404, %dma_start3A_1557, %and3A_1406, %dma_start3A_1562, %dma_start3A_1563] : memref<200x8x128x8x128xf32, #tpu.memory_space<hbm>> -> memref<1x1x1x8x128xf32, #tpu.memory_space<hbm>>
      %dma_start3A_1565 = tpu.memref_squeeze %dma_start3A_1564 : memref<1x1x1x8x128xf32, #tpu.memory_space<hbm>> -> memref<8x128xf32, #tpu.memory_space<hbm>>
      %dma_start3A_1566 = arith.constant 0 : i32
      %dma_start3A_1567 = arith.constant 0 : i32
      %dma_start3A_1568 = tpu.memref_slice %arg4[%shift_right_arithmetic3A_1404, %dma_start3A_1557, %and3A_1406, %dma_start3A_1566, %dma_start3A_1567] : memref<200x8x128x8x128xf32, #tpu.memory_space<hbm>> -> memref<1x1x1x8x128xf32, #tpu.memory_space<hbm>>
      %dma_start3A_1569 = tpu.memref_squeeze %dma_start3A_1568 : memref<1x1x1x8x128xf32, #tpu.memory_space<hbm>> -> memref<8x128xf32, #tpu.memory_space<hbm>>
      %dma_start3A_1570 = arith.constant 0 : i32
      %dma_start3A_1571 = arith.constant 0 : i32
      %dma_start3A_1572 = tpu.memref_slice %arg13[%dma_start3A_1556, %dma_start3A_1570, %dma_start3A_1571] : memref<8x8x129xf32, #tpu.memory_space<vmem>> -> memref<1x8x128xf32, #tpu.memory_space<vmem>>
      %dma_start3A_1573 = tpu.memref_squeeze %dma_start3A_1572 : memref<1x8x128xf32, #tpu.memory_space<vmem>> -> memref<8x128xf32, #tpu.memory_space<vmem>>
      tpu.enqueue_dma source(%dma_start3A_1573 : memref<8x128xf32, #tpu.memory_space<vmem>>) target(%dma_start3A_1569 : memref<8x128xf32, #tpu.memory_space<hbm>>) target_semaphore(%arg21 : memref<!tpu.dma_semaphore, #tpu.memory_space<semaphore_mem>>)
      %add3A_1574 = arith.constant 4 : i32
      %add3A_1575 = arith.addi %add3A_1401, %add3A_1574 : i32
      %lt3A_1576 = arith.constant 800 : i32
      %lt3A_1577 = arith.cmpi slt, %add3A_1575, %lt3A_1576 : i32
      %convert_element_type3A_1578 = arith.extui %lt3A_1577 : i1 to i32
      %cond3A_1579 = arith.constant 0 : i32
      %cond3A_1580 = arith.cmpi ne, %convert_element_type3A_1578, %cond3A_1579 : i32
      scf.if %cond3A_1580 {
        %shift_right_arithmetic3A_1581 = arith.constant 4 : i32
        %shift_right_arithmetic3A_1582 = arith.shrsi %add3A_1575, %shift_right_arithmetic3A_1581 : i32
        %and3A_1583 = arith.constant 15 : i32
        %and3A_1584 = arith.andi %add3A_1575, %and3A_1583 : i32
        %and3A_1585 = arith.constant 1 : i32
        %and3A_1586 = arith.andi %shift_right_arithmetic3A_1582, %and3A_1585 : i32
        %mul3A_1587 = arith.constant 2048 : i32
        %mul3A_1588 = arith.muli %and3A_1586, %mul3A_1587 : i32
        %mul3A_1589 = arith.constant 128 : i32
        %mul3A_1590 = arith.muli %and3A_1584, %mul3A_1589 : i32
        %add3A_1591 = arith.addi %mul3A_1588, %mul3A_1590 : i32
        %dma_start3A_1592 = tpu.memref_slice %arg5[%add3A_1591] : memref<4096xi32, #tpu.memory_space<vmem>> -> memref<128xi32, #tpu.memory_space<vmem>>
        %dma_start3A_1593 = arith.constant 0 : i32
        %dma_start3A_1594 = arith.constant 0 : i32
        %dma_start3A_1595 = tpu.memref_slice %arg3[%dma_start3A_1593, %dma_start3A_1594] : memref<8193x64xf32, #tpu.memory_space<hbm>> -> memref<8193x64xf32, #tpu.memory_space<hbm>>
        tpu.enqueue_indirect_dma source(%dma_start3A_1595 : memref<8193x64xf32, #tpu.memory_space<hbm>>) target(%arg9 : memref<128x64xf32, #tpu.memory_space<vmem>>) offsets(%dma_start3A_1592 : memref<128xi32, #tpu.memory_space<vmem>>) semaphore(%arg17 : memref<!tpu.dma_semaphore, #tpu.memory_space<semaphore_mem>>)
      } else {
      }
    }
    %scan3A_118 = arith.constant 200 : i32
    %add3A_119 = arith.constant 800 : i32
    %add3A_120 = arith.addi %mul3A_2, %add3A_119 : i32
    %sub3A = arith.constant 4 : i32
    %sub3A_121 = arith.subi %add3A_120, %sub3A : i32
    %add3A_122 = arith.constant 0 : i32
    %add3A_123 = arith.addi %sub3A_121, %add3A_122 : i32
    %shift_right_arithmetic3A_124 = arith.constant 7 : i32
    %shift_right_arithmetic3A_125 = arith.shrsi %add3A_123, %shift_right_arithmetic3A_124 : i32
    %and3A_126 = arith.constant 127 : i32
    %and3A_127 = arith.andi %add3A_123, %and3A_126 : i32
    %dma_wait3A = arith.constant 0 : i32
    %dma_wait3A_128 = arith.constant 0 : i32
    %dma_wait3A_129 = arith.constant 0 : i32
    %dma_wait3A_130 = arith.constant 0 : i32
    %dma_wait3A_131 = tpu.memref_slice %arg10[%dma_wait3A, %dma_wait3A_129, %dma_wait3A_130] : memref<8x8x129xf32, #tpu.memory_space<vmem>> -> memref<1x8x128xf32, #tpu.memory_space<vmem>>
    %dma_wait3A_132 = tpu.memref_squeeze %dma_wait3A_131 : memref<1x8x128xf32, #tpu.memory_space<vmem>> -> memref<8x128xf32, #tpu.memory_space<vmem>>
    %dma_wait3A_133 = arith.constant 0 : i32
    %dma_wait3A_134 = arith.constant 0 : i32
    %dma_wait3A_135 = tpu.memref_slice %arg4[%shift_right_arithmetic3A_125, %dma_wait3A_128, %and3A_127, %dma_wait3A_133, %dma_wait3A_134] : memref<200x8x128x8x128xf32, #tpu.memory_space<hbm>> -> memref<1x1x1x8x128xf32, #tpu.memory_space<hbm>>
    %dma_wait3A_136 = tpu.memref_squeeze %dma_wait3A_135 : memref<1x1x1x8x128xf32, #tpu.memory_space<hbm>> -> memref<8x128xf32, #tpu.memory_space<hbm>>
    %dma_wait3A_137 = arith.constant 0 : i32
    %dma_wait3A_138 = arith.constant 0 : i32
    %dma_wait3A_139 = tpu.memref_slice %arg4[%shift_right_arithmetic3A_125, %dma_wait3A_128, %and3A_127, %dma_wait3A_137, %dma_wait3A_138] : memref<200x8x128x8x128xf32, #tpu.memory_space<hbm>> -> memref<1x1x1x8x128xf32, #tpu.memory_space<hbm>>
    %dma_wait3A_140 = tpu.memref_squeeze %dma_wait3A_139 : memref<1x1x1x8x128xf32, #tpu.memory_space<hbm>> -> memref<8x128xf32, #tpu.memory_space<hbm>>
    %dma_wait3A_141 = arith.constant 0 : i32
    %dma_wait3A_142 = arith.constant 0 : i32
    %dma_wait3A_143 = tpu.memref_slice %arg10[%dma_wait3A, %dma_wait3A_141, %dma_wait3A_142] : memref<8x8x129xf32, #tpu.memory_space<vmem>> -> memref<1x8x128xf32, #tpu.memory_space<vmem>>
    %dma_wait3A_144 = tpu.memref_squeeze %dma_wait3A_143 : memref<1x8x128xf32, #tpu.memory_space<vmem>> -> memref<8x128xf32, #tpu.memory_space<vmem>>
    tpu.wait_dma2 semaphore(%arg18 : memref<!tpu.dma_semaphore, #tpu.memory_space<semaphore_mem>>) src(%dma_wait3A_144 : memref<8x128xf32, #tpu.memory_space<vmem>>) dst(%dma_wait3A_140 : memref<8x128xf32, #tpu.memory_space<hbm>>)
    %shift_right_arithmetic3A_145 = arith.constant 7 : i32
    %shift_right_arithmetic3A_146 = arith.shrsi %add3A_123, %shift_right_arithmetic3A_145 : i32
    %and3A_147 = arith.constant 127 : i32
    %and3A_148 = arith.andi %add3A_123, %and3A_147 : i32
    %dma_wait3A_149 = arith.constant 1 : i32
    %dma_wait3A_150 = arith.constant 1 : i32
    %dma_wait3A_151 = arith.constant 0 : i32
    %dma_wait3A_152 = arith.constant 0 : i32
    %dma_wait3A_153 = tpu.memref_slice %arg10[%dma_wait3A_149, %dma_wait3A_151, %dma_wait3A_152] : memref<8x8x129xf32, #tpu.memory_space<vmem>> -> memref<1x8x128xf32, #tpu.memory_space<vmem>>
    %dma_wait3A_154 = tpu.memref_squeeze %dma_wait3A_153 : memref<1x8x128xf32, #tpu.memory_space<vmem>> -> memref<8x128xf32, #tpu.memory_space<vmem>>
    %dma_wait3A_155 = arith.constant 0 : i32
    %dma_wait3A_156 = arith.constant 0 : i32
    %dma_wait3A_157 = tpu.memref_slice %arg4[%shift_right_arithmetic3A_146, %dma_wait3A_150, %and3A_148, %dma_wait3A_155, %dma_wait3A_156] : memref<200x8x128x8x128xf32, #tpu.memory_space<hbm>> -> memref<1x1x1x8x128xf32, #tpu.memory_space<hbm>>
    %dma_wait3A_158 = tpu.memref_squeeze %dma_wait3A_157 : memref<1x1x1x8x128xf32, #tpu.memory_space<hbm>> -> memref<8x128xf32, #tpu.memory_space<hbm>>
    %dma_wait3A_159 = arith.constant 0 : i32
    %dma_wait3A_160 = arith.constant 0 : i32
    %dma_wait3A_161 = tpu.memref_slice %arg4[%shift_right_arithmetic3A_146, %dma_wait3A_150, %and3A_148, %dma_wait3A_159, %dma_wait3A_160] : memref<200x8x128x8x128xf32, #tpu.memory_space<hbm>> -> memref<1x1x1x8x128xf32, #tpu.memory_space<hbm>>
    %dma_wait3A_162 = tpu.memref_squeeze %dma_wait3A_161 : memref<1x1x1x8x128xf32, #tpu.memory_space<hbm>> -> memref<8x128xf32, #tpu.memory_space<hbm>>
    %dma_wait3A_163 = arith.constant 0 : i32
    %dma_wait3A_164 = arith.constant 0 : i32
    %dma_wait3A_165 = tpu.memref_slice %arg10[%dma_wait3A_149, %dma_wait3A_163, %dma_wait3A_164] : memref<8x8x129xf32, #tpu.memory_space<vmem>> -> memref<1x8x128xf32, #tpu.memory_space<vmem>>
    %dma_wait3A_166 = tpu.memref_squeeze %dma_wait3A_165 : memref<1x8x128xf32, #tpu.memory_space<vmem>> -> memref<8x128xf32, #tpu.memory_space<vmem>>
    tpu.wait_dma2 semaphore(%arg18 : memref<!tpu.dma_semaphore, #tpu.memory_space<semaphore_mem>>) src(%dma_wait3A_166 : memref<8x128xf32, #tpu.memory_space<vmem>>) dst(%dma_wait3A_162 : memref<8x128xf32, #tpu.memory_space<hbm>>)
    %shift_right_arithmetic3A_167 = arith.constant 7 : i32
    %shift_right_arithmetic3A_168 = arith.shrsi %add3A_123, %shift_right_arithmetic3A_167 : i32
    %and3A_169 = arith.constant 127 : i32
    %and3A_170 = arith.andi %add3A_123, %and3A_169 : i32
    %dma_wait3A_171 = arith.constant 2 : i32
    %dma_wait3A_172 = arith.constant 2 : i32
    %dma_wait3A_173 = arith.constant 0 : i32
    %dma_wait3A_174 = arith.constant 0 : i32
    %dma_wait3A_175 = tpu.memref_slice %arg10[%dma_wait3A_171, %dma_wait3A_173, %dma_wait3A_174] : memref<8x8x129xf32, #tpu.memory_space<vmem>> -> memref<1x8x128xf32, #tpu.memory_space<vmem>>
    %dma_wait3A_176 = tpu.memref_squeeze %dma_wait3A_175 : memref<1x8x128xf32, #tpu.memory_space<vmem>> -> memref<8x128xf32, #tpu.memory_space<vmem>>
    %dma_wait3A_177 = arith.constant 0 : i32
    %dma_wait3A_178 = arith.constant 0 : i32
    %dma_wait3A_179 = tpu.memref_slice %arg4[%shift_right_arithmetic3A_168, %dma_wait3A_172, %and3A_170, %dma_wait3A_177, %dma_wait3A_178] : memref<200x8x128x8x128xf32, #tpu.memory_space<hbm>> -> memref<1x1x1x8x128xf32, #tpu.memory_space<hbm>>
    %dma_wait3A_180 = tpu.memref_squeeze %dma_wait3A_179 : memref<1x1x1x8x128xf32, #tpu.memory_space<hbm>> -> memref<8x128xf32, #tpu.memory_space<hbm>>
    %dma_wait3A_181 = arith.constant 0 : i32
    %dma_wait3A_182 = arith.constant 0 : i32
    %dma_wait3A_183 = tpu.memref_slice %arg4[%shift_right_arithmetic3A_168, %dma_wait3A_172, %and3A_170, %dma_wait3A_181, %dma_wait3A_182] : memref<200x8x128x8x128xf32, #tpu.memory_space<hbm>> -> memref<1x1x1x8x128xf32, #tpu.memory_space<hbm>>
    %dma_wait3A_184 = tpu.memref_squeeze %dma_wait3A_183 : memref<1x1x1x8x128xf32, #tpu.memory_space<hbm>> -> memref<8x128xf32, #tpu.memory_space<hbm>>
    %dma_wait3A_185 = arith.constant 0 : i32
    %dma_wait3A_186 = arith.constant 0 : i32
    %dma_wait3A_187 = tpu.memref_slice %arg10[%dma_wait3A_171, %dma_wait3A_185, %dma_wait3A_186] : memref<8x8x129xf32, #tpu.memory_space<vmem>> -> memref<1x8x128xf32, #tpu.memory_space<vmem>>
    %dma_wait3A_188 = tpu.memref_squeeze %dma_wait3A_187 : memref<1x8x128xf32, #tpu.memory_space<vmem>> -> memref<8x128xf32, #tpu.memory_space<vmem>>
    tpu.wait_dma2 semaphore(%arg18 : memref<!tpu.dma_semaphore, #tpu.memory_space<semaphore_mem>>) src(%dma_wait3A_188 : memref<8x128xf32, #tpu.memory_space<vmem>>) dst(%dma_wait3A_184 : memref<8x128xf32, #tpu.memory_space<hbm>>)
    %shift_right_arithmetic3A_189 = arith.constant 7 : i32
    %shift_right_arithmetic3A_190 = arith.shrsi %add3A_123, %shift_right_arithmetic3A_189 : i32
    %and3A_191 = arith.constant 127 : i32
    %and3A_192 = arith.andi %add3A_123, %and3A_191 : i32
    %dma_wait3A_193 = arith.constant 3 : i32
    %dma_wait3A_194 = arith.constant 3 : i32
    %dma_wait3A_195 = arith.constant 0 : i32
    %dma_wait3A_196 = arith.constant 0 : i32
    %dma_wait3A_197 = tpu.memref_slice %arg10[%dma_wait3A_193, %dma_wait3A_195, %dma_wait3A_196] : memref<8x8x129xf32, #tpu.memory_space<vmem>> -> memref<1x8x128xf32, #tpu.memory_space<vmem>>
    %dma_wait3A_198 = tpu.memref_squeeze %dma_wait3A_197 : memref<1x8x128xf32, #tpu.memory_space<vmem>> -> memref<8x128xf32, #tpu.memory_space<vmem>>
    %dma_wait3A_199 = arith.constant 0 : i32
    %dma_wait3A_200 = arith.constant 0 : i32
    %dma_wait3A_201 = tpu.memref_slice %arg4[%shift_right_arithmetic3A_190, %dma_wait3A_194, %and3A_192, %dma_wait3A_199, %dma_wait3A_200] : memref<200x8x128x8x128xf32, #tpu.memory_space<hbm>> -> memref<1x1x1x8x128xf32, #tpu.memory_space<hbm>>
    %dma_wait3A_202 = tpu.memref_squeeze %dma_wait3A_201 : memref<1x1x1x8x128xf32, #tpu.memory_space<hbm>> -> memref<8x128xf32, #tpu.memory_space<hbm>>
    %dma_wait3A_203 = arith.constant 0 : i32
    %dma_wait3A_204 = arith.constant 0 : i32
    %dma_wait3A_205 = tpu.memref_slice %arg4[%shift_right_arithmetic3A_190, %dma_wait3A_194, %and3A_192, %dma_wait3A_203, %dma_wait3A_204] : memref<200x8x128x8x128xf32, #tpu.memory_space<hbm>> -> memref<1x1x1x8x128xf32, #tpu.memory_space<hbm>>
    %dma_wait3A_206 = tpu.memref_squeeze %dma_wait3A_205 : memref<1x1x1x8x128xf32, #tpu.memory_space<hbm>> -> memref<8x128xf32, #tpu.memory_space<hbm>>
    %dma_wait3A_207 = arith.constant 0 : i32
    %dma_wait3A_208 = arith.constant 0 : i32
    %dma_wait3A_209 = tpu.memref_slice %arg10[%dma_wait3A_193, %dma_wait3A_207, %dma_wait3A_208] : memref<8x8x129xf32, #tpu.memory_space<vmem>> -> memref<1x8x128xf32, #tpu.memory_space<vmem>>
    %dma_wait3A_210 = tpu.memref_squeeze %dma_wait3A_209 : memref<1x8x128xf32, #tpu.memory_space<vmem>> -> memref<8x128xf32, #tpu.memory_space<vmem>>
    tpu.wait_dma2 semaphore(%arg18 : memref<!tpu.dma_semaphore, #tpu.memory_space<semaphore_mem>>) src(%dma_wait3A_210 : memref<8x128xf32, #tpu.memory_space<vmem>>) dst(%dma_wait3A_206 : memref<8x128xf32, #tpu.memory_space<hbm>>)
    %shift_right_arithmetic3A_211 = arith.constant 7 : i32
    %shift_right_arithmetic3A_212 = arith.shrsi %add3A_123, %shift_right_arithmetic3A_211 : i32
    %and3A_213 = arith.constant 127 : i32
    %and3A_214 = arith.andi %add3A_123, %and3A_213 : i32
    %dma_wait3A_215 = arith.constant 4 : i32
    %dma_wait3A_216 = arith.constant 4 : i32
    %dma_wait3A_217 = arith.constant 0 : i32
    %dma_wait3A_218 = arith.constant 0 : i32
    %dma_wait3A_219 = tpu.memref_slice %arg10[%dma_wait3A_215, %dma_wait3A_217, %dma_wait3A_218] : memref<8x8x129xf32, #tpu.memory_space<vmem>> -> memref<1x8x128xf32, #tpu.memory_space<vmem>>
    %dma_wait3A_220 = tpu.memref_squeeze %dma_wait3A_219 : memref<1x8x128xf32, #tpu.memory_space<vmem>> -> memref<8x128xf32, #tpu.memory_space<vmem>>
    %dma_wait3A_221 = arith.constant 0 : i32
    %dma_wait3A_222 = arith.constant 0 : i32
    %dma_wait3A_223 = tpu.memref_slice %arg4[%shift_right_arithmetic3A_212, %dma_wait3A_216, %and3A_214, %dma_wait3A_221, %dma_wait3A_222] : memref<200x8x128x8x128xf32, #tpu.memory_space<hbm>> -> memref<1x1x1x8x128xf32, #tpu.memory_space<hbm>>
    %dma_wait3A_224 = tpu.memref_squeeze %dma_wait3A_223 : memref<1x1x1x8x128xf32, #tpu.memory_space<hbm>> -> memref<8x128xf32, #tpu.memory_space<hbm>>
    %dma_wait3A_225 = arith.constant 0 : i32
    %dma_wait3A_226 = arith.constant 0 : i32
    %dma_wait3A_227 = tpu.memref_slice %arg4[%shift_right_arithmetic3A_212, %dma_wait3A_216, %and3A_214, %dma_wait3A_225, %dma_wait3A_226] : memref<200x8x128x8x128xf32, #tpu.memory_space<hbm>> -> memref<1x1x1x8x128xf32, #tpu.memory_space<hbm>>
    %dma_wait3A_228 = tpu.memref_squeeze %dma_wait3A_227 : memref<1x1x1x8x128xf32, #tpu.memory_space<hbm>> -> memref<8x128xf32, #tpu.memory_space<hbm>>
    %dma_wait3A_229 = arith.constant 0 : i32
    %dma_wait3A_230 = arith.constant 0 : i32
    %dma_wait3A_231 = tpu.memref_slice %arg10[%dma_wait3A_215, %dma_wait3A_229, %dma_wait3A_230] : memref<8x8x129xf32, #tpu.memory_space<vmem>> -> memref<1x8x128xf32, #tpu.memory_space<vmem>>
    %dma_wait3A_232 = tpu.memref_squeeze %dma_wait3A_231 : memref<1x8x128xf32, #tpu.memory_space<vmem>> -> memref<8x128xf32, #tpu.memory_space<vmem>>
    tpu.wait_dma2 semaphore(%arg18 : memref<!tpu.dma_semaphore, #tpu.memory_space<semaphore_mem>>) src(%dma_wait3A_232 : memref<8x128xf32, #tpu.memory_space<vmem>>) dst(%dma_wait3A_228 : memref<8x128xf32, #tpu.memory_space<hbm>>)
    %shift_right_arithmetic3A_233 = arith.constant 7 : i32
    %shift_right_arithmetic3A_234 = arith.shrsi %add3A_123, %shift_right_arithmetic3A_233 : i32
    %and3A_235 = arith.constant 127 : i32
    %and3A_236 = arith.andi %add3A_123, %and3A_235 : i32
    %dma_wait3A_237 = arith.constant 5 : i32
    %dma_wait3A_238 = arith.constant 5 : i32
    %dma_wait3A_239 = arith.constant 0 : i32
    %dma_wait3A_240 = arith.constant 0 : i32
    %dma_wait3A_241 = tpu.memref_slice %arg10[%dma_wait3A_237, %dma_wait3A_239, %dma_wait3A_240] : memref<8x8x129xf32, #tpu.memory_space<vmem>> -> memref<1x8x128xf32, #tpu.memory_space<vmem>>
    %dma_wait3A_242 = tpu.memref_squeeze %dma_wait3A_241 : memref<1x8x128xf32, #tpu.memory_space<vmem>> -> memref<8x128xf32, #tpu.memory_space<vmem>>
    %dma_wait3A_243 = arith.constant 0 : i32
    %dma_wait3A_244 = arith.constant 0 : i32
    %dma_wait3A_245 = tpu.memref_slice %arg4[%shift_right_arithmetic3A_234, %dma_wait3A_238, %and3A_236, %dma_wait3A_243, %dma_wait3A_244] : memref<200x8x128x8x128xf32, #tpu.memory_space<hbm>> -> memref<1x1x1x8x128xf32, #tpu.memory_space<hbm>>
    %dma_wait3A_246 = tpu.memref_squeeze %dma_wait3A_245 : memref<1x1x1x8x128xf32, #tpu.memory_space<hbm>> -> memref<8x128xf32, #tpu.memory_space<hbm>>
    %dma_wait3A_247 = arith.constant 0 : i32
    %dma_wait3A_248 = arith.constant 0 : i32
    %dma_wait3A_249 = tpu.memref_slice %arg4[%shift_right_arithmetic3A_234, %dma_wait3A_238, %and3A_236, %dma_wait3A_247, %dma_wait3A_248] : memref<200x8x128x8x128xf32, #tpu.memory_space<hbm>> -> memref<1x1x1x8x128xf32, #tpu.memory_space<hbm>>
    %dma_wait3A_250 = tpu.memref_squeeze %dma_wait3A_249 : memref<1x1x1x8x128xf32, #tpu.memory_space<hbm>> -> memref<8x128xf32, #tpu.memory_space<hbm>>
    %dma_wait3A_251 = arith.constant 0 : i32
    %dma_wait3A_252 = arith.constant 0 : i32
    %dma_wait3A_253 = tpu.memref_slice %arg10[%dma_wait3A_237, %dma_wait3A_251, %dma_wait3A_252] : memref<8x8x129xf32, #tpu.memory_space<vmem>> -> memref<1x8x128xf32, #tpu.memory_space<vmem>>
    %dma_wait3A_254 = tpu.memref_squeeze %dma_wait3A_253 : memref<1x8x128xf32, #tpu.memory_space<vmem>> -> memref<8x128xf32, #tpu.memory_space<vmem>>
    tpu.wait_dma2 semaphore(%arg18 : memref<!tpu.dma_semaphore, #tpu.memory_space<semaphore_mem>>) src(%dma_wait3A_254 : memref<8x128xf32, #tpu.memory_space<vmem>>) dst(%dma_wait3A_250 : memref<8x128xf32, #tpu.memory_space<hbm>>)
    %shift_right_arithmetic3A_255 = arith.constant 7 : i32
    %shift_right_arithmetic3A_256 = arith.shrsi %add3A_123, %shift_right_arithmetic3A_255 : i32
    %and3A_257 = arith.constant 127 : i32
    %and3A_258 = arith.andi %add3A_123, %and3A_257 : i32
    %dma_wait3A_259 = arith.constant 6 : i32
    %dma_wait3A_260 = arith.constant 6 : i32
    %dma_wait3A_261 = arith.constant 0 : i32
    %dma_wait3A_262 = arith.constant 0 : i32
    %dma_wait3A_263 = tpu.memref_slice %arg10[%dma_wait3A_259, %dma_wait3A_261, %dma_wait3A_262] : memref<8x8x129xf32, #tpu.memory_space<vmem>> -> memref<1x8x128xf32, #tpu.memory_space<vmem>>
    %dma_wait3A_264 = tpu.memref_squeeze %dma_wait3A_263 : memref<1x8x128xf32, #tpu.memory_space<vmem>> -> memref<8x128xf32, #tpu.memory_space<vmem>>
    %dma_wait3A_265 = arith.constant 0 : i32
    %dma_wait3A_266 = arith.constant 0 : i32
    %dma_wait3A_267 = tpu.memref_slice %arg4[%shift_right_arithmetic3A_256, %dma_wait3A_260, %and3A_258, %dma_wait3A_265, %dma_wait3A_266] : memref<200x8x128x8x128xf32, #tpu.memory_space<hbm>> -> memref<1x1x1x8x128xf32, #tpu.memory_space<hbm>>
    %dma_wait3A_268 = tpu.memref_squeeze %dma_wait3A_267 : memref<1x1x1x8x128xf32, #tpu.memory_space<hbm>> -> memref<8x128xf32, #tpu.memory_space<hbm>>
    %dma_wait3A_269 = arith.constant 0 : i32
    %dma_wait3A_270 = arith.constant 0 : i32
    %dma_wait3A_271 = tpu.memref_slice %arg4[%shift_right_arithmetic3A_256, %dma_wait3A_260, %and3A_258, %dma_wait3A_269, %dma_wait3A_270] : memref<200x8x128x8x128xf32, #tpu.memory_space<hbm>> -> memref<1x1x1x8x128xf32, #tpu.memory_space<hbm>>
    %dma_wait3A_272 = tpu.memref_squeeze %dma_wait3A_271 : memref<1x1x1x8x128xf32, #tpu.memory_space<hbm>> -> memref<8x128xf32, #tpu.memory_space<hbm>>
    %dma_wait3A_273 = arith.constant 0 : i32
    %dma_wait3A_274 = arith.constant 0 : i32
    %dma_wait3A_275 = tpu.memref_slice %arg10[%dma_wait3A_259, %dma_wait3A_273, %dma_wait3A_274] : memref<8x8x129xf32, #tpu.memory_space<vmem>> -> memref<1x8x128xf32, #tpu.memory_space<vmem>>
    %dma_wait3A_276 = tpu.memref_squeeze %dma_wait3A_275 : memref<1x8x128xf32, #tpu.memory_space<vmem>> -> memref<8x128xf32, #tpu.memory_space<vmem>>
    tpu.wait_dma2 semaphore(%arg18 : memref<!tpu.dma_semaphore, #tpu.memory_space<semaphore_mem>>) src(%dma_wait3A_276 : memref<8x128xf32, #tpu.memory_space<vmem>>) dst(%dma_wait3A_272 : memref<8x128xf32, #tpu.memory_space<hbm>>)
    %shift_right_arithmetic3A_277 = arith.constant 7 : i32
    %shift_right_arithmetic3A_278 = arith.shrsi %add3A_123, %shift_right_arithmetic3A_277 : i32
    %and3A_279 = arith.constant 127 : i32
    %and3A_280 = arith.andi %add3A_123, %and3A_279 : i32
    %dma_wait3A_281 = arith.constant 7 : i32
    %dma_wait3A_282 = arith.constant 7 : i32
    %dma_wait3A_283 = arith.constant 0 : i32
    %dma_wait3A_284 = arith.constant 0 : i32
    %dma_wait3A_285 = tpu.memref_slice %arg10[%dma_wait3A_281, %dma_wait3A_283, %dma_wait3A_284] : memref<8x8x129xf32, #tpu.memory_space<vmem>> -> memref<1x8x128xf32, #tpu.memory_space<vmem>>
    %dma_wait3A_286 = tpu.memref_squeeze %dma_wait3A_285 : memref<1x8x128xf32, #tpu.memory_space<vmem>> -> memref<8x128xf32, #tpu.memory_space<vmem>>
    %dma_wait3A_287 = arith.constant 0 : i32
    %dma_wait3A_288 = arith.constant 0 : i32
    %dma_wait3A_289 = tpu.memref_slice %arg4[%shift_right_arithmetic3A_278, %dma_wait3A_282, %and3A_280, %dma_wait3A_287, %dma_wait3A_288] : memref<200x8x128x8x128xf32, #tpu.memory_space<hbm>> -> memref<1x1x1x8x128xf32, #tpu.memory_space<hbm>>
    %dma_wait3A_290 = tpu.memref_squeeze %dma_wait3A_289 : memref<1x1x1x8x128xf32, #tpu.memory_space<hbm>> -> memref<8x128xf32, #tpu.memory_space<hbm>>
    %dma_wait3A_291 = arith.constant 0 : i32
    %dma_wait3A_292 = arith.constant 0 : i32
    %dma_wait3A_293 = tpu.memref_slice %arg4[%shift_right_arithmetic3A_278, %dma_wait3A_282, %and3A_280, %dma_wait3A_291, %dma_wait3A_292] : memref<200x8x128x8x128xf32, #tpu.memory_space<hbm>> -> memref<1x1x1x8x128xf32, #tpu.memory_space<hbm>>
    %dma_wait3A_294 = tpu.memref_squeeze %dma_wait3A_293 : memref<1x1x1x8x128xf32, #tpu.memory_space<hbm>> -> memref<8x128xf32, #tpu.memory_space<hbm>>
    %dma_wait3A_295 = arith.constant 0 : i32
    %dma_wait3A_296 = arith.constant 0 : i32
    %dma_wait3A_297 = tpu.memref_slice %arg10[%dma_wait3A_281, %dma_wait3A_295, %dma_wait3A_296] : memref<8x8x129xf32, #tpu.memory_space<vmem>> -> memref<1x8x128xf32, #tpu.memory_space<vmem>>
    %dma_wait3A_298 = tpu.memref_squeeze %dma_wait3A_297 : memref<1x8x128xf32, #tpu.memory_space<vmem>> -> memref<8x128xf32, #tpu.memory_space<vmem>>
    tpu.wait_dma2 semaphore(%arg18 : memref<!tpu.dma_semaphore, #tpu.memory_space<semaphore_mem>>) src(%dma_wait3A_298 : memref<8x128xf32, #tpu.memory_space<vmem>>) dst(%dma_wait3A_294 : memref<8x128xf32, #tpu.memory_space<hbm>>)
    %add3A_299 = arith.constant 800 : i32
    %add3A_300 = arith.addi %mul3A_2, %add3A_299 : i32
    %sub3A_301 = arith.constant 4 : i32
    %sub3A_302 = arith.subi %add3A_300, %sub3A_301 : i32
    %add3A_303 = arith.constant 1 : i32
    %add3A_304 = arith.addi %sub3A_302, %add3A_303 : i32
    %shift_right_arithmetic3A_305 = arith.constant 7 : i32
    %shift_right_arithmetic3A_306 = arith.shrsi %add3A_304, %shift_right_arithmetic3A_305 : i32
    %and3A_307 = arith.constant 127 : i32
    %and3A_308 = arith.andi %add3A_304, %and3A_307 : i32
    %dma_wait3A_309 = arith.constant 0 : i32
    %dma_wait3A_310 = arith.constant 0 : i32
    %dma_wait3A_311 = arith.constant 0 : i32
    %dma_wait3A_312 = arith.constant 0 : i32
    %dma_wait3A_313 = tpu.memref_slice %arg11[%dma_wait3A_309, %dma_wait3A_311, %dma_wait3A_312] : memref<8x8x129xf32, #tpu.memory_space<vmem>> -> memref<1x8x128xf32, #tpu.memory_space<vmem>>
    %dma_wait3A_314 = tpu.memref_squeeze %dma_wait3A_313 : memref<1x8x128xf32, #tpu.memory_space<vmem>> -> memref<8x128xf32, #tpu.memory_space<vmem>>
    %dma_wait3A_315 = arith.constant 0 : i32
    %dma_wait3A_316 = arith.constant 0 : i32
    %dma_wait3A_317 = tpu.memref_slice %arg4[%shift_right_arithmetic3A_306, %dma_wait3A_310, %and3A_308, %dma_wait3A_315, %dma_wait3A_316] : memref<200x8x128x8x128xf32, #tpu.memory_space<hbm>> -> memref<1x1x1x8x128xf32, #tpu.memory_space<hbm>>
    %dma_wait3A_318 = tpu.memref_squeeze %dma_wait3A_317 : memref<1x1x1x8x128xf32, #tpu.memory_space<hbm>> -> memref<8x128xf32, #tpu.memory_space<hbm>>
    %dma_wait3A_319 = arith.constant 0 : i32
    %dma_wait3A_320 = arith.constant 0 : i32
    %dma_wait3A_321 = tpu.memref_slice %arg4[%shift_right_arithmetic3A_306, %dma_wait3A_310, %and3A_308, %dma_wait3A_319, %dma_wait3A_320] : memref<200x8x128x8x128xf32, #tpu.memory_space<hbm>> -> memref<1x1x1x8x128xf32, #tpu.memory_space<hbm>>
    %dma_wait3A_322 = tpu.memref_squeeze %dma_wait3A_321 : memref<1x1x1x8x128xf32, #tpu.memory_space<hbm>> -> memref<8x128xf32, #tpu.memory_space<hbm>>
    %dma_wait3A_323 = arith.constant 0 : i32
    %dma_wait3A_324 = arith.constant 0 : i32
    %dma_wait3A_325 = tpu.memref_slice %arg11[%dma_wait3A_309, %dma_wait3A_323, %dma_wait3A_324] : memref<8x8x129xf32, #tpu.memory_space<vmem>> -> memref<1x8x128xf32, #tpu.memory_space<vmem>>
    %dma_wait3A_326 = tpu.memref_squeeze %dma_wait3A_325 : memref<1x8x128xf32, #tpu.memory_space<vmem>> -> memref<8x128xf32, #tpu.memory_space<vmem>>
    tpu.wait_dma2 semaphore(%arg19 : memref<!tpu.dma_semaphore, #tpu.memory_space<semaphore_mem>>) src(%dma_wait3A_326 : memref<8x128xf32, #tpu.memory_space<vmem>>) dst(%dma_wait3A_322 : memref<8x128xf32, #tpu.memory_space<hbm>>)
    %shift_right_arithmetic3A_327 = arith.constant 7 : i32
    %shift_right_arithmetic3A_328 = arith.shrsi %add3A_304, %shift_right_arithmetic3A_327 : i32
    %and3A_329 = arith.constant 127 : i32
    %and3A_330 = arith.andi %add3A_304, %and3A_329 : i32
    %dma_wait3A_331 = arith.constant 1 : i32
    %dma_wait3A_332 = arith.constant 1 : i32
    %dma_wait3A_333 = arith.constant 0 : i32
    %dma_wait3A_334 = arith.constant 0 : i32
    %dma_wait3A_335 = tpu.memref_slice %arg11[%dma_wait3A_331, %dma_wait3A_333, %dma_wait3A_334] : memref<8x8x129xf32, #tpu.memory_space<vmem>> -> memref<1x8x128xf32, #tpu.memory_space<vmem>>
    %dma_wait3A_336 = tpu.memref_squeeze %dma_wait3A_335 : memref<1x8x128xf32, #tpu.memory_space<vmem>> -> memref<8x128xf32, #tpu.memory_space<vmem>>
    %dma_wait3A_337 = arith.constant 0 : i32
    %dma_wait3A_338 = arith.constant 0 : i32
    %dma_wait3A_339 = tpu.memref_slice %arg4[%shift_right_arithmetic3A_328, %dma_wait3A_332, %and3A_330, %dma_wait3A_337, %dma_wait3A_338] : memref<200x8x128x8x128xf32, #tpu.memory_space<hbm>> -> memref<1x1x1x8x128xf32, #tpu.memory_space<hbm>>
    %dma_wait3A_340 = tpu.memref_squeeze %dma_wait3A_339 : memref<1x1x1x8x128xf32, #tpu.memory_space<hbm>> -> memref<8x128xf32, #tpu.memory_space<hbm>>
    %dma_wait3A_341 = arith.constant 0 : i32
    %dma_wait3A_342 = arith.constant 0 : i32
    %dma_wait3A_343 = tpu.memref_slice %arg4[%shift_right_arithmetic3A_328, %dma_wait3A_332, %and3A_330, %dma_wait3A_341, %dma_wait3A_342] : memref<200x8x128x8x128xf32, #tpu.memory_space<hbm>> -> memref<1x1x1x8x128xf32, #tpu.memory_space<hbm>>
    %dma_wait3A_344 = tpu.memref_squeeze %dma_wait3A_343 : memref<1x1x1x8x128xf32, #tpu.memory_space<hbm>> -> memref<8x128xf32, #tpu.memory_space<hbm>>
    %dma_wait3A_345 = arith.constant 0 : i32
    %dma_wait3A_346 = arith.constant 0 : i32
    %dma_wait3A_347 = tpu.memref_slice %arg11[%dma_wait3A_331, %dma_wait3A_345, %dma_wait3A_346] : memref<8x8x129xf32, #tpu.memory_space<vmem>> -> memref<1x8x128xf32, #tpu.memory_space<vmem>>
    %dma_wait3A_348 = tpu.memref_squeeze %dma_wait3A_347 : memref<1x8x128xf32, #tpu.memory_space<vmem>> -> memref<8x128xf32, #tpu.memory_space<vmem>>
    tpu.wait_dma2 semaphore(%arg19 : memref<!tpu.dma_semaphore, #tpu.memory_space<semaphore_mem>>) src(%dma_wait3A_348 : memref<8x128xf32, #tpu.memory_space<vmem>>) dst(%dma_wait3A_344 : memref<8x128xf32, #tpu.memory_space<hbm>>)
    %shift_right_arithmetic3A_349 = arith.constant 7 : i32
    %shift_right_arithmetic3A_350 = arith.shrsi %add3A_304, %shift_right_arithmetic3A_349 : i32
    %and3A_351 = arith.constant 127 : i32
    %and3A_352 = arith.andi %add3A_304, %and3A_351 : i32
    %dma_wait3A_353 = arith.constant 2 : i32
    %dma_wait3A_354 = arith.constant 2 : i32
    %dma_wait3A_355 = arith.constant 0 : i32
    %dma_wait3A_356 = arith.constant 0 : i32
    %dma_wait3A_357 = tpu.memref_slice %arg11[%dma_wait3A_353, %dma_wait3A_355, %dma_wait3A_356] : memref<8x8x129xf32, #tpu.memory_space<vmem>> -> memref<1x8x128xf32, #tpu.memory_space<vmem>>
    %dma_wait3A_358 = tpu.memref_squeeze %dma_wait3A_357 : memref<1x8x128xf32, #tpu.memory_space<vmem>> -> memref<8x128xf32, #tpu.memory_space<vmem>>
    %dma_wait3A_359 = arith.constant 0 : i32
    %dma_wait3A_360 = arith.constant 0 : i32
    %dma_wait3A_361 = tpu.memref_slice %arg4[%shift_right_arithmetic3A_350, %dma_wait3A_354, %and3A_352, %dma_wait3A_359, %dma_wait3A_360] : memref<200x8x128x8x128xf32, #tpu.memory_space<hbm>> -> memref<1x1x1x8x128xf32, #tpu.memory_space<hbm>>
    %dma_wait3A_362 = tpu.memref_squeeze %dma_wait3A_361 : memref<1x1x1x8x128xf32, #tpu.memory_space<hbm>> -> memref<8x128xf32, #tpu.memory_space<hbm>>
    %dma_wait3A_363 = arith.constant 0 : i32
    %dma_wait3A_364 = arith.constant 0 : i32
    %dma_wait3A_365 = tpu.memref_slice %arg4[%shift_right_arithmetic3A_350, %dma_wait3A_354, %and3A_352, %dma_wait3A_363, %dma_wait3A_364] : memref<200x8x128x8x128xf32, #tpu.memory_space<hbm>> -> memref<1x1x1x8x128xf32, #tpu.memory_space<hbm>>
    %dma_wait3A_366 = tpu.memref_squeeze %dma_wait3A_365 : memref<1x1x1x8x128xf32, #tpu.memory_space<hbm>> -> memref<8x128xf32, #tpu.memory_space<hbm>>
    %dma_wait3A_367 = arith.constant 0 : i32
    %dma_wait3A_368 = arith.constant 0 : i32
    %dma_wait3A_369 = tpu.memref_slice %arg11[%dma_wait3A_353, %dma_wait3A_367, %dma_wait3A_368] : memref<8x8x129xf32, #tpu.memory_space<vmem>> -> memref<1x8x128xf32, #tpu.memory_space<vmem>>
    %dma_wait3A_370 = tpu.memref_squeeze %dma_wait3A_369 : memref<1x8x128xf32, #tpu.memory_space<vmem>> -> memref<8x128xf32, #tpu.memory_space<vmem>>
    tpu.wait_dma2 semaphore(%arg19 : memref<!tpu.dma_semaphore, #tpu.memory_space<semaphore_mem>>) src(%dma_wait3A_370 : memref<8x128xf32, #tpu.memory_space<vmem>>) dst(%dma_wait3A_366 : memref<8x128xf32, #tpu.memory_space<hbm>>)
    %shift_right_arithmetic3A_371 = arith.constant 7 : i32
    %shift_right_arithmetic3A_372 = arith.shrsi %add3A_304, %shift_right_arithmetic3A_371 : i32
    %and3A_373 = arith.constant 127 : i32
    %and3A_374 = arith.andi %add3A_304, %and3A_373 : i32
    %dma_wait3A_375 = arith.constant 3 : i32
    %dma_wait3A_376 = arith.constant 3 : i32
    %dma_wait3A_377 = arith.constant 0 : i32
    %dma_wait3A_378 = arith.constant 0 : i32
    %dma_wait3A_379 = tpu.memref_slice %arg11[%dma_wait3A_375, %dma_wait3A_377, %dma_wait3A_378] : memref<8x8x129xf32, #tpu.memory_space<vmem>> -> memref<1x8x128xf32, #tpu.memory_space<vmem>>
    %dma_wait3A_380 = tpu.memref_squeeze %dma_wait3A_379 : memref<1x8x128xf32, #tpu.memory_space<vmem>> -> memref<8x128xf32, #tpu.memory_space<vmem>>
    %dma_wait3A_381 = arith.constant 0 : i32
    %dma_wait3A_382 = arith.constant 0 : i32
    %dma_wait3A_383 = tpu.memref_slice %arg4[%shift_right_arithmetic3A_372, %dma_wait3A_376, %and3A_374, %dma_wait3A_381, %dma_wait3A_382] : memref<200x8x128x8x128xf32, #tpu.memory_space<hbm>> -> memref<1x1x1x8x128xf32, #tpu.memory_space<hbm>>
    %dma_wait3A_384 = tpu.memref_squeeze %dma_wait3A_383 : memref<1x1x1x8x128xf32, #tpu.memory_space<hbm>> -> memref<8x128xf32, #tpu.memory_space<hbm>>
    %dma_wait3A_385 = arith.constant 0 : i32
    %dma_wait3A_386 = arith.constant 0 : i32
    %dma_wait3A_387 = tpu.memref_slice %arg4[%shift_right_arithmetic3A_372, %dma_wait3A_376, %and3A_374, %dma_wait3A_385, %dma_wait3A_386] : memref<200x8x128x8x128xf32, #tpu.memory_space<hbm>> -> memref<1x1x1x8x128xf32, #tpu.memory_space<hbm>>
    %dma_wait3A_388 = tpu.memref_squeeze %dma_wait3A_387 : memref<1x1x1x8x128xf32, #tpu.memory_space<hbm>> -> memref<8x128xf32, #tpu.memory_space<hbm>>
    %dma_wait3A_389 = arith.constant 0 : i32
    %dma_wait3A_390 = arith.constant 0 : i32
    %dma_wait3A_391 = tpu.memref_slice %arg11[%dma_wait3A_375, %dma_wait3A_389, %dma_wait3A_390] : memref<8x8x129xf32, #tpu.memory_space<vmem>> -> memref<1x8x128xf32, #tpu.memory_space<vmem>>
    %dma_wait3A_392 = tpu.memref_squeeze %dma_wait3A_391 : memref<1x8x128xf32, #tpu.memory_space<vmem>> -> memref<8x128xf32, #tpu.memory_space<vmem>>
    tpu.wait_dma2 semaphore(%arg19 : memref<!tpu.dma_semaphore, #tpu.memory_space<semaphore_mem>>) src(%dma_wait3A_392 : memref<8x128xf32, #tpu.memory_space<vmem>>) dst(%dma_wait3A_388 : memref<8x128xf32, #tpu.memory_space<hbm>>)
    %shift_right_arithmetic3A_393 = arith.constant 7 : i32
    %shift_right_arithmetic3A_394 = arith.shrsi %add3A_304, %shift_right_arithmetic3A_393 : i32
    %and3A_395 = arith.constant 127 : i32
    %and3A_396 = arith.andi %add3A_304, %and3A_395 : i32
    %dma_wait3A_397 = arith.constant 4 : i32
    %dma_wait3A_398 = arith.constant 4 : i32
    %dma_wait3A_399 = arith.constant 0 : i32
    %dma_wait3A_400 = arith.constant 0 : i32
    %dma_wait3A_401 = tpu.memref_slice %arg11[%dma_wait3A_397, %dma_wait3A_399, %dma_wait3A_400] : memref<8x8x129xf32, #tpu.memory_space<vmem>> -> memref<1x8x128xf32, #tpu.memory_space<vmem>>
    %dma_wait3A_402 = tpu.memref_squeeze %dma_wait3A_401 : memref<1x8x128xf32, #tpu.memory_space<vmem>> -> memref<8x128xf32, #tpu.memory_space<vmem>>
    %dma_wait3A_403 = arith.constant 0 : i32
    %dma_wait3A_404 = arith.constant 0 : i32
    %dma_wait3A_405 = tpu.memref_slice %arg4[%shift_right_arithmetic3A_394, %dma_wait3A_398, %and3A_396, %dma_wait3A_403, %dma_wait3A_404] : memref<200x8x128x8x128xf32, #tpu.memory_space<hbm>> -> memref<1x1x1x8x128xf32, #tpu.memory_space<hbm>>
    %dma_wait3A_406 = tpu.memref_squeeze %dma_wait3A_405 : memref<1x1x1x8x128xf32, #tpu.memory_space<hbm>> -> memref<8x128xf32, #tpu.memory_space<hbm>>
    %dma_wait3A_407 = arith.constant 0 : i32
    %dma_wait3A_408 = arith.constant 0 : i32
    %dma_wait3A_409 = tpu.memref_slice %arg4[%shift_right_arithmetic3A_394, %dma_wait3A_398, %and3A_396, %dma_wait3A_407, %dma_wait3A_408] : memref<200x8x128x8x128xf32, #tpu.memory_space<hbm>> -> memref<1x1x1x8x128xf32, #tpu.memory_space<hbm>>
    %dma_wait3A_410 = tpu.memref_squeeze %dma_wait3A_409 : memref<1x1x1x8x128xf32, #tpu.memory_space<hbm>> -> memref<8x128xf32, #tpu.memory_space<hbm>>
    %dma_wait3A_411 = arith.constant 0 : i32
    %dma_wait3A_412 = arith.constant 0 : i32
    %dma_wait3A_413 = tpu.memref_slice %arg11[%dma_wait3A_397, %dma_wait3A_411, %dma_wait3A_412] : memref<8x8x129xf32, #tpu.memory_space<vmem>> -> memref<1x8x128xf32, #tpu.memory_space<vmem>>
    %dma_wait3A_414 = tpu.memref_squeeze %dma_wait3A_413 : memref<1x8x128xf32, #tpu.memory_space<vmem>> -> memref<8x128xf32, #tpu.memory_space<vmem>>
    tpu.wait_dma2 semaphore(%arg19 : memref<!tpu.dma_semaphore, #tpu.memory_space<semaphore_mem>>) src(%dma_wait3A_414 : memref<8x128xf32, #tpu.memory_space<vmem>>) dst(%dma_wait3A_410 : memref<8x128xf32, #tpu.memory_space<hbm>>)
    %shift_right_arithmetic3A_415 = arith.constant 7 : i32
    %shift_right_arithmetic3A_416 = arith.shrsi %add3A_304, %shift_right_arithmetic3A_415 : i32
    %and3A_417 = arith.constant 127 : i32
    %and3A_418 = arith.andi %add3A_304, %and3A_417 : i32
    %dma_wait3A_419 = arith.constant 5 : i32
    %dma_wait3A_420 = arith.constant 5 : i32
    %dma_wait3A_421 = arith.constant 0 : i32
    %dma_wait3A_422 = arith.constant 0 : i32
    %dma_wait3A_423 = tpu.memref_slice %arg11[%dma_wait3A_419, %dma_wait3A_421, %dma_wait3A_422] : memref<8x8x129xf32, #tpu.memory_space<vmem>> -> memref<1x8x128xf32, #tpu.memory_space<vmem>>
    %dma_wait3A_424 = tpu.memref_squeeze %dma_wait3A_423 : memref<1x8x128xf32, #tpu.memory_space<vmem>> -> memref<8x128xf32, #tpu.memory_space<vmem>>
    %dma_wait3A_425 = arith.constant 0 : i32
    %dma_wait3A_426 = arith.constant 0 : i32
    %dma_wait3A_427 = tpu.memref_slice %arg4[%shift_right_arithmetic3A_416, %dma_wait3A_420, %and3A_418, %dma_wait3A_425, %dma_wait3A_426] : memref<200x8x128x8x128xf32, #tpu.memory_space<hbm>> -> memref<1x1x1x8x128xf32, #tpu.memory_space<hbm>>
    %dma_wait3A_428 = tpu.memref_squeeze %dma_wait3A_427 : memref<1x1x1x8x128xf32, #tpu.memory_space<hbm>> -> memref<8x128xf32, #tpu.memory_space<hbm>>
    %dma_wait3A_429 = arith.constant 0 : i32
    %dma_wait3A_430 = arith.constant 0 : i32
    %dma_wait3A_431 = tpu.memref_slice %arg4[%shift_right_arithmetic3A_416, %dma_wait3A_420, %and3A_418, %dma_wait3A_429, %dma_wait3A_430] : memref<200x8x128x8x128xf32, #tpu.memory_space<hbm>> -> memref<1x1x1x8x128xf32, #tpu.memory_space<hbm>>
    %dma_wait3A_432 = tpu.memref_squeeze %dma_wait3A_431 : memref<1x1x1x8x128xf32, #tpu.memory_space<hbm>> -> memref<8x128xf32, #tpu.memory_space<hbm>>
    %dma_wait3A_433 = arith.constant 0 : i32
    %dma_wait3A_434 = arith.constant 0 : i32
    %dma_wait3A_435 = tpu.memref_slice %arg11[%dma_wait3A_419, %dma_wait3A_433, %dma_wait3A_434] : memref<8x8x129xf32, #tpu.memory_space<vmem>> -> memref<1x8x128xf32, #tpu.memory_space<vmem>>
    %dma_wait3A_436 = tpu.memref_squeeze %dma_wait3A_435 : memref<1x8x128xf32, #tpu.memory_space<vmem>> -> memref<8x128xf32, #tpu.memory_space<vmem>>
    tpu.wait_dma2 semaphore(%arg19 : memref<!tpu.dma_semaphore, #tpu.memory_space<semaphore_mem>>) src(%dma_wait3A_436 : memref<8x128xf32, #tpu.memory_space<vmem>>) dst(%dma_wait3A_432 : memref<8x128xf32, #tpu.memory_space<hbm>>)
    %shift_right_arithmetic3A_437 = arith.constant 7 : i32
    %shift_right_arithmetic3A_438 = arith.shrsi %add3A_304, %shift_right_arithmetic3A_437 : i32
    %and3A_439 = arith.constant 127 : i32
    %and3A_440 = arith.andi %add3A_304, %and3A_439 : i32
    %dma_wait3A_441 = arith.constant 6 : i32
    %dma_wait3A_442 = arith.constant 6 : i32
    %dma_wait3A_443 = arith.constant 0 : i32
    %dma_wait3A_444 = arith.constant 0 : i32
    %dma_wait3A_445 = tpu.memref_slice %arg11[%dma_wait3A_441, %dma_wait3A_443, %dma_wait3A_444] : memref<8x8x129xf32, #tpu.memory_space<vmem>> -> memref<1x8x128xf32, #tpu.memory_space<vmem>>
    %dma_wait3A_446 = tpu.memref_squeeze %dma_wait3A_445 : memref<1x8x128xf32, #tpu.memory_space<vmem>> -> memref<8x128xf32, #tpu.memory_space<vmem>>
    %dma_wait3A_447 = arith.constant 0 : i32
    %dma_wait3A_448 = arith.constant 0 : i32
    %dma_wait3A_449 = tpu.memref_slice %arg4[%shift_right_arithmetic3A_438, %dma_wait3A_442, %and3A_440, %dma_wait3A_447, %dma_wait3A_448] : memref<200x8x128x8x128xf32, #tpu.memory_space<hbm>> -> memref<1x1x1x8x128xf32, #tpu.memory_space<hbm>>
    %dma_wait3A_450 = tpu.memref_squeeze %dma_wait3A_449 : memref<1x1x1x8x128xf32, #tpu.memory_space<hbm>> -> memref<8x128xf32, #tpu.memory_space<hbm>>
    %dma_wait3A_451 = arith.constant 0 : i32
    %dma_wait3A_452 = arith.constant 0 : i32
    %dma_wait3A_453 = tpu.memref_slice %arg4[%shift_right_arithmetic3A_438, %dma_wait3A_442, %and3A_440, %dma_wait3A_451, %dma_wait3A_452] : memref<200x8x128x8x128xf32, #tpu.memory_space<hbm>> -> memref<1x1x1x8x128xf32, #tpu.memory_space<hbm>>
    %dma_wait3A_454 = tpu.memref_squeeze %dma_wait3A_453 : memref<1x1x1x8x128xf32, #tpu.memory_space<hbm>> -> memref<8x128xf32, #tpu.memory_space<hbm>>
    %dma_wait3A_455 = arith.constant 0 : i32
    %dma_wait3A_456 = arith.constant 0 : i32
    %dma_wait3A_457 = tpu.memref_slice %arg11[%dma_wait3A_441, %dma_wait3A_455, %dma_wait3A_456] : memref<8x8x129xf32, #tpu.memory_space<vmem>> -> memref<1x8x128xf32, #tpu.memory_space<vmem>>
    %dma_wait3A_458 = tpu.memref_squeeze %dma_wait3A_457 : memref<1x8x128xf32, #tpu.memory_space<vmem>> -> memref<8x128xf32, #tpu.memory_space<vmem>>
    tpu.wait_dma2 semaphore(%arg19 : memref<!tpu.dma_semaphore, #tpu.memory_space<semaphore_mem>>) src(%dma_wait3A_458 : memref<8x128xf32, #tpu.memory_space<vmem>>) dst(%dma_wait3A_454 : memref<8x128xf32, #tpu.memory_space<hbm>>)
    %shift_right_arithmetic3A_459 = arith.constant 7 : i32
    %shift_right_arithmetic3A_460 = arith.shrsi %add3A_304, %shift_right_arithmetic3A_459 : i32
    %and3A_461 = arith.constant 127 : i32
    %and3A_462 = arith.andi %add3A_304, %and3A_461 : i32
    %dma_wait3A_463 = arith.constant 7 : i32
    %dma_wait3A_464 = arith.constant 7 : i32
    %dma_wait3A_465 = arith.constant 0 : i32
    %dma_wait3A_466 = arith.constant 0 : i32
    %dma_wait3A_467 = tpu.memref_slice %arg11[%dma_wait3A_463, %dma_wait3A_465, %dma_wait3A_466] : memref<8x8x129xf32, #tpu.memory_space<vmem>> -> memref<1x8x128xf32, #tpu.memory_space<vmem>>
    %dma_wait3A_468 = tpu.memref_squeeze %dma_wait3A_467 : memref<1x8x128xf32, #tpu.memory_space<vmem>> -> memref<8x128xf32, #tpu.memory_space<vmem>>
    %dma_wait3A_469 = arith.constant 0 : i32
    %dma_wait3A_470 = arith.constant 0 : i32
    %dma_wait3A_471 = tpu.memref_slice %arg4[%shift_right_arithmetic3A_460, %dma_wait3A_464, %and3A_462, %dma_wait3A_469, %dma_wait3A_470] : memref<200x8x128x8x128xf32, #tpu.memory_space<hbm>> -> memref<1x1x1x8x128xf32, #tpu.memory_space<hbm>>
    %dma_wait3A_472 = tpu.memref_squeeze %dma_wait3A_471 : memref<1x1x1x8x128xf32, #tpu.memory_space<hbm>> -> memref<8x128xf32, #tpu.memory_space<hbm>>
    %dma_wait3A_473 = arith.constant 0 : i32
    %dma_wait3A_474 = arith.constant 0 : i32
    %dma_wait3A_475 = tpu.memref_slice %arg4[%shift_right_arithmetic3A_460, %dma_wait3A_464, %and3A_462, %dma_wait3A_473, %dma_wait3A_474] : memref<200x8x128x8x128xf32, #tpu.memory_space<hbm>> -> memref<1x1x1x8x128xf32, #tpu.memory_space<hbm>>
    %dma_wait3A_476 = tpu.memref_squeeze %dma_wait3A_475 : memref<1x1x1x8x128xf32, #tpu.memory_space<hbm>> -> memref<8x128xf32, #tpu.memory_space<hbm>>
    %dma_wait3A_477 = arith.constant 0 : i32
    %dma_wait3A_478 = arith.constant 0 : i32
    %dma_wait3A_479 = tpu.memref_slice %arg11[%dma_wait3A_463, %dma_wait3A_477, %dma_wait3A_478] : memref<8x8x129xf32, #tpu.memory_space<vmem>> -> memref<1x8x128xf32, #tpu.memory_space<vmem>>
    %dma_wait3A_480 = tpu.memref_squeeze %dma_wait3A_479 : memref<1x8x128xf32, #tpu.memory_space<vmem>> -> memref<8x128xf32, #tpu.memory_space<vmem>>
    tpu.wait_dma2 semaphore(%arg19 : memref<!tpu.dma_semaphore, #tpu.memory_space<semaphore_mem>>) src(%dma_wait3A_480 : memref<8x128xf32, #tpu.memory_space<vmem>>) dst(%dma_wait3A_476 : memref<8x128xf32, #tpu.memory_space<hbm>>)
    %add3A_481 = arith.constant 800 : i32
    %add3A_482 = arith.addi %mul3A_2, %add3A_481 : i32
    %sub3A_483 = arith.constant 4 : i32
    %sub3A_484 = arith.subi %add3A_482, %sub3A_483 : i32
    %add3A_485 = arith.constant 2 : i32
    %add3A_486 = arith.addi %sub3A_484, %add3A_485 : i32
    %shift_right_arithmetic3A_487 = arith.constant 7 : i32
    %shift_right_arithmetic3A_488 = arith.shrsi %add3A_486, %shift_right_arithmetic3A_487 : i32
    %and3A_489 = arith.constant 127 : i32
    %and3A_490 = arith.andi %add3A_486, %and3A_489 : i32
    %dma_wait3A_491 = arith.constant 0 : i32
    %dma_wait3A_492 = arith.constant 0 : i32
    %dma_wait3A_493 = arith.constant 0 : i32
    %dma_wait3A_494 = arith.constant 0 : i32
    %dma_wait3A_495 = tpu.memref_slice %arg12[%dma_wait3A_491, %dma_wait3A_493, %dma_wait3A_494] : memref<8x8x129xf32, #tpu.memory_space<vmem>> -> memref<1x8x128xf32, #tpu.memory_space<vmem>>
    %dma_wait3A_496 = tpu.memref_squeeze %dma_wait3A_495 : memref<1x8x128xf32, #tpu.memory_space<vmem>> -> memref<8x128xf32, #tpu.memory_space<vmem>>
    %dma_wait3A_497 = arith.constant 0 : i32
    %dma_wait3A_498 = arith.constant 0 : i32
    %dma_wait3A_499 = tpu.memref_slice %arg4[%shift_right_arithmetic3A_488, %dma_wait3A_492, %and3A_490, %dma_wait3A_497, %dma_wait3A_498] : memref<200x8x128x8x128xf32, #tpu.memory_space<hbm>> -> memref<1x1x1x8x128xf32, #tpu.memory_space<hbm>>
    %dma_wait3A_500 = tpu.memref_squeeze %dma_wait3A_499 : memref<1x1x1x8x128xf32, #tpu.memory_space<hbm>> -> memref<8x128xf32, #tpu.memory_space<hbm>>
    %dma_wait3A_501 = arith.constant 0 : i32
    %dma_wait3A_502 = arith.constant 0 : i32
    %dma_wait3A_503 = tpu.memref_slice %arg4[%shift_right_arithmetic3A_488, %dma_wait3A_492, %and3A_490, %dma_wait3A_501, %dma_wait3A_502] : memref<200x8x128x8x128xf32, #tpu.memory_space<hbm>> -> memref<1x1x1x8x128xf32, #tpu.memory_space<hbm>>
    %dma_wait3A_504 = tpu.memref_squeeze %dma_wait3A_503 : memref<1x1x1x8x128xf32, #tpu.memory_space<hbm>> -> memref<8x128xf32, #tpu.memory_space<hbm>>
    %dma_wait3A_505 = arith.constant 0 : i32
    %dma_wait3A_506 = arith.constant 0 : i32
    %dma_wait3A_507 = tpu.memref_slice %arg12[%dma_wait3A_491, %dma_wait3A_505, %dma_wait3A_506] : memref<8x8x129xf32, #tpu.memory_space<vmem>> -> memref<1x8x128xf32, #tpu.memory_space<vmem>>
    %dma_wait3A_508 = tpu.memref_squeeze %dma_wait3A_507 : memref<1x8x128xf32, #tpu.memory_space<vmem>> -> memref<8x128xf32, #tpu.memory_space<vmem>>
    tpu.wait_dma2 semaphore(%arg20 : memref<!tpu.dma_semaphore, #tpu.memory_space<semaphore_mem>>) src(%dma_wait3A_508 : memref<8x128xf32, #tpu.memory_space<vmem>>) dst(%dma_wait3A_504 : memref<8x128xf32, #tpu.memory_space<hbm>>)
    %shift_right_arithmetic3A_509 = arith.constant 7 : i32
    %shift_right_arithmetic3A_510 = arith.shrsi %add3A_486, %shift_right_arithmetic3A_509 : i32
    %and3A_511 = arith.constant 127 : i32
    %and3A_512 = arith.andi %add3A_486, %and3A_511 : i32
    %dma_wait3A_513 = arith.constant 1 : i32
    %dma_wait3A_514 = arith.constant 1 : i32
    %dma_wait3A_515 = arith.constant 0 : i32
    %dma_wait3A_516 = arith.constant 0 : i32
    %dma_wait3A_517 = tpu.memref_slice %arg12[%dma_wait3A_513, %dma_wait3A_515, %dma_wait3A_516] : memref<8x8x129xf32, #tpu.memory_space<vmem>> -> memref<1x8x128xf32, #tpu.memory_space<vmem>>
    %dma_wait3A_518 = tpu.memref_squeeze %dma_wait3A_517 : memref<1x8x128xf32, #tpu.memory_space<vmem>> -> memref<8x128xf32, #tpu.memory_space<vmem>>
    %dma_wait3A_519 = arith.constant 0 : i32
    %dma_wait3A_520 = arith.constant 0 : i32
    %dma_wait3A_521 = tpu.memref_slice %arg4[%shift_right_arithmetic3A_510, %dma_wait3A_514, %and3A_512, %dma_wait3A_519, %dma_wait3A_520] : memref<200x8x128x8x128xf32, #tpu.memory_space<hbm>> -> memref<1x1x1x8x128xf32, #tpu.memory_space<hbm>>
    %dma_wait3A_522 = tpu.memref_squeeze %dma_wait3A_521 : memref<1x1x1x8x128xf32, #tpu.memory_space<hbm>> -> memref<8x128xf32, #tpu.memory_space<hbm>>
    %dma_wait3A_523 = arith.constant 0 : i32
    %dma_wait3A_524 = arith.constant 0 : i32
    %dma_wait3A_525 = tpu.memref_slice %arg4[%shift_right_arithmetic3A_510, %dma_wait3A_514, %and3A_512, %dma_wait3A_523, %dma_wait3A_524] : memref<200x8x128x8x128xf32, #tpu.memory_space<hbm>> -> memref<1x1x1x8x128xf32, #tpu.memory_space<hbm>>
    %dma_wait3A_526 = tpu.memref_squeeze %dma_wait3A_525 : memref<1x1x1x8x128xf32, #tpu.memory_space<hbm>> -> memref<8x128xf32, #tpu.memory_space<hbm>>
    %dma_wait3A_527 = arith.constant 0 : i32
    %dma_wait3A_528 = arith.constant 0 : i32
    %dma_wait3A_529 = tpu.memref_slice %arg12[%dma_wait3A_513, %dma_wait3A_527, %dma_wait3A_528] : memref<8x8x129xf32, #tpu.memory_space<vmem>> -> memref<1x8x128xf32, #tpu.memory_space<vmem>>
    %dma_wait3A_530 = tpu.memref_squeeze %dma_wait3A_529 : memref<1x8x128xf32, #tpu.memory_space<vmem>> -> memref<8x128xf32, #tpu.memory_space<vmem>>
    tpu.wait_dma2 semaphore(%arg20 : memref<!tpu.dma_semaphore, #tpu.memory_space<semaphore_mem>>) src(%dma_wait3A_530 : memref<8x128xf32, #tpu.memory_space<vmem>>) dst(%dma_wait3A_526 : memref<8x128xf32, #tpu.memory_space<hbm>>)
    %shift_right_arithmetic3A_531 = arith.constant 7 : i32
    %shift_right_arithmetic3A_532 = arith.shrsi %add3A_486, %shift_right_arithmetic3A_531 : i32
    %and3A_533 = arith.constant 127 : i32
    %and3A_534 = arith.andi %add3A_486, %and3A_533 : i32
    %dma_wait3A_535 = arith.constant 2 : i32
    %dma_wait3A_536 = arith.constant 2 : i32
    %dma_wait3A_537 = arith.constant 0 : i32
    %dma_wait3A_538 = arith.constant 0 : i32
    %dma_wait3A_539 = tpu.memref_slice %arg12[%dma_wait3A_535, %dma_wait3A_537, %dma_wait3A_538] : memref<8x8x129xf32, #tpu.memory_space<vmem>> -> memref<1x8x128xf32, #tpu.memory_space<vmem>>
    %dma_wait3A_540 = tpu.memref_squeeze %dma_wait3A_539 : memref<1x8x128xf32, #tpu.memory_space<vmem>> -> memref<8x128xf32, #tpu.memory_space<vmem>>
    %dma_wait3A_541 = arith.constant 0 : i32
    %dma_wait3A_542 = arith.constant 0 : i32
    %dma_wait3A_543 = tpu.memref_slice %arg4[%shift_right_arithmetic3A_532, %dma_wait3A_536, %and3A_534, %dma_wait3A_541, %dma_wait3A_542] : memref<200x8x128x8x128xf32, #tpu.memory_space<hbm>> -> memref<1x1x1x8x128xf32, #tpu.memory_space<hbm>>
    %dma_wait3A_544 = tpu.memref_squeeze %dma_wait3A_543 : memref<1x1x1x8x128xf32, #tpu.memory_space<hbm>> -> memref<8x128xf32, #tpu.memory_space<hbm>>
    %dma_wait3A_545 = arith.constant 0 : i32
    %dma_wait3A_546 = arith.constant 0 : i32
    %dma_wait3A_547 = tpu.memref_slice %arg4[%shift_right_arithmetic3A_532, %dma_wait3A_536, %and3A_534, %dma_wait3A_545, %dma_wait3A_546] : memref<200x8x128x8x128xf32, #tpu.memory_space<hbm>> -> memref<1x1x1x8x128xf32, #tpu.memory_space<hbm>>
    %dma_wait3A_548 = tpu.memref_squeeze %dma_wait3A_547 : memref<1x1x1x8x128xf32, #tpu.memory_space<hbm>> -> memref<8x128xf32, #tpu.memory_space<hbm>>
    %dma_wait3A_549 = arith.constant 0 : i32
    %dma_wait3A_550 = arith.constant 0 : i32
    %dma_wait3A_551 = tpu.memref_slice %arg12[%dma_wait3A_535, %dma_wait3A_549, %dma_wait3A_550] : memref<8x8x129xf32, #tpu.memory_space<vmem>> -> memref<1x8x128xf32, #tpu.memory_space<vmem>>
    %dma_wait3A_552 = tpu.memref_squeeze %dma_wait3A_551 : memref<1x8x128xf32, #tpu.memory_space<vmem>> -> memref<8x128xf32, #tpu.memory_space<vmem>>
    tpu.wait_dma2 semaphore(%arg20 : memref<!tpu.dma_semaphore, #tpu.memory_space<semaphore_mem>>) src(%dma_wait3A_552 : memref<8x128xf32, #tpu.memory_space<vmem>>) dst(%dma_wait3A_548 : memref<8x128xf32, #tpu.memory_space<hbm>>)
    %shift_right_arithmetic3A_553 = arith.constant 7 : i32
    %shift_right_arithmetic3A_554 = arith.shrsi %add3A_486, %shift_right_arithmetic3A_553 : i32
    %and3A_555 = arith.constant 127 : i32
    %and3A_556 = arith.andi %add3A_486, %and3A_555 : i32
    %dma_wait3A_557 = arith.constant 3 : i32
    %dma_wait3A_558 = arith.constant 3 : i32
    %dma_wait3A_559 = arith.constant 0 : i32
    %dma_wait3A_560 = arith.constant 0 : i32
    %dma_wait3A_561 = tpu.memref_slice %arg12[%dma_wait3A_557, %dma_wait3A_559, %dma_wait3A_560] : memref<8x8x129xf32, #tpu.memory_space<vmem>> -> memref<1x8x128xf32, #tpu.memory_space<vmem>>
    %dma_wait3A_562 = tpu.memref_squeeze %dma_wait3A_561 : memref<1x8x128xf32, #tpu.memory_space<vmem>> -> memref<8x128xf32, #tpu.memory_space<vmem>>
    %dma_wait3A_563 = arith.constant 0 : i32
    %dma_wait3A_564 = arith.constant 0 : i32
    %dma_wait3A_565 = tpu.memref_slice %arg4[%shift_right_arithmetic3A_554, %dma_wait3A_558, %and3A_556, %dma_wait3A_563, %dma_wait3A_564] : memref<200x8x128x8x128xf32, #tpu.memory_space<hbm>> -> memref<1x1x1x8x128xf32, #tpu.memory_space<hbm>>
    %dma_wait3A_566 = tpu.memref_squeeze %dma_wait3A_565 : memref<1x1x1x8x128xf32, #tpu.memory_space<hbm>> -> memref<8x128xf32, #tpu.memory_space<hbm>>
    %dma_wait3A_567 = arith.constant 0 : i32
    %dma_wait3A_568 = arith.constant 0 : i32
    %dma_wait3A_569 = tpu.memref_slice %arg4[%shift_right_arithmetic3A_554, %dma_wait3A_558, %and3A_556, %dma_wait3A_567, %dma_wait3A_568] : memref<200x8x128x8x128xf32, #tpu.memory_space<hbm>> -> memref<1x1x1x8x128xf32, #tpu.memory_space<hbm>>
    %dma_wait3A_570 = tpu.memref_squeeze %dma_wait3A_569 : memref<1x1x1x8x128xf32, #tpu.memory_space<hbm>> -> memref<8x128xf32, #tpu.memory_space<hbm>>
    %dma_wait3A_571 = arith.constant 0 : i32
    %dma_wait3A_572 = arith.constant 0 : i32
    %dma_wait3A_573 = tpu.memref_slice %arg12[%dma_wait3A_557, %dma_wait3A_571, %dma_wait3A_572] : memref<8x8x129xf32, #tpu.memory_space<vmem>> -> memref<1x8x128xf32, #tpu.memory_space<vmem>>
    %dma_wait3A_574 = tpu.memref_squeeze %dma_wait3A_573 : memref<1x8x128xf32, #tpu.memory_space<vmem>> -> memref<8x128xf32, #tpu.memory_space<vmem>>
    tpu.wait_dma2 semaphore(%arg20 : memref<!tpu.dma_semaphore, #tpu.memory_space<semaphore_mem>>) src(%dma_wait3A_574 : memref<8x128xf32, #tpu.memory_space<vmem>>) dst(%dma_wait3A_570 : memref<8x128xf32, #tpu.memory_space<hbm>>)
    %shift_right_arithmetic3A_575 = arith.constant 7 : i32
    %shift_right_arithmetic3A_576 = arith.shrsi %add3A_486, %shift_right_arithmetic3A_575 : i32
    %and3A_577 = arith.constant 127 : i32
    %and3A_578 = arith.andi %add3A_486, %and3A_577 : i32
    %dma_wait3A_579 = arith.constant 4 : i32
    %dma_wait3A_580 = arith.constant 4 : i32
    %dma_wait3A_581 = arith.constant 0 : i32
    %dma_wait3A_582 = arith.constant 0 : i32
    %dma_wait3A_583 = tpu.memref_slice %arg12[%dma_wait3A_579, %dma_wait3A_581, %dma_wait3A_582] : memref<8x8x129xf32, #tpu.memory_space<vmem>> -> memref<1x8x128xf32, #tpu.memory_space<vmem>>
    %dma_wait3A_584 = tpu.memref_squeeze %dma_wait3A_583 : memref<1x8x128xf32, #tpu.memory_space<vmem>> -> memref<8x128xf32, #tpu.memory_space<vmem>>
    %dma_wait3A_585 = arith.constant 0 : i32
    %dma_wait3A_586 = arith.constant 0 : i32
    %dma_wait3A_587 = tpu.memref_slice %arg4[%shift_right_arithmetic3A_576, %dma_wait3A_580, %and3A_578, %dma_wait3A_585, %dma_wait3A_586] : memref<200x8x128x8x128xf32, #tpu.memory_space<hbm>> -> memref<1x1x1x8x128xf32, #tpu.memory_space<hbm>>
    %dma_wait3A_588 = tpu.memref_squeeze %dma_wait3A_587 : memref<1x1x1x8x128xf32, #tpu.memory_space<hbm>> -> memref<8x128xf32, #tpu.memory_space<hbm>>
    %dma_wait3A_589 = arith.constant 0 : i32
    %dma_wait3A_590 = arith.constant 0 : i32
    %dma_wait3A_591 = tpu.memref_slice %arg4[%shift_right_arithmetic3A_576, %dma_wait3A_580, %and3A_578, %dma_wait3A_589, %dma_wait3A_590] : memref<200x8x128x8x128xf32, #tpu.memory_space<hbm>> -> memref<1x1x1x8x128xf32, #tpu.memory_space<hbm>>
    %dma_wait3A_592 = tpu.memref_squeeze %dma_wait3A_591 : memref<1x1x1x8x128xf32, #tpu.memory_space<hbm>> -> memref<8x128xf32, #tpu.memory_space<hbm>>
    %dma_wait3A_593 = arith.constant 0 : i32
    %dma_wait3A_594 = arith.constant 0 : i32
    %dma_wait3A_595 = tpu.memref_slice %arg12[%dma_wait3A_579, %dma_wait3A_593, %dma_wait3A_594] : memref<8x8x129xf32, #tpu.memory_space<vmem>> -> memref<1x8x128xf32, #tpu.memory_space<vmem>>
    %dma_wait3A_596 = tpu.memref_squeeze %dma_wait3A_595 : memref<1x8x128xf32, #tpu.memory_space<vmem>> -> memref<8x128xf32, #tpu.memory_space<vmem>>
    tpu.wait_dma2 semaphore(%arg20 : memref<!tpu.dma_semaphore, #tpu.memory_space<semaphore_mem>>) src(%dma_wait3A_596 : memref<8x128xf32, #tpu.memory_space<vmem>>) dst(%dma_wait3A_592 : memref<8x128xf32, #tpu.memory_space<hbm>>)
    %shift_right_arithmetic3A_597 = arith.constant 7 : i32
    %shift_right_arithmetic3A_598 = arith.shrsi %add3A_486, %shift_right_arithmetic3A_597 : i32
    %and3A_599 = arith.constant 127 : i32
    %and3A_600 = arith.andi %add3A_486, %and3A_599 : i32
    %dma_wait3A_601 = arith.constant 5 : i32
    %dma_wait3A_602 = arith.constant 5 : i32
    %dma_wait3A_603 = arith.constant 0 : i32
    %dma_wait3A_604 = arith.constant 0 : i32
    %dma_wait3A_605 = tpu.memref_slice %arg12[%dma_wait3A_601, %dma_wait3A_603, %dma_wait3A_604] : memref<8x8x129xf32, #tpu.memory_space<vmem>> -> memref<1x8x128xf32, #tpu.memory_space<vmem>>
    %dma_wait3A_606 = tpu.memref_squeeze %dma_wait3A_605 : memref<1x8x128xf32, #tpu.memory_space<vmem>> -> memref<8x128xf32, #tpu.memory_space<vmem>>
    %dma_wait3A_607 = arith.constant 0 : i32
    %dma_wait3A_608 = arith.constant 0 : i32
    %dma_wait3A_609 = tpu.memref_slice %arg4[%shift_right_arithmetic3A_598, %dma_wait3A_602, %and3A_600, %dma_wait3A_607, %dma_wait3A_608] : memref<200x8x128x8x128xf32, #tpu.memory_space<hbm>> -> memref<1x1x1x8x128xf32, #tpu.memory_space<hbm>>
    %dma_wait3A_610 = tpu.memref_squeeze %dma_wait3A_609 : memref<1x1x1x8x128xf32, #tpu.memory_space<hbm>> -> memref<8x128xf32, #tpu.memory_space<hbm>>
    %dma_wait3A_611 = arith.constant 0 : i32
    %dma_wait3A_612 = arith.constant 0 : i32
    %dma_wait3A_613 = tpu.memref_slice %arg4[%shift_right_arithmetic3A_598, %dma_wait3A_602, %and3A_600, %dma_wait3A_611, %dma_wait3A_612] : memref<200x8x128x8x128xf32, #tpu.memory_space<hbm>> -> memref<1x1x1x8x128xf32, #tpu.memory_space<hbm>>
    %dma_wait3A_614 = tpu.memref_squeeze %dma_wait3A_613 : memref<1x1x1x8x128xf32, #tpu.memory_space<hbm>> -> memref<8x128xf32, #tpu.memory_space<hbm>>
    %dma_wait3A_615 = arith.constant 0 : i32
    %dma_wait3A_616 = arith.constant 0 : i32
    %dma_wait3A_617 = tpu.memref_slice %arg12[%dma_wait3A_601, %dma_wait3A_615, %dma_wait3A_616] : memref<8x8x129xf32, #tpu.memory_space<vmem>> -> memref<1x8x128xf32, #tpu.memory_space<vmem>>
    %dma_wait3A_618 = tpu.memref_squeeze %dma_wait3A_617 : memref<1x8x128xf32, #tpu.memory_space<vmem>> -> memref<8x128xf32, #tpu.memory_space<vmem>>
    tpu.wait_dma2 semaphore(%arg20 : memref<!tpu.dma_semaphore, #tpu.memory_space<semaphore_mem>>) src(%dma_wait3A_618 : memref<8x128xf32, #tpu.memory_space<vmem>>) dst(%dma_wait3A_614 : memref<8x128xf32, #tpu.memory_space<hbm>>)
    %shift_right_arithmetic3A_619 = arith.constant 7 : i32
    %shift_right_arithmetic3A_620 = arith.shrsi %add3A_486, %shift_right_arithmetic3A_619 : i32
    %and3A_621 = arith.constant 127 : i32
    %and3A_622 = arith.andi %add3A_486, %and3A_621 : i32
    %dma_wait3A_623 = arith.constant 6 : i32
    %dma_wait3A_624 = arith.constant 6 : i32
    %dma_wait3A_625 = arith.constant 0 : i32
    %dma_wait3A_626 = arith.constant 0 : i32
    %dma_wait3A_627 = tpu.memref_slice %arg12[%dma_wait3A_623, %dma_wait3A_625, %dma_wait3A_626] : memref<8x8x129xf32, #tpu.memory_space<vmem>> -> memref<1x8x128xf32, #tpu.memory_space<vmem>>
    %dma_wait3A_628 = tpu.memref_squeeze %dma_wait3A_627 : memref<1x8x128xf32, #tpu.memory_space<vmem>> -> memref<8x128xf32, #tpu.memory_space<vmem>>
    %dma_wait3A_629 = arith.constant 0 : i32
    %dma_wait3A_630 = arith.constant 0 : i32
    %dma_wait3A_631 = tpu.memref_slice %arg4[%shift_right_arithmetic3A_620, %dma_wait3A_624, %and3A_622, %dma_wait3A_629, %dma_wait3A_630] : memref<200x8x128x8x128xf32, #tpu.memory_space<hbm>> -> memref<1x1x1x8x128xf32, #tpu.memory_space<hbm>>
    %dma_wait3A_632 = tpu.memref_squeeze %dma_wait3A_631 : memref<1x1x1x8x128xf32, #tpu.memory_space<hbm>> -> memref<8x128xf32, #tpu.memory_space<hbm>>
    %dma_wait3A_633 = arith.constant 0 : i32
    %dma_wait3A_634 = arith.constant 0 : i32
    %dma_wait3A_635 = tpu.memref_slice %arg4[%shift_right_arithmetic3A_620, %dma_wait3A_624, %and3A_622, %dma_wait3A_633, %dma_wait3A_634] : memref<200x8x128x8x128xf32, #tpu.memory_space<hbm>> -> memref<1x1x1x8x128xf32, #tpu.memory_space<hbm>>
    %dma_wait3A_636 = tpu.memref_squeeze %dma_wait3A_635 : memref<1x1x1x8x128xf32, #tpu.memory_space<hbm>> -> memref<8x128xf32, #tpu.memory_space<hbm>>
    %dma_wait3A_637 = arith.constant 0 : i32
    %dma_wait3A_638 = arith.constant 0 : i32
    %dma_wait3A_639 = tpu.memref_slice %arg12[%dma_wait3A_623, %dma_wait3A_637, %dma_wait3A_638] : memref<8x8x129xf32, #tpu.memory_space<vmem>> -> memref<1x8x128xf32, #tpu.memory_space<vmem>>
    %dma_wait3A_640 = tpu.memref_squeeze %dma_wait3A_639 : memref<1x8x128xf32, #tpu.memory_space<vmem>> -> memref<8x128xf32, #tpu.memory_space<vmem>>
    tpu.wait_dma2 semaphore(%arg20 : memref<!tpu.dma_semaphore, #tpu.memory_space<semaphore_mem>>) src(%dma_wait3A_640 : memref<8x128xf32, #tpu.memory_space<vmem>>) dst(%dma_wait3A_636 : memref<8x128xf32, #tpu.memory_space<hbm>>)
    %shift_right_arithmetic3A_641 = arith.constant 7 : i32
    %shift_right_arithmetic3A_642 = arith.shrsi %add3A_486, %shift_right_arithmetic3A_641 : i32
    %and3A_643 = arith.constant 127 : i32
    %and3A_644 = arith.andi %add3A_486, %and3A_643 : i32
    %dma_wait3A_645 = arith.constant 7 : i32
    %dma_wait3A_646 = arith.constant 7 : i32
    %dma_wait3A_647 = arith.constant 0 : i32
    %dma_wait3A_648 = arith.constant 0 : i32
    %dma_wait3A_649 = tpu.memref_slice %arg12[%dma_wait3A_645, %dma_wait3A_647, %dma_wait3A_648] : memref<8x8x129xf32, #tpu.memory_space<vmem>> -> memref<1x8x128xf32, #tpu.memory_space<vmem>>
    %dma_wait3A_650 = tpu.memref_squeeze %dma_wait3A_649 : memref<1x8x128xf32, #tpu.memory_space<vmem>> -> memref<8x128xf32, #tpu.memory_space<vmem>>
    %dma_wait3A_651 = arith.constant 0 : i32
    %dma_wait3A_652 = arith.constant 0 : i32
    %dma_wait3A_653 = tpu.memref_slice %arg4[%shift_right_arithmetic3A_642, %dma_wait3A_646, %and3A_644, %dma_wait3A_651, %dma_wait3A_652] : memref<200x8x128x8x128xf32, #tpu.memory_space<hbm>> -> memref<1x1x1x8x128xf32, #tpu.memory_space<hbm>>
    %dma_wait3A_654 = tpu.memref_squeeze %dma_wait3A_653 : memref<1x1x1x8x128xf32, #tpu.memory_space<hbm>> -> memref<8x128xf32, #tpu.memory_space<hbm>>
    %dma_wait3A_655 = arith.constant 0 : i32
    %dma_wait3A_656 = arith.constant 0 : i32
    %dma_wait3A_657 = tpu.memref_slice %arg4[%shift_right_arithmetic3A_642, %dma_wait3A_646, %and3A_644, %dma_wait3A_655, %dma_wait3A_656] : memref<200x8x128x8x128xf32, #tpu.memory_space<hbm>> -> memref<1x1x1x8x128xf32, #tpu.memory_space<hbm>>
    %dma_wait3A_658 = tpu.memref_squeeze %dma_wait3A_657 : memref<1x1x1x8x128xf32, #tpu.memory_space<hbm>> -> memref<8x128xf32, #tpu.memory_space<hbm>>
    %dma_wait3A_659 = arith.constant 0 : i32
    %dma_wait3A_660 = arith.constant 0 : i32
    %dma_wait3A_661 = tpu.memref_slice %arg12[%dma_wait3A_645, %dma_wait3A_659, %dma_wait3A_660] : memref<8x8x129xf32, #tpu.memory_space<vmem>> -> memref<1x8x128xf32, #tpu.memory_space<vmem>>
    %dma_wait3A_662 = tpu.memref_squeeze %dma_wait3A_661 : memref<1x8x128xf32, #tpu.memory_space<vmem>> -> memref<8x128xf32, #tpu.memory_space<vmem>>
    tpu.wait_dma2 semaphore(%arg20 : memref<!tpu.dma_semaphore, #tpu.memory_space<semaphore_mem>>) src(%dma_wait3A_662 : memref<8x128xf32, #tpu.memory_space<vmem>>) dst(%dma_wait3A_658 : memref<8x128xf32, #tpu.memory_space<hbm>>)
    %add3A_663 = arith.constant 800 : i32
    %add3A_664 = arith.addi %mul3A_2, %add3A_663 : i32
    %sub3A_665 = arith.constant 4 : i32
    %sub3A_666 = arith.subi %add3A_664, %sub3A_665 : i32
    %add3A_667 = arith.constant 3 : i32
    %add3A_668 = arith.addi %sub3A_666, %add3A_667 : i32
    %shift_right_arithmetic3A_669 = arith.constant 7 : i32
    %shift_right_arithmetic3A_670 = arith.shrsi %add3A_668, %shift_right_arithmetic3A_669 : i32
    %and3A_671 = arith.constant 127 : i32
    %and3A_672 = arith.andi %add3A_668, %and3A_671 : i32
    %dma_wait3A_673 = arith.constant 0 : i32
    %dma_wait3A_674 = arith.constant 0 : i32
    %dma_wait3A_675 = arith.constant 0 : i32
    %dma_wait3A_676 = arith.constant 0 : i32
    %dma_wait3A_677 = tpu.memref_slice %arg13[%dma_wait3A_673, %dma_wait3A_675, %dma_wait3A_676] : memref<8x8x129xf32, #tpu.memory_space<vmem>> -> memref<1x8x128xf32, #tpu.memory_space<vmem>>
    %dma_wait3A_678 = tpu.memref_squeeze %dma_wait3A_677 : memref<1x8x128xf32, #tpu.memory_space<vmem>> -> memref<8x128xf32, #tpu.memory_space<vmem>>
    %dma_wait3A_679 = arith.constant 0 : i32
    %dma_wait3A_680 = arith.constant 0 : i32
    %dma_wait3A_681 = tpu.memref_slice %arg4[%shift_right_arithmetic3A_670, %dma_wait3A_674, %and3A_672, %dma_wait3A_679, %dma_wait3A_680] : memref<200x8x128x8x128xf32, #tpu.memory_space<hbm>> -> memref<1x1x1x8x128xf32, #tpu.memory_space<hbm>>
    %dma_wait3A_682 = tpu.memref_squeeze %dma_wait3A_681 : memref<1x1x1x8x128xf32, #tpu.memory_space<hbm>> -> memref<8x128xf32, #tpu.memory_space<hbm>>
    %dma_wait3A_683 = arith.constant 0 : i32
    %dma_wait3A_684 = arith.constant 0 : i32
    %dma_wait3A_685 = tpu.memref_slice %arg4[%shift_right_arithmetic3A_670, %dma_wait3A_674, %and3A_672, %dma_wait3A_683, %dma_wait3A_684] : memref<200x8x128x8x128xf32, #tpu.memory_space<hbm>> -> memref<1x1x1x8x128xf32, #tpu.memory_space<hbm>>
    %dma_wait3A_686 = tpu.memref_squeeze %dma_wait3A_685 : memref<1x1x1x8x128xf32, #tpu.memory_space<hbm>> -> memref<8x128xf32, #tpu.memory_space<hbm>>
    %dma_wait3A_687 = arith.constant 0 : i32
    %dma_wait3A_688 = arith.constant 0 : i32
    %dma_wait3A_689 = tpu.memref_slice %arg13[%dma_wait3A_673, %dma_wait3A_687, %dma_wait3A_688] : memref<8x8x129xf32, #tpu.memory_space<vmem>> -> memref<1x8x128xf32, #tpu.memory_space<vmem>>
    %dma_wait3A_690 = tpu.memref_squeeze %dma_wait3A_689 : memref<1x8x128xf32, #tpu.memory_space<vmem>> -> memref<8x128xf32, #tpu.memory_space<vmem>>
    tpu.wait_dma2 semaphore(%arg21 : memref<!tpu.dma_semaphore, #tpu.memory_space<semaphore_mem>>) src(%dma_wait3A_690 : memref<8x128xf32, #tpu.memory_space<vmem>>) dst(%dma_wait3A_686 : memref<8x128xf32, #tpu.memory_space<hbm>>)
    %shift_right_arithmetic3A_691 = arith.constant 7 : i32
    %shift_right_arithmetic3A_692 = arith.shrsi %add3A_668, %shift_right_arithmetic3A_691 : i32
    %and3A_693 = arith.constant 127 : i32
    %and3A_694 = arith.andi %add3A_668, %and3A_693 : i32
    %dma_wait3A_695 = arith.constant 1 : i32
    %dma_wait3A_696 = arith.constant 1 : i32
    %dma_wait3A_697 = arith.constant 0 : i32
    %dma_wait3A_698 = arith.constant 0 : i32
    %dma_wait3A_699 = tpu.memref_slice %arg13[%dma_wait3A_695, %dma_wait3A_697, %dma_wait3A_698] : memref<8x8x129xf32, #tpu.memory_space<vmem>> -> memref<1x8x128xf32, #tpu.memory_space<vmem>>
    %dma_wait3A_700 = tpu.memref_squeeze %dma_wait3A_699 : memref<1x8x128xf32, #tpu.memory_space<vmem>> -> memref<8x128xf32, #tpu.memory_space<vmem>>
    %dma_wait3A_701 = arith.constant 0 : i32
    %dma_wait3A_702 = arith.constant 0 : i32
    %dma_wait3A_703 = tpu.memref_slice %arg4[%shift_right_arithmetic3A_692, %dma_wait3A_696, %and3A_694, %dma_wait3A_701, %dma_wait3A_702] : memref<200x8x128x8x128xf32, #tpu.memory_space<hbm>> -> memref<1x1x1x8x128xf32, #tpu.memory_space<hbm>>
    %dma_wait3A_704 = tpu.memref_squeeze %dma_wait3A_703 : memref<1x1x1x8x128xf32, #tpu.memory_space<hbm>> -> memref<8x128xf32, #tpu.memory_space<hbm>>
    %dma_wait3A_705 = arith.constant 0 : i32
    %dma_wait3A_706 = arith.constant 0 : i32
    %dma_wait3A_707 = tpu.memref_slice %arg4[%shift_right_arithmetic3A_692, %dma_wait3A_696, %and3A_694, %dma_wait3A_705, %dma_wait3A_706] : memref<200x8x128x8x128xf32, #tpu.memory_space<hbm>> -> memref<1x1x1x8x128xf32, #tpu.memory_space<hbm>>
    %dma_wait3A_708 = tpu.memref_squeeze %dma_wait3A_707 : memref<1x1x1x8x128xf32, #tpu.memory_space<hbm>> -> memref<8x128xf32, #tpu.memory_space<hbm>>
    %dma_wait3A_709 = arith.constant 0 : i32
    %dma_wait3A_710 = arith.constant 0 : i32
    %dma_wait3A_711 = tpu.memref_slice %arg13[%dma_wait3A_695, %dma_wait3A_709, %dma_wait3A_710] : memref<8x8x129xf32, #tpu.memory_space<vmem>> -> memref<1x8x128xf32, #tpu.memory_space<vmem>>
    %dma_wait3A_712 = tpu.memref_squeeze %dma_wait3A_711 : memref<1x8x128xf32, #tpu.memory_space<vmem>> -> memref<8x128xf32, #tpu.memory_space<vmem>>
    tpu.wait_dma2 semaphore(%arg21 : memref<!tpu.dma_semaphore, #tpu.memory_space<semaphore_mem>>) src(%dma_wait3A_712 : memref<8x128xf32, #tpu.memory_space<vmem>>) dst(%dma_wait3A_708 : memref<8x128xf32, #tpu.memory_space<hbm>>)
    %shift_right_arithmetic3A_713 = arith.constant 7 : i32
    %shift_right_arithmetic3A_714 = arith.shrsi %add3A_668, %shift_right_arithmetic3A_713 : i32
    %and3A_715 = arith.constant 127 : i32
    %and3A_716 = arith.andi %add3A_668, %and3A_715 : i32
    %dma_wait3A_717 = arith.constant 2 : i32
    %dma_wait3A_718 = arith.constant 2 : i32
    %dma_wait3A_719 = arith.constant 0 : i32
    %dma_wait3A_720 = arith.constant 0 : i32
    %dma_wait3A_721 = tpu.memref_slice %arg13[%dma_wait3A_717, %dma_wait3A_719, %dma_wait3A_720] : memref<8x8x129xf32, #tpu.memory_space<vmem>> -> memref<1x8x128xf32, #tpu.memory_space<vmem>>
    %dma_wait3A_722 = tpu.memref_squeeze %dma_wait3A_721 : memref<1x8x128xf32, #tpu.memory_space<vmem>> -> memref<8x128xf32, #tpu.memory_space<vmem>>
    %dma_wait3A_723 = arith.constant 0 : i32
    %dma_wait3A_724 = arith.constant 0 : i32
    %dma_wait3A_725 = tpu.memref_slice %arg4[%shift_right_arithmetic3A_714, %dma_wait3A_718, %and3A_716, %dma_wait3A_723, %dma_wait3A_724] : memref<200x8x128x8x128xf32, #tpu.memory_space<hbm>> -> memref<1x1x1x8x128xf32, #tpu.memory_space<hbm>>
    %dma_wait3A_726 = tpu.memref_squeeze %dma_wait3A_725 : memref<1x1x1x8x128xf32, #tpu.memory_space<hbm>> -> memref<8x128xf32, #tpu.memory_space<hbm>>
    %dma_wait3A_727 = arith.constant 0 : i32
    %dma_wait3A_728 = arith.constant 0 : i32
    %dma_wait3A_729 = tpu.memref_slice %arg4[%shift_right_arithmetic3A_714, %dma_wait3A_718, %and3A_716, %dma_wait3A_727, %dma_wait3A_728] : memref<200x8x128x8x128xf32, #tpu.memory_space<hbm>> -> memref<1x1x1x8x128xf32, #tpu.memory_space<hbm>>
    %dma_wait3A_730 = tpu.memref_squeeze %dma_wait3A_729 : memref<1x1x1x8x128xf32, #tpu.memory_space<hbm>> -> memref<8x128xf32, #tpu.memory_space<hbm>>
    %dma_wait3A_731 = arith.constant 0 : i32
    %dma_wait3A_732 = arith.constant 0 : i32
    %dma_wait3A_733 = tpu.memref_slice %arg13[%dma_wait3A_717, %dma_wait3A_731, %dma_wait3A_732] : memref<8x8x129xf32, #tpu.memory_space<vmem>> -> memref<1x8x128xf32, #tpu.memory_space<vmem>>
    %dma_wait3A_734 = tpu.memref_squeeze %dma_wait3A_733 : memref<1x8x128xf32, #tpu.memory_space<vmem>> -> memref<8x128xf32, #tpu.memory_space<vmem>>
    tpu.wait_dma2 semaphore(%arg21 : memref<!tpu.dma_semaphore, #tpu.memory_space<semaphore_mem>>) src(%dma_wait3A_734 : memref<8x128xf32, #tpu.memory_space<vmem>>) dst(%dma_wait3A_730 : memref<8x128xf32, #tpu.memory_space<hbm>>)
    %shift_right_arithmetic3A_735 = arith.constant 7 : i32
    %shift_right_arithmetic3A_736 = arith.shrsi %add3A_668, %shift_right_arithmetic3A_735 : i32
    %and3A_737 = arith.constant 127 : i32
    %and3A_738 = arith.andi %add3A_668, %and3A_737 : i32
    %dma_wait3A_739 = arith.constant 3 : i32
    %dma_wait3A_740 = arith.constant 3 : i32
    %dma_wait3A_741 = arith.constant 0 : i32
    %dma_wait3A_742 = arith.constant 0 : i32
    %dma_wait3A_743 = tpu.memref_slice %arg13[%dma_wait3A_739, %dma_wait3A_741, %dma_wait3A_742] : memref<8x8x129xf32, #tpu.memory_space<vmem>> -> memref<1x8x128xf32, #tpu.memory_space<vmem>>
    %dma_wait3A_744 = tpu.memref_squeeze %dma_wait3A_743 : memref<1x8x128xf32, #tpu.memory_space<vmem>> -> memref<8x128xf32, #tpu.memory_space<vmem>>
    %dma_wait3A_745 = arith.constant 0 : i32
    %dma_wait3A_746 = arith.constant 0 : i32
    %dma_wait3A_747 = tpu.memref_slice %arg4[%shift_right_arithmetic3A_736, %dma_wait3A_740, %and3A_738, %dma_wait3A_745, %dma_wait3A_746] : memref<200x8x128x8x128xf32, #tpu.memory_space<hbm>> -> memref<1x1x1x8x128xf32, #tpu.memory_space<hbm>>
    %dma_wait3A_748 = tpu.memref_squeeze %dma_wait3A_747 : memref<1x1x1x8x128xf32, #tpu.memory_space<hbm>> -> memref<8x128xf32, #tpu.memory_space<hbm>>
    %dma_wait3A_749 = arith.constant 0 : i32
    %dma_wait3A_750 = arith.constant 0 : i32
    %dma_wait3A_751 = tpu.memref_slice %arg4[%shift_right_arithmetic3A_736, %dma_wait3A_740, %and3A_738, %dma_wait3A_749, %dma_wait3A_750] : memref<200x8x128x8x128xf32, #tpu.memory_space<hbm>> -> memref<1x1x1x8x128xf32, #tpu.memory_space<hbm>>
    %dma_wait3A_752 = tpu.memref_squeeze %dma_wait3A_751 : memref<1x1x1x8x128xf32, #tpu.memory_space<hbm>> -> memref<8x128xf32, #tpu.memory_space<hbm>>
    %dma_wait3A_753 = arith.constant 0 : i32
    %dma_wait3A_754 = arith.constant 0 : i32
    %dma_wait3A_755 = tpu.memref_slice %arg13[%dma_wait3A_739, %dma_wait3A_753, %dma_wait3A_754] : memref<8x8x129xf32, #tpu.memory_space<vmem>> -> memref<1x8x128xf32, #tpu.memory_space<vmem>>
    %dma_wait3A_756 = tpu.memref_squeeze %dma_wait3A_755 : memref<1x8x128xf32, #tpu.memory_space<vmem>> -> memref<8x128xf32, #tpu.memory_space<vmem>>
    tpu.wait_dma2 semaphore(%arg21 : memref<!tpu.dma_semaphore, #tpu.memory_space<semaphore_mem>>) src(%dma_wait3A_756 : memref<8x128xf32, #tpu.memory_space<vmem>>) dst(%dma_wait3A_752 : memref<8x128xf32, #tpu.memory_space<hbm>>)
    %shift_right_arithmetic3A_757 = arith.constant 7 : i32
    %shift_right_arithmetic3A_758 = arith.shrsi %add3A_668, %shift_right_arithmetic3A_757 : i32
    %and3A_759 = arith.constant 127 : i32
    %and3A_760 = arith.andi %add3A_668, %and3A_759 : i32
    %dma_wait3A_761 = arith.constant 4 : i32
    %dma_wait3A_762 = arith.constant 4 : i32
    %dma_wait3A_763 = arith.constant 0 : i32
    %dma_wait3A_764 = arith.constant 0 : i32
    %dma_wait3A_765 = tpu.memref_slice %arg13[%dma_wait3A_761, %dma_wait3A_763, %dma_wait3A_764] : memref<8x8x129xf32, #tpu.memory_space<vmem>> -> memref<1x8x128xf32, #tpu.memory_space<vmem>>
    %dma_wait3A_766 = tpu.memref_squeeze %dma_wait3A_765 : memref<1x8x128xf32, #tpu.memory_space<vmem>> -> memref<8x128xf32, #tpu.memory_space<vmem>>
    %dma_wait3A_767 = arith.constant 0 : i32
    %dma_wait3A_768 = arith.constant 0 : i32
    %dma_wait3A_769 = tpu.memref_slice %arg4[%shift_right_arithmetic3A_758, %dma_wait3A_762, %and3A_760, %dma_wait3A_767, %dma_wait3A_768] : memref<200x8x128x8x128xf32, #tpu.memory_space<hbm>> -> memref<1x1x1x8x128xf32, #tpu.memory_space<hbm>>
    %dma_wait3A_770 = tpu.memref_squeeze %dma_wait3A_769 : memref<1x1x1x8x128xf32, #tpu.memory_space<hbm>> -> memref<8x128xf32, #tpu.memory_space<hbm>>
    %dma_wait3A_771 = arith.constant 0 : i32
    %dma_wait3A_772 = arith.constant 0 : i32
    %dma_wait3A_773 = tpu.memref_slice %arg4[%shift_right_arithmetic3A_758, %dma_wait3A_762, %and3A_760, %dma_wait3A_771, %dma_wait3A_772] : memref<200x8x128x8x128xf32, #tpu.memory_space<hbm>> -> memref<1x1x1x8x128xf32, #tpu.memory_space<hbm>>
    %dma_wait3A_774 = tpu.memref_squeeze %dma_wait3A_773 : memref<1x1x1x8x128xf32, #tpu.memory_space<hbm>> -> memref<8x128xf32, #tpu.memory_space<hbm>>
    %dma_wait3A_775 = arith.constant 0 : i32
    %dma_wait3A_776 = arith.constant 0 : i32
    %dma_wait3A_777 = tpu.memref_slice %arg13[%dma_wait3A_761, %dma_wait3A_775, %dma_wait3A_776] : memref<8x8x129xf32, #tpu.memory_space<vmem>> -> memref<1x8x128xf32, #tpu.memory_space<vmem>>
    %dma_wait3A_778 = tpu.memref_squeeze %dma_wait3A_777 : memref<1x8x128xf32, #tpu.memory_space<vmem>> -> memref<8x128xf32, #tpu.memory_space<vmem>>
    tpu.wait_dma2 semaphore(%arg21 : memref<!tpu.dma_semaphore, #tpu.memory_space<semaphore_mem>>) src(%dma_wait3A_778 : memref<8x128xf32, #tpu.memory_space<vmem>>) dst(%dma_wait3A_774 : memref<8x128xf32, #tpu.memory_space<hbm>>)
    %shift_right_arithmetic3A_779 = arith.constant 7 : i32
    %shift_right_arithmetic3A_780 = arith.shrsi %add3A_668, %shift_right_arithmetic3A_779 : i32
    %and3A_781 = arith.constant 127 : i32
    %and3A_782 = arith.andi %add3A_668, %and3A_781 : i32
    %dma_wait3A_783 = arith.constant 5 : i32
    %dma_wait3A_784 = arith.constant 5 : i32
    %dma_wait3A_785 = arith.constant 0 : i32
    %dma_wait3A_786 = arith.constant 0 : i32
    %dma_wait3A_787 = tpu.memref_slice %arg13[%dma_wait3A_783, %dma_wait3A_785, %dma_wait3A_786] : memref<8x8x129xf32, #tpu.memory_space<vmem>> -> memref<1x8x128xf32, #tpu.memory_space<vmem>>
    %dma_wait3A_788 = tpu.memref_squeeze %dma_wait3A_787 : memref<1x8x128xf32, #tpu.memory_space<vmem>> -> memref<8x128xf32, #tpu.memory_space<vmem>>
    %dma_wait3A_789 = arith.constant 0 : i32
    %dma_wait3A_790 = arith.constant 0 : i32
    %dma_wait3A_791 = tpu.memref_slice %arg4[%shift_right_arithmetic3A_780, %dma_wait3A_784, %and3A_782, %dma_wait3A_789, %dma_wait3A_790] : memref<200x8x128x8x128xf32, #tpu.memory_space<hbm>> -> memref<1x1x1x8x128xf32, #tpu.memory_space<hbm>>
    %dma_wait3A_792 = tpu.memref_squeeze %dma_wait3A_791 : memref<1x1x1x8x128xf32, #tpu.memory_space<hbm>> -> memref<8x128xf32, #tpu.memory_space<hbm>>
    %dma_wait3A_793 = arith.constant 0 : i32
    %dma_wait3A_794 = arith.constant 0 : i32
    %dma_wait3A_795 = tpu.memref_slice %arg4[%shift_right_arithmetic3A_780, %dma_wait3A_784, %and3A_782, %dma_wait3A_793, %dma_wait3A_794] : memref<200x8x128x8x128xf32, #tpu.memory_space<hbm>> -> memref<1x1x1x8x128xf32, #tpu.memory_space<hbm>>
    %dma_wait3A_796 = tpu.memref_squeeze %dma_wait3A_795 : memref<1x1x1x8x128xf32, #tpu.memory_space<hbm>> -> memref<8x128xf32, #tpu.memory_space<hbm>>
    %dma_wait3A_797 = arith.constant 0 : i32
    %dma_wait3A_798 = arith.constant 0 : i32
    %dma_wait3A_799 = tpu.memref_slice %arg13[%dma_wait3A_783, %dma_wait3A_797, %dma_wait3A_798] : memref<8x8x129xf32, #tpu.memory_space<vmem>> -> memref<1x8x128xf32, #tpu.memory_space<vmem>>
    %dma_wait3A_800 = tpu.memref_squeeze %dma_wait3A_799 : memref<1x8x128xf32, #tpu.memory_space<vmem>> -> memref<8x128xf32, #tpu.memory_space<vmem>>
    tpu.wait_dma2 semaphore(%arg21 : memref<!tpu.dma_semaphore, #tpu.memory_space<semaphore_mem>>) src(%dma_wait3A_800 : memref<8x128xf32, #tpu.memory_space<vmem>>) dst(%dma_wait3A_796 : memref<8x128xf32, #tpu.memory_space<hbm>>)
    %shift_right_arithmetic3A_801 = arith.constant 7 : i32
    %shift_right_arithmetic3A_802 = arith.shrsi %add3A_668, %shift_right_arithmetic3A_801 : i32
    %and3A_803 = arith.constant 127 : i32
    %and3A_804 = arith.andi %add3A_668, %and3A_803 : i32
    %dma_wait3A_805 = arith.constant 6 : i32
    %dma_wait3A_806 = arith.constant 6 : i32
    %dma_wait3A_807 = arith.constant 0 : i32
    %dma_wait3A_808 = arith.constant 0 : i32
    %dma_wait3A_809 = tpu.memref_slice %arg13[%dma_wait3A_805, %dma_wait3A_807, %dma_wait3A_808] : memref<8x8x129xf32, #tpu.memory_space<vmem>> -> memref<1x8x128xf32, #tpu.memory_space<vmem>>
    %dma_wait3A_810 = tpu.memref_squeeze %dma_wait3A_809 : memref<1x8x128xf32, #tpu.memory_space<vmem>> -> memref<8x128xf32, #tpu.memory_space<vmem>>
    %dma_wait3A_811 = arith.constant 0 : i32
    %dma_wait3A_812 = arith.constant 0 : i32
    %dma_wait3A_813 = tpu.memref_slice %arg4[%shift_right_arithmetic3A_802, %dma_wait3A_806, %and3A_804, %dma_wait3A_811, %dma_wait3A_812] : memref<200x8x128x8x128xf32, #tpu.memory_space<hbm>> -> memref<1x1x1x8x128xf32, #tpu.memory_space<hbm>>
    %dma_wait3A_814 = tpu.memref_squeeze %dma_wait3A_813 : memref<1x1x1x8x128xf32, #tpu.memory_space<hbm>> -> memref<8x128xf32, #tpu.memory_space<hbm>>
    %dma_wait3A_815 = arith.constant 0 : i32
    %dma_wait3A_816 = arith.constant 0 : i32
    %dma_wait3A_817 = tpu.memref_slice %arg4[%shift_right_arithmetic3A_802, %dma_wait3A_806, %and3A_804, %dma_wait3A_815, %dma_wait3A_816] : memref<200x8x128x8x128xf32, #tpu.memory_space<hbm>> -> memref<1x1x1x8x128xf32, #tpu.memory_space<hbm>>
    %dma_wait3A_818 = tpu.memref_squeeze %dma_wait3A_817 : memref<1x1x1x8x128xf32, #tpu.memory_space<hbm>> -> memref<8x128xf32, #tpu.memory_space<hbm>>
    %dma_wait3A_819 = arith.constant 0 : i32
    %dma_wait3A_820 = arith.constant 0 : i32
    %dma_wait3A_821 = tpu.memref_slice %arg13[%dma_wait3A_805, %dma_wait3A_819, %dma_wait3A_820] : memref<8x8x129xf32, #tpu.memory_space<vmem>> -> memref<1x8x128xf32, #tpu.memory_space<vmem>>
    %dma_wait3A_822 = tpu.memref_squeeze %dma_wait3A_821 : memref<1x8x128xf32, #tpu.memory_space<vmem>> -> memref<8x128xf32, #tpu.memory_space<vmem>>
    tpu.wait_dma2 semaphore(%arg21 : memref<!tpu.dma_semaphore, #tpu.memory_space<semaphore_mem>>) src(%dma_wait3A_822 : memref<8x128xf32, #tpu.memory_space<vmem>>) dst(%dma_wait3A_818 : memref<8x128xf32, #tpu.memory_space<hbm>>)
    %shift_right_arithmetic3A_823 = arith.constant 7 : i32
    %shift_right_arithmetic3A_824 = arith.shrsi %add3A_668, %shift_right_arithmetic3A_823 : i32
    %and3A_825 = arith.constant 127 : i32
    %and3A_826 = arith.andi %add3A_668, %and3A_825 : i32
    %dma_wait3A_827 = arith.constant 7 : i32
    %dma_wait3A_828 = arith.constant 7 : i32
    %dma_wait3A_829 = arith.constant 0 : i32
    %dma_wait3A_830 = arith.constant 0 : i32
    %dma_wait3A_831 = tpu.memref_slice %arg13[%dma_wait3A_827, %dma_wait3A_829, %dma_wait3A_830] : memref<8x8x129xf32, #tpu.memory_space<vmem>> -> memref<1x8x128xf32, #tpu.memory_space<vmem>>
    %dma_wait3A_832 = tpu.memref_squeeze %dma_wait3A_831 : memref<1x8x128xf32, #tpu.memory_space<vmem>> -> memref<8x128xf32, #tpu.memory_space<vmem>>
    %dma_wait3A_833 = arith.constant 0 : i32
    %dma_wait3A_834 = arith.constant 0 : i32
    %dma_wait3A_835 = tpu.memref_slice %arg4[%shift_right_arithmetic3A_824, %dma_wait3A_828, %and3A_826, %dma_wait3A_833, %dma_wait3A_834] : memref<200x8x128x8x128xf32, #tpu.memory_space<hbm>> -> memref<1x1x1x8x128xf32, #tpu.memory_space<hbm>>
    %dma_wait3A_836 = tpu.memref_squeeze %dma_wait3A_835 : memref<1x1x1x8x128xf32, #tpu.memory_space<hbm>> -> memref<8x128xf32, #tpu.memory_space<hbm>>
    %dma_wait3A_837 = arith.constant 0 : i32
    %dma_wait3A_838 = arith.constant 0 : i32
    %dma_wait3A_839 = tpu.memref_slice %arg4[%shift_right_arithmetic3A_824, %dma_wait3A_828, %and3A_826, %dma_wait3A_837, %dma_wait3A_838] : memref<200x8x128x8x128xf32, #tpu.memory_space<hbm>> -> memref<1x1x1x8x128xf32, #tpu.memory_space<hbm>>
    %dma_wait3A_840 = tpu.memref_squeeze %dma_wait3A_839 : memref<1x1x1x8x128xf32, #tpu.memory_space<hbm>> -> memref<8x128xf32, #tpu.memory_space<hbm>>
    %dma_wait3A_841 = arith.constant 0 : i32
    %dma_wait3A_842 = arith.constant 0 : i32
    %dma_wait3A_843 = tpu.memref_slice %arg13[%dma_wait3A_827, %dma_wait3A_841, %dma_wait3A_842] : memref<8x8x129xf32, #tpu.memory_space<vmem>> -> memref<1x8x128xf32, #tpu.memory_space<vmem>>
    %dma_wait3A_844 = tpu.memref_squeeze %dma_wait3A_843 : memref<1x8x128xf32, #tpu.memory_space<vmem>> -> memref<8x128xf32, #tpu.memory_space<vmem>>
    tpu.wait_dma2 semaphore(%arg21 : memref<!tpu.dma_semaphore, #tpu.memory_space<semaphore_mem>>) src(%dma_wait3A_844 : memref<8x128xf32, #tpu.memory_space<vmem>>) dst(%dma_wait3A_840 : memref<8x128xf32, #tpu.memory_space<hbm>>)
    return
  }
}

</mosaic_0001>

<sc_bundles>
// kernel: kernel.3.cloned.1.call-start
scs
__scs_entry_jumppad:
0x0: {  	(pc) =	sbr.rel $0x88, $3  }
0x1: {  	(tag) =	ssettag $0x0;
	lr =	simm.s32 $0x1  }
0x2: {  	[smem:$0x3F9F] =	sst lr;
	_ =	strace $0xD0000000  }
0x3: {  	_ = 	snop  }
0x4: {  	_ = 	snop  }
0x5: {  	_ = 	snop  }
0x6: {  	_ = 	snop  }
0x7: {  	_ = 	snop  }
__scs_overlays_trampoline_lowered:
0x8: {  	[smem:$0x3FAE] =	sst s0  }
0x9: {  	[smem:$0x3FAF] =	sst s1  }
0xa: {  	[smem:$0x3FB0] =	sst s2  }
0xb: {  	[smem:$0x3FB1] =	sst s3  }
0xc: {  	[smem:$0x3FB2] =	sst s4  }
0xd: {  	[smem:$0x3FB3] =	sst s5  }
0xe: {  	[smem:$0x3FB4] =	sst s6  }
0xf: {  	[smem:$0x3FB5] =	sst s7  }
0x10: {  	[smem:$0x3FB6] =	sst s8  }
0x11: {  	[smem:$0x3FB7] =	sst s9;
	s0 =	simm.s32 @!p0 $0x0  }
0x12: {  	s1 =	sld [smem:$0x3F9D];
	s0 =	simm.s32 @p0 $0x1  }
0x13: {  	[smem:$0x3FB8] =	sst s0;
	s0 =	simm.s32 @!p1 $0x0  }
0x14: {  	s2 =	sld [smem:$0x3F9C];
	s0 =	simm.s32 @p1 $0x1  }
0x15: {  	[smem:$0x3FB9] =	sst s0;
	s0 =	simm.s32 @!p2 $0x0  }
0x16: {  	s3 =	sld [smem:$0x3FDB];
	s0 =	simm.s32 @p2 $0x1  }
0x17: {  	s4 =	simm.s32 $0x1BF5;
	[smem:$0x3FBB] =	sst s0  }
0x18: {  	s0 =	sld [smem:$0x3F9E];
	_ =	swait.ge [sflag:s4], $0x0  }
0x19: {  	s7 =	sld [smem:$0x3F9F]  }
0x1a: {  	s8 =	sadd.s32 $0xFFFFE003, lr  }
0x1b: {  	s9 =	sadd.s32 $0xFFFFFEF7, lr;
	s5 =	simm.s32 $0xFFFFFFFF;
	p2 =	slt.u32 s8, $0xFFFFF086  }
0x1c: {  	p1 =	slt.u32 s9, $0xF7A;
	s5 =	simm.s32 @!p2 $0x0  }
0x1d: {  	s5 =	simm.s32 @p1 $0x1;
	p0 =	seq.s32 s7, s2  }
0x1e: {  	s7 =	smul.u32 @!p0 $0xF7A, s2;
	p2 =	seq.s32 @!p0 s5, $0x0  }
0x1f: {  	s9 =	smul.u32 $0xF7A, s1;
	s8 =	simm.s32 @!p0 $0x1BF5;
	p2 =	por !p2, p0  }
0x20: {  	[sflag:s8] =	ssyncset.s32 @!p0 $0xFFFFF086;
	s6 =	sadd.s32 @!p0 s3, s7;
	s7 =	simm.s32 @!p0 $0x108  }
0x21: {  	s3 =	sadd.s32 s3, s9;
	s6 =	sadd.s32 @!p0 $0x88, s6;
	s7 =	simm.s32 @p2 $0x1082  }
0x22: {  	[simem:s7], [sflag:s8] =	dma.local @!p0 [hbm:s6], $0xF7A  }
0x23: {  	s9 =	sor.u32 $0xD0000000, s2;
	s6 =	simm.s32 $0x108;
	_ =	swait.ge @!p0 [sflag:s8], $0x0  }
0x24: {  	s3 =	sadd.s32 $0x88, s3;
	s6 =	simm.s32 @!p1 $0x1082;
	[sflag:s4] =	ssyncset.s32 $0xFFFFF086  }
0x25: {  	[simem:s6], [sflag:s4] =	dma.local [hbm:s3], $0xF7A  }
0x26: {  	[smem:$0x3F9F] =	sst s1;
	(tag) =	ssettag s2;
	_ =	strace s9  }
0x27: {  	s1 =	sld [smem:$0x3FAF]  }
0x28: {  	s2 =	sld [smem:$0x3FB0]  }
0x29: {  	s4 =	sld [smem:$0x3FB2]  }
0x2a: {  	p0 =	seq.s32 s5, $0x0;
	s5 =	sld [smem:$0x3FB3]  }
0x2b: {  	s6 =	sld [smem:$0x3FB4]  }
0x2c: {  	s7 =	sld [smem:$0x3FB5]  }
0x2d: {  	s3 =	simm.s32 $0x108;
	s8 =	sld [smem:$0x3FB6]  }
0x2e: {  	s3 =	simm.s32 @!p0 $0x1082;
	s9 =	sld [smem:$0x3FB7]  }
0x2f: {  	lr =	sadd.s32 s0, s3;
	s0 =	sld [smem:$0x3FAE]  }
0x30: {  	s3 =	sld [smem:$0x3FB1]  }
0x31: {  	[smem:$0x3FBA] =	sst s10  }
0x32: {  	s10 =	sld [smem:$0x3FB8];
	_ =	sdelay $0x3  }
0x33: {  	p0 =	seq.s32 s10, $0x1;
	s10 =	sld [smem:$0x3FBA];
	_ =	sdelay $0x3  }
0x34: {  	[smem:$0x3FBA] =	sst s10  }
0x35: {  	s10 =	sld [smem:$0x3FB9];
	_ =	sdelay $0x3  }
0x36: {  	p1 =	seq.s32 s10, $0x1;
	s10 =	sld [smem:$0x3FBA];
	_ =	sdelay $0x3  }
0x37: {  	[smem:$0x3FBA] =	sst s10  }
0x38: {  	s10 =	sld [smem:$0x3FBB]  }
0x39: {  	_ = 	snop;
	(pc) =	sbr.ind lr, $3  }
0x3a: {  	_ = 	snop  }
0x3b: {  	_ = 	snop  }
0x3c: {  	p2 =	seq.s32 s10, $0x1;
	s10 =	sld [smem:$0x3FBA]  }
0x3d: {  	_ =	shalt  }
0x3e: {  	_ =	shalt  }
0x3f: {  	_ =	shalt  }
0x40: {  	_ =	shalt  }
0x41: {  	_ =	shalt  }
0x42: {  	_ =	shalt  }
0x43: {  	_ =	shalt  }
0x44: {  	_ =	shalt  }
0x45: {  	_ =	shalt  }
0x46: {  	_ =	shalt  }
0x47: {  	_ =	shalt  }
0x48: {  	_ =	shalt  }
0x49: {  	_ =	shalt  }
0x4a: {  	_ =	shalt  }
0x4b: {  	_ =	shalt  }
0x4c: {  	_ =	shalt  }
0x4d: {  	_ =	shalt  }
0x4e: {  	_ =	shalt  }
0x4f: {  	_ =	shalt  }
0x50: {  	_ =	shalt  }
0x51: {  	_ =	shalt  }
0x52: {  	_ =	shalt  }
0x53: {  	_ =	shalt  }
0x54: {  	_ =	shalt  }
0x55: {  	_ =	shalt  }
0x56: {  	_ =	shalt  }
0x57: {  	_ =	shalt  }
0x58: {  	_ =	shalt  }
0x59: {  	_ =	shalt  }
0x5a: {  	_ =	shalt  }
0x5b: {  	_ =	shalt  }
0x5c: {  	_ =	shalt  }
0x5d: {  	_ =	shalt  }
0x5e: {  	_ =	shalt  }
0x5f: {  	_ =	shalt  }
0x60: {  	_ =	shalt  }
0x61: {  	_ =	shalt  }
0x62: {  	_ =	shalt  }
0x63: {  	_ =	shalt  }
0x64: {  	_ =	shalt  }
0x65: {  	_ =	shalt  }
0x66: {  	_ =	shalt  }
0x67: {  	_ =	shalt  }
0x68: {  	_ =	shalt  }
0x69: {  	_ =	shalt  }
0x6a: {  	_ =	shalt  }
0x6b: {  	_ =	shalt  }
0x6c: {  	_ =	shalt  }
0x6d: {  	_ =	shalt  }
0x6e: {  	_ =	shalt  }
0x6f: {  	_ =	shalt  }
0x70: {  	_ =	shalt  }
0x71: {  	_ =	shalt  }
0x72: {  	_ =	shalt  }
0x73: {  	_ =	shalt  }
0x74: {  	_ =	shalt  }
0x75: {  	_ =	shalt  }
0x76: {  	_ =	shalt  }
0x77: {  	_ =	shalt  }
0x78: {  	_ =	shalt  }
0x79: {  	_ =	shalt  }
0x7a: {  	_ =	shalt  }
0x7b: {  	_ =	shalt  }
0x7c: {  	_ =	shalt  }
0x7d: {  	_ =	shalt  }
0x7e: {  	_ =	shalt  }
0x7f: {  	_ =	shalt  }
0x80: {  	_ =	shalt  }
0x81: {  	_ =	shalt  }
0x82: {  	_ =	shalt  }
0x83: {  	_ =	shalt  }
0x84: {  	_ =	shalt  }
0x85: {  	_ =	shalt  }
0x86: {  	_ =	shalt  }
0x87: {  	_ =	shalt  }
.Lfunc_end0:
.L_simem_size_0:
called_computation_lowered:
.L_overlay_start_0:
0x88: {  	s2 =	sld [smem:$0x3FD9]  }
0x89: {  	s3 =	sld [smem:$0x3FFE];
	_ =	sdelay $0x1  }
0x8a: {  	s1 =	srdreg.scid  }
0x8b: {  	s0 =	sand.u32 $0x1, s1  }
0x8c: {  	s17 =	sshll.u32 s0, $0xA;
	s2 =	sadd.s32 s3, s2  }
0x8d: {  	s2 =	sadd.s32 s2, s17  }
0x8e: {  	[smem:$0x3FC6] =	sst s2  }
0x8f: {  	_ = 	snop  }
0x90: {  	s2 =	sld [smem:$0x3FD0];
	(tm) =	ssettm $0x1  }
0x91: {  	s18 =	sld [smem:$0x3FFB];
	_ =	sdelay $0x3  }
0x92: {  	_ =	strace s18  }
0x93: {  	s3 =	sld [smem:$0x3FFC];
	_ =	sdelay $0x3  }
0x94: {  	_ =	strace s3  }
0x95: {  	s3 =	sld [smem:$0x3FFD];
	_ =	sdelay $0x3  }
0x96: {  	_ =	strace s3  }
0x97: {  	_ =	strace $0x8FFFFFFF  }
0x98: {  	s19 =	sld [smem:$0x3FDB];
	_ =	sdelay $0x1  }
0x99: {  	s4 =	simm.s32 $_scs_section_size  }
0x9a: {  	s5 =	simm.s32 $_size__tile_overlayer_lowered;
	s6 =	simm.s32 $_tile_overlayer_lowered  }
0x9b: {  	s22 =	simm.s32 $0x1BFF;
	s21 =	sshll.u32 s6, $0x1;
	s3 =	sadd.s32 s4, s19  }
0x9c: {  	s7 =	simm.s32 $0x0;
	s20 =	sshll.u32 s5, $0x1;
	s5 =	sadd.s32 s21, s3  }
0x9d: {  	[timem:s7], [sflag:s22] =	dma.local [hbm:s5], s20  }
0x9e: {  	_ =	swait.ge [sflag:s22], s20  }
0x9f: {  	s4 =	ssub.s32 $0x0, s20;
	[sflag:s22] =	ssyncset.done $0x0  }
0xa0: {  	[sflag:s22] =	ssyncadd.s32 s4;
	_ =	sdelay $0x1  }
0xa1: {  	s23 =	simm.s32 $0x1B8B  }
0xa2: {  	_ =	swait.ge [sflag:s23], $0x1  }
0xa3: {  	[sflag:s23] =	ssyncset.done $0x0  }
0xa4: {  	s25 =	simm.s32 $0x1B8E;
	s24 =	sld [smem:$0x3FFE];
	[sflag:s23] =	ssyncadd.s32 $0xFFFFFFFF  }
0xa5: {  	s26 =	simm.s32 $execute0_lowered;
	[smem:$0x3FD2] =	sst s25  }
0xa6: {  	s5 =	sshll.u32 s26, $0x1;
	_ =	strace $0x80000046;
	[dreg:$0x1] =	wrdreg $0xFFFFFFFF  }
0xa7: {  	s28 =	simm.s32 $_size_execute0_lowered;
	s3 =	sadd.s32 s3, s5;
	[dreg:$0x0] =	wrdreg $0x0  }
0xa8: {  	s5 =	sshll.u32 s28, $0x1;
	[dreg:$0x2] =	wrdreg s3  }
0xa9: {  	[dreg:$0x3] =	wrdreg s5  }
0xaa: {  	[dreg:$0x4] =	wrdreg $0xC0  }
0xab: {  	_ =	task [dreg:s7], $0x5FFFF  }
0xac: {  	[dreg:$0x1] =	wrdreg $0xFFFFFFFF  }
0xad: {  	[dreg:$0x0] =	wrdreg $0x60  }
0xae: {  	[dreg:$0x2] =	wrdreg s24  }
0xaf: {  	[dreg:$0x3] =	wrdreg s2  }
0xb0: {  	[dreg:$0x4] =	wrdreg $0x9  }
0xb1: {  	_ =	task.clear_ibuf [dreg:s7], $0x5FFFF;
	_ =	strace $0x90000046  }
0xb2: {  	s29 =	simm.s32 $0x9;
	_ =	strace $0x80000048  }
0xb3: {  	_ =	swait.ge [sflag:s29], $0x1  }
0xb4: {  	[sflag:s29] =	ssyncadd.s32 $0xFFFFFFFF  }
0xb5: {  	_ =	strace $0x90000048  }
0xb6: {  	_ =	sfence  }
0xb7: {  	s30 =	sld [smem:$0x0];
	_ =	sdelay $0x2  }
0xb8: {  	s31 =	sshll.u32 s1, $0xD;
	s1 =	sshrl.u32 s1, $0x2  }
0xb9: {  	s3 =	sand.u32 $0x4000, s31;
	s1 =	sadd.s32 s1, s30  }
0xba: {  	s0 =	sor.u32 s3, s0;
	s1 =	sshll.u32 s1, $0x11  }
0xbb: {  	s0 =	sor.u32 s1, s0  }
0xbc: {  	s0 =	sadd.s32 $0x8F2B, s0  }
0xbd: {  	[sflag:s0] =	ssyncadd.remote.s32 $0x1  }
0xbe: {  	_ =	sfence.sel $0xFFFF  }
0xbf: {  	[dreg:$0x0] =	wrdreg $0xFFFFFFFF;
	(pc) =	sbr.abs _section_cstart, $3  }
0xc0: {  	[dreg:$0x1] =	wrdreg $0xFFFFFFFF  }
0xc1: {  	_ =	task.clear_ibuf [dreg:s7], $0x2FFFF;
	_ =	strace $0x9FFFFFFF  }
0xc2: {  	(tm) =	ssettm $0x7FFFFFFF  }
0xc3: {  	_ =	shalt  }
tec
execute0_lowered:
.L_overlay_start_1:
0x0: {  	(tag) =	ssettag $0x1  }
0x1: {  	s0 =	rddreg [dreg:$0x0]  }
0x2: {  	s2 =	rddreg [dreg:$0x1];
	v0 =	vlaneseq.u32  }
0x3: {  	s1 =	srdreg.scid;
	s4 =	stileid.u32;
	s3 =	simm.s32 $0x0;
	v0 =	vmul.u32 $0x88, v0  }
0x4: {  	s25 =	simm.s32 $0x1;
	s31 =	simm.s32 $0x2;
	s29 =	simm.s32 $0x3;
	v1 =	vimm.s32 $0x0;
	vm0 =	vcmask $0x300  }
0x5: {  	s30 =	simm.s32 $0xD400;
	s17 =	simm.s32 $0x4;
	s24 =	simm.s32 $0xF600;
	v1 =	vsel vm0, $0x3, v1;
	v2 =	vadd.s32 $0x880, v0  }
0x6: {  	s23 =	simm.s32 $0x10898;
	s16 =	simm.s32 $0x0;
	s22 =	simm.s32 $0x80;
	v3 =	vadd.s32 $0x1100, v0;
	v4 =	vadd.s32 $0x1980, v0;
	v5 =	vor.u32 $0x1, v0  }
0x7: {  	s1 =	sand.u32 $0x1, s1;
	s4 =	sshll.u32 s4, $0x1;
	[smem:$0x7FF] =	sst s3;
	v6 =	vadd.s32 $0x881, v0;
	v7 =	vadd.s32 $0x1101, v0;
	v8 =	vadd.s32 $0x1981, v0  }
0x8: {  	s5 =	sadd.s32 $0x400, s0;
	s9 =	sadd.s32 $0x4000, s2;
	s10 =	sadd.s32 $0x8000, s2;
	v9 =	vor.u32 $0x2, v0;
	v10 =	vadd.s32 $0x882, v0;
	v11 =	vadd.s32 $0x1102, v0  }
0x9: {  	s11 =	sadd.s32 $0xC000, s2;
	s12 =	sadd.s32 $0x10000, s2;
	s7 =	sor.u32 s1, s4;
	v12 =	vadd.s32 $0x1982, v0;
	v13 =	vor.u32 $0x3, v0;
	v14 =	vadd.s32 $0x883, v0  }
0xa: {  	s13 =	sadd.s32 $0x14000, s2;
	s14 =	sadd.s32 $0x18000, s2;
	s8 =	smul.u32 $0x3200, s7;
	v15 =	vadd.s32 $0x1103, v0;
	v16 =	vadd.s32 $0x1983, v0;
	v17 =	vor.u32 $0x4, v0  }
.Ltmp0:
0xb: {  	s15 =	sadd.s32 $0x1C000, s2;
	s1 =	ssub.s32 $0x2, s1;
	v18 =	vadd.s32 $0x884, v0;
	v19 =	vadd.s32 $0x1104, v0;
	v20 =	vadd.s32 $0x1984, v0;
	(pc) =	sbr.rel .LBB2_1-.Ltmp0, $4  }
0xc: {  	_ =	strace $0x80000047;
	s4 =	sadd.s32 $0x10600, s0;
	s26 =	sshrl.u32 s1, $0x1;
	v21 =	vor.u32 $0x5, v0;
	v22 =	vadd.s32 $0x885, v0;
	v23 =	vadd.s32 $0x1105, v0  }
0xd: {  	s6 =	smul.u32 $0x320, s7;
	v24 =	vadd.s32 $0x1985, v0;
	v25 =	vor.u32 $0x6, v0;
	v26 =	vadd.s32 $0x886, v0;
	s0 =	ssub.s32 s1, s26;
	s28 =	sadd.s32 s4, s8  }
0xe: {  	v27 =	vadd.s32 $0x1106, v0;
	v28 =	vadd.s32 $0x1986, v0;
	v29 =	vor.u32 $0x7, v0;
	s26 =	simm.s32 $0x9000;
	s0 =	smax.u32 s0, $0x1;
	[dreg:$0x3] =	wrdreg s28  }
0xf: {  	v30 =	vadd.s32 $0x887, v0;
	v31 =	vadd.s32 $0x1107, v0;
	v32 =	vadd.s32 $0x1987, v0;
	s8 =	smul.u32 $0x19000, s7;
	[dreg:$0x4] =	wrdreg s0;
	s0 =	simm.s32 $0xB200  }
.LBB2_12:
0x10: {  	s1 =	simm.s32 $0x5  }
0x11: {  	_ =	swait.ge [sflag:s1], $0x400  }
0x12: {  	[sflag:s1] =	ssyncset.done $0x0  }
0x13: {  	[sflag:s1] =	ssyncadd.s32 $0xFFFFFC00  }
0x14: {  	_ =	swait.ge [sflag:s1], $0x400  }
0x15: {  	[sflag:s1] =	ssyncset.done $0x0  }
0x16: {  	[sflag:s1] =	ssyncadd.s32 $0xFFFFFC00  }
0x17: {  	_ =	swait.ge [sflag:s1], $0x400  }
0x18: {  	[sflag:s1] =	ssyncset.done $0x0  }
0x19: {  	[sflag:s1] =	ssyncadd.s32 $0xFFFFFC00  }
0x1a: {  	_ =	swait.ge [sflag:s1], $0x400  }
0x1b: {  	[sflag:s1] =	ssyncset.done $0x0  }
0x1c: {  	[sflag:s1] =	ssyncadd.s32 $0xFFFFFC00  }
0x1d: {  	_ =	swait.ge [sflag:s1], $0x400  }
0x1e: {  	[sflag:s1] =	ssyncset.done $0x0  }
0x1f: {  	[sflag:s1] =	ssyncadd.s32 $0xFFFFFC00  }
0x20: {  	_ =	swait.ge [sflag:s1], $0x400  }
0x21: {  	[sflag:s1] =	ssyncset.done $0x0  }
0x22: {  	[sflag:s1] =	ssyncadd.s32 $0xFFFFFC00  }
0x23: {  	_ =	swait.ge [sflag:s1], $0x400  }
0x24: {  	[sflag:s1] =	ssyncset.done $0x0  }
0x25: {  	[sflag:s1] =	ssyncadd.s32 $0xFFFFFC00  }
0x26: {  	_ =	swait.ge [sflag:s1], $0x400  }
0x27: {  	[sflag:s1] =	ssyncset.done $0x0  }
0x28: {  	s20 =	simm.s32 $0x6;
	[sflag:s1] =	ssyncadd.s32 $0xFFFFFC00  }
0x29: {  	_ =	swait.ge [sflag:s20], $0x400  }
0x2a: {  	[sflag:s20] =	ssyncset.done $0x0  }
0x2b: {  	[sflag:s20] =	ssyncadd.s32 $0xFFFFFC00  }
0x2c: {  	_ =	swait.ge [sflag:s20], $0x400  }
0x2d: {  	[sflag:s20] =	ssyncset.done $0x0  }
0x2e: {  	[sflag:s20] =	ssyncadd.s32 $0xFFFFFC00  }
0x2f: {  	_ =	swait.ge [sflag:s20], $0x400  }
0x30: {  	[sflag:s20] =	ssyncset.done $0x0  }
0x31: {  	[sflag:s20] =	ssyncadd.s32 $0xFFFFFC00  }
0x32: {  	_ =	swait.ge [sflag:s20], $0x400  }
0x33: {  	[sflag:s20] =	ssyncset.done $0x0  }
0x34: {  	[sflag:s20] =	ssyncadd.s32 $0xFFFFFC00  }
0x35: {  	_ =	swait.ge [sflag:s20], $0x400  }
0x36: {  	[sflag:s20] =	ssyncset.done $0x0  }
0x37: {  	[sflag:s20] =	ssyncadd.s32 $0xFFFFFC00  }
0x38: {  	_ =	swait.ge [sflag:s20], $0x400  }
0x39: {  	[sflag:s20] =	ssyncset.done $0x0  }
0x3a: {  	[sflag:s20] =	ssyncadd.s32 $0xFFFFFC00  }
0x3b: {  	_ =	swait.ge [sflag:s20], $0x400  }
0x3c: {  	[sflag:s20] =	ssyncset.done $0x0  }
0x3d: {  	[sflag:s20] =	ssyncadd.s32 $0xFFFFFC00  }
0x3e: {  	_ =	swait.ge [sflag:s20], $0x400  }
0x3f: {  	[sflag:s20] =	ssyncset.done $0x0  }
0x40: {  	s21 =	simm.s32 $0x7;
	[sflag:s20] =	ssyncadd.s32 $0xFFFFFC00  }
0x41: {  	_ =	swait.ge [sflag:s21], $0x400  }
0x42: {  	[sflag:s21] =	ssyncset.done $0x0  }
0x43: {  	[sflag:s21] =	ssyncadd.s32 $0xFFFFFC00  }
0x44: {  	_ =	swait.ge [sflag:s21], $0x400  }
0x45: {  	[sflag:s21] =	ssyncset.done $0x0  }
0x46: {  	[sflag:s21] =	ssyncadd.s32 $0xFFFFFC00  }
0x47: {  	_ =	swait.ge [sflag:s21], $0x400  }
0x48: {  	[sflag:s21] =	ssyncset.done $0x0  }
0x49: {  	[sflag:s21] =	ssyncadd.s32 $0xFFFFFC00  }
0x4a: {  	_ =	swait.ge [sflag:s21], $0x400  }
0x4b: {  	[sflag:s21] =	ssyncset.done $0x0  }
0x4c: {  	[sflag:s21] =	ssyncadd.s32 $0xFFFFFC00  }
0x4d: {  	_ =	swait.ge [sflag:s21], $0x400  }
0x4e: {  	[sflag:s21] =	ssyncset.done $0x0  }
0x4f: {  	[sflag:s21] =	ssyncadd.s32 $0xFFFFFC00  }
0x50: {  	_ =	swait.ge [sflag:s21], $0x400  }
0x51: {  	[sflag:s21] =	ssyncset.done $0x0  }
0x52: {  	[sflag:s21] =	ssyncadd.s32 $0xFFFFFC00  }
0x53: {  	_ =	swait.ge [sflag:s21], $0x400  }
0x54: {  	[sflag:s21] =	ssyncset.done $0x0  }
0x55: {  	[sflag:s21] =	ssyncadd.s32 $0xFFFFFC00  }
0x56: {  	_ =	swait.ge [sflag:s21], $0x400  }
0x57: {  	[sflag:s21] =	ssyncset.done $0x0  }
0x58: {  	s7 =	simm.s32 $0x8;
	[sflag:s21] =	ssyncadd.s32 $0xFFFFFC00  }
0x59: {  	_ =	swait.ge [sflag:s7], $0x400  }
0x5a: {  	[sflag:s7] =	ssyncset.done $0x0  }
0x5b: {  	[sflag:s7] =	ssyncadd.s32 $0xFFFFFC00  }
0x5c: {  	_ =	swait.ge [sflag:s7], $0x400  }
0x5d: {  	[sflag:s7] =	ssyncset.done $0x0  }
0x5e: {  	[sflag:s7] =	ssyncadd.s32 $0xFFFFFC00  }
0x5f: {  	_ =	swait.ge [sflag:s7], $0x400  }
0x60: {  	[sflag:s7] =	ssyncset.done $0x0  }
0x61: {  	[sflag:s7] =	ssyncadd.s32 $0xFFFFFC00  }
0x62: {  	_ =	swait.ge [sflag:s7], $0x400  }
0x63: {  	[sflag:s7] =	ssyncset.done $0x0  }
0x64: {  	[sflag:s7] =	ssyncadd.s32 $0xFFFFFC00  }
0x65: {  	_ =	swait.ge [sflag:s7], $0x400  }
0x66: {  	[sflag:s7] =	ssyncset.done $0x0  }
0x67: {  	[sflag:s7] =	ssyncadd.s32 $0xFFFFFC00  }
0x68: {  	_ =	swait.ge [sflag:s7], $0x400  }
0x69: {  	[sflag:s7] =	ssyncset.done $0x0  }
0x6a: {  	[sflag:s7] =	ssyncadd.s32 $0xFFFFFC00  }
0x6b: {  	_ =	swait.ge [sflag:s7], $0x400  }
0x6c: {  	[sflag:s7] =	ssyncset.done $0x0  }
0x6d: {  	[sflag:s7] =	ssyncadd.s32 $0xFFFFFC00  }
0x6e: {  	_ =	swait.ge [sflag:s7], $0x400  }
0x6f: {  	s16 =	rddreg [dreg:$0x5]  }
0x70: {  	s28 =	rddreg [dreg:$0x4];
	s16 =	sadd.s32 $0x1, s16  }
0x71: {  	p0 =	sne.s32 s16, s28  }
.Ltmp1:
0x72: {  	_ = 	snop;
	(pc) =	sbr.rel @!p0 .LBB2_13-.Ltmp1, $3  }
0x73: {  	_ =	sdelay $0x1  }
0x74: {  	[sflag:s7] =	ssyncset.done $0x0  }
0x75: {  	[sflag:s7] =	ssyncadd.s32 $0xFFFFFC00  }
.LBB2_1:
0x76: {  	[dreg:$0x5] =	wrdreg s16  }
0x77: {  	s1 =	rddreg [dreg:$0x3];
	s16 =	simm.s32 $0x9  }
0x78: {  	[tilespmem:s3], [sflag:$0x9] =	stream.linear.gather [hbm4b:s1+s3], $0x800, $0x38;
	[tilespmem:$0x11800] =	vst v63  }
0x79: {  	_ =	swait.ge [sflag:s16], $0x800  }
0x7a: {  	[sflag:s16] =	ssyncset.done $0x0  }
0x7b: {  	s7 =	simm.s32 $0x1000;
	s1 =	simm.s32 $0x80;
	[sflag:s16] =	ssyncadd.s32 $0xFFFFF800  }
0x7c: {  	[tilespmem:s7], [sflag:$0x1] =	stream.indirect.gather [hbm4b:s5+s1], $0x40, s3, s1, $0xb8;
	[tilespmem:$0x11800] =	vst v63  }
0x7d: {  	s18 =	simm.s32 $0x3000  }
0x7e: {  	[tilespmem:s18], [sflag:$0x2] =	stream.indirect.gather [hbm4b:s5+s1], $0x40, s1, s1, $0xb8;
	[tilespmem:$0x11800] =	vst v63  }
0x7f: {  	s19 =	simm.s32 $0x100;
	s20 =	simm.s32 $0x5000  }
0x80: {  	[tilespmem:s20], [sflag:$0x3] =	stream.indirect.gather [hbm4b:s5+s1], $0x40, s19, s1, $0xb8;
	[tilespmem:$0x11800] =	vst v63  }
0x81: {  	s21 =	simm.s32 $0x180;
	s28 =	simm.s32 $0x7000;
	s7 =	simm.s32 $0x0  }
0x82: {  	[tilespmem:s28], [sflag:$0x4] =	stream.indirect.gather [hbm4b:s5+s1], $0x40, s21, s1, $0xb8;
	[tilespmem:$0x11800] =	vst v63  }
.LBB2_2:
0x83: {  	s1 =	sand.u32 $0x3, s7;
	p0 =	sgt.u32 s7, $0xC3  }
0x84: {  	p1 =	sne.s32 @!p0 s1, $0x0  }
0x85: {  	p0 =	por p1, p0  }
0x86: {  	s1 =	sshll.u32 @!p0 s7, $0x9  }
0x87: {  	s1 =	sadd.s32 @!p0 $0x800, s1  }
0x88: {  	s16 =	sadd.s32 @!p0 s8, s1  }
0x89: {  	s16 =	sshrl.u32 @!p0 s16, $0x3  }
0x8a: {  	s18 =	simm.s32 @!p0 $0x0;
	s1 =	sand.u32 @!p0 $0x800, s1;
	s16 =	sadd.s32 @!p0 s4, s16  }
0x8b: {  	[tilespmem:s1], [sflag:$0x9] =	stream.linear.gather @!p0 [hbm4b:s16+s18], $0x800, $0x38;
	[tilespmem:$0x11800] =	vst v63  }
0x8c: {  	s1 =	simm.s32 @!p0 $0x9  }
0x8d: {  	_ =	swait.ge @!p0 [sflag:s1], $0x800  }
0x8e: {  	[sflag:s1] =	ssyncset.done @!p0 $0x0  }
0x8f: {  	[sflag:s1] =	ssyncadd.s32 @!p0 $0xFFFFF800  }
0x90: {  	_ =	swait.ge [sflag:s25], $0x2000  }
0x91: {  	p0 =	seq.s32 s7, $0x0;
	[sflag:s25] =	ssyncset.done $0x0  }
0x92: {  	s1 =	simm.s32 @!p0 $0x5;
	[sflag:s25] =	ssyncadd.s32 $0xFFFFE000  }
0x93: {  	_ =	swait.ge @!p0 [sflag:s1], $0x400  }
0x94: {  	[sflag:s1] =	ssyncset.done @!p0 $0x0  }
0x95: {  	[sflag:s1] =	ssyncadd.s32 @!p0 $0xFFFFFC00  }
0x96: {  	_ =	swait.ge @!p0 [sflag:s1], $0x400  }
0x97: {  	[sflag:s1] =	ssyncset.done @!p0 $0x0  }
0x98: {  	[sflag:s1] =	ssyncadd.s32 @!p0 $0xFFFFFC00  }
0x99: {  	_ =	swait.ge @!p0 [sflag:s1], $0x400  }
0x9a: {  	[sflag:s1] =	ssyncset.done @!p0 $0x0  }
0x9b: {  	[sflag:s1] =	ssyncadd.s32 @!p0 $0xFFFFFC00  }
0x9c: {  	_ =	swait.ge @!p0 [sflag:s1], $0x400  }
0x9d: {  	[sflag:s1] =	ssyncset.done @!p0 $0x0  }
0x9e: {  	[sflag:s1] =	ssyncadd.s32 @!p0 $0xFFFFFC00  }
0x9f: {  	_ =	swait.ge @!p0 [sflag:s1], $0x400  }
0xa0: {  	[sflag:s1] =	ssyncset.done @!p0 $0x0  }
0xa1: {  	[sflag:s1] =	ssyncadd.s32 @!p0 $0xFFFFFC00  }
0xa2: {  	s21 =	simm.s32 $0x0;
	_ =	swait.ge @!p0 [sflag:s1], $0x400  }
0xa3: {  	s19 =	simm.s32 $0x2;
	s20 =	simm.s32 $0x3;
	[sflag:s1] =	ssyncset.done @!p0 $0x0  }
0xa4: {  	v33 =	vmov s21;
	v35 =	vmov s19;
	s21 =	simm.s32 $0x4;
	s19 =	simm.s32 $0x7;
	v36 =	vmov s20;
	[sflag:s1] =	ssyncadd.s32 @!p0 $0xFFFFFC00  }
0xa5: {  	s20 =	simm.s32 $0x5;
	v33 =	vshrl.u32 v33, $0x3;
	v37 =	vmov s21;
	v38 =	vmov s19;
	_ =	swait.ge @!p0 [sflag:s1], $0x400  }
0xa6: {  	v39 =	vmov s20;
	s21 =	simm.s32 $0x6;
	v35 =	vshrl.u32 v35, $0x3;
	v36 =	vshrl.u32 v36, $0x3;
	[sflag:s1] =	ssyncset.done @!p0 $0x0  }
0xa7: {  	v33 =	vshll.u32 v33, v1;
	v38 =	vshrl.u32 v38, $0x3;
	v40 =	vmov s21;
	s18 =	simm.s32 $0x1;
	[sflag:s1] =	ssyncadd.s32 @!p0 $0xFFFFFC00  }
0xa8: {  	v37 =	vshrl.u32 v37, $0x3;
	v38 =	vshll.u32 v38, v1;
	v34 =	vmov s18;
	_ =	swait.ge @!p0 [sflag:s1], $0x400  }
0xa9: {  	v51 =	vshll.u32 v35, v1;
	v38 =	vbroadcast v38, $0x0;
	v34 =	vshrl.u32 v34, $0x3;
	[sflag:s1] =	ssyncset.done @!p0 $0x0  }
0xaa: {  	v52 =	vshll.u32 v36, v1;
	v33 =	vbroadcast v33, $0x0;
	v34 =	vshll.u32 v34, v1;
	[sflag:s1] =	ssyncadd.s32 @!p0 $0xFFFFFC00;
	s1 =	simm.s32 $0x1100  }
0xab: {  	v55 =	vshrl.u32 v39, $0x3;
	v42 =	vadd.s32 v29, v38;
	v47 =	vbroadcast v34, $0x0;
	v41 =	vld [tilespmem:s1+$0xC0]  }
0xac: {  	v53 =	vbroadcast v51, $0x0;
	v35 =	vbroadcast v52, $0x0;
	v44 =	vadd.s32 v0, v33;
	v43 =	vld [tilespmem:s1+$0xFFFFFF00]  }
0xad: {  	v54 =	vshll.u32 v37, v1;
	v36 =	vshll.u32 v55, v1;
	v46 =	vadd.s32 v5, v47;
	v45 =	vld [tilespmem:s1+$0xFFFFFF40]  }
0xae: {  	v40 =	vshrl.u32 v40, $0x3;
	v49 =	vadd.s32 v9, v53;
	v34 =	vbroadcast v54, $0x0;
	v48 =	vld [tilespmem:s1+$0xFFFFFF80]  }
0xaf: {  	v37 =	vbroadcast v36, $0x0;
	v56 =	vshll.u32 v40, v1;
	v50 =	vadd.s32 v13, v35;
	v39 =	vld [tilespmem:s1+$0xFFFFFFC0]  }
0xb0: {  	v36 =	vbroadcast v56, $0x0;
	v52 =	vadd.s32 v17, v34;
	v51 =	vld [tilespmem:s1+$0x0];
	[tilespmem:v42+s26+$0x0] =	vst.idx.msk $0xffff, v41  }
0xb1: {  	v60 =	vadd.s32 v21, v37;
	v59 =	vld [tilespmem:s1+$0x40];
	[tilespmem:v44+s26+$0x0] =	vst.idx.msk $0xffff, v43  }
0xb2: {  	v62 =	vadd.s32 v25, v36;
	v61 =	vld [tilespmem:s1+$0x80];
	[tilespmem:v46+s26+$0x0] =	vst.idx.msk $0xffff, v45  }
0xb3: {  	v58 =	vadd.s32 v30, v38;
	[tilespmem:v49+s26+$0x0] =	vst.idx.msk $0xffff, v48;
	v57 =	vld [tilespmem:s1+$0xD0]  }
0xb4: {  	v63 =	vadd.s32 v6, v47;
	[tilespmem:v50+s26+$0x0] =	vst.idx.msk $0xffff, v39;
	v46 =	vld [tilespmem:s1+$0xFFFFFF50]  }
0xb5: {  	v55 =	vadd.s32 v10, v53;
	[tilespmem:v52+s26+$0x0] =	vst.idx.msk $0xffff, v51;
	v54 =	vld [tilespmem:s1+$0xFFFFFF90]  }
0xb6: {  	v56 =	vadd.s32 v14, v35;
	[tilespmem:v60+s26+$0x0] =	vst.idx.msk $0xffff, v59;
	v50 =	vld [tilespmem:s1+$0xFFFFFFD0]  }
0xb7: {  	[tilespmem:v62+s26+$0x0] =	vst.idx.msk $0xffff, v61;
	v45 =	vadd.s32 v22, v37;
	v44 =	vld [tilespmem:s1+$0x50]  }
0xb8: {  	v59 =	vadd.s32 v18, v34;
	[tilespmem:v58+s26+$0x0] =	vst.idx.msk $0xffff, v57;
	v58 =	vld [tilespmem:s1+$0x10]  }
0xb9: {  	v57 =	vadd.s32 v31, v38;
	[tilespmem:v63+s26+$0x0] =	vst.idx.msk $0xffff, v46;
	v40 =	vld [tilespmem:s1+$0xE0]  }
0xba: {  	v62 =	vadd.s32 v2, v33;
	v61 =	vld [tilespmem:s1+$0xFFFFFF10];
	[tilespmem:v55+s26+$0x0] =	vst.idx.msk $0xffff, v54  }
0xbb: {  	v60 =	vadd.s32 v26, v36;
	v63 =	vld [tilespmem:s1+$0x90];
	[tilespmem:v56+s26+$0x0] =	vst.idx.msk $0xffff, v50  }
0xbc: {  	v51 =	vadd.s32 v7, v47;
	[tilespmem:v45+s26+$0x0] =	vst.idx.msk $0xffff, v44;
	v50 =	vld [tilespmem:s1+$0xFFFFFF60]  }
0xbd: {  	v56 =	vadd.s32 v11, v53;
	v55 =	vld [tilespmem:s1+$0xFFFFFFA0];
	[tilespmem:v59+s26+$0x0] =	vst.idx.msk $0xffff, v58  }
0xbe: {  	v58 =	vadd.s32 v15, v35;
	[tilespmem:v57+s26+$0x0] =	vst.idx.msk $0xffff, v40;
	v57 =	vld [tilespmem:s1+$0xFFFFFFE0]  }
0xbf: {  	v38 =	vadd.s32 v32, v38;
	[tilespmem:v62+s26+$0x0] =	vst.idx.msk $0xffff, v61;
	v52 =	vld [tilespmem:s1+$0xF0]  }
0xc0: {  	[tilespmem:v60+s26+$0x0] =	vst.idx.msk $0xffff, v63;
	v60 =	vadd.s32 v19, v34;
	v59 =	vld [tilespmem:s1+$0x20]  }
0xc1: {  	s20 =	simm.s32 $0xA;
	s21 =	simm.s32 $0xB;
	v41 =	vadd.s32 v23, v37;
	v43 =	vadd.s32 v27, v36;
	[tilespmem:v51+s26+$0x0] =	vst.idx.msk $0xffff, v50;
	v40 =	vld [tilespmem:s1+$0x60]  }
0xc2: {  	s19 =	simm.s32 $0x9;
	s18 =	simm.s32 $0x8;
	v48 =	vadd.s32 v3, v33;
	v54 =	vmov s20;
	v44 =	vmov s21;
	v42 =	vld [tilespmem:s1+$0xA0];
	[tilespmem:v56+s26+$0x0] =	vst.idx.msk $0xffff, v55  }
0xc3: {  	v53 =	vadd.s32 v12, v53;
	v45 =	vld [tilespmem:s1+$0xFFFFFF20];
	v63 =	vmov s18;
	v51 =	vmov s19;
	s19 =	simm.s32 $0xC;
	[tilespmem:v58+s26+$0x0] =	vst.idx.msk $0xffff, v57  }
0xc4: {  	s16 =	sshll.u32 s7, $0x2;
	s20 =	simm.s32 $0xD;
	s21 =	simm.s32 $0xE;
	v39 =	vshrl.u32 v63, $0x3;
	v46 =	vmov s19;
	v49 =	vld [tilespmem:s1+$0xFFFFFF70];
	[tilespmem:v38+s26+$0x0] =	vst.idx.msk $0xffff, v52;
	v52 =	vadd.s32 v8, v47  }
0xc5: {  	s28 =	sadd.s32 s6, s16;
	s18 =	simm.s32 $0xF;
	s19 =	simm.s32 $0x10;
	v50 =	vld [tilespmem:s1+$0xFFFFFFB0];
	[tilespmem:v60+s26+$0x0] =	vst.idx.msk $0xffff, v59;
	v38 =	vmov s20;
	v47 =	vshll.u32 v39, v1;
	v39 =	vmov s21  }
.LBB2_3:
0xc6: {  	p1 =	slt.u32 s19, $0x78;
	v51 =	vshrl.u32 v51, $0x3;
	v55 =	vmov s18;
	v56 =	vld [tilespmem:s1+$0xFFFFFFF0];
	v35 =	vadd.s32 v16, v35;
	[tilespmem:v41+s26+$0x0] =	vst.idx.msk $0xffff, v40  }
0xc7: {  	v40 =	vshrl.u32 v54, $0x3;
	v34 =	vadd.s32 v20, v34;
	v41 =	vshrl.u32 v55, $0x3;
	v54 =	vld [tilespmem:s1+$0x30];
	[tilespmem:v43+s26+$0x0] =	vst.idx.msk $0xffff, v42  }
0xc8: {  	v37 =	vadd.s32 v24, v37;
	v42 =	vshrl.u32 v44, $0x3;
	v41 =	vshll.u32 v41, v1;
	[tilespmem:v48+s26+$0x0] =	vst.idx.msk $0xffff, v45;
	v43 =	vld [tilespmem:s1+$0x70]  }
0xc9: {  	v36 =	vadd.s32 v28, v36;
	v44 =	vshrl.u32 v46, $0x3;
	v41 =	vbroadcast v41, $0x0;
	[tilespmem:v52+s26+$0x0] =	vst.idx.msk $0xffff, v49;
	v45 =	vld [tilespmem:s1+$0xB0]  }
0xca: {  	v46 =	vshll.u32 v51, v1;
	v49 =	vadd.s32 v4, v33;
	v33 =	vbroadcast v47, $0x0;
	v48 =	vld [tilespmem:s1+$0xFFFFFF30];
	[tilespmem:v53+s26+$0x0] =	vst.idx.msk $0xffff, v50;
	s1 =	sadd.s32 $0x200, s1  }
0xcb: {  	v40 =	vshll.u32 v40, v1;
	v47 =	vbroadcast v46, $0x0;
	v46 =	vld [tilespmem:s1+$0xC0];
	v50 =	vadd.s32 v29, v41;
	[tilespmem:v35+s26+$0x0] =	vst.idx.msk $0xffff, v56  }
0xcc: {  	v53 =	vbroadcast v40, $0x0;
	v52 =	vadd.s32 v0, v33;
	v35 =	vshll.u32 v42, v1;
	v51 =	vld [tilespmem:s1+$0xFFFFFF00];
	[tilespmem:v34+s26+$0x0] =	vst.idx.msk $0xffff, v54  }
0xcd: {  	v42 =	vadd.s32 v5, v47;
	v35 =	vbroadcast v35, $0x0;
	v34 =	vshll.u32 v44, v1;
	v40 =	vld [tilespmem:s1+$0xFFFFFF40];
	[tilespmem:v37+s26+$0x0] =	vst.idx.msk $0xffff, v43  }
0xce: {  	v44 =	vadd.s32 v9, v53;
	v34 =	vbroadcast v34, $0x0;
	v37 =	vshrl.u32 v38, $0x3;
	v43 =	vld [tilespmem:s1+$0xFFFFFF80];
	[tilespmem:v36+s26+$0x0] =	vst.idx.msk $0xffff, v45  }
0xcf: {  	v39 =	vshrl.u32 v39, $0x3;
	v45 =	vadd.s32 v13, v35;
	v36 =	vshll.u32 v37, v1;
	v38 =	vld [tilespmem:s1+$0xFFFFFFC0];
	[tilespmem:v49+s26+$0x0] =	vst.idx.msk $0xffff, v48  }
0xd0: {  	v49 =	vadd.s32 v17, v34;
	v37 =	vbroadcast v36, $0x0;
	v36 =	vshll.u32 v39, v1;
	v48 =	vld [tilespmem:s1+$0x0];
	[tilespmem:v50+s26+$0x0] =	vst.idx.msk $0xffff, v46  }
0xd1: {  	v36 =	vbroadcast v36, $0x0;
	v46 =	vadd.s32 v30, v41;
	[tilespmem:v52+s26+$0x0] =	vst.idx.msk $0xffff, v51;
	v39 =	vld [tilespmem:s1+$0xD0]  }
0xd2: {  	[tilespmem:v42+s26+$0x0] =	vst.idx.msk $0xffff, v40;
	v40 =	vld [tilespmem:s1+$0x40];
	v42 =	vadd.s32 v21, v37  }
0xd3: {  	[tilespmem:v44+s26+$0x0] =	vst.idx.msk $0xffff, v43;
	v43 =	vld [tilespmem:s1+$0x80];
	v44 =	vadd.s32 v25, v36  }
0xd4: {  	v51 =	vadd.s32 v6, v47;
	v50 =	vld [tilespmem:s1+$0xFFFFFF50];
	[tilespmem:v45+s26+$0x0] =	vst.idx.msk $0xffff, v38  }
0xd5: {  	v45 =	vadd.s32 v10, v53;
	v38 =	vld [tilespmem:s1+$0xFFFFFF90];
	[tilespmem:v49+s26+$0x0] =	vst.idx.msk $0xffff, v48  }
0xd6: {  	v49 =	vadd.s32 v14, v35;
	v48 =	vld [tilespmem:s1+$0xFFFFFFD0];
	[tilespmem:v46+s26+$0x0] =	vst.idx.msk $0xffff, v39  }
0xd7: {  	[tilespmem:v42+s26+$0x0] =	vst.idx.msk $0xffff, v40;
	v39 =	vld [tilespmem:s1+$0xE0];
	v40 =	vadd.s32 v31, v41  }
0xd8: {  	v46 =	vadd.s32 v18, v34;
	v42 =	vld [tilespmem:s1+$0x10];
	[tilespmem:v44+s26+$0x0] =	vst.idx.msk $0xffff, v43  }
0xd9: {  	v44 =	vadd.s32 v22, v37;
	[tilespmem:v51+s26+$0x0] =	vst.idx.msk $0xffff, v50;
	v43 =	vld [tilespmem:s1+$0x50]  }
0xda: {  	[tilespmem:v45+s26+$0x0] =	vst.idx.msk $0xffff, v38;
	v38 =	vld [tilespmem:s1+$0x90];
	v45 =	vadd.s32 v26, v36  }
0xdb: {  	v51 =	vadd.s32 v2, v33;
	v50 =	vld [tilespmem:s1+$0xFFFFFF10];
	[tilespmem:v49+s26+$0x0] =	vst.idx.msk $0xffff, v48  }
0xdc: {  	v49 =	vadd.s32 v7, v47;
	v48 =	vld [tilespmem:s1+$0xFFFFFF60];
	[tilespmem:v40+s26+$0x0] =	vst.idx.msk $0xffff, v39  }
0xdd: {  	[tilespmem:v46+s26+$0x0] =	vst.idx.msk $0xffff, v42;
	v39 =	vld [tilespmem:s1+$0xF0];
	v46 =	vadd.s32 v32, v41  }
0xde: {  	v55 =	vadd.s32 v11, v53;
	v52 =	vld [tilespmem:s1+$0xFFFFFFA0];
	[tilespmem:v44+s26+$0x0] =	vst.idx.msk $0xffff, v43  }
0xdf: {  	v57 =	vadd.s32 v15, v35;
	v56 =	vld [tilespmem:s1+$0xFFFFFFE0];
	[tilespmem:v45+s26+$0x0] =	vst.idx.msk $0xffff, v38  }
0xe0: {  	v59 =	vadd.s32 v19, v34;
	[tilespmem:v51+s26+$0x0] =	vst.idx.msk $0xffff, v50;
	v58 =	vld [tilespmem:s1+$0x20]  }
.Ltmp2:
0xe1: {  	s18 =	sadd.s32 $0x1, s19;
	v41 =	vadd.s32 v23, v37;
	v38 =	vmov s19;
	[tilespmem:v49+s26+$0x0] =	vst.idx.msk $0xffff, v48;
	v40 =	vld [tilespmem:s1+$0x60];
	(pc) =	sbr.rel @p1 .LBB2_3-.Ltmp2, $4  }
0xe2: {  	s20 =	sadd.s32 $0x3, s19;
	v43 =	vadd.s32 v27, v36;
	v50 =	vshrl.u32 v38, $0x3;
	v51 =	vmov s18;
	s18 =	sadd.s32 $0x2, s19;
	v42 =	vld [tilespmem:s1+$0xA0];
	[tilespmem:v46+s26+$0x0] =	vst.idx.msk $0xffff, v39  }
0xe3: {  	v44 =	vmov s20;
	s20 =	sadd.s32 $0x5, s19;
	v54 =	vmov s18;
	s18 =	sadd.s32 $0x4, s19;
	v48 =	vadd.s32 v3, v33;
	v45 =	vld [tilespmem:s1+$0xFFFFFF20];
	[tilespmem:v55+s26+$0x0] =	vst.idx.msk $0xffff, v52  }
0xe4: {  	v38 =	vmov s20;
	v46 =	vmov s18;
	s18 =	sadd.s32 $0x6, s19;
	v52 =	vadd.s32 v8, v47;
	v49 =	vld [tilespmem:s1+$0xFFFFFF70];
	[tilespmem:v57+s26+$0x0] =	vst.idx.msk $0xffff, v56  }
0xe5: {  	v53 =	vadd.s32 v12, v53;
	v47 =	vshll.u32 v50, v1;
	v39 =	vmov s18;
	s18 =	sadd.s32 $0x7, s19;
	s19 =	sadd.s32 $0x8, s19;
	v50 =	vld [tilespmem:s1+$0xFFFFFFB0];
	[tilespmem:v59+s26+$0x0] =	vst.idx.msk $0xffff, v58  }
0xe6: {  	_ =	sdelay $0x2  }
0xe7: {  	v51 =	vshrl.u32 v51, $0x3  }
0xe8: {  	v55 =	vmov s18;
	v56 =	vld [tilespmem:s1+$0xFFFFFFF0];
	v35 =	vadd.s32 v16, v35;
	[tilespmem:v41+s26+$0x0] =	vst.idx.msk $0xffff, v40;
	v34 =	vadd.s32 v20, v34  }
0xe9: {  	v61 =	vshrl.u32 v54, $0x3;
	v63 =	vld [tilespmem:s1+$0x30];
	v37 =	vadd.s32 v24, v37;
	v36 =	vadd.s32 v28, v36;
	[tilespmem:v43+s26+$0x0] =	vst.idx.msk $0xffff, v42  }
0xea: {  	v33 =	vadd.s32 v4, v33;
	v62 =	vshrl.u32 v55, $0x3;
	v55 =	vshrl.u32 v44, $0x3;
	v43 =	vld [tilespmem:s1+$0x70];
	[tilespmem:v48+s26+$0x0] =	vst.idx.msk $0xffff, v45  }
0xeb: {  	v44 =	vshrl.u32 v46, $0x3;
	v46 =	vbroadcast v47, $0x0;
	v41 =	vshll.u32 v62, v1;
	v45 =	vld [tilespmem:s1+$0xB0];
	[tilespmem:v52+s26+$0x0] =	vst.idx.msk $0xffff, v49  }
0xec: {  	s21 =	sadd.s32 $0x200, s1;
	v38 =	vshrl.u32 v38, $0x3;
	v40 =	vshll.u32 v61, v1;
	v41 =	vbroadcast v41, $0x0;
	v48 =	vld [tilespmem:s1+$0xFFFFFF30];
	[tilespmem:v53+s26+$0x0] =	vst.idx.msk $0xffff, v50  }
0xed: {  	v57 =	vshll.u32 v51, v1;
	v60 =	vld [tilespmem:s21+$0xFFFFFF00];
	v40 =	vbroadcast v40, $0x0;
	v61 =	vadd.s32 v0, v46;
	[tilespmem:v35+s26+$0x0] =	vst.idx.msk $0xffff, v56  }
0xee: {  	v58 =	vld [tilespmem:s21+$0xC0];
	v47 =	vbroadcast v57, $0x0;
	v42 =	vshll.u32 v55, v1;
	v59 =	vadd.s32 v29, v41;
	[tilespmem:v34+s26+$0x0] =	vst.idx.msk $0xffff, v63  }
0xef: {  	v54 =	vld [tilespmem:s21+$0xFFFFFF80];
	v44 =	vshll.u32 v44, v1;
	v42 =	vbroadcast v42, $0x0;
	v55 =	vadd.s32 v9, v40;
	[tilespmem:v37+s26+$0x0] =	vst.idx.msk $0xffff, v43  }
0xf0: {  	v38 =	vshll.u32 v38, v1;
	v62 =	vld [tilespmem:s21+$0xFFFFFF40];
	v44 =	vbroadcast v44, $0x0;
	v63 =	vadd.s32 v5, v47;
	[tilespmem:v36+s26+$0x0] =	vst.idx.msk $0xffff, v45  }
0xf1: {  	v39 =	vshrl.u32 v39, $0x3;
	v38 =	vbroadcast v38, $0x0;
	v36 =	vld [tilespmem:s21+$0xFFFFFFC0];
	v45 =	vadd.s32 v13, v42;
	[tilespmem:v33+s26+$0x0] =	vst.idx.msk $0xffff, v48  }
0xf2: {  	v39 =	vshll.u32 v39, v1;
	v33 =	vld [tilespmem:s21+$0x0];
	v48 =	vadd.s32 v17, v44;
	[tilespmem:v61+s26+$0x0] =	vst.idx.msk $0xffff, v60  }
0xf3: {  	v35 =	vbroadcast v39, $0x0;
	[tilespmem:v59+s26+$0x0] =	vst.idx.msk $0xffff, v58;
	v58 =	vld [tilespmem:s21+$0x40];
	v59 =	vadd.s32 v21, v38  }
0xf4: {  	v57 =	vadd.s32 v30, v41;
	[tilespmem:v55+s26+$0x0] =	vst.idx.msk $0xffff, v54;
	v56 =	vld [tilespmem:s21+$0xD0]  }
0xf5: {  	v60 =	vld [tilespmem:s21+$0x80];
	v61 =	vadd.s32 v25, v35;
	[tilespmem:v63+s26+$0x0] =	vst.idx.msk $0xffff, v62  }
0xf6: {  	v55 =	vadd.s32 v10, v40;
	v54 =	vld [tilespmem:s21+$0xFFFFFF90];
	[tilespmem:v45+s26+$0x0] =	vst.idx.msk $0xffff, v36  }
0xf7: {  	v63 =	vadd.s32 v6, v47;
	v62 =	vld [tilespmem:s21+$0xFFFFFF50];
	[tilespmem:v48+s26+$0x0] =	vst.idx.msk $0xffff, v33  }
0xf8: {  	v33 =	vld [tilespmem:s21+$0xFFFFFFD0];
	v48 =	vadd.s32 v14, v42;
	[tilespmem:v59+s26+$0x0] =	vst.idx.msk $0xffff, v58  }
0xf9: {  	[tilespmem:v57+s26+$0x0] =	vst.idx.msk $0xffff, v56;
	v56 =	vld [tilespmem:s21+$0x10];
	v57 =	vadd.s32 v18, v44  }
0xfa: {  	[tilespmem:v61+s26+$0x0] =	vst.idx.msk $0xffff, v60;
	v59 =	vadd.s32 v22, v38;
	v58 =	vld [tilespmem:s21+$0x50]  }
0xfb: {  	v39 =	vadd.s32 v31, v41;
	[tilespmem:v55+s26+$0x0] =	vst.idx.msk $0xffff, v54;
	v34 =	vld [tilespmem:s21+$0xE0]  }
0xfc: {  	v61 =	vadd.s32 v26, v35;
	v60 =	vld [tilespmem:s21+$0x90];
	[tilespmem:v63+s26+$0x0] =	vst.idx.msk $0xffff, v62  }
0xfd: {  	v62 =	vld [tilespmem:s21+$0xFFFFFF10];
	v63 =	vadd.s32 v2, v46;
	[tilespmem:v48+s26+$0x0] =	vst.idx.msk $0xffff, v33  }
0xfe: {  	v55 =	vadd.s32 v7, v47;
	v54 =	vld [tilespmem:s21+$0xFFFFFF60];
	[tilespmem:v57+s26+$0x0] =	vst.idx.msk $0xffff, v56  }
0xff: {  	v56 =	vadd.s32 v32, v41;
	v41 =	vld [tilespmem:s21+$0xFFFFFFA0];
	v57 =	vadd.s32 v11, v40;
	[tilespmem:v59+s26+$0x0] =	vst.idx.msk $0xffff, v58  }
0x100: {  	v37 =	vld [tilespmem:s21+$0xFFFFFFE0];
	v58 =	vadd.s32 v15, v42;
	[tilespmem:v39+s26+$0x0] =	vst.idx.msk $0xffff, v34  }
0x101: {  	[tilespmem:v61+s26+$0x0] =	vst.idx.msk $0xffff, v60;
	v34 =	vld [tilespmem:s21+$0xF0]  }
0x102: {  	v60 =	vadd.s32 v19, v44;
	[tilespmem:v63+s26+$0x0] =	vst.idx.msk $0xffff, v62;
	v59 =	vld [tilespmem:s21+$0x20]  }
0x103: {  	v62 =	vadd.s32 v23, v38;
	[tilespmem:v55+s26+$0x0] =	vst.idx.msk $0xffff, v54;
	v61 =	vld [tilespmem:s21+$0x60]  }
0x104: {  	v63 =	vld [tilespmem:s21+$0xA0];
	v54 =	vadd.s32 v27, v35;
	[tilespmem:v57+s26+$0x0] =	vst.idx.msk $0xffff, v41  }
0x105: {  	v47 =	vadd.s32 v8, v47;
	v57 =	vld [tilespmem:s21+$0xFFFFFF70];
	[tilespmem:v58+s26+$0x0] =	vst.idx.msk $0xffff, v37  }
0x106: {  	v55 =	vld [tilespmem:s21+$0xFFFFFF20];
	[tilespmem:v56+s26+$0x0] =	vst.idx.msk $0xffff, v34;
	v56 =	vadd.s32 v3, v46  }
0x107: {  	v40 =	vadd.s32 v12, v40;
	v58 =	vld [tilespmem:s21+$0xFFFFFFB0];
	[tilespmem:v60+s26+$0x0] =	vst.idx.msk $0xffff, v59  }
0x108: {  	v42 =	vadd.s32 v16, v42;
	v59 =	vld [tilespmem:s21+$0xFFFFFFF0];
	[tilespmem:v62+s26+$0x0] =	vst.idx.msk $0xffff, v61  }
0x109: {  	v61 =	vadd.s32 v20, v44;
	[tilespmem:v54+s26+$0x0] =	vst.idx.msk $0xffff, v63;
	v60 =	vld [tilespmem:s21+$0x30]  }
0x10a: {  	v38 =	vadd.s32 v24, v38;
	v62 =	vld [tilespmem:s21+$0x70];
	[tilespmem:v47+s26+$0x0] =	vst.idx.msk $0xffff, v57  }
0x10b: {  	v35 =	vadd.s32 v28, v35;
	v63 =	vld [tilespmem:s21+$0xB0];
	[tilespmem:v56+s26+$0x0] =	vst.idx.msk $0xffff, v55  }
0x10c: {  	v49 =	vadd.s32 v4, v46;
	[tilespmem:v40+s26+$0x0] =	vst.idx.msk $0xffff, v58;
	v48 =	vld [tilespmem:s21+$0xFFFFFF30]  }
0x10d: {  	[tilespmem:v42+s26+$0x0] =	vst.idx.msk $0xffff, v59  }
0x10e: {  	s18 =	sshll.u32 s28, $0xA;
	s19 =	sshll.u32 s28, $0x7;
	[tilespmem:v61+s26+$0x0] =	vst.idx.msk $0xffff, v60  }
0x10f: {  	s1 =	sand.u32 $0xFFE0000, s18;
	s18 =	sand.u32 $0x3E00, s19;
	[tilespmem:v38+s26+$0x0] =	vst.idx.msk $0xffff, v62  }
0x110: {  	s1 =	sor.u32 s18, s1;
	[tilespmem:v35+s26+$0x0] =	vst.idx.msk $0xffff, v63  }
0x111: {  	s18 =	sadd.s32 s2, s1;
	[tilespmem:v49+s26+$0x0] =	vst.idx.msk $0xffff, v48  }
0x112: {  	[hbm4b:s18+s3] =	stream.linear.scatter [tilespmem:s26], [sflag:$0x5], $0x80, $0x38;
	[tilespmem:$0x11800] =	vst v63  }
0x113: {  	s20 =	simm.s32 $0x9088;
	s19 =	sadd.s32 $0x10, s18  }
0x114: {  	[hbm4b:s19+s3] =	stream.linear.scatter [tilespmem:s20], [sflag:$0x5], $0x80, $0x38;
	[tilespmem:$0x11800] =	vst v63  }
0x115: {  	s21 =	simm.s32 $0x9110;
	s20 =	sadd.s32 $0x20, s18  }
0x116: {  	[hbm4b:s20+s3] =	stream.linear.scatter [tilespmem:s21], [sflag:$0x5], $0x80, $0x38;
	[tilespmem:$0x11800] =	vst v63  }
0x117: {  	s20 =	sadd.s32 $0x30, s18;
	s21 =	simm.s32 $0x9198  }
0x118: {  	[hbm4b:s20+s3] =	stream.linear.scatter [tilespmem:s21], [sflag:$0x5], $0x80, $0x38;
	[tilespmem:$0x11800] =	vst v63  }
0x119: {  	s20 =	sadd.s32 $0x40, s18;
	s21 =	simm.s32 $0x9220  }
0x11a: {  	[hbm4b:s20+s3] =	stream.linear.scatter [tilespmem:s21], [sflag:$0x5], $0x80, $0x38;
	[tilespmem:$0x11800] =	vst v63  }
0x11b: {  	s20 =	sadd.s32 $0x50, s18;
	s21 =	simm.s32 $0x92A8  }
0x11c: {  	[hbm4b:s20+s3] =	stream.linear.scatter [tilespmem:s21], [sflag:$0x5], $0x80, $0x38;
	[tilespmem:$0x11800] =	vst v63  }
0x11d: {  	s20 =	sadd.s32 $0x60, s18;
	s21 =	simm.s32 $0x9330  }
0x11e: {  	[hbm4b:s20+s3] =	stream.linear.scatter [tilespmem:s21], [sflag:$0x5], $0x80, $0x38;
	[tilespmem:$0x11800] =	vst v63  }
0x11f: {  	s18 =	sadd.s32 $0x70, s18;
	s20 =	simm.s32 $0x93B8  }
0x120: {  	[hbm4b:s18+s3] =	stream.linear.scatter [tilespmem:s20], [sflag:$0x5], $0x80, $0x38;
	[tilespmem:$0x11800] =	vst v63  }
0x121: {  	s21 =	simm.s32 $0x9440;
	s18 =	sadd.s32 s1, s9  }
0x122: {  	[hbm4b:s18+s3] =	stream.linear.scatter [tilespmem:s21], [sflag:$0x5], $0x80, $0x38;
	[tilespmem:$0x11800] =	vst v63  }
0x123: {  	s20 =	sadd.s32 $0x10, s18;
	s21 =	simm.s32 $0x94C8  }
0x124: {  	[hbm4b:s20+s3] =	stream.linear.scatter [tilespmem:s21], [sflag:$0x5], $0x80, $0x38;
	[tilespmem:$0x11800] =	vst v63  }
0x125: {  	s20 =	sadd.s32 $0x20, s18;
	s21 =	simm.s32 $0x9550  }
0x126: {  	[hbm4b:s20+s3] =	stream.linear.scatter [tilespmem:s21], [sflag:$0x5], $0x80, $0x38;
	[tilespmem:$0x11800] =	vst v63  }
0x127: {  	s20 =	sadd.s32 $0x30, s18;
	s21 =	simm.s32 $0x95D8  }
0x128: {  	[hbm4b:s20+s3] =	stream.linear.scatter [tilespmem:s21], [sflag:$0x5], $0x80, $0x38;
	[tilespmem:$0x11800] =	vst v63  }
0x129: {  	s20 =	sadd.s32 $0x40, s18;
	s21 =	simm.s32 $0x9660  }
0x12a: {  	[hbm4b:s20+s3] =	stream.linear.scatter [tilespmem:s21], [sflag:$0x5], $0x80, $0x38;
	[tilespmem:$0x11800] =	vst v63  }
0x12b: {  	s20 =	sadd.s32 $0x50, s18;
	s21 =	simm.s32 $0x96E8  }
0x12c: {  	[hbm4b:s20+s3] =	stream.linear.scatter [tilespmem:s21], [sflag:$0x5], $0x80, $0x38;
	[tilespmem:$0x11800] =	vst v63  }
0x12d: {  	s20 =	sadd.s32 $0x60, s18;
	s21 =	simm.s32 $0x9770  }
0x12e: {  	[hbm4b:s20+s3] =	stream.linear.scatter [tilespmem:s21], [sflag:$0x5], $0x80, $0x38;
	[tilespmem:$0x11800] =	vst v63  }
0x12f: {  	s18 =	sadd.s32 $0x70, s18;
	s20 =	simm.s32 $0x97F8  }
0x130: {  	[hbm4b:s18+s3] =	stream.linear.scatter [tilespmem:s20], [sflag:$0x5], $0x80, $0x38;
	[tilespmem:$0x11800] =	vst v63  }
0x131: {  	s21 =	simm.s32 $0x9880;
	s18 =	sadd.s32 s1, s10  }
0x132: {  	[hbm4b:s18+s3] =	stream.linear.scatter [tilespmem:s21], [sflag:$0x5], $0x80, $0x38;
	[tilespmem:$0x11800] =	vst v63  }
0x133: {  	s20 =	sadd.s32 $0x10, s18;
	s21 =	simm.s32 $0x9908  }
0x134: {  	[hbm4b:s20+s3] =	stream.linear.scatter [tilespmem:s21], [sflag:$0x5], $0x80, $0x38;
	[tilespmem:$0x11800] =	vst v63  }
0x135: {  	s20 =	sadd.s32 $0x20, s18;
	s21 =	simm.s32 $0x9990  }
0x136: {  	[hbm4b:s20+s3] =	stream.linear.scatter [tilespmem:s21], [sflag:$0x5], $0x80, $0x38;
	[tilespmem:$0x11800] =	vst v63  }
0x137: {  	s20 =	sadd.s32 $0x30, s18;
	s21 =	simm.s32 $0x9A18  }
0x138: {  	[hbm4b:s20+s3] =	stream.linear.scatter [tilespmem:s21], [sflag:$0x5], $0x80, $0x38;
	[tilespmem:$0x11800] =	vst v63  }
0x139: {  	s20 =	sadd.s32 $0x40, s18;
	s21 =	simm.s32 $0x9AA0  }
0x13a: {  	[hbm4b:s20+s3] =	stream.linear.scatter [tilespmem:s21], [sflag:$0x5], $0x80, $0x38;
	[tilespmem:$0x11800] =	vst v63  }
0x13b: {  	s20 =	sadd.s32 $0x50, s18;
	s21 =	simm.s32 $0x9B28  }
0x13c: {  	[hbm4b:s20+s3] =	stream.linear.scatter [tilespmem:s21], [sflag:$0x5], $0x80, $0x38;
	[tilespmem:$0x11800] =	vst v63  }
0x13d: {  	s20 =	sadd.s32 $0x60, s18;
	s21 =	simm.s32 $0x9BB0  }
0x13e: {  	[hbm4b:s20+s3] =	stream.linear.scatter [tilespmem:s21], [sflag:$0x5], $0x80, $0x38;
	[tilespmem:$0x11800] =	vst v63  }
0x13f: {  	s18 =	sadd.s32 $0x70, s18;
	s20 =	simm.s32 $0x9C38  }
0x140: {  	[hbm4b:s18+s3] =	stream.linear.scatter [tilespmem:s20], [sflag:$0x5], $0x80, $0x38;
	[tilespmem:$0x11800] =	vst v63  }
0x141: {  	s21 =	simm.s32 $0x9CC0;
	s18 =	sadd.s32 s1, s11  }
0x142: {  	[hbm4b:s18+s3] =	stream.linear.scatter [tilespmem:s21], [sflag:$0x5], $0x80, $0x38;
	[tilespmem:$0x11800] =	vst v63  }
0x143: {  	s20 =	sadd.s32 $0x10, s18;
	s21 =	simm.s32 $0x9D48  }
0x144: {  	[hbm4b:s20+s3] =	stream.linear.scatter [tilespmem:s21], [sflag:$0x5], $0x80, $0x38;
	[tilespmem:$0x11800] =	vst v63  }
0x145: {  	s20 =	sadd.s32 $0x20, s18;
	s21 =	simm.s32 $0x9DD0  }
0x146: {  	[hbm4b:s20+s3] =	stream.linear.scatter [tilespmem:s21], [sflag:$0x5], $0x80, $0x38;
	[tilespmem:$0x11800] =	vst v63  }
0x147: {  	s20 =	sadd.s32 $0x30, s18;
	s21 =	simm.s32 $0x9E58  }
0x148: {  	[hbm4b:s20+s3] =	stream.linear.scatter [tilespmem:s21], [sflag:$0x5], $0x80, $0x38;
	[tilespmem:$0x11800] =	vst v63  }
0x149: {  	s20 =	sadd.s32 $0x40, s18;
	s21 =	simm.s32 $0x9EE0  }
0x14a: {  	[hbm4b:s20+s3] =	stream.linear.scatter [tilespmem:s21], [sflag:$0x5], $0x80, $0x38;
	[tilespmem:$0x11800] =	vst v63  }
0x14b: {  	s20 =	sadd.s32 $0x50, s18;
	s21 =	simm.s32 $0x9F68  }
0x14c: {  	[hbm4b:s20+s3] =	stream.linear.scatter [tilespmem:s21], [sflag:$0x5], $0x80, $0x38;
	[tilespmem:$0x11800] =	vst v63  }
0x14d: {  	s20 =	sadd.s32 $0x60, s18;
	s21 =	simm.s32 $0x9FF0  }
0x14e: {  	[hbm4b:s20+s3] =	stream.linear.scatter [tilespmem:s21], [sflag:$0x5], $0x80, $0x38;
	[tilespmem:$0x11800] =	vst v63  }
0x14f: {  	s18 =	sadd.s32 $0x70, s18;
	s20 =	simm.s32 $0xA078  }
0x150: {  	[hbm4b:s18+s3] =	stream.linear.scatter [tilespmem:s20], [sflag:$0x5], $0x80, $0x38;
	[tilespmem:$0x11800] =	vst v63  }
0x151: {  	s21 =	simm.s32 $0xA100;
	s18 =	sadd.s32 s1, s12  }
0x152: {  	[hbm4b:s18+s3] =	stream.linear.scatter [tilespmem:s21], [sflag:$0x5], $0x80, $0x38;
	[tilespmem:$0x11800] =	vst v63  }
0x153: {  	s20 =	sadd.s32 $0x10, s18;
	s21 =	simm.s32 $0xA188  }
0x154: {  	[hbm4b:s20+s3] =	stream.linear.scatter [tilespmem:s21], [sflag:$0x5], $0x80, $0x38;
	[tilespmem:$0x11800] =	vst v63  }
0x155: {  	s20 =	sadd.s32 $0x20, s18;
	s21 =	simm.s32 $0xA210  }
0x156: {  	[hbm4b:s20+s3] =	stream.linear.scatter [tilespmem:s21], [sflag:$0x5], $0x80, $0x38;
	[tilespmem:$0x11800] =	vst v63  }
0x157: {  	s20 =	sadd.s32 $0x30, s18;
	s21 =	simm.s32 $0xA298  }
0x158: {  	[hbm4b:s20+s3] =	stream.linear.scatter [tilespmem:s21], [sflag:$0x5], $0x80, $0x38;
	[tilespmem:$0x11800] =	vst v63  }
0x159: {  	s20 =	sadd.s32 $0x40, s18;
	s21 =	simm.s32 $0xA320  }
0x15a: {  	[hbm4b:s20+s3] =	stream.linear.scatter [tilespmem:s21], [sflag:$0x5], $0x80, $0x38;
	[tilespmem:$0x11800] =	vst v63  }
0x15b: {  	s20 =	sadd.s32 $0x50, s18;
	s21 =	simm.s32 $0xA3A8  }
0x15c: {  	[hbm4b:s20+s3] =	stream.linear.scatter [tilespmem:s21], [sflag:$0x5], $0x80, $0x38;
	[tilespmem:$0x11800] =	vst v63  }
0x15d: {  	s20 =	sadd.s32 $0x60, s18;
	s21 =	simm.s32 $0xA430  }
0x15e: {  	[hbm4b:s20+s3] =	stream.linear.scatter [tilespmem:s21], [sflag:$0x5], $0x80, $0x38;
	[tilespmem:$0x11800] =	vst v63  }
0x15f: {  	s18 =	sadd.s32 $0x70, s18;
	s20 =	simm.s32 $0xA4B8  }
0x160: {  	[hbm4b:s18+s3] =	stream.linear.scatter [tilespmem:s20], [sflag:$0x5], $0x80, $0x38;
	[tilespmem:$0x11800] =	vst v63  }
0x161: {  	s21 =	simm.s32 $0xA540;
	s18 =	sadd.s32 s1, s13  }
0x162: {  	[hbm4b:s18+s3] =	stream.linear.scatter [tilespmem:s21], [sflag:$0x5], $0x80, $0x38;
	[tilespmem:$0x11800] =	vst v63  }
0x163: {  	s20 =	sadd.s32 $0x10, s18;
	s21 =	simm.s32 $0xA5C8  }
0x164: {  	[hbm4b:s20+s3] =	stream.linear.scatter [tilespmem:s21], [sflag:$0x5], $0x80, $0x38;
	[tilespmem:$0x11800] =	vst v63  }
0x165: {  	s20 =	sadd.s32 $0x20, s18;
	s21 =	simm.s32 $0xA650  }
0x166: {  	[hbm4b:s20+s3] =	stream.linear.scatter [tilespmem:s21], [sflag:$0x5], $0x80, $0x38;
	[tilespmem:$0x11800] =	vst v63  }
0x167: {  	s20 =	sadd.s32 $0x30, s18;
	s21 =	simm.s32 $0xA6D8  }
0x168: {  	[hbm4b:s20+s3] =	stream.linear.scatter [tilespmem:s21], [sflag:$0x5], $0x80, $0x38;
	[tilespmem:$0x11800] =	vst v63  }
0x169: {  	s20 =	sadd.s32 $0x40, s18;
	s21 =	simm.s32 $0xA760  }
0x16a: {  	[hbm4b:s20+s3] =	stream.linear.scatter [tilespmem:s21], [sflag:$0x5], $0x80, $0x38;
	[tilespmem:$0x11800] =	vst v63  }
0x16b: {  	s20 =	sadd.s32 $0x50, s18;
	s21 =	simm.s32 $0xA7E8  }
0x16c: {  	[hbm4b:s20+s3] =	stream.linear.scatter [tilespmem:s21], [sflag:$0x5], $0x80, $0x38;
	[tilespmem:$0x11800] =	vst v63  }
0x16d: {  	s20 =	sadd.s32 $0x60, s18;
	s21 =	simm.s32 $0xA870  }
0x16e: {  	[hbm4b:s20+s3] =	stream.linear.scatter [tilespmem:s21], [sflag:$0x5], $0x80, $0x38;
	[tilespmem:$0x11800] =	vst v63  }
0x16f: {  	s18 =	sadd.s32 $0x70, s18;
	s20 =	simm.s32 $0xA8F8  }
0x170: {  	[hbm4b:s18+s3] =	stream.linear.scatter [tilespmem:s20], [sflag:$0x5], $0x80, $0x38;
	[tilespmem:$0x11800] =	vst v63  }
0x171: {  	s21 =	simm.s32 $0xA980;
	s18 =	sadd.s32 s1, s14  }
0x172: {  	[hbm4b:s18+s3] =	stream.linear.scatter [tilespmem:s21], [sflag:$0x5], $0x80, $0x38;
	[tilespmem:$0x11800] =	vst v63  }
0x173: {  	s20 =	sadd.s32 $0x10, s18;
	s21 =	simm.s32 $0xAA08  }
0x174: {  	[hbm4b:s20+s3] =	stream.linear.scatter [tilespmem:s21], [sflag:$0x5], $0x80, $0x38;
	[tilespmem:$0x11800] =	vst v63  }
0x175: {  	s20 =	sadd.s32 $0x20, s18;
	s21 =	simm.s32 $0xAA90  }
0x176: {  	[hbm4b:s20+s3] =	stream.linear.scatter [tilespmem:s21], [sflag:$0x5], $0x80, $0x38;
	[tilespmem:$0x11800] =	vst v63  }
0x177: {  	s20 =	sadd.s32 $0x30, s18;
	s21 =	simm.s32 $0xAB18  }
0x178: {  	[hbm4b:s20+s3] =	stream.linear.scatter [tilespmem:s21], [sflag:$0x5], $0x80, $0x38;
	[tilespmem:$0x11800] =	vst v63  }
0x179: {  	s20 =	sadd.s32 $0x40, s18;
	s21 =	simm.s32 $0xABA0  }
0x17a: {  	[hbm4b:s20+s3] =	stream.linear.scatter [tilespmem:s21], [sflag:$0x5], $0x80, $0x38;
	[tilespmem:$0x11800] =	vst v63  }
0x17b: {  	s20 =	sadd.s32 $0x50, s18;
	s21 =	simm.s32 $0xAC28  }
0x17c: {  	[hbm4b:s20+s3] =	stream.linear.scatter [tilespmem:s21], [sflag:$0x5], $0x80, $0x38;
	[tilespmem:$0x11800] =	vst v63  }
0x17d: {  	s20 =	sadd.s32 $0x60, s18;
	s21 =	simm.s32 $0xACB0  }
0x17e: {  	[hbm4b:s20+s3] =	stream.linear.scatter [tilespmem:s21], [sflag:$0x5], $0x80, $0x38;
	[tilespmem:$0x11800] =	vst v63  }
0x17f: {  	s18 =	sadd.s32 $0x70, s18;
	s21 =	simm.s32 $0xAD38  }
0x180: {  	[hbm4b:s18+s3] =	stream.linear.scatter [tilespmem:s21], [sflag:$0x5], $0x80, $0x38;
	[tilespmem:$0x11800] =	vst v63  }
0x181: {  	s19 =	simm.s32 $0xADC0;
	s1 =	sadd.s32 s1, s15  }
0x182: {  	[hbm4b:s1+s3] =	stream.linear.scatter [tilespmem:s19], [sflag:$0x5], $0x80, $0x38;
	[tilespmem:$0x11800] =	vst v63  }
0x183: {  	s20 =	sadd.s32 $0x10, s1;
	s21 =	simm.s32 $0xAE48  }
0x184: {  	[hbm4b:s20+s3] =	stream.linear.scatter [tilespmem:s21], [sflag:$0x5], $0x80, $0x38;
	[tilespmem:$0x11800] =	vst v63  }
0x185: {  	s20 =	sadd.s32 $0x20, s1;
	s21 =	simm.s32 $0xAED0  }
0x186: {  	[hbm4b:s20+s3] =	stream.linear.scatter [tilespmem:s21], [sflag:$0x5], $0x80, $0x38;
	[tilespmem:$0x11800] =	vst v63  }
0x187: {  	s20 =	sadd.s32 $0x30, s1;
	s21 =	simm.s32 $0xAF58  }
0x188: {  	[hbm4b:s20+s3] =	stream.linear.scatter [tilespmem:s21], [sflag:$0x5], $0x80, $0x38;
	[tilespmem:$0x11800] =	vst v63  }
0x189: {  	s20 =	sadd.s32 $0x40, s1;
	s21 =	simm.s32 $0xAFE0  }
0x18a: {  	[hbm4b:s20+s3] =	stream.linear.scatter [tilespmem:s21], [sflag:$0x5], $0x80, $0x38;
	[tilespmem:$0x11800] =	vst v63  }
0x18b: {  	s20 =	sadd.s32 $0x50, s1;
	s21 =	simm.s32 $0xB068  }
0x18c: {  	[hbm4b:s20+s3] =	stream.linear.scatter [tilespmem:s21], [sflag:$0x5], $0x80, $0x38;
	[tilespmem:$0x11800] =	vst v63  }
0x18d: {  	p1 =	seq.s32 s7, $0xC7;
	s20 =	sadd.s32 $0x60, s1;
	s21 =	simm.s32 $0xB0F0  }
0x18e: {  	[hbm4b:s20+s3] =	stream.linear.scatter [tilespmem:s21], [sflag:$0x5], $0x80, $0x38;
	[tilespmem:$0x11800] =	vst v63  }
0x18f: {  	s28 =	sshll.u32 @!p1 s7, $0x9;
	s1 =	sadd.s32 $0x70, s1;
	s20 =	simm.s32 $0xB178  }
0x190: {  	[hbm4b:s1+s3] =	stream.linear.scatter [tilespmem:s20], [sflag:$0x5], $0x80, $0x38;
	[tilespmem:$0x11800] =	vst v63  }
0x191: {  	s1 =	sadd.s32 @!p1 $0x200, s28  }
0x192: {  	s18 =	simm.s32 @!p1 $0x80;
	s19 =	simm.s32 @!p1 $0x1000;
	s1 =	sand.u32 @!p1 $0xE00, s1  }
0x193: {  	[tilespmem:s19], [sflag:$0x1] =	stream.indirect.gather @!p1 [hbm4b:s5+s18], $0x40, s1, s18, $0xb8;
	[tilespmem:$0x11800] =	vst v63  }
0x194: {  	_ =	swait.ge [sflag:s31], $0x2000  }
0x195: {  	[sflag:s31] =	ssyncset.done $0x0  }
0x196: {  	s1 =	simm.s32 @!p0 $0x6;
	[sflag:s31] =	ssyncadd.s32 $0xFFFFE000  }
0x197: {  	_ =	swait.ge @!p0 [sflag:s1], $0x400  }
0x198: {  	[sflag:s1] =	ssyncset.done @!p0 $0x0  }
0x199: {  	[sflag:s1] =	ssyncadd.s32 @!p0 $0xFFFFFC00  }
0x19a: {  	_ =	swait.ge @!p0 [sflag:s1], $0x400  }
0x19b: {  	[sflag:s1] =	ssyncset.done @!p0 $0x0  }
0x19c: {  	[sflag:s1] =	ssyncadd.s32 @!p0 $0xFFFFFC00  }
0x19d: {  	_ =	swait.ge @!p0 [sflag:s1], $0x400  }
0x19e: {  	[sflag:s1] =	ssyncset.done @!p0 $0x0  }
0x19f: {  	[sflag:s1] =	ssyncadd.s32 @!p0 $0xFFFFFC00  }
0x1a0: {  	_ =	swait.ge @!p0 [sflag:s1], $0x400  }
0x1a1: {  	[sflag:s1] =	ssyncset.done @!p0 $0x0  }
0x1a2: {  	[sflag:s1] =	ssyncadd.s32 @!p0 $0xFFFFFC00  }
0x1a3: {  	_ =	swait.ge @!p0 [sflag:s1], $0x400  }
0x1a4: {  	[sflag:s1] =	ssyncset.done @!p0 $0x0  }
0x1a5: {  	[sflag:s1] =	ssyncadd.s32 @!p0 $0xFFFFFC00  }
0x1a6: {  	s21 =	simm.s32 $0x0;
	_ =	swait.ge @!p0 [sflag:s1], $0x400  }
0x1a7: {  	v50 =	vmov s21;
	s21 =	simm.s32 $0x3;
	[sflag:s1] =	ssyncset.done @!p0 $0x0  }
0x1a8: {  	s20 =	simm.s32 $0x2;
	v33 =	vshrl.u32 v50, $0x3;
	v53 =	vmov s21;
	s21 =	simm.s32 $0x5;
	[sflag:s1] =	ssyncadd.s32 @!p0 $0xFFFFFC00  }
0x1a9: {  	v52 =	vmov s20;
	s20 =	simm.s32 $0x7;
	v39 =	vmov s21;
	v33 =	vshll.u32 v33, v1;
	_ =	swait.ge @!p0 [sflag:s1], $0x400  }
0x1aa: {  	v36 =	vshrl.u32 v53, $0x3;
	s19 =	simm.s32 $0x1;
	v55 =	vmov s20;
	v35 =	vshrl.u32 v52, $0x3;
	[sflag:s1] =	ssyncset.done @!p0 $0x0  }
0x1ab: {  	v33 =	vbroadcast v33, $0x0;
	v51 =	vmov s19;
	v38 =	vshrl.u32 v55, $0x3;
	[sflag:s1] =	ssyncadd.s32 @!p0 $0xFFFFFC00  }
0x1ac: {  	s20 =	simm.s32 $0x6;
	v58 =	vshll.u32 v36, v1;
	v34 =	vshrl.u32 v51, $0x3;
	v38 =	vshll.u32 v38, v1;
	_ =	swait.ge @!p0 [sflag:s1], $0x400  }
0x1ad: {  	s19 =	simm.s32 $0x4;
	v40 =	vmov s20;
	v38 =	vbroadcast v38, $0x0;
	v34 =	vshll.u32 v34, v1;
	[sflag:s1] =	ssyncset.done @!p0 $0x0  }
0x1ae: {  	v56 =	vshll.u32 v35, v1;
	v54 =	vmov s19;
	s19 =	simm.s32 $0x3100;
	v47 =	vbroadcast v34, $0x0;
	[sflag:s1] =	ssyncadd.s32 @!p0 $0xFFFFFC00  }
0x1af: {  	v35 =	vbroadcast v58, $0x0;
	v53 =	vbroadcast v56, $0x0;
	v42 =	vadd.s32 v29, v38;
	v41 =	vld [tilespmem:s19+$0xC0]  }
0x1b0: {  	v55 =	vshrl.u32 v39, $0x3;
	v37 =	vshrl.u32 v54, $0x3;
	v60 =	vadd.s32 v5, v47;
	v59 =	vld [tilespmem:s19+$0xFFFFFF40]  }
0x1b1: {  	v57 =	vadd.s32 v0, v33;
	v61 =	vshll.u32 v37, v1;
	v63 =	vadd.s32 v9, v53;
	v62 =	vld [tilespmem:s19+$0xFFFFFF80]  }
0x1b2: {  	v36 =	vshll.u32 v55, v1;
	v40 =	vshrl.u32 v40, $0x3;
	v34 =	vbroadcast v61, $0x0;
	v43 =	vld [tilespmem:s19+$0xFFFFFF00]  }
0x1b3: {  	v50 =	vadd.s32 v13, v35;
	v56 =	vshll.u32 v40, v1;
	v37 =	vbroadcast v36, $0x0;
	v39 =	vld [tilespmem:s19+$0xFFFFFFC0]  }
0x1b4: {  	v36 =	vbroadcast v56, $0x0;
	v52 =	vadd.s32 v17, v34;
	v51 =	vld [tilespmem:s19+$0x0];
	[tilespmem:v42+s0+$0x0] =	vst.idx.msk $0xffff, v41  }
0x1b5: {  	[tilespmem:v60+s0+$0x0] =	vst.idx.msk $0xffff, v59;
	v59 =	vld [tilespmem:s19+$0x40];
	v60 =	vadd.s32 v21, v37  }
0x1b6: {  	v61 =	vld [tilespmem:s19+$0x80];
	[tilespmem:v63+s0+$0x0] =	vst.idx.msk $0xffff, v62;
	v62 =	vadd.s32 v25, v36  }
0x1b7: {  	v58 =	vadd.s32 v30, v38;
	[tilespmem:v57+s0+$0x0] =	vst.idx.msk $0xffff, v43;
	v57 =	vld [tilespmem:s19+$0xD0]  }
0x1b8: {  	v63 =	vadd.s32 v6, v47;
	[tilespmem:v50+s0+$0x0] =	vst.idx.msk $0xffff, v39;
	v46 =	vld [tilespmem:s19+$0xFFFFFF50]  }
0x1b9: {  	v55 =	vadd.s32 v10, v53;
	[tilespmem:v52+s0+$0x0] =	vst.idx.msk $0xffff, v51;
	v54 =	vld [tilespmem:s19+$0xFFFFFF90]  }
0x1ba: {  	v56 =	vadd.s32 v14, v35;
	v50 =	vld [tilespmem:s19+$0xFFFFFFD0];
	[tilespmem:v60+s0+$0x0] =	vst.idx.msk $0xffff, v59  }
0x1bb: {  	[tilespmem:v62+s0+$0x0] =	vst.idx.msk $0xffff, v61;
	v61 =	vld [tilespmem:s19+$0xFFFFFF10];
	v62 =	vadd.s32 v2, v33  }
0x1bc: {  	v59 =	vadd.s32 v18, v34;
	[tilespmem:v58+s0+$0x0] =	vst.idx.msk $0xffff, v57;
	v58 =	vld [tilespmem:s19+$0x10]  }
0x1bd: {  	v57 =	vadd.s32 v31, v38;
	[tilespmem:v63+s0+$0x0] =	vst.idx.msk $0xffff, v46;
	v40 =	vld [tilespmem:s19+$0xE0]  }
0x1be: {  	v45 =	vadd.s32 v22, v37;
	v44 =	vld [tilespmem:s19+$0x50];
	[tilespmem:v55+s0+$0x0] =	vst.idx.msk $0xffff, v54  }
0x1bf: {  	v60 =	vadd.s32 v26, v36;
	v63 =	vld [tilespmem:s19+$0x90];
	[tilespmem:v56+s0+$0x0] =	vst.idx.msk $0xffff, v50  }
0x1c0: {  	v51 =	vadd.s32 v7, v47;
	v50 =	vld [tilespmem:s19+$0xFFFFFF60];
	[tilespmem:v62+s0+$0x0] =	vst.idx.msk $0xffff, v61  }
0x1c1: {  	v56 =	vadd.s32 v11, v53;
	v55 =	vld [tilespmem:s19+$0xFFFFFFA0];
	[tilespmem:v59+s0+$0x0] =	vst.idx.msk $0xffff, v58  }
0x1c2: {  	v58 =	vadd.s32 v15, v35;
	[tilespmem:v57+s0+$0x0] =	vst.idx.msk $0xffff, v40;
	v57 =	vld [tilespmem:s19+$0xFFFFFFE0]  }
0x1c3: {  	v38 =	vadd.s32 v32, v38;
	[tilespmem:v45+s0+$0x0] =	vst.idx.msk $0xffff, v44;
	v52 =	vld [tilespmem:s19+$0xF0]  }
0x1c4: {  	[tilespmem:v60+s0+$0x0] =	vst.idx.msk $0xffff, v63;
	v60 =	vadd.s32 v19, v34;
	v59 =	vld [tilespmem:s19+$0x20]  }
0x1c5: {  	s21 =	simm.s32 $0x8;
	s20 =	simm.s32 $0xA;
	v48 =	vadd.s32 v3, v33;
	v41 =	vadd.s32 v23, v37;
	[tilespmem:v51+s0+$0x0] =	vst.idx.msk $0xffff, v50;
	v40 =	vld [tilespmem:s19+$0x60]  }
0x1c6: {  	s18 =	simm.s32 $0x9;
	v43 =	vadd.s32 v27, v36;
	v54 =	vmov s20;
	v63 =	vmov s21;
	v42 =	vld [tilespmem:s19+$0xA0];
	[tilespmem:v56+s0+$0x0] =	vst.idx.msk $0xffff, v55  }
0x1c7: {  	v53 =	vadd.s32 v12, v53;
	s21 =	simm.s32 $0xB;
	v45 =	vld [tilespmem:s19+$0xFFFFFF20];
	v39 =	vshrl.u32 v63, $0x3;
	v51 =	vmov s18;
	s18 =	simm.s32 $0xC;
	[tilespmem:v58+s0+$0x0] =	vst.idx.msk $0xffff, v57  }
0x1c8: {  	s16 =	sadd.s32 s16, s6;
	s20 =	simm.s32 $0xD;
	v44 =	vmov s21;
	s21 =	simm.s32 $0xE;
	v46 =	vmov s18;
	v49 =	vld [tilespmem:s19+$0xFFFFFF70];
	[tilespmem:v38+s0+$0x0] =	vst.idx.msk $0xffff, v52;
	v52 =	vadd.s32 v8, v47  }
0x1c9: {  	s1 =	sadd.s32 $0x1, s16;
	s18 =	simm.s32 $0x10;
	v50 =	vld [tilespmem:s19+$0xFFFFFFB0];
	[tilespmem:v60+s0+$0x0] =	vst.idx.msk $0xffff, v59;
	v38 =	vmov s20;
	v47 =	vshll.u32 v39, v1;
	v39 =	vmov s21;
	s20 =	simm.s32 $0xF  }
.LBB2_5:
0x1ca: {  	p2 =	slt.u32 s18, $0x78;
	v51 =	vshrl.u32 v51, $0x3;
	v55 =	vmov s20;
	v56 =	vld [tilespmem:s19+$0xFFFFFFF0];
	v35 =	vadd.s32 v16, v35;
	[tilespmem:v41+s0+$0x0] =	vst.idx.msk $0xffff, v40  }
0x1cb: {  	v40 =	vshrl.u32 v54, $0x3;
	v34 =	vadd.s32 v20, v34;
	v41 =	vshrl.u32 v55, $0x3;
	v54 =	vld [tilespmem:s19+$0x30];
	[tilespmem:v43+s0+$0x0] =	vst.idx.msk $0xffff, v42  }
0x1cc: {  	v37 =	vadd.s32 v24, v37;
	v42 =	vshrl.u32 v44, $0x3;
	v41 =	vshll.u32 v41, v1;
	[tilespmem:v48+s0+$0x0] =	vst.idx.msk $0xffff, v45;
	v43 =	vld [tilespmem:s19+$0x70]  }
0x1cd: {  	v36 =	vadd.s32 v28, v36;
	v44 =	vshrl.u32 v46, $0x3;
	v41 =	vbroadcast v41, $0x0;
	[tilespmem:v52+s0+$0x0] =	vst.idx.msk $0xffff, v49;
	v45 =	vld [tilespmem:s19+$0xB0]  }
0x1ce: {  	v46 =	vshll.u32 v51, v1;
	v49 =	vadd.s32 v4, v33;
	v33 =	vbroadcast v47, $0x0;
	v48 =	vld [tilespmem:s19+$0xFFFFFF30];
	[tilespmem:v53+s0+$0x0] =	vst.idx.msk $0xffff, v50;
	s19 =	sadd.s32 $0x200, s19  }
0x1cf: {  	v40 =	vshll.u32 v40, v1;
	v47 =	vbroadcast v46, $0x0;
	v46 =	vld [tilespmem:s19+$0xC0];
	v50 =	vadd.s32 v29, v41;
	[tilespmem:v35+s0+$0x0] =	vst.idx.msk $0xffff, v56  }
0x1d0: {  	v53 =	vbroadcast v40, $0x0;
	v52 =	vadd.s32 v0, v33;
	v35 =	vshll.u32 v42, v1;
	v51 =	vld [tilespmem:s19+$0xFFFFFF00];
	[tilespmem:v34+s0+$0x0] =	vst.idx.msk $0xffff, v54  }
0x1d1: {  	v42 =	vadd.s32 v5, v47;
	v35 =	vbroadcast v35, $0x0;
	v34 =	vshll.u32 v44, v1;
	v40 =	vld [tilespmem:s19+$0xFFFFFF40];
	[tilespmem:v37+s0+$0x0] =	vst.idx.msk $0xffff, v43  }
0x1d2: {  	v44 =	vadd.s32 v9, v53;
	v34 =	vbroadcast v34, $0x0;
	v37 =	vshrl.u32 v38, $0x3;
	v43 =	vld [tilespmem:s19+$0xFFFFFF80];
	[tilespmem:v36+s0+$0x0] =	vst.idx.msk $0xffff, v45  }
0x1d3: {  	v39 =	vshrl.u32 v39, $0x3;
	v45 =	vadd.s32 v13, v35;
	v36 =	vshll.u32 v37, v1;
	v38 =	vld [tilespmem:s19+$0xFFFFFFC0];
	[tilespmem:v49+s0+$0x0] =	vst.idx.msk $0xffff, v48  }
0x1d4: {  	v49 =	vadd.s32 v17, v34;
	v37 =	vbroadcast v36, $0x0;
	v36 =	vshll.u32 v39, v1;
	v48 =	vld [tilespmem:s19+$0x0];
	[tilespmem:v50+s0+$0x0] =	vst.idx.msk $0xffff, v46  }
0x1d5: {  	v36 =	vbroadcast v36, $0x0;
	v46 =	vadd.s32 v30, v41;
	[tilespmem:v52+s0+$0x0] =	vst.idx.msk $0xffff, v51;
	v39 =	vld [tilespmem:s19+$0xD0]  }
0x1d6: {  	[tilespmem:v42+s0+$0x0] =	vst.idx.msk $0xffff, v40;
	v40 =	vld [tilespmem:s19+$0x40];
	v42 =	vadd.s32 v21, v37  }
0x1d7: {  	[tilespmem:v44+s0+$0x0] =	vst.idx.msk $0xffff, v43;
	v43 =	vld [tilespmem:s19+$0x80];
	v44 =	vadd.s32 v25, v36  }
0x1d8: {  	v51 =	vadd.s32 v6, v47;
	v50 =	vld [tilespmem:s19+$0xFFFFFF50];
	[tilespmem:v45+s0+$0x0] =	vst.idx.msk $0xffff, v38  }
0x1d9: {  	v45 =	vadd.s32 v10, v53;
	v38 =	vld [tilespmem:s19+$0xFFFFFF90];
	[tilespmem:v49+s0+$0x0] =	vst.idx.msk $0xffff, v48  }
0x1da: {  	v49 =	vadd.s32 v14, v35;
	v48 =	vld [tilespmem:s19+$0xFFFFFFD0];
	[tilespmem:v46+s0+$0x0] =	vst.idx.msk $0xffff, v39  }
0x1db: {  	[tilespmem:v42+s0+$0x0] =	vst.idx.msk $0xffff, v40;
	v39 =	vld [tilespmem:s19+$0xE0];
	v40 =	vadd.s32 v31, v41  }
0x1dc: {  	v46 =	vadd.s32 v18, v34;
	v42 =	vld [tilespmem:s19+$0x10];
	[tilespmem:v44+s0+$0x0] =	vst.idx.msk $0xffff, v43  }
0x1dd: {  	v44 =	vadd.s32 v22, v37;
	[tilespmem:v51+s0+$0x0] =	vst.idx.msk $0xffff, v50;
	v43 =	vld [tilespmem:s19+$0x50]  }
0x1de: {  	[tilespmem:v45+s0+$0x0] =	vst.idx.msk $0xffff, v38;
	v38 =	vld [tilespmem:s19+$0x90];
	v45 =	vadd.s32 v26, v36  }
0x1df: {  	v51 =	vadd.s32 v2, v33;
	v50 =	vld [tilespmem:s19+$0xFFFFFF10];
	[tilespmem:v49+s0+$0x0] =	vst.idx.msk $0xffff, v48  }
0x1e0: {  	v49 =	vadd.s32 v7, v47;
	v48 =	vld [tilespmem:s19+$0xFFFFFF60];
	[tilespmem:v40+s0+$0x0] =	vst.idx.msk $0xffff, v39  }
0x1e1: {  	[tilespmem:v46+s0+$0x0] =	vst.idx.msk $0xffff, v42;
	v39 =	vld [tilespmem:s19+$0xF0];
	v46 =	vadd.s32 v32, v41  }
0x1e2: {  	v55 =	vadd.s32 v11, v53;
	v52 =	vld [tilespmem:s19+$0xFFFFFFA0];
	[tilespmem:v44+s0+$0x0] =	vst.idx.msk $0xffff, v43  }
0x1e3: {  	v57 =	vadd.s32 v15, v35;
	v56 =	vld [tilespmem:s19+$0xFFFFFFE0];
	[tilespmem:v45+s0+$0x0] =	vst.idx.msk $0xffff, v38  }
0x1e4: {  	v59 =	vadd.s32 v19, v34;
	[tilespmem:v51+s0+$0x0] =	vst.idx.msk $0xffff, v50;
	v58 =	vld [tilespmem:s19+$0x20]  }
.Ltmp3:
0x1e5: {  	s20 =	sadd.s32 $0x1, s18;
	v41 =	vadd.s32 v23, v37;
	v38 =	vmov s18;
	[tilespmem:v49+s0+$0x0] =	vst.idx.msk $0xffff, v48;
	v40 =	vld [tilespmem:s19+$0x60];
	(pc) =	sbr.rel @p2 .LBB2_5-.Ltmp3, $4  }
0x1e6: {  	s21 =	sadd.s32 $0x3, s18;
	v43 =	vadd.s32 v27, v36;
	v50 =	vshrl.u32 v38, $0x3;
	v51 =	vmov s20;
	s20 =	sadd.s32 $0x2, s18;
	v42 =	vld [tilespmem:s19+$0xA0];
	[tilespmem:v46+s0+$0x0] =	vst.idx.msk $0xffff, v39  }
0x1e7: {  	v44 =	vmov s21;
	s21 =	sadd.s32 $0x5, s18;
	v54 =	vmov s20;
	s20 =	sadd.s32 $0x4, s18;
	v48 =	vadd.s32 v3, v33;
	v45 =	vld [tilespmem:s19+$0xFFFFFF20];
	[tilespmem:v55+s0+$0x0] =	vst.idx.msk $0xffff, v52  }
0x1e8: {  	v38 =	vmov s21;
	v46 =	vmov s20;
	s20 =	sadd.s32 $0x6, s18;
	v52 =	vadd.s32 v8, v47;
	v49 =	vld [tilespmem:s19+$0xFFFFFF70];
	[tilespmem:v57+s0+$0x0] =	vst.idx.msk $0xffff, v56  }
0x1e9: {  	v53 =	vadd.s32 v12, v53;
	v47 =	vshll.u32 v50, v1;
	v39 =	vmov s20;
	s20 =	sadd.s32 $0x7, s18;
	s18 =	sadd.s32 $0x8, s18;
	v50 =	vld [tilespmem:s19+$0xFFFFFFB0];
	[tilespmem:v59+s0+$0x0] =	vst.idx.msk $0xffff, v58  }
0x1ea: {  	_ =	sdelay $0x2  }
0x1eb: {  	v51 =	vshrl.u32 v51, $0x3  }
0x1ec: {  	v55 =	vmov s20;
	v56 =	vld [tilespmem:s19+$0xFFFFFFF0];
	v35 =	vadd.s32 v16, v35;
	[tilespmem:v41+s0+$0x0] =	vst.idx.msk $0xffff, v40;
	v34 =	vadd.s32 v20, v34  }
0x1ed: {  	v61 =	vshrl.u32 v54, $0x3;
	v63 =	vld [tilespmem:s19+$0x30];
	v37 =	vadd.s32 v24, v37;
	v36 =	vadd.s32 v28, v36;
	[tilespmem:v43+s0+$0x0] =	vst.idx.msk $0xffff, v42  }
0x1ee: {  	v33 =	vadd.s32 v4, v33;
	v62 =	vshrl.u32 v55, $0x3;
	v55 =	vshrl.u32 v44, $0x3;
	v43 =	vld [tilespmem:s19+$0x70];
	[tilespmem:v48+s0+$0x0] =	vst.idx.msk $0xffff, v45  }
0x1ef: {  	v44 =	vshrl.u32 v46, $0x3;
	v46 =	vbroadcast v47, $0x0;
	v41 =	vshll.u32 v62, v1;
	v45 =	vld [tilespmem:s19+$0xB0];
	[tilespmem:v52+s0+$0x0] =	vst.idx.msk $0xffff, v49  }
0x1f0: {  	s18 =	sadd.s32 $0x200, s19;
	v38 =	vshrl.u32 v38, $0x3;
	v40 =	vshll.u32 v61, v1;
	v41 =	vbroadcast v41, $0x0;
	v48 =	vld [tilespmem:s19+$0xFFFFFF30];
	[tilespmem:v53+s0+$0x0] =	vst.idx.msk $0xffff, v50  }
0x1f1: {  	v57 =	vshll.u32 v51, v1;
	v60 =	vld [tilespmem:s18+$0xFFFFFF00];
	v40 =	vbroadcast v40, $0x0;
	v61 =	vadd.s32 v0, v46;
	[tilespmem:v35+s0+$0x0] =	vst.idx.msk $0xffff, v56  }
0x1f2: {  	v58 =	vld [tilespmem:s18+$0xC0];
	v47 =	vbroadcast v57, $0x0;
	v42 =	vshll.u32 v55, v1;
	v59 =	vadd.s32 v29, v41;
	[tilespmem:v34+s0+$0x0] =	vst.idx.msk $0xffff, v63  }
0x1f3: {  	v54 =	vld [tilespmem:s18+$0xFFFFFF80];
	v44 =	vshll.u32 v44, v1;
	v42 =	vbroadcast v42, $0x0;
	v55 =	vadd.s32 v9, v40;
	[tilespmem:v37+s0+$0x0] =	vst.idx.msk $0xffff, v43  }
0x1f4: {  	v38 =	vshll.u32 v38, v1;
	v62 =	vld [tilespmem:s18+$0xFFFFFF40];
	v44 =	vbroadcast v44, $0x0;
	v63 =	vadd.s32 v5, v47;
	[tilespmem:v36+s0+$0x0] =	vst.idx.msk $0xffff, v45  }
0x1f5: {  	v39 =	vshrl.u32 v39, $0x3;
	v38 =	vbroadcast v38, $0x0;
	v36 =	vld [tilespmem:s18+$0xFFFFFFC0];
	v45 =	vadd.s32 v13, v42;
	[tilespmem:v33+s0+$0x0] =	vst.idx.msk $0xffff, v48  }
0x1f6: {  	v39 =	vshll.u32 v39, v1;
	v33 =	vld [tilespmem:s18+$0x0];
	v48 =	vadd.s32 v17, v44;
	[tilespmem:v61+s0+$0x0] =	vst.idx.msk $0xffff, v60  }
0x1f7: {  	v35 =	vbroadcast v39, $0x0;
	[tilespmem:v59+s0+$0x0] =	vst.idx.msk $0xffff, v58;
	v58 =	vld [tilespmem:s18+$0x40];
	v59 =	vadd.s32 v21, v38  }
0x1f8: {  	v57 =	vadd.s32 v30, v41;
	[tilespmem:v55+s0+$0x0] =	vst.idx.msk $0xffff, v54;
	v56 =	vld [tilespmem:s18+$0xD0]  }
0x1f9: {  	v60 =	vld [tilespmem:s18+$0x80];
	v61 =	vadd.s32 v25, v35;
	[tilespmem:v63+s0+$0x0] =	vst.idx.msk $0xffff, v62  }
0x1fa: {  	v55 =	vadd.s32 v10, v40;
	v54 =	vld [tilespmem:s18+$0xFFFFFF90];
	[tilespmem:v45+s0+$0x0] =	vst.idx.msk $0xffff, v36  }
0x1fb: {  	v63 =	vadd.s32 v6, v47;
	v62 =	vld [tilespmem:s18+$0xFFFFFF50];
	[tilespmem:v48+s0+$0x0] =	vst.idx.msk $0xffff, v33  }
0x1fc: {  	v33 =	vld [tilespmem:s18+$0xFFFFFFD0];
	v48 =	vadd.s32 v14, v42;
	[tilespmem:v59+s0+$0x0] =	vst.idx.msk $0xffff, v58  }
0x1fd: {  	[tilespmem:v57+s0+$0x0] =	vst.idx.msk $0xffff, v56;
	v56 =	vld [tilespmem:s18+$0x10];
	v57 =	vadd.s32 v18, v44  }
0x1fe: {  	[tilespmem:v61+s0+$0x0] =	vst.idx.msk $0xffff, v60;
	v59 =	vadd.s32 v22, v38;
	v58 =	vld [tilespmem:s18+$0x50]  }
0x1ff: {  	v39 =	vadd.s32 v31, v41;
	[tilespmem:v55+s0+$0x0] =	vst.idx.msk $0xffff, v54;
	v34 =	vld [tilespmem:s18+$0xE0]  }
0x200: {  	v61 =	vadd.s32 v26, v35;
	v60 =	vld [tilespmem:s18+$0x90];
	[tilespmem:v63+s0+$0x0] =	vst.idx.msk $0xffff, v62  }
0x201: {  	v62 =	vld [tilespmem:s18+$0xFFFFFF10];
	v63 =	vadd.s32 v2, v46;
	[tilespmem:v48+s0+$0x0] =	vst.idx.msk $0xffff, v33  }
0x202: {  	v55 =	vadd.s32 v7, v47;
	v54 =	vld [tilespmem:s18+$0xFFFFFF60];
	[tilespmem:v57+s0+$0x0] =	vst.idx.msk $0xffff, v56  }
0x203: {  	v56 =	vadd.s32 v32, v41;
	v41 =	vld [tilespmem:s18+$0xFFFFFFA0];
	v57 =	vadd.s32 v11, v40;
	[tilespmem:v59+s0+$0x0] =	vst.idx.msk $0xffff, v58  }
0x204: {  	v37 =	vld [tilespmem:s18+$0xFFFFFFE0];
	v58 =	vadd.s32 v15, v42;
	[tilespmem:v39+s0+$0x0] =	vst.idx.msk $0xffff, v34  }
0x205: {  	[tilespmem:v61+s0+$0x0] =	vst.idx.msk $0xffff, v60;
	v34 =	vld [tilespmem:s18+$0xF0]  }
0x206: {  	v60 =	vadd.s32 v19, v44;
	[tilespmem:v63+s0+$0x0] =	vst.idx.msk $0xffff, v62;
	v59 =	vld [tilespmem:s18+$0x20]  }
0x207: {  	v62 =	vadd.s32 v23, v38;
	[tilespmem:v55+s0+$0x0] =	vst.idx.msk $0xffff, v54;
	v61 =	vld [tilespmem:s18+$0x60]  }
0x208: {  	v63 =	vld [tilespmem:s18+$0xA0];
	v54 =	vadd.s32 v27, v35;
	[tilespmem:v57+s0+$0x0] =	vst.idx.msk $0xffff, v41  }
0x209: {  	v47 =	vadd.s32 v8, v47;
	v57 =	vld [tilespmem:s18+$0xFFFFFF70];
	[tilespmem:v58+s0+$0x0] =	vst.idx.msk $0xffff, v37  }
0x20a: {  	v55 =	vld [tilespmem:s18+$0xFFFFFF20];
	[tilespmem:v56+s0+$0x0] =	vst.idx.msk $0xffff, v34;
	v56 =	vadd.s32 v3, v46  }
0x20b: {  	v40 =	vadd.s32 v12, v40;
	v58 =	vld [tilespmem:s18+$0xFFFFFFB0];
	[tilespmem:v60+s0+$0x0] =	vst.idx.msk $0xffff, v59  }
0x20c: {  	v42 =	vadd.s32 v16, v42;
	v59 =	vld [tilespmem:s18+$0xFFFFFFF0];
	[tilespmem:v62+s0+$0x0] =	vst.idx.msk $0xffff, v61  }
0x20d: {  	v61 =	vadd.s32 v20, v44;
	[tilespmem:v54+s0+$0x0] =	vst.idx.msk $0xffff, v63;
	v60 =	vld [tilespmem:s18+$0x30]  }
0x20e: {  	v38 =	vadd.s32 v24, v38;
	v62 =	vld [tilespmem:s18+$0x70];
	[tilespmem:v47+s0+$0x0] =	vst.idx.msk $0xffff, v57  }
0x20f: {  	v35 =	vadd.s32 v28, v35;
	v63 =	vld [tilespmem:s18+$0xB0];
	[tilespmem:v56+s0+$0x0] =	vst.idx.msk $0xffff, v55  }
0x210: {  	v49 =	vadd.s32 v4, v46;
	[tilespmem:v40+s0+$0x0] =	vst.idx.msk $0xffff, v58;
	v48 =	vld [tilespmem:s18+$0xFFFFFF30]  }
0x211: {  	[tilespmem:v42+s0+$0x0] =	vst.idx.msk $0xffff, v59  }
0x212: {  	s21 =	sshll.u32 s1, $0xA;
	s19 =	sshll.u32 s1, $0x7;
	[tilespmem:v61+s0+$0x0] =	vst.idx.msk $0xffff, v60  }
0x213: {  	s1 =	sand.u32 $0x3E80, s19;
	[tilespmem:v38+s0+$0x0] =	vst.idx.msk $0xffff, v62;
	s18 =	sand.u32 $0xFFE0000, s21  }
0x214: {  	[tilespmem:v35+s0+$0x0] =	vst.idx.msk $0xffff, v63;
	s1 =	sor.u32 s1, s18  }
0x215: {  	s18 =	sadd.s32 s2, s1;
	[tilespmem:v49+s0+$0x0] =	vst.idx.msk $0xffff, v48  }
0x216: {  	[hbm4b:s18+s3] =	stream.linear.scatter [tilespmem:s0], [sflag:$0x6], $0x80, $0x38;
	[tilespmem:$0x11800] =	vst v63  }
0x217: {  	s21 =	simm.s32 $0xB288;
	s20 =	sadd.s32 $0x10, s18  }
0x218: {  	[hbm4b:s20+s3] =	stream.linear.scatter [tilespmem:s21], [sflag:$0x6], $0x80, $0x38;
	[tilespmem:$0x11800] =	vst v63  }
0x219: {  	s20 =	sadd.s32 $0x20, s18;
	s21 =	simm.s32 $0xB310  }
0x21a: {  	[hbm4b:s20+s3] =	stream.linear.scatter [tilespmem:s21], [sflag:$0x6], $0x80, $0x38;
	[tilespmem:$0x11800] =	vst v63  }
0x21b: {  	s20 =	sadd.s32 $0x30, s18;
	s21 =	simm.s32 $0xB398  }
0x21c: {  	[hbm4b:s20+s3] =	stream.linear.scatter [tilespmem:s21], [sflag:$0x6], $0x80, $0x38;
	[tilespmem:$0x11800] =	vst v63  }
0x21d: {  	s20 =	sadd.s32 $0x40, s18;
	s21 =	simm.s32 $0xB420  }
0x21e: {  	[hbm4b:s20+s3] =	stream.linear.scatter [tilespmem:s21], [sflag:$0x6], $0x80, $0x38;
	[tilespmem:$0x11800] =	vst v63  }
0x21f: {  	s20 =	sadd.s32 $0x50, s18;
	s21 =	simm.s32 $0xB4A8  }
0x220: {  	[hbm4b:s20+s3] =	stream.linear.scatter [tilespmem:s21], [sflag:$0x6], $0x80, $0x38;
	[tilespmem:$0x11800] =	vst v63  }
0x221: {  	s20 =	sadd.s32 $0x60, s18;
	s21 =	simm.s32 $0xB530  }
0x222: {  	[hbm4b:s20+s3] =	stream.linear.scatter [tilespmem:s21], [sflag:$0x6], $0x80, $0x38;
	[tilespmem:$0x11800] =	vst v63  }
0x223: {  	s18 =	sadd.s32 $0x70, s18;
	s20 =	simm.s32 $0xB5B8  }
0x224: {  	[hbm4b:s18+s3] =	stream.linear.scatter [tilespmem:s20], [sflag:$0x6], $0x80, $0x38;
	[tilespmem:$0x11800] =	vst v63  }
0x225: {  	s21 =	simm.s32 $0xB640;
	s18 =	sadd.s32 s1, s9  }
0x226: {  	[hbm4b:s18+s3] =	stream.linear.scatter [tilespmem:s21], [sflag:$0x6], $0x80, $0x38;
	[tilespmem:$0x11800] =	vst v63  }
0x227: {  	s20 =	sadd.s32 $0x10, s18;
	s21 =	simm.s32 $0xB6C8  }
0x228: {  	[hbm4b:s20+s3] =	stream.linear.scatter [tilespmem:s21], [sflag:$0x6], $0x80, $0x38;
	[tilespmem:$0x11800] =	vst v63  }
0x229: {  	s20 =	sadd.s32 $0x20, s18;
	s21 =	simm.s32 $0xB750  }
0x22a: {  	[hbm4b:s20+s3] =	stream.linear.scatter [tilespmem:s21], [sflag:$0x6], $0x80, $0x38;
	[tilespmem:$0x11800] =	vst v63  }
0x22b: {  	s20 =	sadd.s32 $0x30, s18;
	s21 =	simm.s32 $0xB7D8  }
0x22c: {  	[hbm4b:s20+s3] =	stream.linear.scatter [tilespmem:s21], [sflag:$0x6], $0x80, $0x38;
	[tilespmem:$0x11800] =	vst v63  }
0x22d: {  	s20 =	sadd.s32 $0x40, s18;
	s21 =	simm.s32 $0xB860  }
0x22e: {  	[hbm4b:s20+s3] =	stream.linear.scatter [tilespmem:s21], [sflag:$0x6], $0x80, $0x38;
	[tilespmem:$0x11800] =	vst v63  }
0x22f: {  	s20 =	sadd.s32 $0x50, s18;
	s21 =	simm.s32 $0xB8E8  }
0x230: {  	[hbm4b:s20+s3] =	stream.linear.scatter [tilespmem:s21], [sflag:$0x6], $0x80, $0x38;
	[tilespmem:$0x11800] =	vst v63  }
0x231: {  	s20 =	sadd.s32 $0x60, s18;
	s21 =	simm.s32 $0xB970  }
0x232: {  	[hbm4b:s20+s3] =	stream.linear.scatter [tilespmem:s21], [sflag:$0x6], $0x80, $0x38;
	[tilespmem:$0x11800] =	vst v63  }
0x233: {  	s18 =	sadd.s32 $0x70, s18;
	s20 =	simm.s32 $0xB9F8  }
0x234: {  	[hbm4b:s18+s3] =	stream.linear.scatter [tilespmem:s20], [sflag:$0x6], $0x80, $0x38;
	[tilespmem:$0x11800] =	vst v63  }
0x235: {  	s21 =	simm.s32 $0xBA80;
	s18 =	sadd.s32 s1, s10  }
0x236: {  	[hbm4b:s18+s3] =	stream.linear.scatter [tilespmem:s21], [sflag:$0x6], $0x80, $0x38;
	[tilespmem:$0x11800] =	vst v63  }
0x237: {  	s20 =	sadd.s32 $0x10, s18;
	s21 =	simm.s32 $0xBB08  }
0x238: {  	[hbm4b:s20+s3] =	stream.linear.scatter [tilespmem:s21], [sflag:$0x6], $0x80, $0x38;
	[tilespmem:$0x11800] =	vst v63  }
0x239: {  	s20 =	sadd.s32 $0x20, s18;
	s21 =	simm.s32 $0xBB90  }
0x23a: {  	[hbm4b:s20+s3] =	stream.linear.scatter [tilespmem:s21], [sflag:$0x6], $0x80, $0x38;
	[tilespmem:$0x11800] =	vst v63  }
0x23b: {  	s20 =	sadd.s32 $0x30, s18;
	s21 =	simm.s32 $0xBC18  }
0x23c: {  	[hbm4b:s20+s3] =	stream.linear.scatter [tilespmem:s21], [sflag:$0x6], $0x80, $0x38;
	[tilespmem:$0x11800] =	vst v63  }
0x23d: {  	s20 =	sadd.s32 $0x40, s18;
	s21 =	simm.s32 $0xBCA0  }
0x23e: {  	[hbm4b:s20+s3] =	stream.linear.scatter [tilespmem:s21], [sflag:$0x6], $0x80, $0x38;
	[tilespmem:$0x11800] =	vst v63  }
0x23f: {  	s20 =	sadd.s32 $0x50, s18;
	s21 =	simm.s32 $0xBD28  }
0x240: {  	[hbm4b:s20+s3] =	stream.linear.scatter [tilespmem:s21], [sflag:$0x6], $0x80, $0x38;
	[tilespmem:$0x11800] =	vst v63  }
0x241: {  	s20 =	sadd.s32 $0x60, s18;
	s21 =	simm.s32 $0xBDB0  }
0x242: {  	[hbm4b:s20+s3] =	stream.linear.scatter [tilespmem:s21], [sflag:$0x6], $0x80, $0x38;
	[tilespmem:$0x11800] =	vst v63  }
0x243: {  	s18 =	sadd.s32 $0x70, s18;
	s20 =	simm.s32 $0xBE38  }
0x244: {  	[hbm4b:s18+s3] =	stream.linear.scatter [tilespmem:s20], [sflag:$0x6], $0x80, $0x38;
	[tilespmem:$0x11800] =	vst v63  }
0x245: {  	s21 =	simm.s32 $0xBEC0;
	s18 =	sadd.s32 s1, s11  }
0x246: {  	[hbm4b:s18+s3] =	stream.linear.scatter [tilespmem:s21], [sflag:$0x6], $0x80, $0x38;
	[tilespmem:$0x11800] =	vst v63  }
0x247: {  	s20 =	sadd.s32 $0x10, s18;
	s21 =	simm.s32 $0xBF48  }
0x248: {  	[hbm4b:s20+s3] =	stream.linear.scatter [tilespmem:s21], [sflag:$0x6], $0x80, $0x38;
	[tilespmem:$0x11800] =	vst v63  }
0x249: {  	s20 =	sadd.s32 $0x20, s18;
	s21 =	simm.s32 $0xBFD0  }
0x24a: {  	[hbm4b:s20+s3] =	stream.linear.scatter [tilespmem:s21], [sflag:$0x6], $0x80, $0x38;
	[tilespmem:$0x11800] =	vst v63  }
0x24b: {  	s20 =	sadd.s32 $0x30, s18;
	s21 =	simm.s32 $0xC058  }
0x24c: {  	[hbm4b:s20+s3] =	stream.linear.scatter [tilespmem:s21], [sflag:$0x6], $0x80, $0x38;
	[tilespmem:$0x11800] =	vst v63  }
0x24d: {  	s20 =	sadd.s32 $0x40, s18;
	s21 =	simm.s32 $0xC0E0  }
0x24e: {  	[hbm4b:s20+s3] =	stream.linear.scatter [tilespmem:s21], [sflag:$0x6], $0x80, $0x38;
	[tilespmem:$0x11800] =	vst v63  }
0x24f: {  	s20 =	sadd.s32 $0x50, s18;
	s21 =	simm.s32 $0xC168  }
0x250: {  	[hbm4b:s20+s3] =	stream.linear.scatter [tilespmem:s21], [sflag:$0x6], $0x80, $0x38;
	[tilespmem:$0x11800] =	vst v63  }
0x251: {  	s20 =	sadd.s32 $0x60, s18;
	s21 =	simm.s32 $0xC1F0  }
0x252: {  	[hbm4b:s20+s3] =	stream.linear.scatter [tilespmem:s21], [sflag:$0x6], $0x80, $0x38;
	[tilespmem:$0x11800] =	vst v63  }
0x253: {  	s18 =	sadd.s32 $0x70, s18;
	s20 =	simm.s32 $0xC278  }
0x254: {  	[hbm4b:s18+s3] =	stream.linear.scatter [tilespmem:s20], [sflag:$0x6], $0x80, $0x38;
	[tilespmem:$0x11800] =	vst v63  }
0x255: {  	s21 =	simm.s32 $0xC300;
	s18 =	sadd.s32 s1, s12  }
0x256: {  	[hbm4b:s18+s3] =	stream.linear.scatter [tilespmem:s21], [sflag:$0x6], $0x80, $0x38;
	[tilespmem:$0x11800] =	vst v63  }
0x257: {  	s20 =	sadd.s32 $0x10, s18;
	s21 =	simm.s32 $0xC388  }
0x258: {  	[hbm4b:s20+s3] =	stream.linear.scatter [tilespmem:s21], [sflag:$0x6], $0x80, $0x38;
	[tilespmem:$0x11800] =	vst v63  }
0x259: {  	s20 =	sadd.s32 $0x20, s18;
	s21 =	simm.s32 $0xC410  }
0x25a: {  	[hbm4b:s20+s3] =	stream.linear.scatter [tilespmem:s21], [sflag:$0x6], $0x80, $0x38;
	[tilespmem:$0x11800] =	vst v63  }
0x25b: {  	s20 =	sadd.s32 $0x30, s18;
	s21 =	simm.s32 $0xC498  }
0x25c: {  	[hbm4b:s20+s3] =	stream.linear.scatter [tilespmem:s21], [sflag:$0x6], $0x80, $0x38;
	[tilespmem:$0x11800] =	vst v63  }
0x25d: {  	s20 =	sadd.s32 $0x40, s18;
	s21 =	simm.s32 $0xC520  }
0x25e: {  	[hbm4b:s20+s3] =	stream.linear.scatter [tilespmem:s21], [sflag:$0x6], $0x80, $0x38;
	[tilespmem:$0x11800] =	vst v63  }
0x25f: {  	s20 =	sadd.s32 $0x50, s18;
	s21 =	simm.s32 $0xC5A8  }
0x260: {  	[hbm4b:s20+s3] =	stream.linear.scatter [tilespmem:s21], [sflag:$0x6], $0x80, $0x38;
	[tilespmem:$0x11800] =	vst v63  }
0x261: {  	s20 =	sadd.s32 $0x60, s18;
	s21 =	simm.s32 $0xC630  }
0x262: {  	[hbm4b:s20+s3] =	stream.linear.scatter [tilespmem:s21], [sflag:$0x6], $0x80, $0x38;
	[tilespmem:$0x11800] =	vst v63  }
0x263: {  	s18 =	sadd.s32 $0x70, s18;
	s20 =	simm.s32 $0xC6B8  }
0x264: {  	[hbm4b:s18+s3] =	stream.linear.scatter [tilespmem:s20], [sflag:$0x6], $0x80, $0x38;
	[tilespmem:$0x11800] =	vst v63  }
0x265: {  	s21 =	simm.s32 $0xC740;
	s18 =	sadd.s32 s1, s13  }
0x266: {  	[hbm4b:s18+s3] =	stream.linear.scatter [tilespmem:s21], [sflag:$0x6], $0x80, $0x38;
	[tilespmem:$0x11800] =	vst v63  }
0x267: {  	s20 =	sadd.s32 $0x10, s18;
	s21 =	simm.s32 $0xC7C8  }
0x268: {  	[hbm4b:s20+s3] =	stream.linear.scatter [tilespmem:s21], [sflag:$0x6], $0x80, $0x38;
	[tilespmem:$0x11800] =	vst v63  }
0x269: {  	s20 =	sadd.s32 $0x20, s18;
	s21 =	simm.s32 $0xC850  }
0x26a: {  	[hbm4b:s20+s3] =	stream.linear.scatter [tilespmem:s21], [sflag:$0x6], $0x80, $0x38;
	[tilespmem:$0x11800] =	vst v63  }
0x26b: {  	s20 =	sadd.s32 $0x30, s18;
	s21 =	simm.s32 $0xC8D8  }
0x26c: {  	[hbm4b:s20+s3] =	stream.linear.scatter [tilespmem:s21], [sflag:$0x6], $0x80, $0x38;
	[tilespmem:$0x11800] =	vst v63  }
0x26d: {  	s20 =	sadd.s32 $0x40, s18;
	s21 =	simm.s32 $0xC960  }
0x26e: {  	[hbm4b:s20+s3] =	stream.linear.scatter [tilespmem:s21], [sflag:$0x6], $0x80, $0x38;
	[tilespmem:$0x11800] =	vst v63  }
0x26f: {  	s20 =	sadd.s32 $0x50, s18;
	s21 =	simm.s32 $0xC9E8  }
0x270: {  	[hbm4b:s20+s3] =	stream.linear.scatter [tilespmem:s21], [sflag:$0x6], $0x80, $0x38;
	[tilespmem:$0x11800] =	vst v63  }
0x271: {  	s20 =	sadd.s32 $0x60, s18;
	s21 =	simm.s32 $0xCA70  }
0x272: {  	[hbm4b:s20+s3] =	stream.linear.scatter [tilespmem:s21], [sflag:$0x6], $0x80, $0x38;
	[tilespmem:$0x11800] =	vst v63  }
0x273: {  	s18 =	sadd.s32 $0x70, s18;
	s20 =	simm.s32 $0xCAF8  }
0x274: {  	[hbm4b:s18+s3] =	stream.linear.scatter [tilespmem:s20], [sflag:$0x6], $0x80, $0x38;
	[tilespmem:$0x11800] =	vst v63  }
0x275: {  	s21 =	simm.s32 $0xCB80;
	s18 =	sadd.s32 s1, s14  }
0x276: {  	[hbm4b:s18+s3] =	stream.linear.scatter [tilespmem:s21], [sflag:$0x6], $0x80, $0x38;
	[tilespmem:$0x11800] =	vst v63  }
0x277: {  	s20 =	sadd.s32 $0x10, s18;
	s21 =	simm.s32 $0xCC08  }
0x278: {  	[hbm4b:s20+s3] =	stream.linear.scatter [tilespmem:s21], [sflag:$0x6], $0x80, $0x38;
	[tilespmem:$0x11800] =	vst v63  }
0x279: {  	s20 =	sadd.s32 $0x20, s18;
	s21 =	simm.s32 $0xCC90  }
0x27a: {  	[hbm4b:s20+s3] =	stream.linear.scatter [tilespmem:s21], [sflag:$0x6], $0x80, $0x38;
	[tilespmem:$0x11800] =	vst v63  }
0x27b: {  	s20 =	sadd.s32 $0x30, s18;
	s21 =	simm.s32 $0xCD18  }
0x27c: {  	[hbm4b:s20+s3] =	stream.linear.scatter [tilespmem:s21], [sflag:$0x6], $0x80, $0x38;
	[tilespmem:$0x11800] =	vst v63  }
0x27d: {  	s20 =	sadd.s32 $0x40, s18;
	s21 =	simm.s32 $0xCDA0  }
0x27e: {  	[hbm4b:s20+s3] =	stream.linear.scatter [tilespmem:s21], [sflag:$0x6], $0x80, $0x38;
	[tilespmem:$0x11800] =	vst v63  }
0x27f: {  	s20 =	sadd.s32 $0x50, s18;
	s21 =	simm.s32 $0xCE28  }
0x280: {  	[hbm4b:s20+s3] =	stream.linear.scatter [tilespmem:s21], [sflag:$0x6], $0x80, $0x38;
	[tilespmem:$0x11800] =	vst v63  }
0x281: {  	s20 =	sadd.s32 $0x60, s18;
	s21 =	simm.s32 $0xCEB0  }
0x282: {  	[hbm4b:s20+s3] =	stream.linear.scatter [tilespmem:s21], [sflag:$0x6], $0x80, $0x38;
	[tilespmem:$0x11800] =	vst v63  }
0x283: {  	s18 =	sadd.s32 $0x70, s18;
	s21 =	simm.s32 $0xCF38  }
0x284: {  	[hbm4b:s18+s3] =	stream.linear.scatter [tilespmem:s21], [sflag:$0x6], $0x80, $0x38;
	[tilespmem:$0x11800] =	vst v63  }
0x285: {  	s19 =	simm.s32 $0xCFC0;
	s1 =	sadd.s32 s1, s15  }
0x286: {  	[hbm4b:s1+s3] =	stream.linear.scatter [tilespmem:s19], [sflag:$0x6], $0x80, $0x38;
	[tilespmem:$0x11800] =	vst v63  }
0x287: {  	s20 =	sadd.s32 $0x10, s1;
	s21 =	simm.s32 $0xD048  }
0x288: {  	[hbm4b:s20+s3] =	stream.linear.scatter [tilespmem:s21], [sflag:$0x6], $0x80, $0x38;
	[tilespmem:$0x11800] =	vst v63  }
0x289: {  	s20 =	sadd.s32 $0x20, s1;
	s21 =	simm.s32 $0xD0D0  }
0x28a: {  	[hbm4b:s20+s3] =	stream.linear.scatter [tilespmem:s21], [sflag:$0x6], $0x80, $0x38;
	[tilespmem:$0x11800] =	vst v63  }
0x28b: {  	s20 =	sadd.s32 $0x30, s1;
	s21 =	simm.s32 $0xD158  }
0x28c: {  	[hbm4b:s20+s3] =	stream.linear.scatter [tilespmem:s21], [sflag:$0x6], $0x80, $0x38;
	[tilespmem:$0x11800] =	vst v63  }
0x28d: {  	s20 =	sadd.s32 $0x40, s1;
	s21 =	simm.s32 $0xD1E0  }
0x28e: {  	[hbm4b:s20+s3] =	stream.linear.scatter [tilespmem:s21], [sflag:$0x6], $0x80, $0x38;
	[tilespmem:$0x11800] =	vst v63  }
0x28f: {  	s20 =	sadd.s32 $0x50, s1;
	s21 =	simm.s32 $0xD268  }
0x290: {  	[hbm4b:s20+s3] =	stream.linear.scatter [tilespmem:s21], [sflag:$0x6], $0x80, $0x38;
	[tilespmem:$0x11800] =	vst v63  }
0x291: {  	s20 =	sadd.s32 $0x60, s1;
	s21 =	simm.s32 $0xD2F0  }
0x292: {  	[hbm4b:s20+s3] =	stream.linear.scatter [tilespmem:s21], [sflag:$0x6], $0x80, $0x38;
	[tilespmem:$0x11800] =	vst v63  }
0x293: {  	s1 =	sadd.s32 $0x70, s1;
	s20 =	simm.s32 $0xD378  }
0x294: {  	[hbm4b:s1+s3] =	stream.linear.scatter [tilespmem:s20], [sflag:$0x6], $0x80, $0x38;
	[tilespmem:$0x11800] =	vst v63  }
0x295: {  	s1 =	sadd.s32 @!p1 $0x280, s28  }
0x296: {  	s18 =	simm.s32 @!p1 $0x80;
	s19 =	simm.s32 @!p1 $0x3000;
	s1 =	sand.u32 @!p1 $0xE80, s1  }
0x297: {  	[tilespmem:s19], [sflag:$0x2] =	stream.indirect.gather @!p1 [hbm4b:s5+s18], $0x40, s1, s18, $0xb8;
	[tilespmem:$0x11800] =	vst v63  }
0x298: {  	_ =	swait.ge [sflag:s29], $0x2000  }
0x299: {  	[sflag:s29] =	ssyncset.done $0x0  }
0x29a: {  	s1 =	simm.s32 @!p0 $0x7;
	[sflag:s29] =	ssyncadd.s32 $0xFFFFE000  }
0x29b: {  	_ =	swait.ge @!p0 [sflag:s1], $0x400  }
0x29c: {  	[sflag:s1] =	ssyncset.done @!p0 $0x0  }
0x29d: {  	[sflag:s1] =	ssyncadd.s32 @!p0 $0xFFFFFC00  }
0x29e: {  	_ =	swait.ge @!p0 [sflag:s1], $0x400  }
0x29f: {  	[sflag:s1] =	ssyncset.done @!p0 $0x0  }
0x2a0: {  	[sflag:s1] =	ssyncadd.s32 @!p0 $0xFFFFFC00  }
0x2a1: {  	_ =	swait.ge @!p0 [sflag:s1], $0x400  }
0x2a2: {  	[sflag:s1] =	ssyncset.done @!p0 $0x0  }
0x2a3: {  	[sflag:s1] =	ssyncadd.s32 @!p0 $0xFFFFFC00  }
0x2a4: {  	_ =	swait.ge @!p0 [sflag:s1], $0x400  }
0x2a5: {  	[sflag:s1] =	ssyncset.done @!p0 $0x0  }
0x2a6: {  	[sflag:s1] =	ssyncadd.s32 @!p0 $0xFFFFFC00  }
0x2a7: {  	_ =	swait.ge @!p0 [sflag:s1], $0x400  }
0x2a8: {  	[sflag:s1] =	ssyncset.done @!p0 $0x0  }
0x2a9: {  	[sflag:s1] =	ssyncadd.s32 @!p0 $0xFFFFFC00  }
0x2aa: {  	s21 =	simm.s32 $0x0;
	_ =	swait.ge @!p0 [sflag:s1], $0x400  }
0x2ab: {  	v50 =	vmov s21;
	s21 =	simm.s32 $0x3;
	[sflag:s1] =	ssyncset.done @!p0 $0x0  }
0x2ac: {  	s20 =	simm.s32 $0x2;
	v33 =	vshrl.u32 v50, $0x3;
	v53 =	vmov s21;
	s21 =	simm.s32 $0x5;
	[sflag:s1] =	ssyncadd.s32 @!p0 $0xFFFFFC00  }
0x2ad: {  	v52 =	vmov s20;
	s20 =	simm.s32 $0x7;
	v39 =	vmov s21;
	v33 =	vshll.u32 v33, v1;
	_ =	swait.ge @!p0 [sflag:s1], $0x400  }
0x2ae: {  	v36 =	vshrl.u32 v53, $0x3;
	s19 =	simm.s32 $0x1;
	v55 =	vmov s20;
	v35 =	vshrl.u32 v52, $0x3;
	[sflag:s1] =	ssyncset.done @!p0 $0x0  }
0x2af: {  	v33 =	vbroadcast v33, $0x0;
	v51 =	vmov s19;
	v38 =	vshrl.u32 v55, $0x3;
	[sflag:s1] =	ssyncadd.s32 @!p0 $0xFFFFFC00  }
0x2b0: {  	s20 =	simm.s32 $0x6;
	v58 =	vshll.u32 v36, v1;
	v34 =	vshrl.u32 v51, $0x3;
	v38 =	vshll.u32 v38, v1;
	_ =	swait.ge @!p0 [sflag:s1], $0x400  }
0x2b1: {  	s19 =	simm.s32 $0x4;
	v40 =	vmov s20;
	v38 =	vbroadcast v38, $0x0;
	v34 =	vshll.u32 v34, v1;
	[sflag:s1] =	ssyncset.done @!p0 $0x0  }
0x2b2: {  	v56 =	vshll.u32 v35, v1;
	v54 =	vmov s19;
	s19 =	simm.s32 $0x5100;
	v47 =	vbroadcast v34, $0x0;
	[sflag:s1] =	ssyncadd.s32 @!p0 $0xFFFFFC00  }
0x2b3: {  	v35 =	vbroadcast v58, $0x0;
	v53 =	vbroadcast v56, $0x0;
	v42 =	vadd.s32 v29, v38;
	v41 =	vld [tilespmem:s19+$0xC0]  }
0x2b4: {  	v55 =	vshrl.u32 v39, $0x3;
	v37 =	vshrl.u32 v54, $0x3;
	v60 =	vadd.s32 v5, v47;
	v59 =	vld [tilespmem:s19+$0xFFFFFF40]  }
0x2b5: {  	v57 =	vadd.s32 v0, v33;
	v61 =	vshll.u32 v37, v1;
	v63 =	vadd.s32 v9, v53;
	v62 =	vld [tilespmem:s19+$0xFFFFFF80]  }
0x2b6: {  	v36 =	vshll.u32 v55, v1;
	v40 =	vshrl.u32 v40, $0x3;
	v34 =	vbroadcast v61, $0x0;
	v43 =	vld [tilespmem:s19+$0xFFFFFF00]  }
0x2b7: {  	v50 =	vadd.s32 v13, v35;
	v56 =	vshll.u32 v40, v1;
	v37 =	vbroadcast v36, $0x0;
	v39 =	vld [tilespmem:s19+$0xFFFFFFC0]  }
0x2b8: {  	v36 =	vbroadcast v56, $0x0;
	v52 =	vadd.s32 v17, v34;
	v51 =	vld [tilespmem:s19+$0x0];
	[tilespmem:v42+s30+$0x0] =	vst.idx.msk $0xffff, v41  }
0x2b9: {  	[tilespmem:v60+s30+$0x0] =	vst.idx.msk $0xffff, v59;
	v59 =	vld [tilespmem:s19+$0x40];
	v60 =	vadd.s32 v21, v37  }
0x2ba: {  	v61 =	vld [tilespmem:s19+$0x80];
	[tilespmem:v63+s30+$0x0] =	vst.idx.msk $0xffff, v62;
	v62 =	vadd.s32 v25, v36  }
0x2bb: {  	v58 =	vadd.s32 v30, v38;
	[tilespmem:v57+s30+$0x0] =	vst.idx.msk $0xffff, v43;
	v57 =	vld [tilespmem:s19+$0xD0]  }
0x2bc: {  	v63 =	vadd.s32 v6, v47;
	[tilespmem:v50+s30+$0x0] =	vst.idx.msk $0xffff, v39;
	v46 =	vld [tilespmem:s19+$0xFFFFFF50]  }
0x2bd: {  	v55 =	vadd.s32 v10, v53;
	[tilespmem:v52+s30+$0x0] =	vst.idx.msk $0xffff, v51;
	v54 =	vld [tilespmem:s19+$0xFFFFFF90]  }
0x2be: {  	v56 =	vadd.s32 v14, v35;
	v50 =	vld [tilespmem:s19+$0xFFFFFFD0];
	[tilespmem:v60+s30+$0x0] =	vst.idx.msk $0xffff, v59  }
0x2bf: {  	[tilespmem:v62+s30+$0x0] =	vst.idx.msk $0xffff, v61;
	v61 =	vld [tilespmem:s19+$0xFFFFFF10];
	v62 =	vadd.s32 v2, v33  }
0x2c0: {  	v59 =	vadd.s32 v18, v34;
	[tilespmem:v58+s30+$0x0] =	vst.idx.msk $0xffff, v57;
	v58 =	vld [tilespmem:s19+$0x10]  }
0x2c1: {  	v57 =	vadd.s32 v31, v38;
	[tilespmem:v63+s30+$0x0] =	vst.idx.msk $0xffff, v46;
	v40 =	vld [tilespmem:s19+$0xE0]  }
0x2c2: {  	v45 =	vadd.s32 v22, v37;
	v44 =	vld [tilespmem:s19+$0x50];
	[tilespmem:v55+s30+$0x0] =	vst.idx.msk $0xffff, v54  }
0x2c3: {  	v60 =	vadd.s32 v26, v36;
	v63 =	vld [tilespmem:s19+$0x90];
	[tilespmem:v56+s30+$0x0] =	vst.idx.msk $0xffff, v50  }
0x2c4: {  	v51 =	vadd.s32 v7, v47;
	v50 =	vld [tilespmem:s19+$0xFFFFFF60];
	[tilespmem:v62+s30+$0x0] =	vst.idx.msk $0xffff, v61  }
0x2c5: {  	v56 =	vadd.s32 v11, v53;
	v55 =	vld [tilespmem:s19+$0xFFFFFFA0];
	[tilespmem:v59+s30+$0x0] =	vst.idx.msk $0xffff, v58  }
0x2c6: {  	v58 =	vadd.s32 v15, v35;
	[tilespmem:v57+s30+$0x0] =	vst.idx.msk $0xffff, v40;
	v57 =	vld [tilespmem:s19+$0xFFFFFFE0]  }
0x2c7: {  	v38 =	vadd.s32 v32, v38;
	[tilespmem:v45+s30+$0x0] =	vst.idx.msk $0xffff, v44;
	v54 =	vld [tilespmem:s19+$0xF0]  }
0x2c8: {  	[tilespmem:v60+s30+$0x0] =	vst.idx.msk $0xffff, v63;
	v60 =	vadd.s32 v19, v34;
	v59 =	vld [tilespmem:s19+$0x20]  }
0x2c9: {  	s21 =	simm.s32 $0x8;
	s18 =	simm.s32 $0x9;
	v48 =	vadd.s32 v3, v33;
	v41 =	vadd.s32 v23, v37;
	[tilespmem:v51+s30+$0x0] =	vst.idx.msk $0xffff, v50;
	v40 =	vld [tilespmem:s19+$0x60]  }
0x2ca: {  	v52 =	vmov s18;
	v43 =	vadd.s32 v27, v36;
	s18 =	simm.s32 $0xC;
	v63 =	vmov s21;
	v42 =	vld [tilespmem:s19+$0xA0];
	[tilespmem:v56+s30+$0x0] =	vst.idx.msk $0xffff, v55  }
0x2cb: {  	s20 =	simm.s32 $0xA;
	v46 =	vmov s18;
	v53 =	vadd.s32 v12, v53;
	s21 =	simm.s32 $0xB;
	v45 =	vld [tilespmem:s19+$0xFFFFFF20];
	v39 =	vshrl.u32 v63, $0x3;
	[tilespmem:v58+s30+$0x0] =	vst.idx.msk $0xffff, v57  }
0x2cc: {  	v44 =	vmov s21;
	s21 =	simm.s32 $0xE;
	v51 =	vadd.s32 v8, v47;
	v49 =	vld [tilespmem:s19+$0xFFFFFF70];
	[tilespmem:v38+s30+$0x0] =	vst.idx.msk $0xffff, v54;
	v54 =	vmov s20;
	s20 =	simm.s32 $0xD  }
0x2cd: {  	s1 =	sadd.s32 $0x2, s16;
	s18 =	simm.s32 $0x10;
	v47 =	vshll.u32 v39, v1;
	v39 =	vmov s21;
	v50 =	vld [tilespmem:s19+$0xFFFFFFB0];
	[tilespmem:v60+s30+$0x0] =	vst.idx.msk $0xffff, v59;
	v38 =	vmov s20;
	s20 =	simm.s32 $0xF  }
.LBB2_7:
0x2ce: {  	p2 =	slt.u32 s18, $0x78;
	v52 =	vshrl.u32 v52, $0x3;
	v55 =	vmov s20;
	v56 =	vld [tilespmem:s19+$0xFFFFFFF0];
	v35 =	vadd.s32 v16, v35;
	[tilespmem:v41+s30+$0x0] =	vst.idx.msk $0xffff, v40  }
0x2cf: {  	v40 =	vshrl.u32 v54, $0x3;
	v34 =	vadd.s32 v20, v34;
	v41 =	vshrl.u32 v55, $0x3;
	v54 =	vld [tilespmem:s19+$0x30];
	[tilespmem:v43+s30+$0x0] =	vst.idx.msk $0xffff, v42  }
0x2d0: {  	v37 =	vadd.s32 v24, v37;
	v42 =	vshrl.u32 v44, $0x3;
	v41 =	vshll.u32 v41, v1;
	[tilespmem:v48+s30+$0x0] =	vst.idx.msk $0xffff, v45;
	v43 =	vld [tilespmem:s19+$0x70]  }
0x2d1: {  	v36 =	vadd.s32 v28, v36;
	v44 =	vshrl.u32 v46, $0x3;
	v41 =	vbroadcast v41, $0x0;
	[tilespmem:v51+s30+$0x0] =	vst.idx.msk $0xffff, v49;
	v45 =	vld [tilespmem:s19+$0xB0]  }
0x2d2: {  	v46 =	vshll.u32 v52, v1;
	v49 =	vadd.s32 v4, v33;
	v33 =	vbroadcast v47, $0x0;
	v48 =	vld [tilespmem:s19+$0xFFFFFF30];
	[tilespmem:v53+s30+$0x0] =	vst.idx.msk $0xffff, v50;
	s19 =	sadd.s32 $0x200, s19  }
0x2d3: {  	v40 =	vshll.u32 v40, v1;
	v47 =	vbroadcast v46, $0x0;
	v46 =	vld [tilespmem:s19+$0xC0];
	v50 =	vadd.s32 v29, v41;
	[tilespmem:v35+s30+$0x0] =	vst.idx.msk $0xffff, v56  }
0x2d4: {  	v53 =	vbroadcast v40, $0x0;
	v52 =	vadd.s32 v0, v33;
	v35 =	vshll.u32 v42, v1;
	v51 =	vld [tilespmem:s19+$0xFFFFFF00];
	[tilespmem:v34+s30+$0x0] =	vst.idx.msk $0xffff, v54  }
0x2d5: {  	v42 =	vadd.s32 v5, v47;
	v35 =	vbroadcast v35, $0x0;
	v34 =	vshll.u32 v44, v1;
	v40 =	vld [tilespmem:s19+$0xFFFFFF40];
	[tilespmem:v37+s30+$0x0] =	vst.idx.msk $0xffff, v43  }
0x2d6: {  	v44 =	vadd.s32 v9, v53;
	v34 =	vbroadcast v34, $0x0;
	v37 =	vshrl.u32 v38, $0x3;
	v43 =	vld [tilespmem:s19+$0xFFFFFF80];
	[tilespmem:v36+s30+$0x0] =	vst.idx.msk $0xffff, v45  }
0x2d7: {  	v39 =	vshrl.u32 v39, $0x3;
	v45 =	vadd.s32 v13, v35;
	v36 =	vshll.u32 v37, v1;
	v38 =	vld [tilespmem:s19+$0xFFFFFFC0];
	[tilespmem:v49+s30+$0x0] =	vst.idx.msk $0xffff, v48  }
0x2d8: {  	v49 =	vadd.s32 v17, v34;
	v37 =	vbroadcast v36, $0x0;
	v36 =	vshll.u32 v39, v1;
	v48 =	vld [tilespmem:s19+$0x0];
	[tilespmem:v50+s30+$0x0] =	vst.idx.msk $0xffff, v46  }
0x2d9: {  	v36 =	vbroadcast v36, $0x0;
	v46 =	vadd.s32 v30, v41;
	[tilespmem:v52+s30+$0x0] =	vst.idx.msk $0xffff, v51;
	v39 =	vld [tilespmem:s19+$0xD0]  }
0x2da: {  	[tilespmem:v42+s30+$0x0] =	vst.idx.msk $0xffff, v40;
	v40 =	vld [tilespmem:s19+$0x40];
	v42 =	vadd.s32 v21, v37  }
0x2db: {  	[tilespmem:v44+s30+$0x0] =	vst.idx.msk $0xffff, v43;
	v43 =	vld [tilespmem:s19+$0x80];
	v44 =	vadd.s32 v25, v36  }
0x2dc: {  	v51 =	vadd.s32 v6, v47;
	v50 =	vld [tilespmem:s19+$0xFFFFFF50];
	[tilespmem:v45+s30+$0x0] =	vst.idx.msk $0xffff, v38  }
0x2dd: {  	v45 =	vadd.s32 v10, v53;
	v38 =	vld [tilespmem:s19+$0xFFFFFF90];
	[tilespmem:v49+s30+$0x0] =	vst.idx.msk $0xffff, v48  }
0x2de: {  	v49 =	vadd.s32 v14, v35;
	v48 =	vld [tilespmem:s19+$0xFFFFFFD0];
	[tilespmem:v46+s30+$0x0] =	vst.idx.msk $0xffff, v39  }
0x2df: {  	[tilespmem:v42+s30+$0x0] =	vst.idx.msk $0xffff, v40;
	v39 =	vld [tilespmem:s19+$0xE0];
	v40 =	vadd.s32 v31, v41  }
0x2e0: {  	v46 =	vadd.s32 v18, v34;
	v42 =	vld [tilespmem:s19+$0x10];
	[tilespmem:v44+s30+$0x0] =	vst.idx.msk $0xffff, v43  }
0x2e1: {  	v44 =	vadd.s32 v22, v37;
	[tilespmem:v51+s30+$0x0] =	vst.idx.msk $0xffff, v50;
	v43 =	vld [tilespmem:s19+$0x50]  }
0x2e2: {  	[tilespmem:v45+s30+$0x0] =	vst.idx.msk $0xffff, v38;
	v38 =	vld [tilespmem:s19+$0x90];
	v45 =	vadd.s32 v26, v36  }
0x2e3: {  	v51 =	vadd.s32 v2, v33;
	v50 =	vld [tilespmem:s19+$0xFFFFFF10];
	[tilespmem:v49+s30+$0x0] =	vst.idx.msk $0xffff, v48  }
0x2e4: {  	v49 =	vadd.s32 v7, v47;
	v48 =	vld [tilespmem:s19+$0xFFFFFF60];
	[tilespmem:v40+s30+$0x0] =	vst.idx.msk $0xffff, v39  }
0x2e5: {  	[tilespmem:v46+s30+$0x0] =	vst.idx.msk $0xffff, v42;
	v39 =	vld [tilespmem:s19+$0xF0];
	v46 =	vadd.s32 v32, v41  }
0x2e6: {  	v56 =	vadd.s32 v11, v53;
	v55 =	vld [tilespmem:s19+$0xFFFFFFA0];
	[tilespmem:v44+s30+$0x0] =	vst.idx.msk $0xffff, v43  }
0x2e7: {  	v58 =	vadd.s32 v15, v35;
	v57 =	vld [tilespmem:s19+$0xFFFFFFE0];
	[tilespmem:v45+s30+$0x0] =	vst.idx.msk $0xffff, v38  }
0x2e8: {  	v60 =	vadd.s32 v19, v34;
	[tilespmem:v51+s30+$0x0] =	vst.idx.msk $0xffff, v50;
	v59 =	vld [tilespmem:s19+$0x20]  }
.Ltmp4:
0x2e9: {  	s20 =	sadd.s32 $0x1, s18;
	v41 =	vadd.s32 v23, v37;
	v38 =	vmov s18;
	[tilespmem:v49+s30+$0x0] =	vst.idx.msk $0xffff, v48;
	v40 =	vld [tilespmem:s19+$0x60];
	(pc) =	sbr.rel @p2 .LBB2_7-.Ltmp4, $4  }
0x2ea: {  	s21 =	sadd.s32 $0x3, s18;
	v52 =	vmov s20;
	s20 =	sadd.s32 $0x2, s18;
	v43 =	vadd.s32 v27, v36;
	v50 =	vshrl.u32 v38, $0x3;
	v42 =	vld [tilespmem:s19+$0xA0];
	[tilespmem:v46+s30+$0x0] =	vst.idx.msk $0xffff, v39  }
0x2eb: {  	v54 =	vmov s20;
	s20 =	sadd.s32 $0x4, s18;
	v44 =	vmov s21;
	s21 =	sadd.s32 $0x5, s18;
	v48 =	vadd.s32 v3, v33;
	v45 =	vld [tilespmem:s19+$0xFFFFFF20];
	[tilespmem:v56+s30+$0x0] =	vst.idx.msk $0xffff, v55  }
0x2ec: {  	v38 =	vmov s21;
	v51 =	vadd.s32 v8, v47;
	v46 =	vmov s20;
	s20 =	sadd.s32 $0x6, s18;
	v49 =	vld [tilespmem:s19+$0xFFFFFF70];
	[tilespmem:v58+s30+$0x0] =	vst.idx.msk $0xffff, v57  }
0x2ed: {  	v53 =	vadd.s32 v12, v53;
	v47 =	vshll.u32 v50, v1;
	v39 =	vmov s20;
	s20 =	sadd.s32 $0x7, s18;
	s18 =	sadd.s32 $0x8, s18;
	v50 =	vld [tilespmem:s19+$0xFFFFFFB0];
	[tilespmem:v60+s30+$0x0] =	vst.idx.msk $0xffff, v59  }
0x2ee: {  	_ =	sdelay $0x2  }
0x2ef: {  	v52 =	vshrl.u32 v52, $0x3  }
0x2f0: {  	v55 =	vmov s20;
	v56 =	vld [tilespmem:s19+$0xFFFFFFF0];
	v35 =	vadd.s32 v16, v35;
	[tilespmem:v41+s30+$0x0] =	vst.idx.msk $0xffff, v40;
	v34 =	vadd.s32 v20, v34  }
0x2f1: {  	v61 =	vshrl.u32 v54, $0x3;
	v63 =	vld [tilespmem:s19+$0x30];
	v37 =	vadd.s32 v24, v37;
	v36 =	vadd.s32 v28, v36;
	[tilespmem:v43+s30+$0x0] =	vst.idx.msk $0xffff, v42  }
0x2f2: {  	v33 =	vadd.s32 v4, v33;
	v62 =	vshrl.u32 v55, $0x3;
	v55 =	vshrl.u32 v44, $0x3;
	v43 =	vld [tilespmem:s19+$0x70];
	[tilespmem:v48+s30+$0x0] =	vst.idx.msk $0xffff, v45  }
0x2f3: {  	v44 =	vshrl.u32 v46, $0x3;
	v46 =	vbroadcast v47, $0x0;
	v41 =	vshll.u32 v62, v1;
	v45 =	vld [tilespmem:s19+$0xB0];
	[tilespmem:v51+s30+$0x0] =	vst.idx.msk $0xffff, v49  }
0x2f4: {  	s18 =	sadd.s32 $0x200, s19;
	v38 =	vshrl.u32 v38, $0x3;
	v40 =	vshll.u32 v61, v1;
	v41 =	vbroadcast v41, $0x0;
	v48 =	vld [tilespmem:s19+$0xFFFFFF30];
	[tilespmem:v53+s30+$0x0] =	vst.idx.msk $0xffff, v50  }
0x2f5: {  	v57 =	vshll.u32 v52, v1;
	v60 =	vld [tilespmem:s18+$0xFFFFFF00];
	v40 =	vbroadcast v40, $0x0;
	v61 =	vadd.s32 v0, v46;
	[tilespmem:v35+s30+$0x0] =	vst.idx.msk $0xffff, v56  }
0x2f6: {  	v58 =	vld [tilespmem:s18+$0xC0];
	v47 =	vbroadcast v57, $0x0;
	v42 =	vshll.u32 v55, v1;
	v59 =	vadd.s32 v29, v41;
	[tilespmem:v34+s30+$0x0] =	vst.idx.msk $0xffff, v63  }
0x2f7: {  	v54 =	vld [tilespmem:s18+$0xFFFFFF80];
	v44 =	vshll.u32 v44, v1;
	v42 =	vbroadcast v42, $0x0;
	v55 =	vadd.s32 v9, v40;
	[tilespmem:v37+s30+$0x0] =	vst.idx.msk $0xffff, v43  }
0x2f8: {  	v38 =	vshll.u32 v38, v1;
	v62 =	vld [tilespmem:s18+$0xFFFFFF40];
	v44 =	vbroadcast v44, $0x0;
	v63 =	vadd.s32 v5, v47;
	[tilespmem:v36+s30+$0x0] =	vst.idx.msk $0xffff, v45  }
0x2f9: {  	v39 =	vshrl.u32 v39, $0x3;
	v38 =	vbroadcast v38, $0x0;
	v36 =	vld [tilespmem:s18+$0xFFFFFFC0];
	v45 =	vadd.s32 v13, v42;
	[tilespmem:v33+s30+$0x0] =	vst.idx.msk $0xffff, v48  }
0x2fa: {  	v39 =	vshll.u32 v39, v1;
	v33 =	vld [tilespmem:s18+$0x0];
	v48 =	vadd.s32 v17, v44;
	[tilespmem:v61+s30+$0x0] =	vst.idx.msk $0xffff, v60  }
0x2fb: {  	v35 =	vbroadcast v39, $0x0;
	[tilespmem:v59+s30+$0x0] =	vst.idx.msk $0xffff, v58;
	v58 =	vld [tilespmem:s18+$0x40];
	v59 =	vadd.s32 v21, v38  }
0x2fc: {  	v57 =	vadd.s32 v30, v41;
	[tilespmem:v55+s30+$0x0] =	vst.idx.msk $0xffff, v54;
	v56 =	vld [tilespmem:s18+$0xD0]  }
0x2fd: {  	v60 =	vld [tilespmem:s18+$0x80];
	v61 =	vadd.s32 v25, v35;
	[tilespmem:v63+s30+$0x0] =	vst.idx.msk $0xffff, v62  }
0x2fe: {  	v55 =	vadd.s32 v10, v40;
	v54 =	vld [tilespmem:s18+$0xFFFFFF90];
	[tilespmem:v45+s30+$0x0] =	vst.idx.msk $0xffff, v36  }
0x2ff: {  	v63 =	vadd.s32 v6, v47;
	v62 =	vld [tilespmem:s18+$0xFFFFFF50];
	[tilespmem:v48+s30+$0x0] =	vst.idx.msk $0xffff, v33  }
0x300: {  	v33 =	vld [tilespmem:s18+$0xFFFFFFD0];
	v48 =	vadd.s32 v14, v42;
	[tilespmem:v59+s30+$0x0] =	vst.idx.msk $0xffff, v58  }
0x301: {  	[tilespmem:v57+s30+$0x0] =	vst.idx.msk $0xffff, v56;
	v56 =	vld [tilespmem:s18+$0x10];
	v57 =	vadd.s32 v18, v44  }
0x302: {  	[tilespmem:v61+s30+$0x0] =	vst.idx.msk $0xffff, v60;
	v59 =	vadd.s32 v22, v38;
	v58 =	vld [tilespmem:s18+$0x50]  }
0x303: {  	v39 =	vadd.s32 v31, v41;
	[tilespmem:v55+s30+$0x0] =	vst.idx.msk $0xffff, v54;
	v34 =	vld [tilespmem:s18+$0xE0]  }
0x304: {  	v61 =	vadd.s32 v26, v35;
	v60 =	vld [tilespmem:s18+$0x90];
	[tilespmem:v63+s30+$0x0] =	vst.idx.msk $0xffff, v62  }
0x305: {  	v62 =	vld [tilespmem:s18+$0xFFFFFF10];
	v63 =	vadd.s32 v2, v46;
	[tilespmem:v48+s30+$0x0] =	vst.idx.msk $0xffff, v33  }
0x306: {  	v55 =	vadd.s32 v7, v47;
	v54 =	vld [tilespmem:s18+$0xFFFFFF60];
	[tilespmem:v57+s30+$0x0] =	vst.idx.msk $0xffff, v56  }
0x307: {  	v56 =	vadd.s32 v32, v41;
	v41 =	vld [tilespmem:s18+$0xFFFFFFA0];
	v57 =	vadd.s32 v11, v40;
	[tilespmem:v59+s30+$0x0] =	vst.idx.msk $0xffff, v58  }
0x308: {  	v37 =	vld [tilespmem:s18+$0xFFFFFFE0];
	v58 =	vadd.s32 v15, v42;
	[tilespmem:v39+s30+$0x0] =	vst.idx.msk $0xffff, v34  }
0x309: {  	[tilespmem:v61+s30+$0x0] =	vst.idx.msk $0xffff, v60;
	v34 =	vld [tilespmem:s18+$0xF0]  }
0x30a: {  	v60 =	vadd.s32 v19, v44;
	[tilespmem:v63+s30+$0x0] =	vst.idx.msk $0xffff, v62;
	v59 =	vld [tilespmem:s18+$0x20]  }
0x30b: {  	v62 =	vadd.s32 v23, v38;
	[tilespmem:v55+s30+$0x0] =	vst.idx.msk $0xffff, v54;
	v61 =	vld [tilespmem:s18+$0x60]  }
0x30c: {  	v63 =	vld [tilespmem:s18+$0xA0];
	v54 =	vadd.s32 v27, v35;
	[tilespmem:v57+s30+$0x0] =	vst.idx.msk $0xffff, v41  }
0x30d: {  	v47 =	vadd.s32 v8, v47;
	v57 =	vld [tilespmem:s18+$0xFFFFFF70];
	[tilespmem:v58+s30+$0x0] =	vst.idx.msk $0xffff, v37  }
0x30e: {  	v55 =	vld [tilespmem:s18+$0xFFFFFF20];
	[tilespmem:v56+s30+$0x0] =	vst.idx.msk $0xffff, v34;
	v56 =	vadd.s32 v3, v46  }
0x30f: {  	v40 =	vadd.s32 v12, v40;
	v58 =	vld [tilespmem:s18+$0xFFFFFFB0];
	[tilespmem:v60+s30+$0x0] =	vst.idx.msk $0xffff, v59  }
0x310: {  	v42 =	vadd.s32 v16, v42;
	v59 =	vld [tilespmem:s18+$0xFFFFFFF0];
	[tilespmem:v62+s30+$0x0] =	vst.idx.msk $0xffff, v61  }
0x311: {  	v61 =	vadd.s32 v20, v44;
	[tilespmem:v54+s30+$0x0] =	vst.idx.msk $0xffff, v63;
	v60 =	vld [tilespmem:s18+$0x30]  }
0x312: {  	v38 =	vadd.s32 v24, v38;
	v62 =	vld [tilespmem:s18+$0x70];
	[tilespmem:v47+s30+$0x0] =	vst.idx.msk $0xffff, v57  }
0x313: {  	v35 =	vadd.s32 v28, v35;
	v63 =	vld [tilespmem:s18+$0xB0];
	[tilespmem:v56+s30+$0x0] =	vst.idx.msk $0xffff, v55  }
0x314: {  	v49 =	vadd.s32 v4, v46;
	[tilespmem:v40+s30+$0x0] =	vst.idx.msk $0xffff, v58;
	v48 =	vld [tilespmem:s18+$0xFFFFFF30]  }
0x315: {  	[tilespmem:v42+s30+$0x0] =	vst.idx.msk $0xffff, v59  }
0x316: {  	s21 =	sshll.u32 s1, $0xA;
	s19 =	sshll.u32 s1, $0x7;
	[tilespmem:v61+s30+$0x0] =	vst.idx.msk $0xffff, v60  }
0x317: {  	s1 =	sand.u32 $0x3F00, s19;
	[tilespmem:v38+s30+$0x0] =	vst.idx.msk $0xffff, v62;
	s18 =	sand.u32 $0xFFE0000, s21  }
0x318: {  	[tilespmem:v35+s30+$0x0] =	vst.idx.msk $0xffff, v63;
	s1 =	sor.u32 s1, s18  }
0x319: {  	s18 =	sadd.s32 s2, s1;
	[tilespmem:v49+s30+$0x0] =	vst.idx.msk $0xffff, v48  }
0x31a: {  	[hbm4b:s18+s3] =	stream.linear.scatter [tilespmem:s30], [sflag:$0x7], $0x80, $0x38;
	[tilespmem:$0x11800] =	vst v63  }
0x31b: {  	s21 =	simm.s32 $0xD488;
	s20 =	sadd.s32 $0x10, s18  }
0x31c: {  	[hbm4b:s20+s3] =	stream.linear.scatter [tilespmem:s21], [sflag:$0x7], $0x80, $0x38;
	[tilespmem:$0x11800] =	vst v63  }
0x31d: {  	s20 =	sadd.s32 $0x20, s18;
	s21 =	simm.s32 $0xD510  }
0x31e: {  	[hbm4b:s20+s3] =	stream.linear.scatter [tilespmem:s21], [sflag:$0x7], $0x80, $0x38;
	[tilespmem:$0x11800] =	vst v63  }
0x31f: {  	s20 =	sadd.s32 $0x30, s18;
	s21 =	simm.s32 $0xD598  }
0x320: {  	[hbm4b:s20+s3] =	stream.linear.scatter [tilespmem:s21], [sflag:$0x7], $0x80, $0x38;
	[tilespmem:$0x11800] =	vst v63  }
0x321: {  	s20 =	sadd.s32 $0x40, s18;
	s21 =	simm.s32 $0xD620  }
0x322: {  	[hbm4b:s20+s3] =	stream.linear.scatter [tilespmem:s21], [sflag:$0x7], $0x80, $0x38;
	[tilespmem:$0x11800] =	vst v63  }
0x323: {  	s20 =	sadd.s32 $0x50, s18;
	s21 =	simm.s32 $0xD6A8  }
0x324: {  	[hbm4b:s20+s3] =	stream.linear.scatter [tilespmem:s21], [sflag:$0x7], $0x80, $0x38;
	[tilespmem:$0x11800] =	vst v63  }
0x325: {  	s20 =	sadd.s32 $0x60, s18;
	s21 =	simm.s32 $0xD730  }
0x326: {  	[hbm4b:s20+s3] =	stream.linear.scatter [tilespmem:s21], [sflag:$0x7], $0x80, $0x38;
	[tilespmem:$0x11800] =	vst v63  }
0x327: {  	s18 =	sadd.s32 $0x70, s18;
	s20 =	simm.s32 $0xD7B8  }
0x328: {  	[hbm4b:s18+s3] =	stream.linear.scatter [tilespmem:s20], [sflag:$0x7], $0x80, $0x38;
	[tilespmem:$0x11800] =	vst v63  }
0x329: {  	s21 =	simm.s32 $0xD840;
	s18 =	sadd.s32 s1, s9  }
0x32a: {  	[hbm4b:s18+s3] =	stream.linear.scatter [tilespmem:s21], [sflag:$0x7], $0x80, $0x38;
	[tilespmem:$0x11800] =	vst v63  }
0x32b: {  	s20 =	sadd.s32 $0x10, s18;
	s21 =	simm.s32 $0xD8C8  }
0x32c: {  	[hbm4b:s20+s3] =	stream.linear.scatter [tilespmem:s21], [sflag:$0x7], $0x80, $0x38;
	[tilespmem:$0x11800] =	vst v63  }
0x32d: {  	s20 =	sadd.s32 $0x20, s18;
	s21 =	simm.s32 $0xD950  }
0x32e: {  	[hbm4b:s20+s3] =	stream.linear.scatter [tilespmem:s21], [sflag:$0x7], $0x80, $0x38;
	[tilespmem:$0x11800] =	vst v63  }
0x32f: {  	s20 =	sadd.s32 $0x30, s18;
	s21 =	simm.s32 $0xD9D8  }
0x330: {  	[hbm4b:s20+s3] =	stream.linear.scatter [tilespmem:s21], [sflag:$0x7], $0x80, $0x38;
	[tilespmem:$0x11800] =	vst v63  }
0x331: {  	s20 =	sadd.s32 $0x40, s18;
	s21 =	simm.s32 $0xDA60  }
0x332: {  	[hbm4b:s20+s3] =	stream.linear.scatter [tilespmem:s21], [sflag:$0x7], $0x80, $0x38;
	[tilespmem:$0x11800] =	vst v63  }
0x333: {  	s20 =	sadd.s32 $0x50, s18;
	s21 =	simm.s32 $0xDAE8  }
0x334: {  	[hbm4b:s20+s3] =	stream.linear.scatter [tilespmem:s21], [sflag:$0x7], $0x80, $0x38;
	[tilespmem:$0x11800] =	vst v63  }
0x335: {  	s20 =	sadd.s32 $0x60, s18;
	s21 =	simm.s32 $0xDB70  }
0x336: {  	[hbm4b:s20+s3] =	stream.linear.scatter [tilespmem:s21], [sflag:$0x7], $0x80, $0x38;
	[tilespmem:$0x11800] =	vst v63  }
0x337: {  	s18 =	sadd.s32 $0x70, s18;
	s20 =	simm.s32 $0xDBF8  }
0x338: {  	[hbm4b:s18+s3] =	stream.linear.scatter [tilespmem:s20], [sflag:$0x7], $0x80, $0x38;
	[tilespmem:$0x11800] =	vst v63  }
0x339: {  	s21 =	simm.s32 $0xDC80;
	s18 =	sadd.s32 s1, s10  }
0x33a: {  	[hbm4b:s18+s3] =	stream.linear.scatter [tilespmem:s21], [sflag:$0x7], $0x80, $0x38;
	[tilespmem:$0x11800] =	vst v63  }
0x33b: {  	s20 =	sadd.s32 $0x10, s18;
	s21 =	simm.s32 $0xDD08  }
0x33c: {  	[hbm4b:s20+s3] =	stream.linear.scatter [tilespmem:s21], [sflag:$0x7], $0x80, $0x38;
	[tilespmem:$0x11800] =	vst v63  }
0x33d: {  	s20 =	sadd.s32 $0x20, s18;
	s21 =	simm.s32 $0xDD90  }
0x33e: {  	[hbm4b:s20+s3] =	stream.linear.scatter [tilespmem:s21], [sflag:$0x7], $0x80, $0x38;
	[tilespmem:$0x11800] =	vst v63  }
0x33f: {  	s20 =	sadd.s32 $0x30, s18;
	s21 =	simm.s32 $0xDE18  }
0x340: {  	[hbm4b:s20+s3] =	stream.linear.scatter [tilespmem:s21], [sflag:$0x7], $0x80, $0x38;
	[tilespmem:$0x11800] =	vst v63  }
0x341: {  	s20 =	sadd.s32 $0x40, s18;
	s21 =	simm.s32 $0xDEA0  }
0x342: {  	[hbm4b:s20+s3] =	stream.linear.scatter [tilespmem:s21], [sflag:$0x7], $0x80, $0x38;
	[tilespmem:$0x11800] =	vst v63  }
0x343: {  	s20 =	sadd.s32 $0x50, s18;
	s21 =	simm.s32 $0xDF28  }
0x344: {  	[hbm4b:s20+s3] =	stream.linear.scatter [tilespmem:s21], [sflag:$0x7], $0x80, $0x38;
	[tilespmem:$0x11800] =	vst v63  }
0x345: {  	s20 =	sadd.s32 $0x60, s18;
	s21 =	simm.s32 $0xDFB0  }
0x346: {  	[hbm4b:s20+s3] =	stream.linear.scatter [tilespmem:s21], [sflag:$0x7], $0x80, $0x38;
	[tilespmem:$0x11800] =	vst v63  }
0x347: {  	s18 =	sadd.s32 $0x70, s18;
	s20 =	simm.s32 $0xE038  }
0x348: {  	[hbm4b:s18+s3] =	stream.linear.scatter [tilespmem:s20], [sflag:$0x7], $0x80, $0x38;
	[tilespmem:$0x11800] =	vst v63  }
0x349: {  	s21 =	simm.s32 $0xE0C0;
	s18 =	sadd.s32 s1, s11  }
0x34a: {  	[hbm4b:s18+s3] =	stream.linear.scatter [tilespmem:s21], [sflag:$0x7], $0x80, $0x38;
	[tilespmem:$0x11800] =	vst v63  }
0x34b: {  	s20 =	sadd.s32 $0x10, s18;
	s21 =	simm.s32 $0xE148  }
0x34c: {  	[hbm4b:s20+s3] =	stream.linear.scatter [tilespmem:s21], [sflag:$0x7], $0x80, $0x38;
	[tilespmem:$0x11800] =	vst v63  }
0x34d: {  	s20 =	sadd.s32 $0x20, s18;
	s21 =	simm.s32 $0xE1D0  }
0x34e: {  	[hbm4b:s20+s3] =	stream.linear.scatter [tilespmem:s21], [sflag:$0x7], $0x80, $0x38;
	[tilespmem:$0x11800] =	vst v63  }
0x34f: {  	s20 =	sadd.s32 $0x30, s18;
	s21 =	simm.s32 $0xE258  }
0x350: {  	[hbm4b:s20+s3] =	stream.linear.scatter [tilespmem:s21], [sflag:$0x7], $0x80, $0x38;
	[tilespmem:$0x11800] =	vst v63  }
0x351: {  	s20 =	sadd.s32 $0x40, s18;
	s21 =	simm.s32 $0xE2E0  }
0x352: {  	[hbm4b:s20+s3] =	stream.linear.scatter [tilespmem:s21], [sflag:$0x7], $0x80, $0x38;
	[tilespmem:$0x11800] =	vst v63  }
0x353: {  	s20 =	sadd.s32 $0x50, s18;
	s21 =	simm.s32 $0xE368  }
0x354: {  	[hbm4b:s20+s3] =	stream.linear.scatter [tilespmem:s21], [sflag:$0x7], $0x80, $0x38;
	[tilespmem:$0x11800] =	vst v63  }
0x355: {  	s20 =	sadd.s32 $0x60, s18;
	s21 =	simm.s32 $0xE3F0  }
0x356: {  	[hbm4b:s20+s3] =	stream.linear.scatter [tilespmem:s21], [sflag:$0x7], $0x80, $0x38;
	[tilespmem:$0x11800] =	vst v63  }
0x357: {  	s18 =	sadd.s32 $0x70, s18;
	s20 =	simm.s32 $0xE478  }
0x358: {  	[hbm4b:s18+s3] =	stream.linear.scatter [tilespmem:s20], [sflag:$0x7], $0x80, $0x38;
	[tilespmem:$0x11800] =	vst v63  }
0x359: {  	s21 =	simm.s32 $0xE500;
	s18 =	sadd.s32 s1, s12  }
0x35a: {  	[hbm4b:s18+s3] =	stream.linear.scatter [tilespmem:s21], [sflag:$0x7], $0x80, $0x38;
	[tilespmem:$0x11800] =	vst v63  }
0x35b: {  	s20 =	sadd.s32 $0x10, s18;
	s21 =	simm.s32 $0xE588  }
0x35c: {  	[hbm4b:s20+s3] =	stream.linear.scatter [tilespmem:s21], [sflag:$0x7], $0x80, $0x38;
	[tilespmem:$0x11800] =	vst v63  }
0x35d: {  	s20 =	sadd.s32 $0x20, s18;
	s21 =	simm.s32 $0xE610  }
0x35e: {  	[hbm4b:s20+s3] =	stream.linear.scatter [tilespmem:s21], [sflag:$0x7], $0x80, $0x38;
	[tilespmem:$0x11800] =	vst v63  }
0x35f: {  	s20 =	sadd.s32 $0x30, s18;
	s21 =	simm.s32 $0xE698  }
0x360: {  	[hbm4b:s20+s3] =	stream.linear.scatter [tilespmem:s21], [sflag:$0x7], $0x80, $0x38;
	[tilespmem:$0x11800] =	vst v63  }
0x361: {  	s20 =	sadd.s32 $0x40, s18;
	s21 =	simm.s32 $0xE720  }
0x362: {  	[hbm4b:s20+s3] =	stream.linear.scatter [tilespmem:s21], [sflag:$0x7], $0x80, $0x38;
	[tilespmem:$0x11800] =	vst v63  }
0x363: {  	s20 =	sadd.s32 $0x50, s18;
	s21 =	simm.s32 $0xE7A8  }
0x364: {  	[hbm4b:s20+s3] =	stream.linear.scatter [tilespmem:s21], [sflag:$0x7], $0x80, $0x38;
	[tilespmem:$0x11800] =	vst v63  }
0x365: {  	s20 =	sadd.s32 $0x60, s18;
	s21 =	simm.s32 $0xE830  }
0x366: {  	[hbm4b:s20+s3] =	stream.linear.scatter [tilespmem:s21], [sflag:$0x7], $0x80, $0x38;
	[tilespmem:$0x11800] =	vst v63  }
0x367: {  	s18 =	sadd.s32 $0x70, s18;
	s20 =	simm.s32 $0xE8B8  }
0x368: {  	[hbm4b:s18+s3] =	stream.linear.scatter [tilespmem:s20], [sflag:$0x7], $0x80, $0x38;
	[tilespmem:$0x11800] =	vst v63  }
0x369: {  	s21 =	simm.s32 $0xE940;
	s18 =	sadd.s32 s1, s13  }
0x36a: {  	[hbm4b:s18+s3] =	stream.linear.scatter [tilespmem:s21], [sflag:$0x7], $0x80, $0x38;
	[tilespmem:$0x11800] =	vst v63  }
0x36b: {  	s20 =	sadd.s32 $0x10, s18;
	s21 =	simm.s32 $0xE9C8  }
0x36c: {  	[hbm4b:s20+s3] =	stream.linear.scatter [tilespmem:s21], [sflag:$0x7], $0x80, $0x38;
	[tilespmem:$0x11800] =	vst v63  }
0x36d: {  	s20 =	sadd.s32 $0x20, s18;
	s21 =	simm.s32 $0xEA50  }
0x36e: {  	[hbm4b:s20+s3] =	stream.linear.scatter [tilespmem:s21], [sflag:$0x7], $0x80, $0x38;
	[tilespmem:$0x11800] =	vst v63  }
0x36f: {  	s20 =	sadd.s32 $0x30, s18;
	s21 =	simm.s32 $0xEAD8  }
0x370: {  	[hbm4b:s20+s3] =	stream.linear.scatter [tilespmem:s21], [sflag:$0x7], $0x80, $0x38;
	[tilespmem:$0x11800] =	vst v63  }
0x371: {  	s20 =	sadd.s32 $0x40, s18;
	s21 =	simm.s32 $0xEB60  }
0x372: {  	[hbm4b:s20+s3] =	stream.linear.scatter [tilespmem:s21], [sflag:$0x7], $0x80, $0x38;
	[tilespmem:$0x11800] =	vst v63  }
0x373: {  	s20 =	sadd.s32 $0x50, s18;
	s21 =	simm.s32 $0xEBE8  }
0x374: {  	[hbm4b:s20+s3] =	stream.linear.scatter [tilespmem:s21], [sflag:$0x7], $0x80, $0x38;
	[tilespmem:$0x11800] =	vst v63  }
0x375: {  	s20 =	sadd.s32 $0x60, s18;
	s21 =	simm.s32 $0xEC70  }
0x376: {  	[hbm4b:s20+s3] =	stream.linear.scatter [tilespmem:s21], [sflag:$0x7], $0x80, $0x38;
	[tilespmem:$0x11800] =	vst v63  }
0x377: {  	s18 =	sadd.s32 $0x70, s18;
	s20 =	simm.s32 $0xECF8  }
0x378: {  	[hbm4b:s18+s3] =	stream.linear.scatter [tilespmem:s20], [sflag:$0x7], $0x80, $0x38;
	[tilespmem:$0x11800] =	vst v63  }
0x379: {  	s21 =	simm.s32 $0xED80;
	s18 =	sadd.s32 s1, s14  }
0x37a: {  	[hbm4b:s18+s3] =	stream.linear.scatter [tilespmem:s21], [sflag:$0x7], $0x80, $0x38;
	[tilespmem:$0x11800] =	vst v63  }
0x37b: {  	s20 =	sadd.s32 $0x10, s18;
	s21 =	simm.s32 $0xEE08  }
0x37c: {  	[hbm4b:s20+s3] =	stream.linear.scatter [tilespmem:s21], [sflag:$0x7], $0x80, $0x38;
	[tilespmem:$0x11800] =	vst v63  }
0x37d: {  	s20 =	sadd.s32 $0x20, s18;
	s21 =	simm.s32 $0xEE90  }
0x37e: {  	[hbm4b:s20+s3] =	stream.linear.scatter [tilespmem:s21], [sflag:$0x7], $0x80, $0x38;
	[tilespmem:$0x11800] =	vst v63  }
0x37f: {  	s20 =	sadd.s32 $0x30, s18;
	s21 =	simm.s32 $0xEF18  }
0x380: {  	[hbm4b:s20+s3] =	stream.linear.scatter [tilespmem:s21], [sflag:$0x7], $0x80, $0x38;
	[tilespmem:$0x11800] =	vst v63  }
0x381: {  	s20 =	sadd.s32 $0x40, s18;
	s21 =	simm.s32 $0xEFA0  }
0x382: {  	[hbm4b:s20+s3] =	stream.linear.scatter [tilespmem:s21], [sflag:$0x7], $0x80, $0x38;
	[tilespmem:$0x11800] =	vst v63  }
0x383: {  	s20 =	sadd.s32 $0x50, s18;
	s21 =	simm.s32 $0xF028  }
0x384: {  	[hbm4b:s20+s3] =	stream.linear.scatter [tilespmem:s21], [sflag:$0x7], $0x80, $0x38;
	[tilespmem:$0x11800] =	vst v63  }
0x385: {  	s20 =	sadd.s32 $0x60, s18;
	s21 =	simm.s32 $0xF0B0  }
0x386: {  	[hbm4b:s20+s3] =	stream.linear.scatter [tilespmem:s21], [sflag:$0x7], $0x80, $0x38;
	[tilespmem:$0x11800] =	vst v63  }
0x387: {  	s18 =	sadd.s32 $0x70, s18;
	s21 =	simm.s32 $0xF138  }
0x388: {  	[hbm4b:s18+s3] =	stream.linear.scatter [tilespmem:s21], [sflag:$0x7], $0x80, $0x38;
	[tilespmem:$0x11800] =	vst v63  }
0x389: {  	s19 =	simm.s32 $0xF1C0;
	s1 =	sadd.s32 s1, s15  }
0x38a: {  	[hbm4b:s1+s3] =	stream.linear.scatter [tilespmem:s19], [sflag:$0x7], $0x80, $0x38;
	[tilespmem:$0x11800] =	vst v63  }
0x38b: {  	s20 =	sadd.s32 $0x10, s1;
	s21 =	simm.s32 $0xF248  }
0x38c: {  	[hbm4b:s20+s3] =	stream.linear.scatter [tilespmem:s21], [sflag:$0x7], $0x80, $0x38;
	[tilespmem:$0x11800] =	vst v63  }
0x38d: {  	s20 =	sadd.s32 $0x20, s1;
	s21 =	simm.s32 $0xF2D0  }
0x38e: {  	[hbm4b:s20+s3] =	stream.linear.scatter [tilespmem:s21], [sflag:$0x7], $0x80, $0x38;
	[tilespmem:$0x11800] =	vst v63  }
0x38f: {  	s20 =	sadd.s32 $0x30, s1;
	s21 =	simm.s32 $0xF358  }
0x390: {  	[hbm4b:s20+s3] =	stream.linear.scatter [tilespmem:s21], [sflag:$0x7], $0x80, $0x38;
	[tilespmem:$0x11800] =	vst v63  }
0x391: {  	s20 =	sadd.s32 $0x40, s1;
	s21 =	simm.s32 $0xF3E0  }
0x392: {  	[hbm4b:s20+s3] =	stream.linear.scatter [tilespmem:s21], [sflag:$0x7], $0x80, $0x38;
	[tilespmem:$0x11800] =	vst v63  }
0x393: {  	s20 =	sadd.s32 $0x50, s1;
	s21 =	simm.s32 $0xF468  }
0x394: {  	[hbm4b:s20+s3] =	stream.linear.scatter [tilespmem:s21], [sflag:$0x7], $0x80, $0x38;
	[tilespmem:$0x11800] =	vst v63  }
0x395: {  	s19 =	sadd.s32 $0x60, s1;
	s20 =	simm.s32 $0xF4F0  }
0x396: {  	[hbm4b:s19+s3] =	stream.linear.scatter [tilespmem:s20], [sflag:$0x7], $0x80, $0x38;
	[tilespmem:$0x11800] =	vst v63  }
0x397: {  	s1 =	sadd.s32 $0x70, s1;
	s21 =	simm.s32 $0xF578  }
0x398: {  	[hbm4b:s1+s3] =	stream.linear.scatter [tilespmem:s21], [sflag:$0x7], $0x80, $0x38;
	[tilespmem:$0x11800] =	vst v63  }
0x399: {  	s1 =	sadd.s32 @!p1 $0x300, s28  }
0x39a: {  	s18 =	simm.s32 @!p1 $0x80;
	s19 =	simm.s32 @!p1 $0x5000;
	s1 =	sand.u32 @!p1 $0xF00, s1  }
0x39b: {  	[tilespmem:s19], [sflag:$0x3] =	stream.indirect.gather @!p1 [hbm4b:s5+s18], $0x40, s1, s18, $0xb8;
	[tilespmem:$0x11800] =	vst v63  }
0x39c: {  	_ =	swait.ge [sflag:s17], $0x2000  }
0x39d: {  	[sflag:s17] =	ssyncset.done $0x0  }
0x39e: {  	s1 =	simm.s32 @!p0 $0x8;
	[sflag:s17] =	ssyncadd.s32 $0xFFFFE000  }
0x39f: {  	_ =	swait.ge @!p0 [sflag:s1], $0x400  }
0x3a0: {  	[sflag:s1] =	ssyncset.done @!p0 $0x0  }
0x3a1: {  	[sflag:s1] =	ssyncadd.s32 @!p0 $0xFFFFFC00  }
0x3a2: {  	_ =	swait.ge @!p0 [sflag:s1], $0x400  }
0x3a3: {  	[sflag:s1] =	ssyncset.done @!p0 $0x0  }
0x3a4: {  	[sflag:s1] =	ssyncadd.s32 @!p0 $0xFFFFFC00  }
0x3a5: {  	_ =	swait.ge @!p0 [sflag:s1], $0x400  }
0x3a6: {  	[sflag:s1] =	ssyncset.done @!p0 $0x0  }
0x3a7: {  	[sflag:s1] =	ssyncadd.s32 @!p0 $0xFFFFFC00  }
0x3a8: {  	_ =	swait.ge @!p0 [sflag:s1], $0x400  }
0x3a9: {  	[sflag:s1] =	ssyncset.done @!p0 $0x0  }
0x3aa: {  	[sflag:s1] =	ssyncadd.s32 @!p0 $0xFFFFFC00  }
0x3ab: {  	_ =	swait.ge @!p0 [sflag:s1], $0x400  }
0x3ac: {  	[sflag:s1] =	ssyncset.done @!p0 $0x0  }
0x3ad: {  	[sflag:s1] =	ssyncadd.s32 @!p0 $0xFFFFFC00  }
0x3ae: {  	s20 =	simm.s32 $0x1;
	_ =	swait.ge @!p0 [sflag:s1], $0x400  }
0x3af: {  	v51 =	vmov s20;
	s20 =	simm.s32 $0x7;
	[sflag:s1] =	ssyncset.done @!p0 $0x0  }
0x3b0: {  	s21 =	simm.s32 $0x2;
	s28 =	simm.s32 $0x3;
	v55 =	vmov s20;
	v34 =	vshrl.u32 v51, $0x3;
	[sflag:s1] =	ssyncadd.s32 @!p0 $0xFFFFFC00  }
0x3b1: {  	v52 =	vmov s21;
	v53 =	vmov s28;
	s21 =	simm.s32 $0x5;
	s28 =	simm.s32 $0x6;
	v38 =	vshrl.u32 v55, $0x3;
	_ =	swait.ge @!p0 [sflag:s1], $0x400  }
0x3b2: {  	v34 =	vshll.u32 v34, v1;
	v39 =	vmov s21;
	v40 =	vmov s28;
	[sflag:s1] =	ssyncset.done @!p0 $0x0  }
0x3b3: {  	s19 =	simm.s32 $0x0;
	v38 =	vshll.u32 v38, v1;
	v35 =	vshrl.u32 v52, $0x3;
	v36 =	vshrl.u32 v53, $0x3;
	[sflag:s1] =	ssyncadd.s32 @!p0 $0xFFFFFC00  }
0x3b4: {  	v47 =	vbroadcast v34, $0x0;
	v50 =	vmov s19;
	v38 =	vbroadcast v38, $0x0;
	_ =	swait.ge @!p0 [sflag:s1], $0x400  }
0x3b5: {  	s19 =	simm.s32 $0x4;
	v56 =	vshll.u32 v35, v1;
	v58 =	vshll.u32 v36, v1;
	v55 =	vshrl.u32 v39, $0x3;
	[sflag:s1] =	ssyncset.done @!p0 $0x0  }
0x3b6: {  	v40 =	vshrl.u32 v40, $0x3;
	v33 =	vshrl.u32 v50, $0x3;
	v54 =	vmov s19;
	s19 =	simm.s32 $0x7100;
	[sflag:s1] =	ssyncadd.s32 @!p0 $0xFFFFFC00  }
0x3b7: {  	v53 =	vbroadcast v56, $0x0;
	v33 =	vshll.u32 v33, v1;
	v42 =	vadd.s32 v29, v38;
	v41 =	vld [tilespmem:s19+$0xC0]  }
0x3b8: {  	v60 =	vadd.s32 v5, v47;
	v37 =	vshrl.u32 v54, $0x3;
	v33 =	vbroadcast v33, $0x0;
	v59 =	vld [tilespmem:s19+$0xFFFFFF40]  }
0x3b9: {  	v35 =	vbroadcast v58, $0x0;
	v61 =	vshll.u32 v37, v1;
	v63 =	vadd.s32 v9, v53;
	v62 =	vld [tilespmem:s19+$0xFFFFFF80]  }
0x3ba: {  	v36 =	vshll.u32 v55, v1;
	v34 =	vbroadcast v61, $0x0;
	v57 =	vadd.s32 v0, v33;
	v43 =	vld [tilespmem:s19+$0xFFFFFF00]  }
0x3bb: {  	v56 =	vshll.u32 v40, v1;
	v50 =	vadd.s32 v13, v35;
	v37 =	vbroadcast v36, $0x0;
	v39 =	vld [tilespmem:s19+$0xFFFFFFC0]  }
0x3bc: {  	v36 =	vbroadcast v56, $0x0;
	v52 =	vadd.s32 v17, v34;
	v51 =	vld [tilespmem:s19+$0x0];
	[tilespmem:v42+s24+$0x0] =	vst.idx.msk $0xffff, v41  }
0x3bd: {  	[tilespmem:v60+s24+$0x0] =	vst.idx.msk $0xffff, v59;
	v59 =	vld [tilespmem:s19+$0x40];
	v60 =	vadd.s32 v21, v37  }
0x3be: {  	v61 =	vld [tilespmem:s19+$0x80];
	[tilespmem:v63+s24+$0x0] =	vst.idx.msk $0xffff, v62;
	v62 =	vadd.s32 v25, v36  }
0x3bf: {  	v58 =	vadd.s32 v30, v38;
	[tilespmem:v57+s24+$0x0] =	vst.idx.msk $0xffff, v43;
	v57 =	vld [tilespmem:s19+$0xD0]  }
0x3c0: {  	v63 =	vadd.s32 v6, v47;
	[tilespmem:v50+s24+$0x0] =	vst.idx.msk $0xffff, v39;
	v46 =	vld [tilespmem:s19+$0xFFFFFF50]  }
0x3c1: {  	v55 =	vadd.s32 v10, v53;
	[tilespmem:v52+s24+$0x0] =	vst.idx.msk $0xffff, v51;
	v54 =	vld [tilespmem:s19+$0xFFFFFF90]  }
0x3c2: {  	v56 =	vadd.s32 v14, v35;
	v50 =	vld [tilespmem:s19+$0xFFFFFFD0];
	[tilespmem:v60+s24+$0x0] =	vst.idx.msk $0xffff, v59  }
0x3c3: {  	[tilespmem:v62+s24+$0x0] =	vst.idx.msk $0xffff, v61;
	v61 =	vld [tilespmem:s19+$0xFFFFFF10];
	v62 =	vadd.s32 v2, v33  }
0x3c4: {  	v59 =	vadd.s32 v18, v34;
	[tilespmem:v58+s24+$0x0] =	vst.idx.msk $0xffff, v57;
	v58 =	vld [tilespmem:s19+$0x10]  }
0x3c5: {  	v57 =	vadd.s32 v31, v38;
	[tilespmem:v63+s24+$0x0] =	vst.idx.msk $0xffff, v46;
	v40 =	vld [tilespmem:s19+$0xE0]  }
0x3c6: {  	v45 =	vadd.s32 v22, v37;
	v44 =	vld [tilespmem:s19+$0x50];
	[tilespmem:v55+s24+$0x0] =	vst.idx.msk $0xffff, v54  }
0x3c7: {  	v60 =	vadd.s32 v26, v36;
	v63 =	vld [tilespmem:s19+$0x90];
	[tilespmem:v56+s24+$0x0] =	vst.idx.msk $0xffff, v50  }
0x3c8: {  	v51 =	vadd.s32 v7, v47;
	v50 =	vld [tilespmem:s19+$0xFFFFFF60];
	[tilespmem:v62+s24+$0x0] =	vst.idx.msk $0xffff, v61  }
0x3c9: {  	v56 =	vadd.s32 v11, v53;
	v55 =	vld [tilespmem:s19+$0xFFFFFFA0];
	[tilespmem:v59+s24+$0x0] =	vst.idx.msk $0xffff, v58  }
0x3ca: {  	v58 =	vadd.s32 v15, v35;
	[tilespmem:v57+s24+$0x0] =	vst.idx.msk $0xffff, v40;
	v57 =	vld [tilespmem:s19+$0xFFFFFFE0]  }
0x3cb: {  	v38 =	vadd.s32 v32, v38;
	[tilespmem:v45+s24+$0x0] =	vst.idx.msk $0xffff, v44;
	v54 =	vld [tilespmem:s19+$0xF0]  }
0x3cc: {  	s20 =	simm.s32 $0x9;
	[tilespmem:v60+s24+$0x0] =	vst.idx.msk $0xffff, v63;
	v60 =	vadd.s32 v19, v34;
	v59 =	vld [tilespmem:s19+$0x20]  }
0x3cd: {  	v41 =	vadd.s32 v23, v37;
	v52 =	vmov s20;
	s20 =	simm.s32 $0xC;
	[tilespmem:v51+s24+$0x0] =	vst.idx.msk $0xffff, v50;
	v40 =	vld [tilespmem:s19+$0x60]  }
0x3ce: {  	s18 =	simm.s32 $0x8;
	s28 =	simm.s32 $0xB;
	v48 =	vadd.s32 v3, v33;
	v43 =	vadd.s32 v27, v36;
	v46 =	vmov s20;
	v42 =	vld [tilespmem:s19+$0xA0];
	[tilespmem:v56+s24+$0x0] =	vst.idx.msk $0xffff, v55  }
0x3cf: {  	s21 =	simm.s32 $0xA;
	v53 =	vadd.s32 v12, v53;
	v63 =	vmov s18;
	v44 =	vmov s28;
	v45 =	vld [tilespmem:s19+$0xFFFFFF20];
	[tilespmem:v58+s24+$0x0] =	vst.idx.msk $0xffff, v57  }
0x3d0: {  	s28 =	simm.s32 $0xE;
	v39 =	vshrl.u32 v63, $0x3;
	v51 =	vadd.s32 v8, v47;
	v49 =	vld [tilespmem:s19+$0xFFFFFF70];
	[tilespmem:v38+s24+$0x0] =	vst.idx.msk $0xffff, v54;
	v54 =	vmov s21;
	s21 =	simm.s32 $0xD  }
0x3d1: {  	s1 =	sadd.s32 $0x3, s16;
	s16 =	simm.s32 $0x10;
	s18 =	simm.s32 $0xF;
	v47 =	vshll.u32 v39, v1;
	v39 =	vmov s28;
	v50 =	vld [tilespmem:s19+$0xFFFFFFB0];
	[tilespmem:v60+s24+$0x0] =	vst.idx.msk $0xffff, v59;
	v38 =	vmov s21  }
.LBB2_9:
0x3d2: {  	p0 =	slt.u32 s16, $0x78;
	v52 =	vshrl.u32 v52, $0x3;
	v55 =	vmov s18;
	v56 =	vld [tilespmem:s19+$0xFFFFFFF0];
	v35 =	vadd.s32 v16, v35;
	[tilespmem:v41+s24+$0x0] =	vst.idx.msk $0xffff, v40  }
0x3d3: {  	v40 =	vshrl.u32 v54, $0x3;
	v34 =	vadd.s32 v20, v34;
	v41 =	vshrl.u32 v55, $0x3;
	v54 =	vld [tilespmem:s19+$0x30];
	[tilespmem:v43+s24+$0x0] =	vst.idx.msk $0xffff, v42  }
0x3d4: {  	v37 =	vadd.s32 v24, v37;
	v42 =	vshrl.u32 v44, $0x3;
	v41 =	vshll.u32 v41, v1;
	[tilespmem:v48+s24+$0x0] =	vst.idx.msk $0xffff, v45;
	v43 =	vld [tilespmem:s19+$0x70]  }
0x3d5: {  	v36 =	vadd.s32 v28, v36;
	v44 =	vshrl.u32 v46, $0x3;
	v41 =	vbroadcast v41, $0x0;
	[tilespmem:v51+s24+$0x0] =	vst.idx.msk $0xffff, v49;
	v45 =	vld [tilespmem:s19+$0xB0]  }
0x3d6: {  	v46 =	vshll.u32 v52, v1;
	v49 =	vadd.s32 v4, v33;
	v33 =	vbroadcast v47, $0x0;
	v48 =	vld [tilespmem:s19+$0xFFFFFF30];
	[tilespmem:v53+s24+$0x0] =	vst.idx.msk $0xffff, v50;
	s19 =	sadd.s32 $0x200, s19  }
0x3d7: {  	v40 =	vshll.u32 v40, v1;
	v47 =	vbroadcast v46, $0x0;
	v46 =	vld [tilespmem:s19+$0xC0];
	v50 =	vadd.s32 v29, v41;
	[tilespmem:v35+s24+$0x0] =	vst.idx.msk $0xffff, v56  }
0x3d8: {  	v53 =	vbroadcast v40, $0x0;
	v52 =	vadd.s32 v0, v33;
	v35 =	vshll.u32 v42, v1;
	v51 =	vld [tilespmem:s19+$0xFFFFFF00];
	[tilespmem:v34+s24+$0x0] =	vst.idx.msk $0xffff, v54  }
0x3d9: {  	v42 =	vadd.s32 v5, v47;
	v35 =	vbroadcast v35, $0x0;
	v34 =	vshll.u32 v44, v1;
	v40 =	vld [tilespmem:s19+$0xFFFFFF40];
	[tilespmem:v37+s24+$0x0] =	vst.idx.msk $0xffff, v43  }
0x3da: {  	v44 =	vadd.s32 v9, v53;
	v34 =	vbroadcast v34, $0x0;
	v37 =	vshrl.u32 v38, $0x3;
	v43 =	vld [tilespmem:s19+$0xFFFFFF80];
	[tilespmem:v36+s24+$0x0] =	vst.idx.msk $0xffff, v45  }
0x3db: {  	v39 =	vshrl.u32 v39, $0x3;
	v45 =	vadd.s32 v13, v35;
	v36 =	vshll.u32 v37, v1;
	v38 =	vld [tilespmem:s19+$0xFFFFFFC0];
	[tilespmem:v49+s24+$0x0] =	vst.idx.msk $0xffff, v48  }
0x3dc: {  	v49 =	vadd.s32 v17, v34;
	v37 =	vbroadcast v36, $0x0;
	v36 =	vshll.u32 v39, v1;
	v48 =	vld [tilespmem:s19+$0x0];
	[tilespmem:v50+s24+$0x0] =	vst.idx.msk $0xffff, v46  }
0x3dd: {  	v36 =	vbroadcast v36, $0x0;
	v46 =	vadd.s32 v30, v41;
	[tilespmem:v52+s24+$0x0] =	vst.idx.msk $0xffff, v51;
	v39 =	vld [tilespmem:s19+$0xD0]  }
0x3de: {  	[tilespmem:v42+s24+$0x0] =	vst.idx.msk $0xffff, v40;
	v40 =	vld [tilespmem:s19+$0x40];
	v42 =	vadd.s32 v21, v37  }
0x3df: {  	[tilespmem:v44+s24+$0x0] =	vst.idx.msk $0xffff, v43;
	v43 =	vld [tilespmem:s19+$0x80];
	v44 =	vadd.s32 v25, v36  }
0x3e0: {  	v51 =	vadd.s32 v6, v47;
	v50 =	vld [tilespmem:s19+$0xFFFFFF50];
	[tilespmem:v45+s24+$0x0] =	vst.idx.msk $0xffff, v38  }
0x3e1: {  	v45 =	vadd.s32 v10, v53;
	v38 =	vld [tilespmem:s19+$0xFFFFFF90];
	[tilespmem:v49+s24+$0x0] =	vst.idx.msk $0xffff, v48  }
0x3e2: {  	v49 =	vadd.s32 v14, v35;
	v48 =	vld [tilespmem:s19+$0xFFFFFFD0];
	[tilespmem:v46+s24+$0x0] =	vst.idx.msk $0xffff, v39  }
0x3e3: {  	[tilespmem:v42+s24+$0x0] =	vst.idx.msk $0xffff, v40;
	v39 =	vld [tilespmem:s19+$0xE0];
	v40 =	vadd.s32 v31, v41  }
0x3e4: {  	v46 =	vadd.s32 v18, v34;
	v42 =	vld [tilespmem:s19+$0x10];
	[tilespmem:v44+s24+$0x0] =	vst.idx.msk $0xffff, v43  }
0x3e5: {  	v44 =	vadd.s32 v22, v37;
	[tilespmem:v51+s24+$0x0] =	vst.idx.msk $0xffff, v50;
	v43 =	vld [tilespmem:s19+$0x50]  }
0x3e6: {  	[tilespmem:v45+s24+$0x0] =	vst.idx.msk $0xffff, v38;
	v38 =	vld [tilespmem:s19+$0x90];
	v45 =	vadd.s32 v26, v36  }
0x3e7: {  	v51 =	vadd.s32 v2, v33;
	v50 =	vld [tilespmem:s19+$0xFFFFFF10];
	[tilespmem:v49+s24+$0x0] =	vst.idx.msk $0xffff, v48  }
0x3e8: {  	v49 =	vadd.s32 v7, v47;
	v48 =	vld [tilespmem:s19+$0xFFFFFF60];
	[tilespmem:v40+s24+$0x0] =	vst.idx.msk $0xffff, v39  }
0x3e9: {  	[tilespmem:v46+s24+$0x0] =	vst.idx.msk $0xffff, v42;
	v39 =	vld [tilespmem:s19+$0xF0];
	v46 =	vadd.s32 v32, v41  }
0x3ea: {  	v56 =	vadd.s32 v11, v53;
	v55 =	vld [tilespmem:s19+$0xFFFFFFA0];
	[tilespmem:v44+s24+$0x0] =	vst.idx.msk $0xffff, v43  }
0x3eb: {  	v58 =	vadd.s32 v15, v35;
	v57 =	vld [tilespmem:s19+$0xFFFFFFE0];
	[tilespmem:v45+s24+$0x0] =	vst.idx.msk $0xffff, v38  }
0x3ec: {  	v60 =	vadd.s32 v19, v34;
	[tilespmem:v51+s24+$0x0] =	vst.idx.msk $0xffff, v50;
	v59 =	vld [tilespmem:s19+$0x20]  }
.Ltmp5:
0x3ed: {  	s18 =	sadd.s32 $0x1, s16;
	v41 =	vadd.s32 v23, v37;
	v38 =	vmov s16;
	[tilespmem:v49+s24+$0x0] =	vst.idx.msk $0xffff, v48;
	v40 =	vld [tilespmem:s19+$0x60];
	(pc) =	sbr.rel @p0 .LBB2_9-.Ltmp5, $4  }
0x3ee: {  	s20 =	sadd.s32 $0x3, s16;
	v52 =	vmov s18;
	s18 =	sadd.s32 $0x2, s16;
	v43 =	vadd.s32 v27, v36;
	v50 =	vshrl.u32 v38, $0x3;
	v42 =	vld [tilespmem:s19+$0xA0];
	[tilespmem:v46+s24+$0x0] =	vst.idx.msk $0xffff, v39  }
0x3ef: {  	v54 =	vmov s18;
	s18 =	sadd.s32 $0x4, s16;
	v44 =	vmov s20;
	s20 =	sadd.s32 $0x5, s16;
	v48 =	vadd.s32 v3, v33;
	v45 =	vld [tilespmem:s19+$0xFFFFFF20];
	[tilespmem:v56+s24+$0x0] =	vst.idx.msk $0xffff, v55  }
0x3f0: {  	v38 =	vmov s20;
	v51 =	vadd.s32 v8, v47;
	v46 =	vmov s18;
	s18 =	sadd.s32 $0x6, s16;
	v49 =	vld [tilespmem:s19+$0xFFFFFF70];
	[tilespmem:v58+s24+$0x0] =	vst.idx.msk $0xffff, v57  }
0x3f1: {  	v53 =	vadd.s32 v12, v53;
	v47 =	vshll.u32 v50, v1;
	v39 =	vmov s18;
	s18 =	sadd.s32 $0x7, s16;
	s16 =	sadd.s32 $0x8, s16;
	v50 =	vld [tilespmem:s19+$0xFFFFFFB0];
	[tilespmem:v60+s24+$0x0] =	vst.idx.msk $0xffff, v59  }
0x3f2: {  	_ =	sdelay $0x2  }
0x3f3: {  	v52 =	vshrl.u32 v52, $0x3  }
0x3f4: {  	v55 =	vmov s18;
	v56 =	vld [tilespmem:s19+$0xFFFFFFF0];
	v35 =	vadd.s32 v16, v35;
	[tilespmem:v41+s24+$0x0] =	vst.idx.msk $0xffff, v40;
	v57 =	vshrl.u32 v54, $0x3  }
0x3f5: {  	v59 =	vld [tilespmem:s19+$0x30];
	v34 =	vadd.s32 v20, v34;
	v60 =	vshrl.u32 v44, $0x3;
	v58 =	vshrl.u32 v55, $0x3;
	[tilespmem:v43+s24+$0x0] =	vst.idx.msk $0xffff, v42  }
0x3f6: {  	v37 =	vadd.s32 v24, v37;
	v62 =	vshrl.u32 v46, $0x3;
	v61 =	vld [tilespmem:s19+$0x70];
	v41 =	vshll.u32 v58, v1;
	[tilespmem:v48+s24+$0x0] =	vst.idx.msk $0xffff, v45  }
0x3f7: {  	v36 =	vadd.s32 v28, v36;
	v46 =	vbroadcast v47, $0x0;
	v63 =	vld [tilespmem:s19+$0xB0];
	v41 =	vbroadcast v41, $0x0;
	[tilespmem:v51+s24+$0x0] =	vst.idx.msk $0xffff, v49  }
0x3f8: {  	v33 =	vadd.s32 v4, v33;
	s16 =	sadd.s32 $0x200, s19;
	v38 =	vshrl.u32 v38, $0x3;
	v55 =	vshll.u32 v52, v1;
	v48 =	vld [tilespmem:s19+$0xFFFFFF30];
	[tilespmem:v53+s24+$0x0] =	vst.idx.msk $0xffff, v50  }
0x3f9: {  	v40 =	vshll.u32 v57, v1;
	v47 =	vbroadcast v55, $0x0;
	v49 =	vld [tilespmem:s16+$0xC0];
	v50 =	vadd.s32 v29, v41;
	[tilespmem:v35+s24+$0x0] =	vst.idx.msk $0xffff, v56  }
0x3fa: {  	v42 =	vshll.u32 v60, v1;
	v40 =	vbroadcast v40, $0x0;
	v35 =	vld [tilespmem:s16+$0xFFFFFF00];
	v56 =	vadd.s32 v0, v46;
	[tilespmem:v34+s24+$0x0] =	vst.idx.msk $0xffff, v59  }
0x3fb: {  	v57 =	vld [tilespmem:s16+$0xFFFFFF40];
	v44 =	vshll.u32 v62, v1;
	v42 =	vbroadcast v42, $0x0;
	v58 =	vadd.s32 v5, v47;
	[tilespmem:v37+s24+$0x0] =	vst.idx.msk $0xffff, v61  }
0x3fc: {  	v38 =	vshll.u32 v38, v1;
	v44 =	vbroadcast v44, $0x0;
	v60 =	vadd.s32 v9, v40;
	v59 =	vld [tilespmem:s16+$0xFFFFFF80];
	[tilespmem:v36+s24+$0x0] =	vst.idx.msk $0xffff, v63  }
0x3fd: {  	v38 =	vbroadcast v38, $0x0;
	v62 =	vadd.s32 v13, v42;
	v61 =	vld [tilespmem:s16+$0xFFFFFFC0];
	[tilespmem:v33+s24+$0x0] =	vst.idx.msk $0xffff, v48  }
0x3fe: {  	v39 =	vshrl.u32 v39, $0x3;
	v63 =	vadd.s32 v17, v44;
	v33 =	vld [tilespmem:s16+$0x0];
	[tilespmem:v50+s24+$0x0] =	vst.idx.msk $0xffff, v49  }
0x3ff: {  	v39 =	vshll.u32 v39, v1;
	v34 =	vld [tilespmem:s16+$0x40];
	[tilespmem:v56+s24+$0x0] =	vst.idx.msk $0xffff, v35;
	v56 =	vadd.s32 v21, v38  }
0x400: {  	[tilespmem:v58+s24+$0x0] =	vst.idx.msk $0xffff, v57;
	v35 =	vbroadcast v39, $0x0;
	v49 =	vadd.s32 v30, v41;
	v39 =	vld [tilespmem:s16+$0xD0]  }
0x401: {  	[tilespmem:v60+s24+$0x0] =	vst.idx.msk $0xffff, v59;
	v59 =	vld [tilespmem:s16+$0xFFFFFF50];
	v60 =	vadd.s32 v6, v47  }
0x402: {  	v57 =	vld [tilespmem:s16+$0x80];
	[tilespmem:v62+s24+$0x0] =	vst.idx.msk $0xffff, v61;
	v58 =	vadd.s32 v25, v35  }
0x403: {  	v61 =	vld [tilespmem:s16+$0xFFFFFF90];
	v62 =	vadd.s32 v10, v40;
	[tilespmem:v63+s24+$0x0] =	vst.idx.msk $0xffff, v33  }
0x404: {  	v33 =	vld [tilespmem:s16+$0xFFFFFFD0];
	v63 =	vadd.s32 v14, v42;
	[tilespmem:v56+s24+$0x0] =	vst.idx.msk $0xffff, v34  }
0x405: {  	v56 =	vadd.s32 v18, v44;
	[tilespmem:v49+s24+$0x0] =	vst.idx.msk $0xffff, v39;
	v49 =	vld [tilespmem:s16+$0x10]  }
0x406: {  	[tilespmem:v60+s24+$0x0] =	vst.idx.msk $0xffff, v59;
	v39 =	vadd.s32 v31, v41;
	v34 =	vld [tilespmem:s16+$0xE0]  }
0x407: {  	[tilespmem:v58+s24+$0x0] =	vst.idx.msk $0xffff, v57;
	v57 =	vld [tilespmem:s16+$0x50];
	v58 =	vadd.s32 v22, v38  }
0x408: {  	[tilespmem:v62+s24+$0x0] =	vst.idx.msk $0xffff, v61;
	v61 =	vld [tilespmem:s16+$0xFFFFFF10];
	v62 =	vadd.s32 v2, v46  }
0x409: {  	v60 =	vadd.s32 v26, v35;
	v59 =	vld [tilespmem:s16+$0x90];
	[tilespmem:v63+s24+$0x0] =	vst.idx.msk $0xffff, v33  }
0x40a: {  	v55 =	vadd.s32 v11, v40;
	v54 =	vadd.s32 v32, v41;
	v41 =	vld [tilespmem:s16+$0xFFFFFFA0];
	[tilespmem:v56+s24+$0x0] =	vst.idx.msk $0xffff, v49  }
0x40b: {  	v53 =	vadd.s32 v7, v47;
	v63 =	vld [tilespmem:s16+$0xFFFFFF60];
	[tilespmem:v39+s24+$0x0] =	vst.idx.msk $0xffff, v34  }
0x40c: {  	v56 =	vld [tilespmem:s16+$0xFFFFFFE0];
	[tilespmem:v58+s24+$0x0] =	vst.idx.msk $0xffff, v57;
	v57 =	vadd.s32 v15, v42  }
0x40d: {  	[tilespmem:v62+s24+$0x0] =	vst.idx.msk $0xffff, v61;
	v34 =	vld [tilespmem:s16+$0xF0]  }
0x40e: {  	v58 =	vld [tilespmem:s16+$0x20];
	[tilespmem:v60+s24+$0x0] =	vst.idx.msk $0xffff, v59;
	v59 =	vadd.s32 v19, v44  }
0x40f: {  	v61 =	vadd.s32 v23, v38;
	[tilespmem:v55+s24+$0x0] =	vst.idx.msk $0xffff, v41;
	v60 =	vld [tilespmem:s16+$0x60]  }
0x410: {  	[tilespmem:v53+s24+$0x0] =	vst.idx.msk $0xffff, v63;
	v63 =	vadd.s32 v27, v35;
	v62 =	vld [tilespmem:s16+$0xA0]  }
0x411: {  	v47 =	vadd.s32 v8, v47;
	v55 =	vld [tilespmem:s16+$0xFFFFFF70];
	[tilespmem:v57+s24+$0x0] =	vst.idx.msk $0xffff, v56  }
0x412: {  	v53 =	vld [tilespmem:s16+$0xFFFFFF20];
	[tilespmem:v54+s24+$0x0] =	vst.idx.msk $0xffff, v34;
	v54 =	vadd.s32 v3, v46  }
0x413: {  	v40 =	vadd.s32 v12, v40;
	v56 =	vld [tilespmem:s16+$0xFFFFFFB0];
	[tilespmem:v59+s24+$0x0] =	vst.idx.msk $0xffff, v58  }
0x414: {  	v42 =	vadd.s32 v16, v42;
	v57 =	vld [tilespmem:s16+$0xFFFFFFF0];
	[tilespmem:v61+s24+$0x0] =	vst.idx.msk $0xffff, v60  }
0x415: {  	v59 =	vadd.s32 v20, v44;
	v58 =	vld [tilespmem:s16+$0x30];
	[tilespmem:v63+s24+$0x0] =	vst.idx.msk $0xffff, v62  }
0x416: {  	v38 =	vadd.s32 v24, v38;
	v60 =	vld [tilespmem:s16+$0x70];
	[tilespmem:v47+s24+$0x0] =	vst.idx.msk $0xffff, v55  }
0x417: {  	v35 =	vadd.s32 v28, v35;
	v61 =	vld [tilespmem:s16+$0xB0];
	[tilespmem:v54+s24+$0x0] =	vst.idx.msk $0xffff, v53  }
0x418: {  	v63 =	vadd.s32 v4, v46;
	[tilespmem:v40+s24+$0x0] =	vst.idx.msk $0xffff, v56;
	v62 =	vld [tilespmem:s16+$0xFFFFFF30]  }
0x419: {  	[tilespmem:v42+s24+$0x0] =	vst.idx.msk $0xffff, v57  }
0x41a: {  	s20 =	sshll.u32 s1, $0x7;
	s19 =	sshll.u32 s1, $0xA;
	[tilespmem:v59+s24+$0x0] =	vst.idx.msk $0xffff, v58  }
0x41b: {  	s1 =	sand.u32 $0x3F80, s20;
	[tilespmem:v38+s24+$0x0] =	vst.idx.msk $0xffff, v60;
	s16 =	sand.u32 $0xFFE0000, s19  }
0x41c: {  	[tilespmem:v35+s24+$0x0] =	vst.idx.msk $0xffff, v61;
	s1 =	sor.u32 s1, s16  }
0x41d: {  	s16 =	sadd.s32 s2, s1;
	[tilespmem:v63+s24+$0x0] =	vst.idx.msk $0xffff, v62  }
0x41e: {  	[hbm4b:s16+s3] =	stream.linear.scatter [tilespmem:s24], [sflag:$0x8], $0x80, $0x38;
	[tilespmem:$0x11800] =	vst v63  }
0x41f: {  	s28 =	simm.s32 $0xF688;
	s21 =	sadd.s32 $0x10, s16  }
0x420: {  	[hbm4b:s21+s3] =	stream.linear.scatter [tilespmem:s28], [sflag:$0x8], $0x80, $0x38;
	[tilespmem:$0x11800] =	vst v63  }
0x421: {  	s20 =	simm.s32 $0xF710;
	s19 =	sadd.s32 $0x20, s16  }
0x422: {  	[hbm4b:s19+s3] =	stream.linear.scatter [tilespmem:s20], [sflag:$0x8], $0x80, $0x38;
	[tilespmem:$0x11800] =	vst v63  }
0x423: {  	s21 =	sadd.s32 $0x30, s16;
	s28 =	simm.s32 $0xF798  }
0x424: {  	[hbm4b:s21+s3] =	stream.linear.scatter [tilespmem:s28], [sflag:$0x8], $0x80, $0x38;
	[tilespmem:$0x11800] =	vst v63  }
0x425: {  	s19 =	sadd.s32 $0x40, s16;
	s20 =	simm.s32 $0xF820  }
0x426: {  	[hbm4b:s19+s3] =	stream.linear.scatter [tilespmem:s20], [sflag:$0x8], $0x80, $0x38;
	[tilespmem:$0x11800] =	vst v63  }
0x427: {  	s21 =	sadd.s32 $0x50, s16;
	s28 =	simm.s32 $0xF8A8  }
0x428: {  	[hbm4b:s21+s3] =	stream.linear.scatter [tilespmem:s28], [sflag:$0x8], $0x80, $0x38;
	[tilespmem:$0x11800] =	vst v63  }
0x429: {  	s19 =	sadd.s32 $0x60, s16;
	s20 =	simm.s32 $0xF930  }
0x42a: {  	[hbm4b:s19+s3] =	stream.linear.scatter [tilespmem:s20], [sflag:$0x8], $0x80, $0x38;
	[tilespmem:$0x11800] =	vst v63  }
0x42b: {  	s16 =	sadd.s32 $0x70, s16;
	s21 =	simm.s32 $0xF9B8  }
0x42c: {  	[hbm4b:s16+s3] =	stream.linear.scatter [tilespmem:s21], [sflag:$0x8], $0x80, $0x38;
	[tilespmem:$0x11800] =	vst v63  }
0x42d: {  	s28 =	simm.s32 $0xFA40;
	s16 =	sadd.s32 s1, s9  }
0x42e: {  	[hbm4b:s16+s3] =	stream.linear.scatter [tilespmem:s28], [sflag:$0x8], $0x80, $0x38;
	[tilespmem:$0x11800] =	vst v63  }
0x42f: {  	s20 =	simm.s32 $0xFAC8;
	s19 =	sadd.s32 $0x10, s16  }
0x430: {  	[hbm4b:s19+s3] =	stream.linear.scatter [tilespmem:s20], [sflag:$0x8], $0x80, $0x38;
	[tilespmem:$0x11800] =	vst v63  }
0x431: {  	s21 =	sadd.s32 $0x20, s16;
	s28 =	simm.s32 $0xFB50  }
0x432: {  	[hbm4b:s21+s3] =	stream.linear.scatter [tilespmem:s28], [sflag:$0x8], $0x80, $0x38;
	[tilespmem:$0x11800] =	vst v63  }
0x433: {  	s19 =	sadd.s32 $0x30, s16;
	s20 =	simm.s32 $0xFBD8  }
0x434: {  	[hbm4b:s19+s3] =	stream.linear.scatter [tilespmem:s20], [sflag:$0x8], $0x80, $0x38;
	[tilespmem:$0x11800] =	vst v63  }
0x435: {  	s21 =	sadd.s32 $0x40, s16;
	s28 =	simm.s32 $0xFC60  }
0x436: {  	[hbm4b:s21+s3] =	stream.linear.scatter [tilespmem:s28], [sflag:$0x8], $0x80, $0x38;
	[tilespmem:$0x11800] =	vst v63  }
0x437: {  	s19 =	sadd.s32 $0x50, s16;
	s20 =	simm.s32 $0xFCE8  }
0x438: {  	[hbm4b:s19+s3] =	stream.linear.scatter [tilespmem:s20], [sflag:$0x8], $0x80, $0x38;
	[tilespmem:$0x11800] =	vst v63  }
0x439: {  	s21 =	sadd.s32 $0x60, s16;
	s28 =	simm.s32 $0xFD70  }
0x43a: {  	[hbm4b:s21+s3] =	stream.linear.scatter [tilespmem:s28], [sflag:$0x8], $0x80, $0x38;
	[tilespmem:$0x11800] =	vst v63  }
0x43b: {  	s16 =	sadd.s32 $0x70, s16;
	s19 =	simm.s32 $0xFDF8  }
0x43c: {  	[hbm4b:s16+s3] =	stream.linear.scatter [tilespmem:s19], [sflag:$0x8], $0x80, $0x38;
	[tilespmem:$0x11800] =	vst v63  }
0x43d: {  	s20 =	simm.s32 $0xFE80;
	s16 =	sadd.s32 s1, s10  }
0x43e: {  	[hbm4b:s16+s3] =	stream.linear.scatter [tilespmem:s20], [sflag:$0x8], $0x80, $0x38;
	[tilespmem:$0x11800] =	vst v63  }
0x43f: {  	s28 =	simm.s32 $0xFF08;
	s21 =	sadd.s32 $0x10, s16  }
0x440: {  	[hbm4b:s21+s3] =	stream.linear.scatter [tilespmem:s28], [sflag:$0x8], $0x80, $0x38;
	[tilespmem:$0x11800] =	vst v63  }
0x441: {  	s19 =	sadd.s32 $0x20, s16;
	s20 =	simm.s32 $0xFF90  }
0x442: {  	[hbm4b:s19+s3] =	stream.linear.scatter [tilespmem:s20], [sflag:$0x8], $0x80, $0x38;
	[tilespmem:$0x11800] =	vst v63  }
0x443: {  	s21 =	sadd.s32 $0x30, s16;
	s28 =	simm.s32 $0x10018  }
0x444: {  	[hbm4b:s21+s3] =	stream.linear.scatter [tilespmem:s28], [sflag:$0x8], $0x80, $0x38;
	[tilespmem:$0x11800] =	vst v63  }
0x445: {  	s19 =	sadd.s32 $0x40, s16;
	s20 =	simm.s32 $0x100A0  }
0x446: {  	[hbm4b:s19+s3] =	stream.linear.scatter [tilespmem:s20], [sflag:$0x8], $0x80, $0x38;
	[tilespmem:$0x11800] =	vst v63  }
0x447: {  	s21 =	sadd.s32 $0x50, s16;
	s28 =	simm.s32 $0x10128  }
0x448: {  	[hbm4b:s21+s3] =	stream.linear.scatter [tilespmem:s28], [sflag:$0x8], $0x80, $0x38;
	[tilespmem:$0x11800] =	vst v63  }
0x449: {  	s19 =	sadd.s32 $0x60, s16;
	s20 =	simm.s32 $0x101B0  }
0x44a: {  	[hbm4b:s19+s3] =	stream.linear.scatter [tilespmem:s20], [sflag:$0x8], $0x80, $0x38;
	[tilespmem:$0x11800] =	vst v63  }
0x44b: {  	s16 =	sadd.s32 $0x70, s16;
	s21 =	simm.s32 $0x10238  }
0x44c: {  	[hbm4b:s16+s3] =	stream.linear.scatter [tilespmem:s21], [sflag:$0x8], $0x80, $0x38;
	[tilespmem:$0x11800] =	vst v63  }
0x44d: {  	s28 =	simm.s32 $0x102C0;
	s16 =	sadd.s32 s1, s11  }
0x44e: {  	[hbm4b:s16+s3] =	stream.linear.scatter [tilespmem:s28], [sflag:$0x8], $0x80, $0x38;
	[tilespmem:$0x11800] =	vst v63  }
0x44f: {  	s20 =	simm.s32 $0x10348;
	s19 =	sadd.s32 $0x10, s16  }
0x450: {  	[hbm4b:s19+s3] =	stream.linear.scatter [tilespmem:s20], [sflag:$0x8], $0x80, $0x38;
	[tilespmem:$0x11800] =	vst v63  }
0x451: {  	s21 =	sadd.s32 $0x20, s16;
	s28 =	simm.s32 $0x103D0  }
0x452: {  	[hbm4b:s21+s3] =	stream.linear.scatter [tilespmem:s28], [sflag:$0x8], $0x80, $0x38;
	[tilespmem:$0x11800] =	vst v63  }
0x453: {  	s19 =	sadd.s32 $0x30, s16;
	s20 =	simm.s32 $0x10458  }
0x454: {  	[hbm4b:s19+s3] =	stream.linear.scatter [tilespmem:s20], [sflag:$0x8], $0x80, $0x38;
	[tilespmem:$0x11800] =	vst v63  }
0x455: {  	s21 =	sadd.s32 $0x40, s16;
	s28 =	simm.s32 $0x104E0  }
0x456: {  	[hbm4b:s21+s3] =	stream.linear.scatter [tilespmem:s28], [sflag:$0x8], $0x80, $0x38;
	[tilespmem:$0x11800] =	vst v63  }
0x457: {  	s19 =	sadd.s32 $0x50, s16;
	s20 =	simm.s32 $0x10568  }
0x458: {  	[hbm4b:s19+s3] =	stream.linear.scatter [tilespmem:s20], [sflag:$0x8], $0x80, $0x38;
	[tilespmem:$0x11800] =	vst v63  }
0x459: {  	s21 =	sadd.s32 $0x60, s16;
	s28 =	simm.s32 $0x105F0  }
0x45a: {  	[hbm4b:s21+s3] =	stream.linear.scatter [tilespmem:s28], [sflag:$0x8], $0x80, $0x38;
	[tilespmem:$0x11800] =	vst v63  }
0x45b: {  	s16 =	sadd.s32 $0x70, s16;
	s19 =	simm.s32 $0x10678  }
0x45c: {  	[hbm4b:s16+s3] =	stream.linear.scatter [tilespmem:s19], [sflag:$0x8], $0x80, $0x38;
	[tilespmem:$0x11800] =	vst v63  }
0x45d: {  	s20 =	simm.s32 $0x10700;
	s16 =	sadd.s32 s1, s12  }
0x45e: {  	[hbm4b:s16+s3] =	stream.linear.scatter [tilespmem:s20], [sflag:$0x8], $0x80, $0x38;
	[tilespmem:$0x11800] =	vst v63  }
0x45f: {  	s28 =	simm.s32 $0x10788;
	s21 =	sadd.s32 $0x10, s16  }
0x460: {  	[hbm4b:s21+s3] =	stream.linear.scatter [tilespmem:s28], [sflag:$0x8], $0x80, $0x38;
	[tilespmem:$0x11800] =	vst v63  }
0x461: {  	s20 =	sadd.s32 $0x20, s16;
	s21 =	simm.s32 $0x10810  }
0x462: {  	[hbm4b:s20+s3] =	stream.linear.scatter [tilespmem:s21], [sflag:$0x8], $0x80, $0x38;
	[tilespmem:$0x11800] =	vst v63  }
0x463: {  	s28 =	sadd.s32 $0x30, s16  }
0x464: {  	[hbm4b:s28+s3] =	stream.linear.scatter [tilespmem:s23], [sflag:$0x8], $0x80, $0x38;
	[tilespmem:$0x11800] =	vst v63  }
0x465: {  	s19 =	sadd.s32 $0x40, s16;
	s20 =	simm.s32 $0x10920  }
0x466: {  	[hbm4b:s19+s3] =	stream.linear.scatter [tilespmem:s20], [sflag:$0x8], $0x80, $0x38;
	[tilespmem:$0x11800] =	vst v63  }
0x467: {  	s21 =	sadd.s32 $0x50, s16;
	s28 =	simm.s32 $0x109A8  }
0x468: {  	[hbm4b:s21+s3] =	stream.linear.scatter [tilespmem:s28], [sflag:$0x8], $0x80, $0x38;
	[tilespmem:$0x11800] =	vst v63  }
0x469: {  	s19 =	sadd.s32 $0x60, s16;
	s20 =	simm.s32 $0x10A30  }
0x46a: {  	[hbm4b:s19+s3] =	stream.linear.scatter [tilespmem:s20], [sflag:$0x8], $0x80, $0x38;
	[tilespmem:$0x11800] =	vst v63  }
0x46b: {  	s16 =	sadd.s32 $0x70, s16;
	s21 =	simm.s32 $0x10AB8  }
0x46c: {  	[hbm4b:s16+s3] =	stream.linear.scatter [tilespmem:s21], [sflag:$0x8], $0x80, $0x38;
	[tilespmem:$0x11800] =	vst v63  }
0x46d: {  	s28 =	simm.s32 $0x10B40;
	s16 =	sadd.s32 s1, s13  }
0x46e: {  	[hbm4b:s16+s3] =	stream.linear.scatter [tilespmem:s28], [sflag:$0x8], $0x80, $0x38;
	[tilespmem:$0x11800] =	vst v63  }
0x46f: {  	s20 =	simm.s32 $0x10BC8;
	s19 =	sadd.s32 $0x10, s16  }
0x470: {  	[hbm4b:s19+s3] =	stream.linear.scatter [tilespmem:s20], [sflag:$0x8], $0x80, $0x38;
	[tilespmem:$0x11800] =	vst v63  }
0x471: {  	s21 =	sadd.s32 $0x20, s16;
	s28 =	simm.s32 $0x10C50  }
0x472: {  	[hbm4b:s21+s3] =	stream.linear.scatter [tilespmem:s28], [sflag:$0x8], $0x80, $0x38;
	[tilespmem:$0x11800] =	vst v63  }
0x473: {  	s19 =	sadd.s32 $0x30, s16;
	s20 =	simm.s32 $0x10CD8  }
0x474: {  	[hbm4b:s19+s3] =	stream.linear.scatter [tilespmem:s20], [sflag:$0x8], $0x80, $0x38;
	[tilespmem:$0x11800] =	vst v63  }
0x475: {  	s21 =	sadd.s32 $0x40, s16;
	s28 =	simm.s32 $0x10D60  }
0x476: {  	[hbm4b:s21+s3] =	stream.linear.scatter [tilespmem:s28], [sflag:$0x8], $0x80, $0x38;
	[tilespmem:$0x11800] =	vst v63  }
0x477: {  	s19 =	sadd.s32 $0x50, s16;
	s20 =	simm.s32 $0x10DE8  }
0x478: {  	[hbm4b:s19+s3] =	stream.linear.scatter [tilespmem:s20], [sflag:$0x8], $0x80, $0x38;
	[tilespmem:$0x11800] =	vst v63  }
0x479: {  	s21 =	sadd.s32 $0x60, s16;
	s28 =	simm.s32 $0x10E70  }
0x47a: {  	[hbm4b:s21+s3] =	stream.linear.scatter [tilespmem:s28], [sflag:$0x8], $0x80, $0x38;
	[tilespmem:$0x11800] =	vst v63  }
0x47b: {  	s16 =	sadd.s32 $0x70, s16;
	s19 =	simm.s32 $0x10EF8  }
0x47c: {  	[hbm4b:s16+s3] =	stream.linear.scatter [tilespmem:s19], [sflag:$0x8], $0x80, $0x38;
	[tilespmem:$0x11800] =	vst v63  }
0x47d: {  	s20 =	simm.s32 $0x10F80;
	s16 =	sadd.s32 s1, s14  }
0x47e: {  	[hbm4b:s16+s3] =	stream.linear.scatter [tilespmem:s20], [sflag:$0x8], $0x80, $0x38;
	[tilespmem:$0x11800] =	vst v63  }
0x47f: {  	s28 =	simm.s32 $0x11008;
	s21 =	sadd.s32 $0x10, s16  }
0x480: {  	[hbm4b:s21+s3] =	stream.linear.scatter [tilespmem:s28], [sflag:$0x8], $0x80, $0x38;
	[tilespmem:$0x11800] =	vst v63  }
0x481: {  	s19 =	sadd.s32 $0x20, s16;
	s20 =	simm.s32 $0x11090  }
0x482: {  	[hbm4b:s19+s3] =	stream.linear.scatter [tilespmem:s20], [sflag:$0x8], $0x80, $0x38;
	[tilespmem:$0x11800] =	vst v63  }
0x483: {  	s21 =	sadd.s32 $0x30, s16;
	s28 =	simm.s32 $0x11118  }
0x484: {  	[hbm4b:s21+s3] =	stream.linear.scatter [tilespmem:s28], [sflag:$0x8], $0x80, $0x38;
	[tilespmem:$0x11800] =	vst v63  }
0x485: {  	s19 =	sadd.s32 $0x40, s16;
	s20 =	simm.s32 $0x111A0  }
0x486: {  	[hbm4b:s19+s3] =	stream.linear.scatter [tilespmem:s20], [sflag:$0x8], $0x80, $0x38;
	[tilespmem:$0x11800] =	vst v63  }
0x487: {  	s21 =	sadd.s32 $0x50, s16;
	s28 =	simm.s32 $0x11228  }
0x488: {  	[hbm4b:s21+s3] =	stream.linear.scatter [tilespmem:s28], [sflag:$0x8], $0x80, $0x38;
	[tilespmem:$0x11800] =	vst v63  }
0x489: {  	s20 =	sadd.s32 $0x60, s16;
	s21 =	simm.s32 $0x112B0  }
0x48a: {  	[hbm4b:s20+s3] =	stream.linear.scatter [tilespmem:s21], [sflag:$0x8], $0x80, $0x38;
	[tilespmem:$0x11800] =	vst v63  }
0x48b: {  	s16 =	sadd.s32 $0x70, s16;
	s28 =	simm.s32 $0x11338  }
0x48c: {  	[hbm4b:s16+s3] =	stream.linear.scatter [tilespmem:s28], [sflag:$0x8], $0x80, $0x38;
	[tilespmem:$0x11800] =	vst v63  }
0x48d: {  	s18 =	simm.s32 $0x113C0;
	s1 =	sadd.s32 s1, s15  }
0x48e: {  	[hbm4b:s1+s3] =	stream.linear.scatter [tilespmem:s18], [sflag:$0x8], $0x80, $0x38;
	[tilespmem:$0x11800] =	vst v63  }
0x48f: {  	s19 =	sadd.s32 $0x10, s1;
	s20 =	simm.s32 $0x11448  }
0x490: {  	[hbm4b:s19+s3] =	stream.linear.scatter [tilespmem:s20], [sflag:$0x8], $0x80, $0x38;
	[tilespmem:$0x11800] =	vst v63  }
0x491: {  	s21 =	sadd.s32 $0x20, s1;
	s28 =	simm.s32 $0x114D0  }
0x492: {  	[hbm4b:s21+s3] =	stream.linear.scatter [tilespmem:s28], [sflag:$0x8], $0x80, $0x38;
	[tilespmem:$0x11800] =	vst v63  }
0x493: {  	s19 =	sadd.s32 $0x30, s1;
	s20 =	simm.s32 $0x11558  }
0x494: {  	[hbm4b:s19+s3] =	stream.linear.scatter [tilespmem:s20], [sflag:$0x8], $0x80, $0x38;
	[tilespmem:$0x11800] =	vst v63  }
0x495: {  	s21 =	sadd.s32 $0x40, s1;
	s28 =	simm.s32 $0x115E0  }
0x496: {  	[hbm4b:s21+s3] =	stream.linear.scatter [tilespmem:s28], [sflag:$0x8], $0x80, $0x38;
	[tilespmem:$0x11800] =	vst v63  }
0x497: {  	s18 =	sadd.s32 $0x50, s1;
	s19 =	simm.s32 $0x11668  }
0x498: {  	[hbm4b:s18+s3] =	stream.linear.scatter [tilespmem:s19], [sflag:$0x8], $0x80, $0x38;
	[tilespmem:$0x11800] =	vst v63  }
.Ltmp6:
0x499: {  	_ = 	snop;
	(pc) =	sbr.rel @p1 .LBB2_12-.Ltmp6, $4  }
0x49a: {  	s20 =	sadd.s32 $0x60, s1;
	s21 =	simm.s32 $0x116F0  }
0x49b: {  	[hbm4b:s20+s3] =	stream.linear.scatter [tilespmem:s21], [sflag:$0x8], $0x80, $0x38;
	[tilespmem:$0x11800] =	vst v63  }
0x49c: {  	s1 =	sadd.s32 $0x70, s1;
	s28 =	simm.s32 $0x11778  }
0x49d: {  	[hbm4b:s1+s3] =	stream.linear.scatter [tilespmem:s28], [sflag:$0x8], $0x80, $0x38;
	[tilespmem:$0x11800] =	vst v63  }
.Ltmp7:
0x49e: {  	(pc) =	sbr.rel .LBB2_2-.Ltmp7, $4  }
0x49f: {  	s1 =	sshll.u32 s7, $0x9  }
0x4a0: {  	s1 =	sadd.s32 $0x380, s1  }
0x4a1: {  	s16 =	simm.s32 $0x7000;
	s7 =	sadd.s32 $0x1, s7;
	s1 =	sand.u32 $0xF80, s1  }
0x4a2: {  	[tilespmem:s16], [sflag:$0x4] =	stream.indirect.gather [hbm4b:s5+s22], $0x40, s1, s22, $0xb8;
	[tilespmem:$0x11800] =	vst v63  }
.LBB2_13:
0x4a3: {  	_ =	sfence.sel $0x180000  }
0x4a4: {  	[bflag:$0x0] =	sbarrier.arrive $0xFFFF  }
0x4a5: {  	_ =	strace $0x90000047  }
0x4a6: {  	s0 =	stileid.u32;
	[bflag:$0x2] =	sbarrier.arrive $0xFFFF  }
0x4a7: {  	p0 =	sne.s32 s0, $0x0;
	s0 =	rddreg [dreg:$0x2]  }
0x4a8: {  	s0 =	sadd.s32 @!p0 $0x100000, s0  }
0x4a9: {  	[sflag:s0] =	ssyncadd.tile.s32 @!p0 $0x1;
	_ =	shalt  }
.Lfunc_end2:
_tile_overlayer_lowered:
.L_overlay_start_2:
0x4aa: {  	(tag) =	ssettag $0x2  }
0x4ab: {  	s0 =	rddreg [dreg:$0x0];
	s2 =	stileid.u32  }
0x4ac: {  	s1 =	rddreg [dreg:$0x1];
	p0 =	sne.s32 s2, $0x0  }
0x4ad: {  	s3 =	rddreg [dreg:$0x2];
	[bflag:$0x3] =	sbarrier.arrive $0xFFFF;
	s2 =	simm.s32 @!p0 $0x1C09  }
0x4ae: {  	[timem:s3], [sflag:s2] =	dma.local @!p0 [hbm:s0], s1  }
0x4af: {  	s0 =	simm.s32 @!p0 $0x9  }
0x4b0: {  	_ =	swait.ge @!p0 [sflag:s0], s1  }
0x4b1: {  	s1 =	ssub.s32 @!p0 $0x0, s1;
	[sflag:s0] =	ssyncset.done @!p0 $0x0  }
0x4b2: {  	[sflag:s0] =	ssyncadd.s32 @!p0 s1  }
0x4b3: {  	[bflag:$0x3] =	sbarrier.arrive $0xFFFF  }
0x4b4: {  	_ =	shalt  }

</sc_bundles>
